<compile_context>
chip_gen: v7x
topology: tpu7x:2x2x1
jax: 0.10.2.dev20260603
libtpu: 0.0.44.dev20260713+nightly
codegen_flags: <defaults>
</compile_context>

<pallas_src>
import functools

import jax
import jax.numpy as jnp
from jax import lax
from jax.experimental import pallas as pl
from jax.experimental.pallas import tpu as pltpu
from jax.experimental.pallas import tpu_sc as plsc

VOCAB = 100000
BATCH = 16384
D = 128
D2 = 400

NC = 2
NS = 16
NW = NC * NS

B_PER_W = BATCH // NW
CHUNK = 128
NCHUNK = B_PER_W // CHUNK
L = 16

BC = 4096
ROWS_LO = D2 // NW
EXTRA = D2 - ROWS_LO * NW


def _sc_kernel(t0_hbm, t1_hbm, t2T_hbm, idxT_hbm, out0_hbm, out1T_hbm):
    wid = lax.axis_index("s") * NC + lax.axis_index("c")
    base = wid * B_PER_W

    def part1(idx0_v, idx1_v, r0_v, r1_v, sem_g, sem_w):
        pltpu.sync_copy(idxT_hbm.at[0, pl.ds(base, B_PER_W)], idx0_v)
        pltpu.sync_copy(idxT_hbm.at[1, pl.ds(base, B_PER_W)], idx1_v)

        def load_and_fire(c, p):
            s = pl.ds(c * CHUNK, CHUNK)
            return [
                pltpu.async_copy(t0_hbm.at[idx0_v.at[s]], r0_v.at[p], sem_g),
                pltpu.async_copy(t1_hbm.at[idx1_v.at[s]], r1_v.at[p], sem_g),
            ]

        handles_g = [None, None]
        handles_w = [None, None]
        handles_g[0] = load_and_fire(0, 0)

        for c in range(NCHUNK):
            p = c % 2
            q = 1 - p
            if c + 1 < NCHUNK:
                if handles_w[q] is not None:
                    for h in handles_w[q]:
                        h.wait()
                handles_g[q] = load_and_fire(c + 1, q)
            for h in handles_g[p]:
                h.wait()

            def row_body(r, carry):
                for j in range(D // L):
                    s = pl.ds(j * L, L)
                    r0_v[p, r, s] = r0_v[p, r, s] + r1_v[p, r, s]
                return carry

            lax.fori_loop(0, CHUNK, row_body, 0)

            off = base + c * CHUNK
            handles_w[p] = [
                pltpu.async_copy(r0_v.at[p], out0_hbm.at[pl.ds(off, CHUNK)],
                                 sem_w),
            ]

        for hs in handles_w:
            if hs is not None:
                for h in hs:
                    h.wait()

    pl.run_scoped(
        part1,
        pltpu.VMEM((B_PER_W,), jnp.int32),
        pltpu.VMEM((B_PER_W,), jnp.int32),
        pltpu.VMEM((2, CHUNK, D), jnp.float32),
        pltpu.VMEM((2, CHUNK, D), jnp.float32),
        pltpu.SemaphoreType.DMA,
        pltpu.SemaphoreType.DMA,
    )

    def part2(row_v, idx_v, outc_v, sem_r, sem_w):
        nrows = lax.select(wid < EXTRA, ROWS_LO + 1, ROWS_LO)
        start = lax.select(wid < EXTRA, (ROWS_LO + 1) * wid,
                           EXTRA + ROWS_LO * wid)
        pltpu.sync_copy(idxT_hbm.at[1], idx_v)
        pltpu.async_copy(t2T_hbm.at[start], row_v, sem_r)

        def row_loop(i, carry):
            c = start + i
            pltpu.make_async_copy(t2T_hbm.at[c], row_v, sem_r).wait()
            for bc in range(BATCH // BC):
                p = bc % 2

                @pl.when(i * (BATCH // BC) + bc > 1)
                def _drain():
                    pltpu.make_async_copy(
                        outc_v.at[p],
                        out1T_hbm.at[c, pl.ds(bc * BC, BC)], sem_w).wait()

                def g_loop(g, carry2):
                    for u in range(16):
                        s = pl.ds(bc * BC + (g * 16 + u) * L, L)
                        so = pl.ds((g * 16 + u) * L, L)
                        outc_v[p, so] = plsc.load_gather(row_v, [idx_v[s]])
                    return carry2

                lax.fori_loop(0, BC // (16 * L), g_loop, 0)
                pltpu.async_copy(outc_v.at[p],
                                 out1T_hbm.at[c, pl.ds(bc * BC, BC)], sem_w)

            @pl.when(i + 1 < nrows)
            def _prefetch():
                pltpu.async_copy(t2T_hbm.at[c + 1], row_v, sem_r)

            return carry

        lax.fori_loop(0, nrows, row_loop, 0)
        last = start + nrows - 1
        for bc in range(BATCH // BC - 2, BATCH // BC):
            pltpu.make_async_copy(
                outc_v.at[bc % 2],
                out1T_hbm.at[last, pl.ds(bc * BC, BC)], sem_w).wait()

    pl.run_scoped(
        part2,
        pltpu.VMEM((VOCAB,), jnp.float32),
        pltpu.VMEM((BATCH,), jnp.int32),
        pltpu.VMEM((2, BC), jnp.float32),
        pltpu.SemaphoreType.DMA,
        pltpu.SemaphoreType.DMA,
    )


@jax.jit
def _run(t0, t1, t2T, idxT):
    mesh = plsc.VectorSubcoreMesh(core_axis_name="c", subcore_axis_name="s")
    fn = functools.partial(
        pl.kernel, mesh=mesh,
        compiler_params=pltpu.CompilerParams(needs_layout_passes=False),
        out_type=[
            jax.ShapeDtypeStruct((BATCH, D), jnp.float32),
            jax.ShapeDtypeStruct((D2, BATCH), jnp.float32),
        ],
    )(_sc_kernel)
    return fn(t0, t1, t2T, idxT)


def kernel(arg0_1, arg1_1, arg2_1, arg3_1):
    t2T = arg2_1.T
    idxT = arg3_1.astype(jnp.int32).T
    out0, out1T = _run(arg0_1, arg1_1, t2T, idxT)
    return (out0, out1T.T)

# --- scband reference (transcript-rebuilt; emitter-appended) ---
"""Pipeline reference for scband-repro-85590108274911 (READ-ONLY COPY).

The authoritative reference and input builder live on the scoring server;
editing this copy changes nothing except your own understanding.
"""

import jax, jax.numpy as jnp
import numpy as np

VOCAB = 100000
BATCH = 16384
D = 128
D2 = 400

def setup_inputs(seed: int = 0) -> dict:
    key = jax.random.key(seed)
    k0, k1, k2, k3 = jax.random.split(key, 4)
    arg0_1 = jax.random.normal(k0, (VOCAB, D), dtype=jnp.float32)
    arg1_1 = jax.random.normal(k1, (VOCAB, D), dtype=jnp.float32)
    arg2_1 = jax.random.normal(k2, (VOCAB, D2), dtype=jnp.float32)
    arg3_1 = jax.random.randint(k3, (BATCH, 2), 0, VOCAB, dtype=jnp.int64)
    return {"arg0_1": arg0_1, "arg1_1": arg1_1, "arg2_1": arg2_1, "arg3_1": arg3_1}

def reference(arg0_1, arg1_1, arg2_1, arg3_1):
    # select column 0 and column 1 of the index tensor
    idx0 = arg3_1[:, 0]
    idx1 = arg3_1[:, 1]
    # embedding gathers
    index = jnp.take(arg0_1, idx0, axis=0)      # [B, D]
    index_1 = jnp.take(arg1_1, idx1, axis=0)    # [B, D]
    index_2 = jnp.take(arg2_1, idx1, axis=0)    # [B, D2]
    full = jnp.zeros((1, D2), dtype=jnp.float32)
    add = index + index_1                        # [B, D]
    add_1 = full + index_2                       # broadcast -> [B, D2]
    return (add, add_1)

if __name__ == "__main__":
    import jax
    _d = setup_inputs()
    print(jax.jit(kernel)(*tuple(_d.values())))

</pallas_src>

<mosaic_0001>
#map = affine_map<(d0, d1) -> (0, 0)>
module attributes {stable_mosaic.version = 14 : i64} {
  func.func @_sc_kernel(%arg0: i32, %arg1: i32, %arg2: memref<100000x128xf32, #tpu.memory_space<hbm>>, %arg3: memref<100000x128xf32, #tpu.memory_space<hbm>>, %arg4: memref<400x100000xf32, #tpu.memory_space<hbm>>, %arg5: memref<2x16384xi32, #tpu.memory_space<hbm>>, %arg6: memref<16384x128xf32, #tpu.memory_space<hbm>>, %arg7: memref<400x16384xf32, #tpu.memory_space<hbm>>) attributes {dimension_semantics = [#tpu.dimension_semantics<core_parallel>, #tpu.dimension_semantics<subcore_parallel>], iteration_bounds = array<i64: 2, 16>, scalar_prefetch = 0 : i64, scratch_operands = 0 : i64, tpu.core_type = #tpu.core_type<sc_vector_subcore>, window_params = [{transform_indices = #map}, {transform_indices = #map}, {transform_indices = #map}, {transform_indices = #map}, {transform_indices = #map}, {transform_indices = #map}]} {
    %mul3A = arith.constant 2 : i32
    %mul3A_0 = arith.muli %arg1, %mul3A : i32
    %add3A = arith.addi %mul3A_0, %arg0 : i32
    %mul3A_1 = arith.constant 512 : i32
    %mul3A_2 = arith.muli %add3A, %mul3A_1 : i32
    "tpu.region"() ({
      %run_scoped3A = memref.alloca() : memref<512xi32, #tpu.memory_space<vmem>>
      %run_scoped3A_3 = memref.alloca() : memref<512xi32, #tpu.memory_space<vmem>>
      %run_scoped3A_4 = memref.alloca() : memref<2x128x128xf32, #tpu.memory_space<vmem>>
      %run_scoped3A_5 = memref.alloca() : memref<2x128x128xf32, #tpu.memory_space<vmem>>
      %run_scoped3A_6 = tpu.sem_alloc : memref<!tpu.dma_semaphore, #tpu.memory_space<semaphore_mem>>
      %run_scoped3A_7 = tpu.sem_alloc : memref<!tpu.dma_semaphore, #tpu.memory_space<semaphore_mem>>
      %run_scoped3A_8 = arith.constant 0 : i32
      "tpu.region"() ({
        %run_scoped3A_303 = tpu.sem_alloc : memref<!tpu.dma_semaphore, #tpu.memory_space<semaphore_mem>>
        %dma_start3A_304 = tpu.memref_slice %arg5[%run_scoped3A_8, %mul3A_2] : memref<2x16384xi32, #tpu.memory_space<hbm>> -> memref<1x512xi32, #tpu.memory_space<hbm>>
        %dma_start3A_305 = tpu.memref_squeeze %dma_start3A_304 : memref<1x512xi32, #tpu.memory_space<hbm>> -> memref<512xi32, #tpu.memory_space<hbm>>
        %dma_start3A_306 = tpu.memref_slice %arg5[%run_scoped3A_8, %mul3A_2] : memref<2x16384xi32, #tpu.memory_space<hbm>> -> memref<1x512xi32, #tpu.memory_space<hbm>>
        %dma_start3A_307 = tpu.memref_squeeze %dma_start3A_306 : memref<1x512xi32, #tpu.memory_space<hbm>> -> memref<512xi32, #tpu.memory_space<hbm>>
        tpu.enqueue_dma source(%dma_start3A_307 : memref<512xi32, #tpu.memory_space<hbm>>) target(%run_scoped3A : memref<512xi32, #tpu.memory_space<vmem>>) target_semaphore(%run_scoped3A_303 : memref<!tpu.dma_semaphore, #tpu.memory_space<semaphore_mem>>)
        %dma_wait3A_308 = tpu.memref_slice %arg5[%run_scoped3A_8, %mul3A_2] : memref<2x16384xi32, #tpu.memory_space<hbm>> -> memref<1x512xi32, #tpu.memory_space<hbm>>
        %dma_wait3A_309 = tpu.memref_squeeze %dma_wait3A_308 : memref<1x512xi32, #tpu.memory_space<hbm>> -> memref<512xi32, #tpu.memory_space<hbm>>
        %dma_wait3A_310 = tpu.memref_slice %arg5[%run_scoped3A_8, %mul3A_2] : memref<2x16384xi32, #tpu.memory_space<hbm>> -> memref<1x512xi32, #tpu.memory_space<hbm>>
        %dma_wait3A_311 = tpu.memref_squeeze %dma_wait3A_310 : memref<1x512xi32, #tpu.memory_space<hbm>> -> memref<512xi32, #tpu.memory_space<hbm>>
        tpu.wait_dma2 semaphore(%run_scoped3A_303 : memref<!tpu.dma_semaphore, #tpu.memory_space<semaphore_mem>>) src(%dma_wait3A_311 : memref<512xi32, #tpu.memory_space<hbm>>) dst(%run_scoped3A : memref<512xi32, #tpu.memory_space<vmem>>)
        tpu.yield
      }) : () -> ()
      %run_scoped3A_9 = arith.constant 1 : i32
      "tpu.region"() ({
        %run_scoped3A_303 = tpu.sem_alloc : memref<!tpu.dma_semaphore, #tpu.memory_space<semaphore_mem>>
        %dma_start3A_304 = tpu.memref_slice %arg5[%run_scoped3A_9, %mul3A_2] : memref<2x16384xi32, #tpu.memory_space<hbm>> -> memref<1x512xi32, #tpu.memory_space<hbm>>
        %dma_start3A_305 = tpu.memref_squeeze %dma_start3A_304 : memref<1x512xi32, #tpu.memory_space<hbm>> -> memref<512xi32, #tpu.memory_space<hbm>>
        %dma_start3A_306 = tpu.memref_slice %arg5[%run_scoped3A_9, %mul3A_2] : memref<2x16384xi32, #tpu.memory_space<hbm>> -> memref<1x512xi32, #tpu.memory_space<hbm>>
        %dma_start3A_307 = tpu.memref_squeeze %dma_start3A_306 : memref<1x512xi32, #tpu.memory_space<hbm>> -> memref<512xi32, #tpu.memory_space<hbm>>
        tpu.enqueue_dma source(%dma_start3A_307 : memref<512xi32, #tpu.memory_space<hbm>>) target(%run_scoped3A_3 : memref<512xi32, #tpu.memory_space<vmem>>) target_semaphore(%run_scoped3A_303 : memref<!tpu.dma_semaphore, #tpu.memory_space<semaphore_mem>>)
        %dma_wait3A_308 = tpu.memref_slice %arg5[%run_scoped3A_9, %mul3A_2] : memref<2x16384xi32, #tpu.memory_space<hbm>> -> memref<1x512xi32, #tpu.memory_space<hbm>>
        %dma_wait3A_309 = tpu.memref_squeeze %dma_wait3A_308 : memref<1x512xi32, #tpu.memory_space<hbm>> -> memref<512xi32, #tpu.memory_space<hbm>>
        %dma_wait3A_310 = tpu.memref_slice %arg5[%run_scoped3A_9, %mul3A_2] : memref<2x16384xi32, #tpu.memory_space<hbm>> -> memref<1x512xi32, #tpu.memory_space<hbm>>
        %dma_wait3A_311 = tpu.memref_squeeze %dma_wait3A_310 : memref<1x512xi32, #tpu.memory_space<hbm>> -> memref<512xi32, #tpu.memory_space<hbm>>
        tpu.wait_dma2 semaphore(%run_scoped3A_303 : memref<!tpu.dma_semaphore, #tpu.memory_space<semaphore_mem>>) src(%dma_wait3A_311 : memref<512xi32, #tpu.memory_space<hbm>>) dst(%run_scoped3A_3 : memref<512xi32, #tpu.memory_space<vmem>>)
        tpu.yield
      }) : () -> ()
      %dma_start3A = arith.constant 0 : i32
      %dma_start3A_10 = arith.constant 0 : i32
      %dma_start3A_11 = arith.constant 0 : i32
      %dma_start3A_12 = tpu.memref_slice %run_scoped3A_4[%dma_start3A, %dma_start3A_10, %dma_start3A_11] : memref<2x128x128xf32, #tpu.memory_space<vmem>> -> memref<1x128x128xf32, #tpu.memory_space<vmem>>
      %dma_start3A_13 = tpu.memref_squeeze %dma_start3A_12 : memref<1x128x128xf32, #tpu.memory_space<vmem>> -> memref<128x128xf32, #tpu.memory_space<vmem>>
      %dma_start3A_14 = arith.constant 0 : i32
      %dma_start3A_15 = tpu.memref_slice %run_scoped3A[%dma_start3A_14] : memref<512xi32, #tpu.memory_space<vmem>> -> memref<128xi32, #tpu.memory_space<vmem>>
      %dma_start3A_16 = arith.constant 0 : i32
      %dma_start3A_17 = arith.constant 0 : i32
      %dma_start3A_18 = tpu.memref_slice %arg2[%dma_start3A_16, %dma_start3A_17] : memref<100000x128xf32, #tpu.memory_space<hbm>> -> memref<100000x128xf32, #tpu.memory_space<hbm>>
      tpu.enqueue_indirect_dma source(%dma_start3A_18 : memref<100000x128xf32, #tpu.memory_space<hbm>>) target(%dma_start3A_13 : memref<128x128xf32, #tpu.memory_space<vmem>>) offsets(%dma_start3A_15 : memref<128xi32, #tpu.memory_space<vmem>>) semaphore(%run_scoped3A_6 : memref<!tpu.dma_semaphore, #tpu.memory_space<semaphore_mem>>)
      %dma_start3A_19 = arith.constant 0 : i32
      %dma_start3A_20 = arith.constant 0 : i32
      %dma_start3A_21 = arith.constant 0 : i32
      %dma_start3A_22 = tpu.memref_slice %run_scoped3A_5[%dma_start3A_19, %dma_start3A_20, %dma_start3A_21] : memref<2x128x128xf32, #tpu.memory_space<vmem>> -> memref<1x128x128xf32, #tpu.memory_space<vmem>>
      %dma_start3A_23 = tpu.memref_squeeze %dma_start3A_22 : memref<1x128x128xf32, #tpu.memory_space<vmem>> -> memref<128x128xf32, #tpu.memory_space<vmem>>
      %dma_start3A_24 = arith.constant 0 : i32
      %dma_start3A_25 = tpu.memref_slice %run_scoped3A_3[%dma_start3A_24] : memref<512xi32, #tpu.memory_space<vmem>> -> memref<128xi32, #tpu.memory_space<vmem>>
      %dma_start3A_26 = arith.constant 0 : i32
      %dma_start3A_27 = arith.constant 0 : i32
      %dma_start3A_28 = tpu.memref_slice %arg3[%dma_start3A_26, %dma_start3A_27] : memref<100000x128xf32, #tpu.memory_space<hbm>> -> memref<100000x128xf32, #tpu.memory_space<hbm>>
      tpu.enqueue_indirect_dma source(%dma_start3A_28 : memref<100000x128xf32, #tpu.memory_space<hbm>>) target(%dma_start3A_23 : memref<128x128xf32, #tpu.memory_space<vmem>>) offsets(%dma_start3A_25 : memref<128xi32, #tpu.memory_space<vmem>>) semaphore(%run_scoped3A_6 : memref<!tpu.dma_semaphore, #tpu.memory_space<semaphore_mem>>)
      %dma_start3A_29 = arith.constant 1 : i32
      %dma_start3A_30 = arith.constant 0 : i32
      %dma_start3A_31 = arith.constant 0 : i32
      %dma_start3A_32 = tpu.memref_slice %run_scoped3A_4[%dma_start3A_29, %dma_start3A_30, %dma_start3A_31] : memref<2x128x128xf32, #tpu.memory_space<vmem>> -> memref<1x128x128xf32, #tpu.memory_space<vmem>>
      %dma_start3A_33 = tpu.memref_squeeze %dma_start3A_32 : memref<1x128x128xf32, #tpu.memory_space<vmem>> -> memref<128x128xf32, #tpu.memory_space<vmem>>
      %dma_start3A_34 = arith.constant 128 : i32
      %dma_start3A_35 = tpu.memref_slice %run_scoped3A[%dma_start3A_34] : memref<512xi32, #tpu.memory_space<vmem>> -> memref<128xi32, #tpu.memory_space<vmem>>
      %dma_start3A_36 = arith.constant 0 : i32
      %dma_start3A_37 = arith.constant 0 : i32
      %dma_start3A_38 = tpu.memref_slice %arg2[%dma_start3A_36, %dma_start3A_37] : memref<100000x128xf32, #tpu.memory_space<hbm>> -> memref<100000x128xf32, #tpu.memory_space<hbm>>
      tpu.enqueue_indirect_dma source(%dma_start3A_38 : memref<100000x128xf32, #tpu.memory_space<hbm>>) target(%dma_start3A_33 : memref<128x128xf32, #tpu.memory_space<vmem>>) offsets(%dma_start3A_35 : memref<128xi32, #tpu.memory_space<vmem>>) semaphore(%run_scoped3A_6 : memref<!tpu.dma_semaphore, #tpu.memory_space<semaphore_mem>>)
      %dma_start3A_39 = arith.constant 1 : i32
      %dma_start3A_40 = arith.constant 0 : i32
      %dma_start3A_41 = arith.constant 0 : i32
      %dma_start3A_42 = tpu.memref_slice %run_scoped3A_5[%dma_start3A_39, %dma_start3A_40, %dma_start3A_41] : memref<2x128x128xf32, #tpu.memory_space<vmem>> -> memref<1x128x128xf32, #tpu.memory_space<vmem>>
      %dma_start3A_43 = tpu.memref_squeeze %dma_start3A_42 : memref<1x128x128xf32, #tpu.memory_space<vmem>> -> memref<128x128xf32, #tpu.memory_space<vmem>>
      %dma_start3A_44 = arith.constant 128 : i32
      %dma_start3A_45 = tpu.memref_slice %run_scoped3A_3[%dma_start3A_44] : memref<512xi32, #tpu.memory_space<vmem>> -> memref<128xi32, #tpu.memory_space<vmem>>
      %dma_start3A_46 = arith.constant 0 : i32
      %dma_start3A_47 = arith.constant 0 : i32
      %dma_start3A_48 = tpu.memref_slice %arg3[%dma_start3A_46, %dma_start3A_47] : memref<100000x128xf32, #tpu.memory_space<hbm>> -> memref<100000x128xf32, #tpu.memory_space<hbm>>
      tpu.enqueue_indirect_dma source(%dma_start3A_48 : memref<100000x128xf32, #tpu.memory_space<hbm>>) target(%dma_start3A_43 : memref<128x128xf32, #tpu.memory_space<vmem>>) offsets(%dma_start3A_45 : memref<128xi32, #tpu.memory_space<vmem>>) semaphore(%run_scoped3A_6 : memref<!tpu.dma_semaphore, #tpu.memory_space<semaphore_mem>>)
      %dma_wait3A = arith.constant 0 : i32
      %dma_wait3A_49 = arith.constant 0 : i32
      %dma_wait3A_50 = arith.constant 0 : i32
      %dma_wait3A_51 = tpu.memref_slice %run_scoped3A_4[%dma_wait3A, %dma_wait3A_49, %dma_wait3A_50] : memref<2x128x128xf32, #tpu.memory_space<vmem>> -> memref<1x128x128xf32, #tpu.memory_space<vmem>>
      %dma_wait3A_52 = tpu.memref_squeeze %dma_wait3A_51 : memref<1x128x128xf32, #tpu.memory_space<vmem>> -> memref<128x128xf32, #tpu.memory_space<vmem>>
      %dma_wait3A_53 = arith.constant 0 : i32
      %dma_wait3A_54 = tpu.memref_slice %run_scoped3A[%dma_wait3A_53] : memref<512xi32, #tpu.memory_space<vmem>> -> memref<128xi32, #tpu.memory_space<vmem>>
      %dma_wait3A_55 = arith.constant 0 : i32
      %dma_wait3A_56 = arith.constant 0 : i32
      %dma_wait3A_57 = tpu.memref_slice %arg2[%dma_wait3A_55, %dma_wait3A_56] : memref<100000x128xf32, #tpu.memory_space<hbm>> -> memref<100000x128xf32, #tpu.memory_space<hbm>>
      tpu.wait_indirect_dma semaphore(%run_scoped3A_6 : memref<!tpu.dma_semaphore, #tpu.memory_space<semaphore_mem>>) src(%dma_wait3A_57 : memref<100000x128xf32, #tpu.memory_space<hbm>>) dst(%dma_wait3A_52 : memref<128x128xf32, #tpu.memory_space<vmem>>)
      %dma_wait3A_58 = arith.constant 0 : i32
      %dma_wait3A_59 = arith.constant 0 : i32
      %dma_wait3A_60 = arith.constant 0 : i32
      %dma_wait3A_61 = tpu.memref_slice %run_scoped3A_5[%dma_wait3A_58, %dma_wait3A_59, %dma_wait3A_60] : memref<2x128x128xf32, #tpu.memory_space<vmem>> -> memref<1x128x128xf32, #tpu.memory_space<vmem>>
      %dma_wait3A_62 = tpu.memref_squeeze %dma_wait3A_61 : memref<1x128x128xf32, #tpu.memory_space<vmem>> -> memref<128x128xf32, #tpu.memory_space<vmem>>
      %dma_wait3A_63 = arith.constant 0 : i32
      %dma_wait3A_64 = tpu.memref_slice %run_scoped3A_3[%dma_wait3A_63] : memref<512xi32, #tpu.memory_space<vmem>> -> memref<128xi32, #tpu.memory_space<vmem>>
      %dma_wait3A_65 = arith.constant 0 : i32
      %dma_wait3A_66 = arith.constant 0 : i32
      %dma_wait3A_67 = tpu.memref_slice %arg3[%dma_wait3A_65, %dma_wait3A_66] : memref<100000x128xf32, #tpu.memory_space<hbm>> -> memref<100000x128xf32, #tpu.memory_space<hbm>>
      tpu.wait_indirect_dma semaphore(%run_scoped3A_6 : memref<!tpu.dma_semaphore, #tpu.memory_space<semaphore_mem>>) src(%dma_wait3A_67 : memref<100000x128xf32, #tpu.memory_space<hbm>>) dst(%dma_wait3A_62 : memref<128x128xf32, #tpu.memory_space<vmem>>)
      %scan3A = arith.constant 0 : i32
      %scan3A_68 = arith.constant 0 : i32
      %scan3A_69 = arith.constant 128 : i32
      %scan3A_70 = arith.addi %scan3A_68, %scan3A_69 : i32
      %scan3A_71 = arith.constant 1 : i32
      scf.for %scan3A_303 = %scan3A_68 to %scan3A_70 step %scan3A_71  : i32 {
        %get3A = arith.constant 0 : i32
        %get3A_304 = arith.index_cast %get3A : i32 to index
        %get3A_305 = arith.index_cast %scan3A_303 : i32 to index
        %get3A_306 = arith.constant 0 : index
        %get3A_307 = tpu.vector_load %run_scoped3A_4[%get3A_304, %get3A_305, %get3A_306] {strides = array<i32>} : memref<2x128x128xf32, #tpu.memory_space<vmem>>, vector<16xf32>,
        %get3A_308 = arith.constant 0 : i32
        %get3A_309 = arith.index_cast %get3A_308 : i32 to index
        %get3A_310 = arith.index_cast %scan3A_303 : i32 to index
        %get3A_311 = arith.constant 0 : index
        %get3A_312 = tpu.vector_load %run_scoped3A_5[%get3A_309, %get3A_310, %get3A_311] {strides = array<i32>} : memref<2x128x128xf32, #tpu.memory_space<vmem>>, vector<16xf32>,
        %add3A_313 = arith.addf %get3A_307, %get3A_312 : vector<16xf32>
        %swap3A = arith.constant 0 : i32
        %swap3A_314 = arith.index_cast %swap3A : i32 to index
        %swap3A_315 = arith.index_cast %scan3A_303 : i32 to index
        %swap3A_316 = arith.constant 0 : index
        %swap3A_317 = tpu.vector_load %run_scoped3A_4[%swap3A_314, %swap3A_315, %swap3A_316] {strides = array<i32>} : memref<2x128x128xf32, #tpu.memory_space<vmem>>, vector<16xf32>,
        tpu.vector_store %run_scoped3A_4[%swap3A_314, %swap3A_315, %swap3A_316], %add3A_313 {strides = array<i32>} : memref<2x128x128xf32, #tpu.memory_space<vmem>>, vector<16xf32>,
        %get3A_318 = arith.constant 0 : i32
        %get3A_319 = arith.index_cast %get3A_318 : i32 to index
        %get3A_320 = arith.index_cast %scan3A_303 : i32 to index
        %get3A_321 = arith.constant 16 : index
        %get3A_322 = tpu.vector_load %run_scoped3A_4[%get3A_319, %get3A_320, %get3A_321] {strides = array<i32>} : memref<2x128x128xf32, #tpu.memory_space<vmem>>, vector<16xf32>,
        %get3A_323 = arith.constant 0 : i32
        %get3A_324 = arith.index_cast %get3A_323 : i32 to index
        %get3A_325 = arith.index_cast %scan3A_303 : i32 to index
        %get3A_326 = arith.constant 16 : index
        %get3A_327 = tpu.vector_load %run_scoped3A_5[%get3A_324, %get3A_325, %get3A_326] {strides = array<i32>} : memref<2x128x128xf32, #tpu.memory_space<vmem>>, vector<16xf32>,
        %add3A_328 = arith.addf %get3A_322, %get3A_327 : vector<16xf32>
        %swap3A_329 = arith.constant 0 : i32
        %swap3A_330 = arith.index_cast %swap3A_329 : i32 to index
        %swap3A_331 = arith.index_cast %scan3A_303 : i32 to index
        %swap3A_332 = arith.constant 16 : index
        %swap3A_333 = tpu.vector_load %run_scoped3A_4[%swap3A_330, %swap3A_331, %swap3A_332] {strides = array<i32>} : memref<2x128x128xf32, #tpu.memory_space<vmem>>, vector<16xf32>,
        tpu.vector_store %run_scoped3A_4[%swap3A_330, %swap3A_331, %swap3A_332], %add3A_328 {strides = array<i32>} : memref<2x128x128xf32, #tpu.memory_space<vmem>>, vector<16xf32>,
        %get3A_334 = arith.constant 0 : i32
        %get3A_335 = arith.index_cast %get3A_334 : i32 to index
        %get3A_336 = arith.index_cast %scan3A_303 : i32 to index
        %get3A_337 = arith.constant 32 : index
        %get3A_338 = tpu.vector_load %run_scoped3A_4[%get3A_335, %get3A_336, %get3A_337] {strides = array<i32>} : memref<2x128x128xf32, #tpu.memory_space<vmem>>, vector<16xf32>,
        %get3A_339 = arith.constant 0 : i32
        %get3A_340 = arith.index_cast %get3A_339 : i32 to index
        %get3A_341 = arith.index_cast %scan3A_303 : i32 to index
        %get3A_342 = arith.constant 32 : index
        %get3A_343 = tpu.vector_load %run_scoped3A_5[%get3A_340, %get3A_341, %get3A_342] {strides = array<i32>} : memref<2x128x128xf32, #tpu.memory_space<vmem>>, vector<16xf32>,
        %add3A_344 = arith.addf %get3A_338, %get3A_343 : vector<16xf32>
        %swap3A_345 = arith.constant 0 : i32
        %swap3A_346 = arith.index_cast %swap3A_345 : i32 to index
        %swap3A_347 = arith.index_cast %scan3A_303 : i32 to index
        %swap3A_348 = arith.constant 32 : index
        %swap3A_349 = tpu.vector_load %run_scoped3A_4[%swap3A_346, %swap3A_347, %swap3A_348] {strides = array<i32>} : memref<2x128x128xf32, #tpu.memory_space<vmem>>, vector<16xf32>,
        tpu.vector_store %run_scoped3A_4[%swap3A_346, %swap3A_347, %swap3A_348], %add3A_344 {strides = array<i32>} : memref<2x128x128xf32, #tpu.memory_space<vmem>>, vector<16xf32>,
        %get3A_350 = arith.constant 0 : i32
        %get3A_351 = arith.index_cast %get3A_350 : i32 to index
        %get3A_352 = arith.index_cast %scan3A_303 : i32 to index
        %get3A_353 = arith.constant 48 : index
        %get3A_354 = tpu.vector_load %run_scoped3A_4[%get3A_351, %get3A_352, %get3A_353] {strides = array<i32>} : memref<2x128x128xf32, #tpu.memory_space<vmem>>, vector<16xf32>,
        %get3A_355 = arith.constant 0 : i32
        %get3A_356 = arith.index_cast %get3A_355 : i32 to index
        %get3A_357 = arith.index_cast %scan3A_303 : i32 to index
        %get3A_358 = arith.constant 48 : index
        %get3A_359 = tpu.vector_load %run_scoped3A_5[%get3A_356, %get3A_357, %get3A_358] {strides = array<i32>} : memref<2x128x128xf32, #tpu.memory_space<vmem>>, vector<16xf32>,
        %add3A_360 = arith.addf %get3A_354, %get3A_359 : vector<16xf32>
        %swap3A_361 = arith.constant 0 : i32
        %swap3A_362 = arith.index_cast %swap3A_361 : i32 to index
        %swap3A_363 = arith.index_cast %scan3A_303 : i32 to index
        %swap3A_364 = arith.constant 48 : index
        %swap3A_365 = tpu.vector_load %run_scoped3A_4[%swap3A_362, %swap3A_363, %swap3A_364] {strides = array<i32>} : memref<2x128x128xf32, #tpu.memory_space<vmem>>, vector<16xf32>,
        tpu.vector_store %run_scoped3A_4[%swap3A_362, %swap3A_363, %swap3A_364], %add3A_360 {strides = array<i32>} : memref<2x128x128xf32, #tpu.memory_space<vmem>>, vector<16xf32>,
        %get3A_366 = arith.constant 0 : i32
        %get3A_367 = arith.index_cast %get3A_366 : i32 to index
        %get3A_368 = arith.index_cast %scan3A_303 : i32 to index
        %get3A_369 = arith.constant 64 : index
        %get3A_370 = tpu.vector_load %run_scoped3A_4[%get3A_367, %get3A_368, %get3A_369] {strides = array<i32>} : memref<2x128x128xf32, #tpu.memory_space<vmem>>, vector<16xf32>,
        %get3A_371 = arith.constant 0 : i32
        %get3A_372 = arith.index_cast %get3A_371 : i32 to index
        %get3A_373 = arith.index_cast %scan3A_303 : i32 to index
        %get3A_374 = arith.constant 64 : index
        %get3A_375 = tpu.vector_load %run_scoped3A_5[%get3A_372, %get3A_373, %get3A_374] {strides = array<i32>} : memref<2x128x128xf32, #tpu.memory_space<vmem>>, vector<16xf32>,
        %add3A_376 = arith.addf %get3A_370, %get3A_375 : vector<16xf32>
        %swap3A_377 = arith.constant 0 : i32
        %swap3A_378 = arith.index_cast %swap3A_377 : i32 to index
        %swap3A_379 = arith.index_cast %scan3A_303 : i32 to index
        %swap3A_380 = arith.constant 64 : index
        %swap3A_381 = tpu.vector_load %run_scoped3A_4[%swap3A_378, %swap3A_379, %swap3A_380] {strides = array<i32>} : memref<2x128x128xf32, #tpu.memory_space<vmem>>, vector<16xf32>,
        tpu.vector_store %run_scoped3A_4[%swap3A_378, %swap3A_379, %swap3A_380], %add3A_376 {strides = array<i32>} : memref<2x128x128xf32, #tpu.memory_space<vmem>>, vector<16xf32>,
        %get3A_382 = arith.constant 0 : i32
        %get3A_383 = arith.index_cast %get3A_382 : i32 to index
        %get3A_384 = arith.index_cast %scan3A_303 : i32 to index
        %get3A_385 = arith.constant 80 : index
        %get3A_386 = tpu.vector_load %run_scoped3A_4[%get3A_383, %get3A_384, %get3A_385] {strides = array<i32>} : memref<2x128x128xf32, #tpu.memory_space<vmem>>, vector<16xf32>,
        %get3A_387 = arith.constant 0 : i32
        %get3A_388 = arith.index_cast %get3A_387 : i32 to index
        %get3A_389 = arith.index_cast %scan3A_303 : i32 to index
        %get3A_390 = arith.constant 80 : index
        %get3A_391 = tpu.vector_load %run_scoped3A_5[%get3A_388, %get3A_389, %get3A_390] {strides = array<i32>} : memref<2x128x128xf32, #tpu.memory_space<vmem>>, vector<16xf32>,
        %add3A_392 = arith.addf %get3A_386, %get3A_391 : vector<16xf32>
        %swap3A_393 = arith.constant 0 : i32
        %swap3A_394 = arith.index_cast %swap3A_393 : i32 to index
        %swap3A_395 = arith.index_cast %scan3A_303 : i32 to index
        %swap3A_396 = arith.constant 80 : index
        %swap3A_397 = tpu.vector_load %run_scoped3A_4[%swap3A_394, %swap3A_395, %swap3A_396] {strides = array<i32>} : memref<2x128x128xf32, #tpu.memory_space<vmem>>, vector<16xf32>,
        tpu.vector_store %run_scoped3A_4[%swap3A_394, %swap3A_395, %swap3A_396], %add3A_392 {strides = array<i32>} : memref<2x128x128xf32, #tpu.memory_space<vmem>>, vector<16xf32>,
        %get3A_398 = arith.constant 0 : i32
        %get3A_399 = arith.index_cast %get3A_398 : i32 to index
        %get3A_400 = arith.index_cast %scan3A_303 : i32 to index
        %get3A_401 = arith.constant 96 : index
        %get3A_402 = tpu.vector_load %run_scoped3A_4[%get3A_399, %get3A_400, %get3A_401] {strides = array<i32>} : memref<2x128x128xf32, #tpu.memory_space<vmem>>, vector<16xf32>,
        %get3A_403 = arith.constant 0 : i32
        %get3A_404 = arith.index_cast %get3A_403 : i32 to index
        %get3A_405 = arith.index_cast %scan3A_303 : i32 to index
        %get3A_406 = arith.constant 96 : index
        %get3A_407 = tpu.vector_load %run_scoped3A_5[%get3A_404, %get3A_405, %get3A_406] {strides = array<i32>} : memref<2x128x128xf32, #tpu.memory_space<vmem>>, vector<16xf32>,
        %add3A_408 = arith.addf %get3A_402, %get3A_407 : vector<16xf32>
        %swap3A_409 = arith.constant 0 : i32
        %swap3A_410 = arith.index_cast %swap3A_409 : i32 to index
        %swap3A_411 = arith.index_cast %scan3A_303 : i32 to index
        %swap3A_412 = arith.constant 96 : index
        %swap3A_413 = tpu.vector_load %run_scoped3A_4[%swap3A_410, %swap3A_411, %swap3A_412] {strides = array<i32>} : memref<2x128x128xf32, #tpu.memory_space<vmem>>, vector<16xf32>,
        tpu.vector_store %run_scoped3A_4[%swap3A_410, %swap3A_411, %swap3A_412], %add3A_408 {strides = array<i32>} : memref<2x128x128xf32, #tpu.memory_space<vmem>>, vector<16xf32>,
        %get3A_414 = arith.constant 0 : i32
        %get3A_415 = arith.index_cast %get3A_414 : i32 to index
        %get3A_416 = arith.index_cast %scan3A_303 : i32 to index
        %get3A_417 = arith.constant 112 : index
        %get3A_418 = tpu.vector_load %run_scoped3A_4[%get3A_415, %get3A_416, %get3A_417] {strides = array<i32>} : memref<2x128x128xf32, #tpu.memory_space<vmem>>, vector<16xf32>,
        %get3A_419 = arith.constant 0 : i32
        %get3A_420 = arith.index_cast %get3A_419 : i32 to index
        %get3A_421 = arith.index_cast %scan3A_303 : i32 to index
        %get3A_422 = arith.constant 112 : index
        %get3A_423 = tpu.vector_load %run_scoped3A_5[%get3A_420, %get3A_421, %get3A_422] {strides = array<i32>} : memref<2x128x128xf32, #tpu.memory_space<vmem>>, vector<16xf32>,
        %add3A_424 = arith.addf %get3A_418, %get3A_423 : vector<16xf32>
        %swap3A_425 = arith.constant 0 : i32
        %swap3A_426 = arith.index_cast %swap3A_425 : i32 to index
        %swap3A_427 = arith.index_cast %scan3A_303 : i32 to index
        %swap3A_428 = arith.constant 112 : index
        %swap3A_429 = tpu.vector_load %run_scoped3A_4[%swap3A_426, %swap3A_427, %swap3A_428] {strides = array<i32>} : memref<2x128x128xf32, #tpu.memory_space<vmem>>, vector<16xf32>,
        tpu.vector_store %run_scoped3A_4[%swap3A_426, %swap3A_427, %swap3A_428], %add3A_424 {strides = array<i32>} : memref<2x128x128xf32, #tpu.memory_space<vmem>>, vector<16xf32>,
      }
      %scan3A_72 = arith.constant 128 : i32
      %add3A_73 = arith.constant 0 : i32
      %add3A_74 = arith.addi %mul3A_2, %add3A_73 : i32
      %dma_start3A_75 = arith.constant 0 : i32
      %dma_start3A_76 = arith.constant 0 : i32
      %dma_start3A_77 = arith.constant 0 : i32
      %dma_start3A_78 = tpu.memref_slice %run_scoped3A_4[%dma_start3A_75, %dma_start3A_76, %dma_start3A_77] : memref<2x128x128xf32, #tpu.memory_space<vmem>> -> memref<1x128x128xf32, #tpu.memory_space<vmem>>
      %dma_start3A_79 = tpu.memref_squeeze %dma_start3A_78 : memref<1x128x128xf32, #tpu.memory_space<vmem>> -> memref<128x128xf32, #tpu.memory_space<vmem>>
      %dma_start3A_80 = arith.constant 0 : i32
      %dma_start3A_81 = tpu.memref_slice %arg6[%add3A_74, %dma_start3A_80] : memref<16384x128xf32, #tpu.memory_space<hbm>> -> memref<128x128xf32, #tpu.memory_space<hbm>>
      %dma_start3A_82 = arith.constant 0 : i32
      %dma_start3A_83 = tpu.memref_slice %arg6[%add3A_74, %dma_start3A_82] : memref<16384x128xf32, #tpu.memory_space<hbm>> -> memref<128x128xf32, #tpu.memory_space<hbm>>
      %dma_start3A_84 = arith.constant 0 : i32
      %dma_start3A_85 = arith.constant 0 : i32
      %dma_start3A_86 = tpu.memref_slice %run_scoped3A_4[%dma_start3A_75, %dma_start3A_84, %dma_start3A_85] : memref<2x128x128xf32, #tpu.memory_space<vmem>> -> memref<1x128x128xf32, #tpu.memory_space<vmem>>
      %dma_start3A_87 = tpu.memref_squeeze %dma_start3A_86 : memref<1x128x128xf32, #tpu.memory_space<vmem>> -> memref<128x128xf32, #tpu.memory_space<vmem>>
      tpu.enqueue_dma source(%dma_start3A_87 : memref<128x128xf32, #tpu.memory_space<vmem>>) target(%dma_start3A_83 : memref<128x128xf32, #tpu.memory_space<hbm>>) target_semaphore(%run_scoped3A_7 : memref<!tpu.dma_semaphore, #tpu.memory_space<semaphore_mem>>)
      %dma_wait3A_88 = arith.constant 0 : i32
      %dma_wait3A_89 = arith.constant 0 : i32
      %dma_wait3A_90 = arith.constant 0 : i32
      %dma_wait3A_91 = tpu.memref_slice %run_scoped3A_4[%dma_wait3A_88, %dma_wait3A_89, %dma_wait3A_90] : memref<2x128x128xf32, #tpu.memory_space<vmem>> -> memref<1x128x128xf32, #tpu.memory_space<vmem>>
      %dma_wait3A_92 = tpu.memref_squeeze %dma_wait3A_91 : memref<1x128x128xf32, #tpu.memory_space<vmem>> -> memref<128x128xf32, #tpu.memory_space<vmem>>
      %dma_wait3A_93 = arith.constant 0 : i32
      %dma_wait3A_94 = tpu.memref_slice %arg6[%add3A_74, %dma_wait3A_93] : memref<16384x128xf32, #tpu.memory_space<hbm>> -> memref<128x128xf32, #tpu.memory_space<hbm>>
      %dma_wait3A_95 = arith.constant 0 : i32
      %dma_wait3A_96 = tpu.memref_slice %arg6[%add3A_74, %dma_wait3A_95] : memref<16384x128xf32, #tpu.memory_space<hbm>> -> memref<128x128xf32, #tpu.memory_space<hbm>>
      %dma_wait3A_97 = arith.constant 0 : i32
      %dma_wait3A_98 = arith.constant 0 : i32
      %dma_wait3A_99 = tpu.memref_slice %run_scoped3A_4[%dma_wait3A_88, %dma_wait3A_97, %dma_wait3A_98] : memref<2x128x128xf32, #tpu.memory_space<vmem>> -> memref<1x128x128xf32, #tpu.memory_space<vmem>>
      %dma_wait3A_100 = tpu.memref_squeeze %dma_wait3A_99 : memref<1x128x128xf32, #tpu.memory_space<vmem>> -> memref<128x128xf32, #tpu.memory_space<vmem>>
      tpu.wait_dma2 semaphore(%run_scoped3A_7 : memref<!tpu.dma_semaphore, #tpu.memory_space<semaphore_mem>>) src(%dma_wait3A_100 : memref<128x128xf32, #tpu.memory_space<vmem>>) dst(%dma_wait3A_96 : memref<128x128xf32, #tpu.memory_space<hbm>>)
      %dma_start3A_101 = arith.constant 0 : i32
      %dma_start3A_102 = arith.constant 0 : i32
      %dma_start3A_103 = arith.constant 0 : i32
      %dma_start3A_104 = tpu.memref_slice %run_scoped3A_4[%dma_start3A_101, %dma_start3A_102, %dma_start3A_103] : memref<2x128x128xf32, #tpu.memory_space<vmem>> -> memref<1x128x128xf32, #tpu.memory_space<vmem>>
      %dma_start3A_105 = tpu.memref_squeeze %dma_start3A_104 : memref<1x128x128xf32, #tpu.memory_space<vmem>> -> memref<128x128xf32, #tpu.memory_space<vmem>>
      %dma_start3A_106 = arith.constant 256 : i32
      %dma_start3A_107 = tpu.memref_slice %run_scoped3A[%dma_start3A_106] : memref<512xi32, #tpu.memory_space<vmem>> -> memref<128xi32, #tpu.memory_space<vmem>>
      %dma_start3A_108 = arith.constant 0 : i32
      %dma_start3A_109 = arith.constant 0 : i32
      %dma_start3A_110 = tpu.memref_slice %arg2[%dma_start3A_108, %dma_start3A_109] : memref<100000x128xf32, #tpu.memory_space<hbm>> -> memref<100000x128xf32, #tpu.memory_space<hbm>>
      tpu.enqueue_indirect_dma source(%dma_start3A_110 : memref<100000x128xf32, #tpu.memory_space<hbm>>) target(%dma_start3A_105 : memref<128x128xf32, #tpu.memory_space<vmem>>) offsets(%dma_start3A_107 : memref<128xi32, #tpu.memory_space<vmem>>) semaphore(%run_scoped3A_6 : memref<!tpu.dma_semaphore, #tpu.memory_space<semaphore_mem>>)
      %dma_start3A_111 = arith.constant 0 : i32
      %dma_start3A_112 = arith.constant 0 : i32
      %dma_start3A_113 = arith.constant 0 : i32
      %dma_start3A_114 = tpu.memref_slice %run_scoped3A_5[%dma_start3A_111, %dma_start3A_112, %dma_start3A_113] : memref<2x128x128xf32, #tpu.memory_space<vmem>> -> memref<1x128x128xf32, #tpu.memory_space<vmem>>
      %dma_start3A_115 = tpu.memref_squeeze %dma_start3A_114 : memref<1x128x128xf32, #tpu.memory_space<vmem>> -> memref<128x128xf32, #tpu.memory_space<vmem>>
      %dma_start3A_116 = arith.constant 256 : i32
      %dma_start3A_117 = tpu.memref_slice %run_scoped3A_3[%dma_start3A_116] : memref<512xi32, #tpu.memory_space<vmem>> -> memref<128xi32, #tpu.memory_space<vmem>>
      %dma_start3A_118 = arith.constant 0 : i32
      %dma_start3A_119 = arith.constant 0 : i32
      %dma_start3A_120 = tpu.memref_slice %arg3[%dma_start3A_118, %dma_start3A_119] : memref<100000x128xf32, #tpu.memory_space<hbm>> -> memref<100000x128xf32, #tpu.memory_space<hbm>>
      tpu.enqueue_indirect_dma source(%dma_start3A_120 : memref<100000x128xf32, #tpu.memory_space<hbm>>) target(%dma_start3A_115 : memref<128x128xf32, #tpu.memory_space<vmem>>) offsets(%dma_start3A_117 : memref<128xi32, #tpu.memory_space<vmem>>) semaphore(%run_scoped3A_6 : memref<!tpu.dma_semaphore, #tpu.memory_space<semaphore_mem>>)
      %dma_wait3A_121 = arith.constant 1 : i32
      %dma_wait3A_122 = arith.constant 0 : i32
      %dma_wait3A_123 = arith.constant 0 : i32
      %dma_wait3A_124 = tpu.memref_slice %run_scoped3A_4[%dma_wait3A_121, %dma_wait3A_122, %dma_wait3A_123] : memref<2x128x128xf32, #tpu.memory_space<vmem>> -> memref<1x128x128xf32, #tpu.memory_space<vmem>>
      %dma_wait3A_125 = tpu.memref_squeeze %dma_wait3A_124 : memref<1x128x128xf32, #tpu.memory_space<vmem>> -> memref<128x128xf32, #tpu.memory_space<vmem>>
      %dma_wait3A_126 = arith.constant 128 : i32
      %dma_wait3A_127 = tpu.memref_slice %run_scoped3A[%dma_wait3A_126] : memref<512xi32, #tpu.memory_space<vmem>> -> memref<128xi32, #tpu.memory_space<vmem>>
      %dma_wait3A_128 = arith.constant 0 : i32
      %dma_wait3A_129 = arith.constant 0 : i32
      %dma_wait3A_130 = tpu.memref_slice %arg2[%dma_wait3A_128, %dma_wait3A_129] : memref<100000x128xf32, #tpu.memory_space<hbm>> -> memref<100000x128xf32, #tpu.memory_space<hbm>>
      tpu.wait_indirect_dma semaphore(%run_scoped3A_6 : memref<!tpu.dma_semaphore, #tpu.memory_space<semaphore_mem>>) src(%dma_wait3A_130 : memref<100000x128xf32, #tpu.memory_space<hbm>>) dst(%dma_wait3A_125 : memref<128x128xf32, #tpu.memory_space<vmem>>)
      %dma_wait3A_131 = arith.constant 1 : i32
      %dma_wait3A_132 = arith.constant 0 : i32
      %dma_wait3A_133 = arith.constant 0 : i32
      %dma_wait3A_134 = tpu.memref_slice %run_scoped3A_5[%dma_wait3A_131, %dma_wait3A_132, %dma_wait3A_133] : memref<2x128x128xf32, #tpu.memory_space<vmem>> -> memref<1x128x128xf32, #tpu.memory_space<vmem>>
      %dma_wait3A_135 = tpu.memref_squeeze %dma_wait3A_134 : memref<1x128x128xf32, #tpu.memory_space<vmem>> -> memref<128x128xf32, #tpu.memory_space<vmem>>
      %dma_wait3A_136 = arith.constant 128 : i32
      %dma_wait3A_137 = tpu.memref_slice %run_scoped3A_3[%dma_wait3A_136] : memref<512xi32, #tpu.memory_space<vmem>> -> memref<128xi32, #tpu.memory_space<vmem>>
      %dma_wait3A_138 = arith.constant 0 : i32
      %dma_wait3A_139 = arith.constant 0 : i32
      %dma_wait3A_140 = tpu.memref_slice %arg3[%dma_wait3A_138, %dma_wait3A_139] : memref<100000x128xf32, #tpu.memory_space<hbm>> -> memref<100000x128xf32, #tpu.memory_space<hbm>>
      tpu.wait_indirect_dma semaphore(%run_scoped3A_6 : memref<!tpu.dma_semaphore, #tpu.memory_space<semaphore_mem>>) src(%dma_wait3A_140 : memref<100000x128xf32, #tpu.memory_space<hbm>>) dst(%dma_wait3A_135 : memref<128x128xf32, #tpu.memory_space<vmem>>)
      %scan3A_141 = arith.constant 0 : i32
      %scan3A_142 = arith.constant 0 : i32
      %scan3A_143 = arith.constant 128 : i32
      %scan3A_144 = arith.addi %scan3A_142, %scan3A_143 : i32
      %scan3A_145 = arith.constant 1 : i32
      scf.for %scan3A_303 = %scan3A_142 to %scan3A_144 step %scan3A_145  : i32 {
        %get3A = arith.constant 1 : i32
        %get3A_304 = arith.index_cast %get3A : i32 to index
        %get3A_305 = arith.index_cast %scan3A_303 : i32 to index
        %get3A_306 = arith.constant 0 : index
        %get3A_307 = tpu.vector_load %run_scoped3A_4[%get3A_304, %get3A_305, %get3A_306] {strides = array<i32>} : memref<2x128x128xf32, #tpu.memory_space<vmem>>, vector<16xf32>,
        %get3A_308 = arith.constant 1 : i32
        %get3A_309 = arith.index_cast %get3A_308 : i32 to index
        %get3A_310 = arith.index_cast %scan3A_303 : i32 to index
        %get3A_311 = arith.constant 0 : index
        %get3A_312 = tpu.vector_load %run_scoped3A_5[%get3A_309, %get3A_310, %get3A_311] {strides = array<i32>} : memref<2x128x128xf32, #tpu.memory_space<vmem>>, vector<16xf32>,
        %add3A_313 = arith.addf %get3A_307, %get3A_312 : vector<16xf32>
        %swap3A = arith.constant 1 : i32
        %swap3A_314 = arith.index_cast %swap3A : i32 to index
        %swap3A_315 = arith.index_cast %scan3A_303 : i32 to index
        %swap3A_316 = arith.constant 0 : index
        %swap3A_317 = tpu.vector_load %run_scoped3A_4[%swap3A_314, %swap3A_315, %swap3A_316] {strides = array<i32>} : memref<2x128x128xf32, #tpu.memory_space<vmem>>, vector<16xf32>,
        tpu.vector_store %run_scoped3A_4[%swap3A_314, %swap3A_315, %swap3A_316], %add3A_313 {strides = array<i32>} : memref<2x128x128xf32, #tpu.memory_space<vmem>>, vector<16xf32>,
        %get3A_318 = arith.constant 1 : i32
        %get3A_319 = arith.index_cast %get3A_318 : i32 to index
        %get3A_320 = arith.index_cast %scan3A_303 : i32 to index
        %get3A_321 = arith.constant 16 : index
        %get3A_322 = tpu.vector_load %run_scoped3A_4[%get3A_319, %get3A_320, %get3A_321] {strides = array<i32>} : memref<2x128x128xf32, #tpu.memory_space<vmem>>, vector<16xf32>,
        %get3A_323 = arith.constant 1 : i32
        %get3A_324 = arith.index_cast %get3A_323 : i32 to index
        %get3A_325 = arith.index_cast %scan3A_303 : i32 to index
        %get3A_326 = arith.constant 16 : index
        %get3A_327 = tpu.vector_load %run_scoped3A_5[%get3A_324, %get3A_325, %get3A_326] {strides = array<i32>} : memref<2x128x128xf32, #tpu.memory_space<vmem>>, vector<16xf32>,
        %add3A_328 = arith.addf %get3A_322, %get3A_327 : vector<16xf32>
        %swap3A_329 = arith.constant 1 : i32
        %swap3A_330 = arith.index_cast %swap3A_329 : i32 to index
        %swap3A_331 = arith.index_cast %scan3A_303 : i32 to index
        %swap3A_332 = arith.constant 16 : index
        %swap3A_333 = tpu.vector_load %run_scoped3A_4[%swap3A_330, %swap3A_331, %swap3A_332] {strides = array<i32>} : memref<2x128x128xf32, #tpu.memory_space<vmem>>, vector<16xf32>,
        tpu.vector_store %run_scoped3A_4[%swap3A_330, %swap3A_331, %swap3A_332], %add3A_328 {strides = array<i32>} : memref<2x128x128xf32, #tpu.memory_space<vmem>>, vector<16xf32>,
        %get3A_334 = arith.constant 1 : i32
        %get3A_335 = arith.index_cast %get3A_334 : i32 to index
        %get3A_336 = arith.index_cast %scan3A_303 : i32 to index
        %get3A_337 = arith.constant 32 : index
        %get3A_338 = tpu.vector_load %run_scoped3A_4[%get3A_335, %get3A_336, %get3A_337] {strides = array<i32>} : memref<2x128x128xf32, #tpu.memory_space<vmem>>, vector<16xf32>,
        %get3A_339 = arith.constant 1 : i32
        %get3A_340 = arith.index_cast %get3A_339 : i32 to index
        %get3A_341 = arith.index_cast %scan3A_303 : i32 to index
        %get3A_342 = arith.constant 32 : index
        %get3A_343 = tpu.vector_load %run_scoped3A_5[%get3A_340, %get3A_341, %get3A_342] {strides = array<i32>} : memref<2x128x128xf32, #tpu.memory_space<vmem>>, vector<16xf32>,
        %add3A_344 = arith.addf %get3A_338, %get3A_343 : vector<16xf32>
        %swap3A_345 = arith.constant 1 : i32
        %swap3A_346 = arith.index_cast %swap3A_345 : i32 to index
        %swap3A_347 = arith.index_cast %scan3A_303 : i32 to index
        %swap3A_348 = arith.constant 32 : index
        %swap3A_349 = tpu.vector_load %run_scoped3A_4[%swap3A_346, %swap3A_347, %swap3A_348] {strides = array<i32>} : memref<2x128x128xf32, #tpu.memory_space<vmem>>, vector<16xf32>,
        tpu.vector_store %run_scoped3A_4[%swap3A_346, %swap3A_347, %swap3A_348], %add3A_344 {strides = array<i32>} : memref<2x128x128xf32, #tpu.memory_space<vmem>>, vector<16xf32>,
        %get3A_350 = arith.constant 1 : i32
        %get3A_351 = arith.index_cast %get3A_350 : i32 to index
        %get3A_352 = arith.index_cast %scan3A_303 : i32 to index
        %get3A_353 = arith.constant 48 : index
        %get3A_354 = tpu.vector_load %run_scoped3A_4[%get3A_351, %get3A_352, %get3A_353] {strides = array<i32>} : memref<2x128x128xf32, #tpu.memory_space<vmem>>, vector<16xf32>,
        %get3A_355 = arith.constant 1 : i32
        %get3A_356 = arith.index_cast %get3A_355 : i32 to index
        %get3A_357 = arith.index_cast %scan3A_303 : i32 to index
        %get3A_358 = arith.constant 48 : index
        %get3A_359 = tpu.vector_load %run_scoped3A_5[%get3A_356, %get3A_357, %get3A_358] {strides = array<i32>} : memref<2x128x128xf32, #tpu.memory_space<vmem>>, vector<16xf32>,
        %add3A_360 = arith.addf %get3A_354, %get3A_359 : vector<16xf32>
        %swap3A_361 = arith.constant 1 : i32
        %swap3A_362 = arith.index_cast %swap3A_361 : i32 to index
        %swap3A_363 = arith.index_cast %scan3A_303 : i32 to index
        %swap3A_364 = arith.constant 48 : index
        %swap3A_365 = tpu.vector_load %run_scoped3A_4[%swap3A_362, %swap3A_363, %swap3A_364] {strides = array<i32>} : memref<2x128x128xf32, #tpu.memory_space<vmem>>, vector<16xf32>,
        tpu.vector_store %run_scoped3A_4[%swap3A_362, %swap3A_363, %swap3A_364], %add3A_360 {strides = array<i32>} : memref<2x128x128xf32, #tpu.memory_space<vmem>>, vector<16xf32>,
        %get3A_366 = arith.constant 1 : i32
        %get3A_367 = arith.index_cast %get3A_366 : i32 to index
        %get3A_368 = arith.index_cast %scan3A_303 : i32 to index
        %get3A_369 = arith.constant 64 : index
        %get3A_370 = tpu.vector_load %run_scoped3A_4[%get3A_367, %get3A_368, %get3A_369] {strides = array<i32>} : memref<2x128x128xf32, #tpu.memory_space<vmem>>, vector<16xf32>,
        %get3A_371 = arith.constant 1 : i32
        %get3A_372 = arith.index_cast %get3A_371 : i32 to index
        %get3A_373 = arith.index_cast %scan3A_303 : i32 to index
        %get3A_374 = arith.constant 64 : index
        %get3A_375 = tpu.vector_load %run_scoped3A_5[%get3A_372, %get3A_373, %get3A_374] {strides = array<i32>} : memref<2x128x128xf32, #tpu.memory_space<vmem>>, vector<16xf32>,
        %add3A_376 = arith.addf %get3A_370, %get3A_375 : vector<16xf32>
        %swap3A_377 = arith.constant 1 : i32
        %swap3A_378 = arith.index_cast %swap3A_377 : i32 to index
        %swap3A_379 = arith.index_cast %scan3A_303 : i32 to index
        %swap3A_380 = arith.constant 64 : index
        %swap3A_381 = tpu.vector_load %run_scoped3A_4[%swap3A_378, %swap3A_379, %swap3A_380] {strides = array<i32>} : memref<2x128x128xf32, #tpu.memory_space<vmem>>, vector<16xf32>,
        tpu.vector_store %run_scoped3A_4[%swap3A_378, %swap3A_379, %swap3A_380], %add3A_376 {strides = array<i32>} : memref<2x128x128xf32, #tpu.memory_space<vmem>>, vector<16xf32>,
        %get3A_382 = arith.constant 1 : i32
        %get3A_383 = arith.index_cast %get3A_382 : i32 to index
        %get3A_384 = arith.index_cast %scan3A_303 : i32 to index
        %get3A_385 = arith.constant 80 : index
        %get3A_386 = tpu.vector_load %run_scoped3A_4[%get3A_383, %get3A_384, %get3A_385] {strides = array<i32>} : memref<2x128x128xf32, #tpu.memory_space<vmem>>, vector<16xf32>,
        %get3A_387 = arith.constant 1 : i32
        %get3A_388 = arith.index_cast %get3A_387 : i32 to index
        %get3A_389 = arith.index_cast %scan3A_303 : i32 to index
        %get3A_390 = arith.constant 80 : index
        %get3A_391 = tpu.vector_load %run_scoped3A_5[%get3A_388, %get3A_389, %get3A_390] {strides = array<i32>} : memref<2x128x128xf32, #tpu.memory_space<vmem>>, vector<16xf32>,
        %add3A_392 = arith.addf %get3A_386, %get3A_391 : vector<16xf32>
        %swap3A_393 = arith.constant 1 : i32
        %swap3A_394 = arith.index_cast %swap3A_393 : i32 to index
        %swap3A_395 = arith.index_cast %scan3A_303 : i32 to index
        %swap3A_396 = arith.constant 80 : index
        %swap3A_397 = tpu.vector_load %run_scoped3A_4[%swap3A_394, %swap3A_395, %swap3A_396] {strides = array<i32>} : memref<2x128x128xf32, #tpu.memory_space<vmem>>, vector<16xf32>,
        tpu.vector_store %run_scoped3A_4[%swap3A_394, %swap3A_395, %swap3A_396], %add3A_392 {strides = array<i32>} : memref<2x128x128xf32, #tpu.memory_space<vmem>>, vector<16xf32>,
        %get3A_398 = arith.constant 1 : i32
        %get3A_399 = arith.index_cast %get3A_398 : i32 to index
        %get3A_400 = arith.index_cast %scan3A_303 : i32 to index
        %get3A_401 = arith.constant 96 : index
        %get3A_402 = tpu.vector_load %run_scoped3A_4[%get3A_399, %get3A_400, %get3A_401] {strides = array<i32>} : memref<2x128x128xf32, #tpu.memory_space<vmem>>, vector<16xf32>,
        %get3A_403 = arith.constant 1 : i32
        %get3A_404 = arith.index_cast %get3A_403 : i32 to index
        %get3A_405 = arith.index_cast %scan3A_303 : i32 to index
        %get3A_406 = arith.constant 96 : index
        %get3A_407 = tpu.vector_load %run_scoped3A_5[%get3A_404, %get3A_405, %get3A_406] {strides = array<i32>} : memref<2x128x128xf32, #tpu.memory_space<vmem>>, vector<16xf32>,
        %add3A_408 = arith.addf %get3A_402, %get3A_407 : vector<16xf32>
        %swap3A_409 = arith.constant 1 : i32
        %swap3A_410 = arith.index_cast %swap3A_409 : i32 to index
        %swap3A_411 = arith.index_cast %scan3A_303 : i32 to index
        %swap3A_412 = arith.constant 96 : index
        %swap3A_413 = tpu.vector_load %run_scoped3A_4[%swap3A_410, %swap3A_411, %swap3A_412] {strides = array<i32>} : memref<2x128x128xf32, #tpu.memory_space<vmem>>, vector<16xf32>,
        tpu.vector_store %run_scoped3A_4[%swap3A_410, %swap3A_411, %swap3A_412], %add3A_408 {strides = array<i32>} : memref<2x128x128xf32, #tpu.memory_space<vmem>>, vector<16xf32>,
        %get3A_414 = arith.constant 1 : i32
        %get3A_415 = arith.index_cast %get3A_414 : i32 to index
        %get3A_416 = arith.index_cast %scan3A_303 : i32 to index
        %get3A_417 = arith.constant 112 : index
        %get3A_418 = tpu.vector_load %run_scoped3A_4[%get3A_415, %get3A_416, %get3A_417] {strides = array<i32>} : memref<2x128x128xf32, #tpu.memory_space<vmem>>, vector<16xf32>,
        %get3A_419 = arith.constant 1 : i32
        %get3A_420 = arith.index_cast %get3A_419 : i32 to index
        %get3A_421 = arith.index_cast %scan3A_303 : i32 to index
        %get3A_422 = arith.constant 112 : index
        %get3A_423 = tpu.vector_load %run_scoped3A_5[%get3A_420, %get3A_421, %get3A_422] {strides = array<i32>} : memref<2x128x128xf32, #tpu.memory_space<vmem>>, vector<16xf32>,
        %add3A_424 = arith.addf %get3A_418, %get3A_423 : vector<16xf32>
        %swap3A_425 = arith.constant 1 : i32
        %swap3A_426 = arith.index_cast %swap3A_425 : i32 to index
        %swap3A_427 = arith.index_cast %scan3A_303 : i32 to index
        %swap3A_428 = arith.constant 112 : index
        %swap3A_429 = tpu.vector_load %run_scoped3A_4[%swap3A_426, %swap3A_427, %swap3A_428] {strides = array<i32>} : memref<2x128x128xf32, #tpu.memory_space<vmem>>, vector<16xf32>,
        tpu.vector_store %run_scoped3A_4[%swap3A_426, %swap3A_427, %swap3A_428], %add3A_424 {strides = array<i32>} : memref<2x128x128xf32, #tpu.memory_space<vmem>>, vector<16xf32>,
      }
      %scan3A_146 = arith.constant 128 : i32
      %add3A_147 = arith.constant 128 : i32
      %add3A_148 = arith.addi %mul3A_2, %add3A_147 : i32
      %dma_start3A_149 = arith.constant 1 : i32
      %dma_start3A_150 = arith.constant 0 : i32
      %dma_start3A_151 = arith.constant 0 : i32
      %dma_start3A_152 = tpu.memref_slice %run_scoped3A_4[%dma_start3A_149, %dma_start3A_150, %dma_start3A_151] : memref<2x128x128xf32, #tpu.memory_space<vmem>> -> memref<1x128x128xf32, #tpu.memory_space<vmem>>
      %dma_start3A_153 = tpu.memref_squeeze %dma_start3A_152 : memref<1x128x128xf32, #tpu.memory_space<vmem>> -> memref<128x128xf32, #tpu.memory_space<vmem>>
      %dma_start3A_154 = arith.constant 0 : i32
      %dma_start3A_155 = tpu.memref_slice %arg6[%add3A_148, %dma_start3A_154] : memref<16384x128xf32, #tpu.memory_space<hbm>> -> memref<128x128xf32, #tpu.memory_space<hbm>>
      %dma_start3A_156 = arith.constant 0 : i32
      %dma_start3A_157 = tpu.memref_slice %arg6[%add3A_148, %dma_start3A_156] : memref<16384x128xf32, #tpu.memory_space<hbm>> -> memref<128x128xf32, #tpu.memory_space<hbm>>
      %dma_start3A_158 = arith.constant 0 : i32
      %dma_start3A_159 = arith.constant 0 : i32
      %dma_start3A_160 = tpu.memref_slice %run_scoped3A_4[%dma_start3A_149, %dma_start3A_158, %dma_start3A_159] : memref<2x128x128xf32, #tpu.memory_space<vmem>> -> memref<1x128x128xf32, #tpu.memory_space<vmem>>
      %dma_start3A_161 = tpu.memref_squeeze %dma_start3A_160 : memref<1x128x128xf32, #tpu.memory_space<vmem>> -> memref<128x128xf32, #tpu.memory_space<vmem>>
      tpu.enqueue_dma source(%dma_start3A_161 : memref<128x128xf32, #tpu.memory_space<vmem>>) target(%dma_start3A_157 : memref<128x128xf32, #tpu.memory_space<hbm>>) target_semaphore(%run_scoped3A_7 : memref<!tpu.dma_semaphore, #tpu.memory_space<semaphore_mem>>)
      %dma_wait3A_162 = arith.constant 1 : i32
      %dma_wait3A_163 = arith.constant 0 : i32
      %dma_wait3A_164 = arith.constant 0 : i32
      %dma_wait3A_165 = tpu.memref_slice %run_scoped3A_4[%dma_wait3A_162, %dma_wait3A_163, %dma_wait3A_164] : memref<2x128x128xf32, #tpu.memory_space<vmem>> -> memref<1x128x128xf32, #tpu.memory_space<vmem>>
      %dma_wait3A_166 = tpu.memref_squeeze %dma_wait3A_165 : memref<1x128x128xf32, #tpu.memory_space<vmem>> -> memref<128x128xf32, #tpu.memory_space<vmem>>
      %dma_wait3A_167 = arith.constant 0 : i32
      %dma_wait3A_168 = tpu.memref_slice %arg6[%add3A_148, %dma_wait3A_167] : memref<16384x128xf32, #tpu.memory_space<hbm>> -> memref<128x128xf32, #tpu.memory_space<hbm>>
      %dma_wait3A_169 = arith.constant 0 : i32
      %dma_wait3A_170 = tpu.memref_slice %arg6[%add3A_148, %dma_wait3A_169] : memref<16384x128xf32, #tpu.memory_space<hbm>> -> memref<128x128xf32, #tpu.memory_space<hbm>>
      %dma_wait3A_171 = arith.constant 0 : i32
      %dma_wait3A_172 = arith.constant 0 : i32
      %dma_wait3A_173 = tpu.memref_slice %run_scoped3A_4[%dma_wait3A_162, %dma_wait3A_171, %dma_wait3A_172] : memref<2x128x128xf32, #tpu.memory_space<vmem>> -> memref<1x128x128xf32, #tpu.memory_space<vmem>>
      %dma_wait3A_174 = tpu.memref_squeeze %dma_wait3A_173 : memref<1x128x128xf32, #tpu.memory_space<vmem>> -> memref<128x128xf32, #tpu.memory_space<vmem>>
      tpu.wait_dma2 semaphore(%run_scoped3A_7 : memref<!tpu.dma_semaphore, #tpu.memory_space<semaphore_mem>>) src(%dma_wait3A_174 : memref<128x128xf32, #tpu.memory_space<vmem>>) dst(%dma_wait3A_170 : memref<128x128xf32, #tpu.memory_space<hbm>>)
      %dma_start3A_175 = arith.constant 1 : i32
      %dma_start3A_176 = arith.constant 0 : i32
      %dma_start3A_177 = arith.constant 0 : i32
      %dma_start3A_178 = tpu.memref_slice %run_scoped3A_4[%dma_start3A_175, %dma_start3A_176, %dma_start3A_177] : memref<2x128x128xf32, #tpu.memory_space<vmem>> -> memref<1x128x128xf32, #tpu.memory_space<vmem>>
      %dma_start3A_179 = tpu.memref_squeeze %dma_start3A_178 : memref<1x128x128xf32, #tpu.memory_space<vmem>> -> memref<128x128xf32, #tpu.memory_space<vmem>>
      %dma_start3A_180 = arith.constant 384 : i32
      %dma_start3A_181 = tpu.memref_slice %run_scoped3A[%dma_start3A_180] : memref<512xi32, #tpu.memory_space<vmem>> -> memref<128xi32, #tpu.memory_space<vmem>>
      %dma_start3A_182 = arith.constant 0 : i32
      %dma_start3A_183 = arith.constant 0 : i32
      %dma_start3A_184 = tpu.memref_slice %arg2[%dma_start3A_182, %dma_start3A_183] : memref<100000x128xf32, #tpu.memory_space<hbm>> -> memref<100000x128xf32, #tpu.memory_space<hbm>>
      tpu.enqueue_indirect_dma source(%dma_start3A_184 : memref<100000x128xf32, #tpu.memory_space<hbm>>) target(%dma_start3A_179 : memref<128x128xf32, #tpu.memory_space<vmem>>) offsets(%dma_start3A_181 : memref<128xi32, #tpu.memory_space<vmem>>) semaphore(%run_scoped3A_6 : memref<!tpu.dma_semaphore, #tpu.memory_space<semaphore_mem>>)
      %dma_start3A_185 = arith.constant 1 : i32
      %dma_start3A_186 = arith.constant 0 : i32
      %dma_start3A_187 = arith.constant 0 : i32
      %dma_start3A_188 = tpu.memref_slice %run_scoped3A_5[%dma_start3A_185, %dma_start3A_186, %dma_start3A_187] : memref<2x128x128xf32, #tpu.memory_space<vmem>> -> memref<1x128x128xf32, #tpu.memory_space<vmem>>
      %dma_start3A_189 = tpu.memref_squeeze %dma_start3A_188 : memref<1x128x128xf32, #tpu.memory_space<vmem>> -> memref<128x128xf32, #tpu.memory_space<vmem>>
      %dma_start3A_190 = arith.constant 384 : i32
      %dma_start3A_191 = tpu.memref_slice %run_scoped3A_3[%dma_start3A_190] : memref<512xi32, #tpu.memory_space<vmem>> -> memref<128xi32, #tpu.memory_space<vmem>>
      %dma_start3A_192 = arith.constant 0 : i32
      %dma_start3A_193 = arith.constant 0 : i32
      %dma_start3A_194 = tpu.memref_slice %arg3[%dma_start3A_192, %dma_start3A_193] : memref<100000x128xf32, #tpu.memory_space<hbm>> -> memref<100000x128xf32, #tpu.memory_space<hbm>>
      tpu.enqueue_indirect_dma source(%dma_start3A_194 : memref<100000x128xf32, #tpu.memory_space<hbm>>) target(%dma_start3A_189 : memref<128x128xf32, #tpu.memory_space<vmem>>) offsets(%dma_start3A_191 : memref<128xi32, #tpu.memory_space<vmem>>) semaphore(%run_scoped3A_6 : memref<!tpu.dma_semaphore, #tpu.memory_space<semaphore_mem>>)
      %dma_wait3A_195 = arith.constant 0 : i32
      %dma_wait3A_196 = arith.constant 0 : i32
      %dma_wait3A_197 = arith.constant 0 : i32
      %dma_wait3A_198 = tpu.memref_slice %run_scoped3A_4[%dma_wait3A_195, %dma_wait3A_196, %dma_wait3A_197] : memref<2x128x128xf32, #tpu.memory_space<vmem>> -> memref<1x128x128xf32, #tpu.memory_space<vmem>>
      %dma_wait3A_199 = tpu.memref_squeeze %dma_wait3A_198 : memref<1x128x128xf32, #tpu.memory_space<vmem>> -> memref<128x128xf32, #tpu.memory_space<vmem>>
      %dma_wait3A_200 = arith.constant 256 : i32
      %dma_wait3A_201 = tpu.memref_slice %run_scoped3A[%dma_wait3A_200] : memref<512xi32, #tpu.memory_space<vmem>> -> memref<128xi32, #tpu.memory_space<vmem>>
      %dma_wait3A_202 = arith.constant 0 : i32
      %dma_wait3A_203 = arith.constant 0 : i32
      %dma_wait3A_204 = tpu.memref_slice %arg2[%dma_wait3A_202, %dma_wait3A_203] : memref<100000x128xf32, #tpu.memory_space<hbm>> -> memref<100000x128xf32, #tpu.memory_space<hbm>>
      tpu.wait_indirect_dma semaphore(%run_scoped3A_6 : memref<!tpu.dma_semaphore, #tpu.memory_space<semaphore_mem>>) src(%dma_wait3A_204 : memref<100000x128xf32, #tpu.memory_space<hbm>>) dst(%dma_wait3A_199 : memref<128x128xf32, #tpu.memory_space<vmem>>)
      %dma_wait3A_205 = arith.constant 0 : i32
      %dma_wait3A_206 = arith.constant 0 : i32
      %dma_wait3A_207 = arith.constant 0 : i32
      %dma_wait3A_208 = tpu.memref_slice %run_scoped3A_5[%dma_wait3A_205, %dma_wait3A_206, %dma_wait3A_207] : memref<2x128x128xf32, #tpu.memory_space<vmem>> -> memref<1x128x128xf32, #tpu.memory_space<vmem>>
      %dma_wait3A_209 = tpu.memref_squeeze %dma_wait3A_208 : memref<1x128x128xf32, #tpu.memory_space<vmem>> -> memref<128x128xf32, #tpu.memory_space<vmem>>
      %dma_wait3A_210 = arith.constant 256 : i32
      %dma_wait3A_211 = tpu.memref_slice %run_scoped3A_3[%dma_wait3A_210] : memref<512xi32, #tpu.memory_space<vmem>> -> memref<128xi32, #tpu.memory_space<vmem>>
      %dma_wait3A_212 = arith.constant 0 : i32
      %dma_wait3A_213 = arith.constant 0 : i32
      %dma_wait3A_214 = tpu.memref_slice %arg3[%dma_wait3A_212, %dma_wait3A_213] : memref<100000x128xf32, #tpu.memory_space<hbm>> -> memref<100000x128xf32, #tpu.memory_space<hbm>>
      tpu.wait_indirect_dma semaphore(%run_scoped3A_6 : memref<!tpu.dma_semaphore, #tpu.memory_space<semaphore_mem>>) src(%dma_wait3A_214 : memref<100000x128xf32, #tpu.memory_space<hbm>>) dst(%dma_wait3A_209 : memref<128x128xf32, #tpu.memory_space<vmem>>)
      %scan3A_215 = arith.constant 0 : i32
      %scan3A_216 = arith.constant 0 : i32
      %scan3A_217 = arith.constant 128 : i32
      %scan3A_218 = arith.addi %scan3A_216, %scan3A_217 : i32
      %scan3A_219 = arith.constant 1 : i32
      scf.for %scan3A_303 = %scan3A_216 to %scan3A_218 step %scan3A_219  : i32 {
        %get3A = arith.constant 0 : i32
        %get3A_304 = arith.index_cast %get3A : i32 to index
        %get3A_305 = arith.index_cast %scan3A_303 : i32 to index
        %get3A_306 = arith.constant 0 : index
        %get3A_307 = tpu.vector_load %run_scoped3A_4[%get3A_304, %get3A_305, %get3A_306] {strides = array<i32>} : memref<2x128x128xf32, #tpu.memory_space<vmem>>, vector<16xf32>,
        %get3A_308 = arith.constant 0 : i32
        %get3A_309 = arith.index_cast %get3A_308 : i32 to index
        %get3A_310 = arith.index_cast %scan3A_303 : i32 to index
        %get3A_311 = arith.constant 0 : index
        %get3A_312 = tpu.vector_load %run_scoped3A_5[%get3A_309, %get3A_310, %get3A_311] {strides = array<i32>} : memref<2x128x128xf32, #tpu.memory_space<vmem>>, vector<16xf32>,
        %add3A_313 = arith.addf %get3A_307, %get3A_312 : vector<16xf32>
        %swap3A = arith.constant 0 : i32
        %swap3A_314 = arith.index_cast %swap3A : i32 to index
        %swap3A_315 = arith.index_cast %scan3A_303 : i32 to index
        %swap3A_316 = arith.constant 0 : index
        %swap3A_317 = tpu.vector_load %run_scoped3A_4[%swap3A_314, %swap3A_315, %swap3A_316] {strides = array<i32>} : memref<2x128x128xf32, #tpu.memory_space<vmem>>, vector<16xf32>,
        tpu.vector_store %run_scoped3A_4[%swap3A_314, %swap3A_315, %swap3A_316], %add3A_313 {strides = array<i32>} : memref<2x128x128xf32, #tpu.memory_space<vmem>>, vector<16xf32>,
        %get3A_318 = arith.constant 0 : i32
        %get3A_319 = arith.index_cast %get3A_318 : i32 to index
        %get3A_320 = arith.index_cast %scan3A_303 : i32 to index
        %get3A_321 = arith.constant 16 : index
        %get3A_322 = tpu.vector_load %run_scoped3A_4[%get3A_319, %get3A_320, %get3A_321] {strides = array<i32>} : memref<2x128x128xf32, #tpu.memory_space<vmem>>, vector<16xf32>,
        %get3A_323 = arith.constant 0 : i32
        %get3A_324 = arith.index_cast %get3A_323 : i32 to index
        %get3A_325 = arith.index_cast %scan3A_303 : i32 to index
        %get3A_326 = arith.constant 16 : index
        %get3A_327 = tpu.vector_load %run_scoped3A_5[%get3A_324, %get3A_325, %get3A_326] {strides = array<i32>} : memref<2x128x128xf32, #tpu.memory_space<vmem>>, vector<16xf32>,
        %add3A_328 = arith.addf %get3A_322, %get3A_327 : vector<16xf32>
        %swap3A_329 = arith.constant 0 : i32
        %swap3A_330 = arith.index_cast %swap3A_329 : i32 to index
        %swap3A_331 = arith.index_cast %scan3A_303 : i32 to index
        %swap3A_332 = arith.constant 16 : index
        %swap3A_333 = tpu.vector_load %run_scoped3A_4[%swap3A_330, %swap3A_331, %swap3A_332] {strides = array<i32>} : memref<2x128x128xf32, #tpu.memory_space<vmem>>, vector<16xf32>,
        tpu.vector_store %run_scoped3A_4[%swap3A_330, %swap3A_331, %swap3A_332], %add3A_328 {strides = array<i32>} : memref<2x128x128xf32, #tpu.memory_space<vmem>>, vector<16xf32>,
        %get3A_334 = arith.constant 0 : i32
        %get3A_335 = arith.index_cast %get3A_334 : i32 to index
        %get3A_336 = arith.index_cast %scan3A_303 : i32 to index
        %get3A_337 = arith.constant 32 : index
        %get3A_338 = tpu.vector_load %run_scoped3A_4[%get3A_335, %get3A_336, %get3A_337] {strides = array<i32>} : memref<2x128x128xf32, #tpu.memory_space<vmem>>, vector<16xf32>,
        %get3A_339 = arith.constant 0 : i32
        %get3A_340 = arith.index_cast %get3A_339 : i32 to index
        %get3A_341 = arith.index_cast %scan3A_303 : i32 to index
        %get3A_342 = arith.constant 32 : index
        %get3A_343 = tpu.vector_load %run_scoped3A_5[%get3A_340, %get3A_341, %get3A_342] {strides = array<i32>} : memref<2x128x128xf32, #tpu.memory_space<vmem>>, vector<16xf32>,
        %add3A_344 = arith.addf %get3A_338, %get3A_343 : vector<16xf32>
        %swap3A_345 = arith.constant 0 : i32
        %swap3A_346 = arith.index_cast %swap3A_345 : i32 to index
        %swap3A_347 = arith.index_cast %scan3A_303 : i32 to index
        %swap3A_348 = arith.constant 32 : index
        %swap3A_349 = tpu.vector_load %run_scoped3A_4[%swap3A_346, %swap3A_347, %swap3A_348] {strides = array<i32>} : memref<2x128x128xf32, #tpu.memory_space<vmem>>, vector<16xf32>,
        tpu.vector_store %run_scoped3A_4[%swap3A_346, %swap3A_347, %swap3A_348], %add3A_344 {strides = array<i32>} : memref<2x128x128xf32, #tpu.memory_space<vmem>>, vector<16xf32>,
        %get3A_350 = arith.constant 0 : i32
        %get3A_351 = arith.index_cast %get3A_350 : i32 to index
        %get3A_352 = arith.index_cast %scan3A_303 : i32 to index
        %get3A_353 = arith.constant 48 : index
        %get3A_354 = tpu.vector_load %run_scoped3A_4[%get3A_351, %get3A_352, %get3A_353] {strides = array<i32>} : memref<2x128x128xf32, #tpu.memory_space<vmem>>, vector<16xf32>,
        %get3A_355 = arith.constant 0 : i32
        %get3A_356 = arith.index_cast %get3A_355 : i32 to index
        %get3A_357 = arith.index_cast %scan3A_303 : i32 to index
        %get3A_358 = arith.constant 48 : index
        %get3A_359 = tpu.vector_load %run_scoped3A_5[%get3A_356, %get3A_357, %get3A_358] {strides = array<i32>} : memref<2x128x128xf32, #tpu.memory_space<vmem>>, vector<16xf32>,
        %add3A_360 = arith.addf %get3A_354, %get3A_359 : vector<16xf32>
        %swap3A_361 = arith.constant 0 : i32
        %swap3A_362 = arith.index_cast %swap3A_361 : i32 to index
        %swap3A_363 = arith.index_cast %scan3A_303 : i32 to index
        %swap3A_364 = arith.constant 48 : index
        %swap3A_365 = tpu.vector_load %run_scoped3A_4[%swap3A_362, %swap3A_363, %swap3A_364] {strides = array<i32>} : memref<2x128x128xf32, #tpu.memory_space<vmem>>, vector<16xf32>,
        tpu.vector_store %run_scoped3A_4[%swap3A_362, %swap3A_363, %swap3A_364], %add3A_360 {strides = array<i32>} : memref<2x128x128xf32, #tpu.memory_space<vmem>>, vector<16xf32>,
        %get3A_366 = arith.constant 0 : i32
        %get3A_367 = arith.index_cast %get3A_366 : i32 to index
        %get3A_368 = arith.index_cast %scan3A_303 : i32 to index
        %get3A_369 = arith.constant 64 : index
        %get3A_370 = tpu.vector_load %run_scoped3A_4[%get3A_367, %get3A_368, %get3A_369] {strides = array<i32>} : memref<2x128x128xf32, #tpu.memory_space<vmem>>, vector<16xf32>,
        %get3A_371 = arith.constant 0 : i32
        %get3A_372 = arith.index_cast %get3A_371 : i32 to index
        %get3A_373 = arith.index_cast %scan3A_303 : i32 to index
        %get3A_374 = arith.constant 64 : index
        %get3A_375 = tpu.vector_load %run_scoped3A_5[%get3A_372, %get3A_373, %get3A_374] {strides = array<i32>} : memref<2x128x128xf32, #tpu.memory_space<vmem>>, vector<16xf32>,
        %add3A_376 = arith.addf %get3A_370, %get3A_375 : vector<16xf32>
        %swap3A_377 = arith.constant 0 : i32
        %swap3A_378 = arith.index_cast %swap3A_377 : i32 to index
        %swap3A_379 = arith.index_cast %scan3A_303 : i32 to index
        %swap3A_380 = arith.constant 64 : index
        %swap3A_381 = tpu.vector_load %run_scoped3A_4[%swap3A_378, %swap3A_379, %swap3A_380] {strides = array<i32>} : memref<2x128x128xf32, #tpu.memory_space<vmem>>, vector<16xf32>,
        tpu.vector_store %run_scoped3A_4[%swap3A_378, %swap3A_379, %swap3A_380], %add3A_376 {strides = array<i32>} : memref<2x128x128xf32, #tpu.memory_space<vmem>>, vector<16xf32>,
        %get3A_382 = arith.constant 0 : i32
        %get3A_383 = arith.index_cast %get3A_382 : i32 to index
        %get3A_384 = arith.index_cast %scan3A_303 : i32 to index
        %get3A_385 = arith.constant 80 : index
        %get3A_386 = tpu.vector_load %run_scoped3A_4[%get3A_383, %get3A_384, %get3A_385] {strides = array<i32>} : memref<2x128x128xf32, #tpu.memory_space<vmem>>, vector<16xf32>,
        %get3A_387 = arith.constant 0 : i32
        %get3A_388 = arith.index_cast %get3A_387 : i32 to index
        %get3A_389 = arith.index_cast %scan3A_303 : i32 to index
        %get3A_390 = arith.constant 80 : index
        %get3A_391 = tpu.vector_load %run_scoped3A_5[%get3A_388, %get3A_389, %get3A_390] {strides = array<i32>} : memref<2x128x128xf32, #tpu.memory_space<vmem>>, vector<16xf32>,
        %add3A_392 = arith.addf %get3A_386, %get3A_391 : vector<16xf32>
        %swap3A_393 = arith.constant 0 : i32
        %swap3A_394 = arith.index_cast %swap3A_393 : i32 to index
        %swap3A_395 = arith.index_cast %scan3A_303 : i32 to index
        %swap3A_396 = arith.constant 80 : index
        %swap3A_397 = tpu.vector_load %run_scoped3A_4[%swap3A_394, %swap3A_395, %swap3A_396] {strides = array<i32>} : memref<2x128x128xf32, #tpu.memory_space<vmem>>, vector<16xf32>,
        tpu.vector_store %run_scoped3A_4[%swap3A_394, %swap3A_395, %swap3A_396], %add3A_392 {strides = array<i32>} : memref<2x128x128xf32, #tpu.memory_space<vmem>>, vector<16xf32>,
        %get3A_398 = arith.constant 0 : i32
        %get3A_399 = arith.index_cast %get3A_398 : i32 to index
        %get3A_400 = arith.index_cast %scan3A_303 : i32 to index
        %get3A_401 = arith.constant 96 : index
        %get3A_402 = tpu.vector_load %run_scoped3A_4[%get3A_399, %get3A_400, %get3A_401] {strides = array<i32>} : memref<2x128x128xf32, #tpu.memory_space<vmem>>, vector<16xf32>,
        %get3A_403 = arith.constant 0 : i32
        %get3A_404 = arith.index_cast %get3A_403 : i32 to index
        %get3A_405 = arith.index_cast %scan3A_303 : i32 to index
        %get3A_406 = arith.constant 96 : index
        %get3A_407 = tpu.vector_load %run_scoped3A_5[%get3A_404, %get3A_405, %get3A_406] {strides = array<i32>} : memref<2x128x128xf32, #tpu.memory_space<vmem>>, vector<16xf32>,
        %add3A_408 = arith.addf %get3A_402, %get3A_407 : vector<16xf32>
        %swap3A_409 = arith.constant 0 : i32
        %swap3A_410 = arith.index_cast %swap3A_409 : i32 to index
        %swap3A_411 = arith.index_cast %scan3A_303 : i32 to index
        %swap3A_412 = arith.constant 96 : index
        %swap3A_413 = tpu.vector_load %run_scoped3A_4[%swap3A_410, %swap3A_411, %swap3A_412] {strides = array<i32>} : memref<2x128x128xf32, #tpu.memory_space<vmem>>, vector<16xf32>,
        tpu.vector_store %run_scoped3A_4[%swap3A_410, %swap3A_411, %swap3A_412], %add3A_408 {strides = array<i32>} : memref<2x128x128xf32, #tpu.memory_space<vmem>>, vector<16xf32>,
        %get3A_414 = arith.constant 0 : i32
        %get3A_415 = arith.index_cast %get3A_414 : i32 to index
        %get3A_416 = arith.index_cast %scan3A_303 : i32 to index
        %get3A_417 = arith.constant 112 : index
        %get3A_418 = tpu.vector_load %run_scoped3A_4[%get3A_415, %get3A_416, %get3A_417] {strides = array<i32>} : memref<2x128x128xf32, #tpu.memory_space<vmem>>, vector<16xf32>,
        %get3A_419 = arith.constant 0 : i32
        %get3A_420 = arith.index_cast %get3A_419 : i32 to index
        %get3A_421 = arith.index_cast %scan3A_303 : i32 to index
        %get3A_422 = arith.constant 112 : index
        %get3A_423 = tpu.vector_load %run_scoped3A_5[%get3A_420, %get3A_421, %get3A_422] {strides = array<i32>} : memref<2x128x128xf32, #tpu.memory_space<vmem>>, vector<16xf32>,
        %add3A_424 = arith.addf %get3A_418, %get3A_423 : vector<16xf32>
        %swap3A_425 = arith.constant 0 : i32
        %swap3A_426 = arith.index_cast %swap3A_425 : i32 to index
        %swap3A_427 = arith.index_cast %scan3A_303 : i32 to index
        %swap3A_428 = arith.constant 112 : index
        %swap3A_429 = tpu.vector_load %run_scoped3A_4[%swap3A_426, %swap3A_427, %swap3A_428] {strides = array<i32>} : memref<2x128x128xf32, #tpu.memory_space<vmem>>, vector<16xf32>,
        tpu.vector_store %run_scoped3A_4[%swap3A_426, %swap3A_427, %swap3A_428], %add3A_424 {strides = array<i32>} : memref<2x128x128xf32, #tpu.memory_space<vmem>>, vector<16xf32>,
      }
      %scan3A_220 = arith.constant 128 : i32
      %add3A_221 = arith.constant 256 : i32
      %add3A_222 = arith.addi %mul3A_2, %add3A_221 : i32
      %dma_start3A_223 = arith.constant 0 : i32
      %dma_start3A_224 = arith.constant 0 : i32
      %dma_start3A_225 = arith.constant 0 : i32
      %dma_start3A_226 = tpu.memref_slice %run_scoped3A_4[%dma_start3A_223, %dma_start3A_224, %dma_start3A_225] : memref<2x128x128xf32, #tpu.memory_space<vmem>> -> memref<1x128x128xf32, #tpu.memory_space<vmem>>
      %dma_start3A_227 = tpu.memref_squeeze %dma_start3A_226 : memref<1x128x128xf32, #tpu.memory_space<vmem>> -> memref<128x128xf32, #tpu.memory_space<vmem>>
      %dma_start3A_228 = arith.constant 0 : i32
      %dma_start3A_229 = tpu.memref_slice %arg6[%add3A_222, %dma_start3A_228] : memref<16384x128xf32, #tpu.memory_space<hbm>> -> memref<128x128xf32, #tpu.memory_space<hbm>>
      %dma_start3A_230 = arith.constant 0 : i32
      %dma_start3A_231 = tpu.memref_slice %arg6[%add3A_222, %dma_start3A_230] : memref<16384x128xf32, #tpu.memory_space<hbm>> -> memref<128x128xf32, #tpu.memory_space<hbm>>
      %dma_start3A_232 = arith.constant 0 : i32
      %dma_start3A_233 = arith.constant 0 : i32
      %dma_start3A_234 = tpu.memref_slice %run_scoped3A_4[%dma_start3A_223, %dma_start3A_232, %dma_start3A_233] : memref<2x128x128xf32, #tpu.memory_space<vmem>> -> memref<1x128x128xf32, #tpu.memory_space<vmem>>
      %dma_start3A_235 = tpu.memref_squeeze %dma_start3A_234 : memref<1x128x128xf32, #tpu.memory_space<vmem>> -> memref<128x128xf32, #tpu.memory_space<vmem>>
      tpu.enqueue_dma source(%dma_start3A_235 : memref<128x128xf32, #tpu.memory_space<vmem>>) target(%dma_start3A_231 : memref<128x128xf32, #tpu.memory_space<hbm>>) target_semaphore(%run_scoped3A_7 : memref<!tpu.dma_semaphore, #tpu.memory_space<semaphore_mem>>)
      %dma_wait3A_236 = arith.constant 1 : i32
      %dma_wait3A_237 = arith.constant 0 : i32
      %dma_wait3A_238 = arith.constant 0 : i32
      %dma_wait3A_239 = tpu.memref_slice %run_scoped3A_4[%dma_wait3A_236, %dma_wait3A_237, %dma_wait3A_238] : memref<2x128x128xf32, #tpu.memory_space<vmem>> -> memref<1x128x128xf32, #tpu.memory_space<vmem>>
      %dma_wait3A_240 = tpu.memref_squeeze %dma_wait3A_239 : memref<1x128x128xf32, #tpu.memory_space<vmem>> -> memref<128x128xf32, #tpu.memory_space<vmem>>
      %dma_wait3A_241 = arith.constant 384 : i32
      %dma_wait3A_242 = tpu.memref_slice %run_scoped3A[%dma_wait3A_241] : memref<512xi32, #tpu.memory_space<vmem>> -> memref<128xi32, #tpu.memory_space<vmem>>
      %dma_wait3A_243 = arith.constant 0 : i32
      %dma_wait3A_244 = arith.constant 0 : i32
      %dma_wait3A_245 = tpu.memref_slice %arg2[%dma_wait3A_243, %dma_wait3A_244] : memref<100000x128xf32, #tpu.memory_space<hbm>> -> memref<100000x128xf32, #tpu.memory_space<hbm>>
      tpu.wait_indirect_dma semaphore(%run_scoped3A_6 : memref<!tpu.dma_semaphore, #tpu.memory_space<semaphore_mem>>) src(%dma_wait3A_245 : memref<100000x128xf32, #tpu.memory_space<hbm>>) dst(%dma_wait3A_240 : memref<128x128xf32, #tpu.memory_space<vmem>>)
      %dma_wait3A_246 = arith.constant 1 : i32
      %dma_wait3A_247 = arith.constant 0 : i32
      %dma_wait3A_248 = arith.constant 0 : i32
      %dma_wait3A_249 = tpu.memref_slice %run_scoped3A_5[%dma_wait3A_246, %dma_wait3A_247, %dma_wait3A_248] : memref<2x128x128xf32, #tpu.memory_space<vmem>> -> memref<1x128x128xf32, #tpu.memory_space<vmem>>
      %dma_wait3A_250 = tpu.memref_squeeze %dma_wait3A_249 : memref<1x128x128xf32, #tpu.memory_space<vmem>> -> memref<128x128xf32, #tpu.memory_space<vmem>>
      %dma_wait3A_251 = arith.constant 384 : i32
      %dma_wait3A_252 = tpu.memref_slice %run_scoped3A_3[%dma_wait3A_251] : memref<512xi32, #tpu.memory_space<vmem>> -> memref<128xi32, #tpu.memory_space<vmem>>
      %dma_wait3A_253 = arith.constant 0 : i32
      %dma_wait3A_254 = arith.constant 0 : i32
      %dma_wait3A_255 = tpu.memref_slice %arg3[%dma_wait3A_253, %dma_wait3A_254] : memref<100000x128xf32, #tpu.memory_space<hbm>> -> memref<100000x128xf32, #tpu.memory_space<hbm>>
      tpu.wait_indirect_dma semaphore(%run_scoped3A_6 : memref<!tpu.dma_semaphore, #tpu.memory_space<semaphore_mem>>) src(%dma_wait3A_255 : memref<100000x128xf32, #tpu.memory_space<hbm>>) dst(%dma_wait3A_250 : memref<128x128xf32, #tpu.memory_space<vmem>>)
      %scan3A_256 = arith.constant 0 : i32
      %scan3A_257 = arith.constant 0 : i32
      %scan3A_258 = arith.constant 128 : i32
      %scan3A_259 = arith.addi %scan3A_257, %scan3A_258 : i32
      %scan3A_260 = arith.constant 1 : i32
      scf.for %scan3A_303 = %scan3A_257 to %scan3A_259 step %scan3A_260  : i32 {
        %get3A = arith.constant 1 : i32
        %get3A_304 = arith.index_cast %get3A : i32 to index
        %get3A_305 = arith.index_cast %scan3A_303 : i32 to index
        %get3A_306 = arith.constant 0 : index
        %get3A_307 = tpu.vector_load %run_scoped3A_4[%get3A_304, %get3A_305, %get3A_306] {strides = array<i32>} : memref<2x128x128xf32, #tpu.memory_space<vmem>>, vector<16xf32>,
        %get3A_308 = arith.constant 1 : i32
        %get3A_309 = arith.index_cast %get3A_308 : i32 to index
        %get3A_310 = arith.index_cast %scan3A_303 : i32 to index
        %get3A_311 = arith.constant 0 : index
        %get3A_312 = tpu.vector_load %run_scoped3A_5[%get3A_309, %get3A_310, %get3A_311] {strides = array<i32>} : memref<2x128x128xf32, #tpu.memory_space<vmem>>, vector<16xf32>,
        %add3A_313 = arith.addf %get3A_307, %get3A_312 : vector<16xf32>
        %swap3A = arith.constant 1 : i32
        %swap3A_314 = arith.index_cast %swap3A : i32 to index
        %swap3A_315 = arith.index_cast %scan3A_303 : i32 to index
        %swap3A_316 = arith.constant 0 : index
        %swap3A_317 = tpu.vector_load %run_scoped3A_4[%swap3A_314, %swap3A_315, %swap3A_316] {strides = array<i32>} : memref<2x128x128xf32, #tpu.memory_space<vmem>>, vector<16xf32>,
        tpu.vector_store %run_scoped3A_4[%swap3A_314, %swap3A_315, %swap3A_316], %add3A_313 {strides = array<i32>} : memref<2x128x128xf32, #tpu.memory_space<vmem>>, vector<16xf32>,
        %get3A_318 = arith.constant 1 : i32
        %get3A_319 = arith.index_cast %get3A_318 : i32 to index
        %get3A_320 = arith.index_cast %scan3A_303 : i32 to index
        %get3A_321 = arith.constant 16 : index
        %get3A_322 = tpu.vector_load %run_scoped3A_4[%get3A_319, %get3A_320, %get3A_321] {strides = array<i32>} : memref<2x128x128xf32, #tpu.memory_space<vmem>>, vector<16xf32>,
        %get3A_323 = arith.constant 1 : i32
        %get3A_324 = arith.index_cast %get3A_323 : i32 to index
        %get3A_325 = arith.index_cast %scan3A_303 : i32 to index
        %get3A_326 = arith.constant 16 : index
        %get3A_327 = tpu.vector_load %run_scoped3A_5[%get3A_324, %get3A_325, %get3A_326] {strides = array<i32>} : memref<2x128x128xf32, #tpu.memory_space<vmem>>, vector<16xf32>,
        %add3A_328 = arith.addf %get3A_322, %get3A_327 : vector<16xf32>
        %swap3A_329 = arith.constant 1 : i32
        %swap3A_330 = arith.index_cast %swap3A_329 : i32 to index
        %swap3A_331 = arith.index_cast %scan3A_303 : i32 to index
        %swap3A_332 = arith.constant 16 : index
        %swap3A_333 = tpu.vector_load %run_scoped3A_4[%swap3A_330, %swap3A_331, %swap3A_332] {strides = array<i32>} : memref<2x128x128xf32, #tpu.memory_space<vmem>>, vector<16xf32>,
        tpu.vector_store %run_scoped3A_4[%swap3A_330, %swap3A_331, %swap3A_332], %add3A_328 {strides = array<i32>} : memref<2x128x128xf32, #tpu.memory_space<vmem>>, vector<16xf32>,
        %get3A_334 = arith.constant 1 : i32
        %get3A_335 = arith.index_cast %get3A_334 : i32 to index
        %get3A_336 = arith.index_cast %scan3A_303 : i32 to index
        %get3A_337 = arith.constant 32 : index
        %get3A_338 = tpu.vector_load %run_scoped3A_4[%get3A_335, %get3A_336, %get3A_337] {strides = array<i32>} : memref<2x128x128xf32, #tpu.memory_space<vmem>>, vector<16xf32>,
        %get3A_339 = arith.constant 1 : i32
        %get3A_340 = arith.index_cast %get3A_339 : i32 to index
        %get3A_341 = arith.index_cast %scan3A_303 : i32 to index
        %get3A_342 = arith.constant 32 : index
        %get3A_343 = tpu.vector_load %run_scoped3A_5[%get3A_340, %get3A_341, %get3A_342] {strides = array<i32>} : memref<2x128x128xf32, #tpu.memory_space<vmem>>, vector<16xf32>,
        %add3A_344 = arith.addf %get3A_338, %get3A_343 : vector<16xf32>
        %swap3A_345 = arith.constant 1 : i32
        %swap3A_346 = arith.index_cast %swap3A_345 : i32 to index
        %swap3A_347 = arith.index_cast %scan3A_303 : i32 to index
        %swap3A_348 = arith.constant 32 : index
        %swap3A_349 = tpu.vector_load %run_scoped3A_4[%swap3A_346, %swap3A_347, %swap3A_348] {strides = array<i32>} : memref<2x128x128xf32, #tpu.memory_space<vmem>>, vector<16xf32>,
        tpu.vector_store %run_scoped3A_4[%swap3A_346, %swap3A_347, %swap3A_348], %add3A_344 {strides = array<i32>} : memref<2x128x128xf32, #tpu.memory_space<vmem>>, vector<16xf32>,
        %get3A_350 = arith.constant 1 : i32
        %get3A_351 = arith.index_cast %get3A_350 : i32 to index
        %get3A_352 = arith.index_cast %scan3A_303 : i32 to index
        %get3A_353 = arith.constant 48 : index
        %get3A_354 = tpu.vector_load %run_scoped3A_4[%get3A_351, %get3A_352, %get3A_353] {strides = array<i32>} : memref<2x128x128xf32, #tpu.memory_space<vmem>>, vector<16xf32>,
        %get3A_355 = arith.constant 1 : i32
        %get3A_356 = arith.index_cast %get3A_355 : i32 to index
        %get3A_357 = arith.index_cast %scan3A_303 : i32 to index
        %get3A_358 = arith.constant 48 : index
        %get3A_359 = tpu.vector_load %run_scoped3A_5[%get3A_356, %get3A_357, %get3A_358] {strides = array<i32>} : memref<2x128x128xf32, #tpu.memory_space<vmem>>, vector<16xf32>,
        %add3A_360 = arith.addf %get3A_354, %get3A_359 : vector<16xf32>
        %swap3A_361 = arith.constant 1 : i32
        %swap3A_362 = arith.index_cast %swap3A_361 : i32 to index
        %swap3A_363 = arith.index_cast %scan3A_303 : i32 to index
        %swap3A_364 = arith.constant 48 : index
        %swap3A_365 = tpu.vector_load %run_scoped3A_4[%swap3A_362, %swap3A_363, %swap3A_364] {strides = array<i32>} : memref<2x128x128xf32, #tpu.memory_space<vmem>>, vector<16xf32>,
        tpu.vector_store %run_scoped3A_4[%swap3A_362, %swap3A_363, %swap3A_364], %add3A_360 {strides = array<i32>} : memref<2x128x128xf32, #tpu.memory_space<vmem>>, vector<16xf32>,
        %get3A_366 = arith.constant 1 : i32
        %get3A_367 = arith.index_cast %get3A_366 : i32 to index
        %get3A_368 = arith.index_cast %scan3A_303 : i32 to index
        %get3A_369 = arith.constant 64 : index
        %get3A_370 = tpu.vector_load %run_scoped3A_4[%get3A_367, %get3A_368, %get3A_369] {strides = array<i32>} : memref<2x128x128xf32, #tpu.memory_space<vmem>>, vector<16xf32>,
        %get3A_371 = arith.constant 1 : i32
        %get3A_372 = arith.index_cast %get3A_371 : i32 to index
        %get3A_373 = arith.index_cast %scan3A_303 : i32 to index
        %get3A_374 = arith.constant 64 : index
        %get3A_375 = tpu.vector_load %run_scoped3A_5[%get3A_372, %get3A_373, %get3A_374] {strides = array<i32>} : memref<2x128x128xf32, #tpu.memory_space<vmem>>, vector<16xf32>,
        %add3A_376 = arith.addf %get3A_370, %get3A_375 : vector<16xf32>
        %swap3A_377 = arith.constant 1 : i32
        %swap3A_378 = arith.index_cast %swap3A_377 : i32 to index
        %swap3A_379 = arith.index_cast %scan3A_303 : i32 to index
        %swap3A_380 = arith.constant 64 : index
        %swap3A_381 = tpu.vector_load %run_scoped3A_4[%swap3A_378, %swap3A_379, %swap3A_380] {strides = array<i32>} : memref<2x128x128xf32, #tpu.memory_space<vmem>>, vector<16xf32>,
        tpu.vector_store %run_scoped3A_4[%swap3A_378, %swap3A_379, %swap3A_380], %add3A_376 {strides = array<i32>} : memref<2x128x128xf32, #tpu.memory_space<vmem>>, vector<16xf32>,
        %get3A_382 = arith.constant 1 : i32
        %get3A_383 = arith.index_cast %get3A_382 : i32 to index
        %get3A_384 = arith.index_cast %scan3A_303 : i32 to index
        %get3A_385 = arith.constant 80 : index
        %get3A_386 = tpu.vector_load %run_scoped3A_4[%get3A_383, %get3A_384, %get3A_385] {strides = array<i32>} : memref<2x128x128xf32, #tpu.memory_space<vmem>>, vector<16xf32>,
        %get3A_387 = arith.constant 1 : i32
        %get3A_388 = arith.index_cast %get3A_387 : i32 to index
        %get3A_389 = arith.index_cast %scan3A_303 : i32 to index
        %get3A_390 = arith.constant 80 : index
        %get3A_391 = tpu.vector_load %run_scoped3A_5[%get3A_388, %get3A_389, %get3A_390] {strides = array<i32>} : memref<2x128x128xf32, #tpu.memory_space<vmem>>, vector<16xf32>,
        %add3A_392 = arith.addf %get3A_386, %get3A_391 : vector<16xf32>
        %swap3A_393 = arith.constant 1 : i32
        %swap3A_394 = arith.index_cast %swap3A_393 : i32 to index
        %swap3A_395 = arith.index_cast %scan3A_303 : i32 to index
        %swap3A_396 = arith.constant 80 : index
        %swap3A_397 = tpu.vector_load %run_scoped3A_4[%swap3A_394, %swap3A_395, %swap3A_396] {strides = array<i32>} : memref<2x128x128xf32, #tpu.memory_space<vmem>>, vector<16xf32>,
        tpu.vector_store %run_scoped3A_4[%swap3A_394, %swap3A_395, %swap3A_396], %add3A_392 {strides = array<i32>} : memref<2x128x128xf32, #tpu.memory_space<vmem>>, vector<16xf32>,
        %get3A_398 = arith.constant 1 : i32
        %get3A_399 = arith.index_cast %get3A_398 : i32 to index
        %get3A_400 = arith.index_cast %scan3A_303 : i32 to index
        %get3A_401 = arith.constant 96 : index
        %get3A_402 = tpu.vector_load %run_scoped3A_4[%get3A_399, %get3A_400, %get3A_401] {strides = array<i32>} : memref<2x128x128xf32, #tpu.memory_space<vmem>>, vector<16xf32>,
        %get3A_403 = arith.constant 1 : i32
        %get3A_404 = arith.index_cast %get3A_403 : i32 to index
        %get3A_405 = arith.index_cast %scan3A_303 : i32 to index
        %get3A_406 = arith.constant 96 : index
        %get3A_407 = tpu.vector_load %run_scoped3A_5[%get3A_404, %get3A_405, %get3A_406] {strides = array<i32>} : memref<2x128x128xf32, #tpu.memory_space<vmem>>, vector<16xf32>,
        %add3A_408 = arith.addf %get3A_402, %get3A_407 : vector<16xf32>
        %swap3A_409 = arith.constant 1 : i32
        %swap3A_410 = arith.index_cast %swap3A_409 : i32 to index
        %swap3A_411 = arith.index_cast %scan3A_303 : i32 to index
        %swap3A_412 = arith.constant 96 : index
        %swap3A_413 = tpu.vector_load %run_scoped3A_4[%swap3A_410, %swap3A_411, %swap3A_412] {strides = array<i32>} : memref<2x128x128xf32, #tpu.memory_space<vmem>>, vector<16xf32>,
        tpu.vector_store %run_scoped3A_4[%swap3A_410, %swap3A_411, %swap3A_412], %add3A_408 {strides = array<i32>} : memref<2x128x128xf32, #tpu.memory_space<vmem>>, vector<16xf32>,
        %get3A_414 = arith.constant 1 : i32
        %get3A_415 = arith.index_cast %get3A_414 : i32 to index
        %get3A_416 = arith.index_cast %scan3A_303 : i32 to index
        %get3A_417 = arith.constant 112 : index
        %get3A_418 = tpu.vector_load %run_scoped3A_4[%get3A_415, %get3A_416, %get3A_417] {strides = array<i32>} : memref<2x128x128xf32, #tpu.memory_space<vmem>>, vector<16xf32>,
        %get3A_419 = arith.constant 1 : i32
        %get3A_420 = arith.index_cast %get3A_419 : i32 to index
        %get3A_421 = arith.index_cast %scan3A_303 : i32 to index
        %get3A_422 = arith.constant 112 : index
        %get3A_423 = tpu.vector_load %run_scoped3A_5[%get3A_420, %get3A_421, %get3A_422] {strides = array<i32>} : memref<2x128x128xf32, #tpu.memory_space<vmem>>, vector<16xf32>,
        %add3A_424 = arith.addf %get3A_418, %get3A_423 : vector<16xf32>
        %swap3A_425 = arith.constant 1 : i32
        %swap3A_426 = arith.index_cast %swap3A_425 : i32 to index
        %swap3A_427 = arith.index_cast %scan3A_303 : i32 to index
        %swap3A_428 = arith.constant 112 : index
        %swap3A_429 = tpu.vector_load %run_scoped3A_4[%swap3A_426, %swap3A_427, %swap3A_428] {strides = array<i32>} : memref<2x128x128xf32, #tpu.memory_space<vmem>>, vector<16xf32>,
        tpu.vector_store %run_scoped3A_4[%swap3A_426, %swap3A_427, %swap3A_428], %add3A_424 {strides = array<i32>} : memref<2x128x128xf32, #tpu.memory_space<vmem>>, vector<16xf32>,
      }
      %scan3A_261 = arith.constant 128 : i32
      %add3A_262 = arith.constant 384 : i32
      %add3A_263 = arith.addi %mul3A_2, %add3A_262 : i32
      %dma_start3A_264 = arith.constant 1 : i32
      %dma_start3A_265 = arith.constant 0 : i32
      %dma_start3A_266 = arith.constant 0 : i32
      %dma_start3A_267 = tpu.memref_slice %run_scoped3A_4[%dma_start3A_264, %dma_start3A_265, %dma_start3A_266] : memref<2x128x128xf32, #tpu.memory_space<vmem>> -> memref<1x128x128xf32, #tpu.memory_space<vmem>>
      %dma_start3A_268 = tpu.memref_squeeze %dma_start3A_267 : memref<1x128x128xf32, #tpu.memory_space<vmem>> -> memref<128x128xf32, #tpu.memory_space<vmem>>
      %dma_start3A_269 = arith.constant 0 : i32
      %dma_start3A_270 = tpu.memref_slice %arg6[%add3A_263, %dma_start3A_269] : memref<16384x128xf32, #tpu.memory_space<hbm>> -> memref<128x128xf32, #tpu.memory_space<hbm>>
      %dma_start3A_271 = arith.constant 0 : i32
      %dma_start3A_272 = tpu.memref_slice %arg6[%add3A_263, %dma_start3A_271] : memref<16384x128xf32, #tpu.memory_space<hbm>> -> memref<128x128xf32, #tpu.memory_space<hbm>>
      %dma_start3A_273 = arith.constant 0 : i32
      %dma_start3A_274 = arith.constant 0 : i32
      %dma_start3A_275 = tpu.memref_slice %run_scoped3A_4[%dma_start3A_264, %dma_start3A_273, %dma_start3A_274] : memref<2x128x128xf32, #tpu.memory_space<vmem>> -> memref<1x128x128xf32, #tpu.memory_space<vmem>>
      %dma_start3A_276 = tpu.memref_squeeze %dma_start3A_275 : memref<1x128x128xf32, #tpu.memory_space<vmem>> -> memref<128x128xf32, #tpu.memory_space<vmem>>
      tpu.enqueue_dma source(%dma_start3A_276 : memref<128x128xf32, #tpu.memory_space<vmem>>) target(%dma_start3A_272 : memref<128x128xf32, #tpu.memory_space<hbm>>) target_semaphore(%run_scoped3A_7 : memref<!tpu.dma_semaphore, #tpu.memory_space<semaphore_mem>>)
      %dma_wait3A_277 = arith.constant 0 : i32
      %dma_wait3A_278 = arith.constant 0 : i32
      %dma_wait3A_279 = arith.constant 0 : i32
      %dma_wait3A_280 = tpu.memref_slice %run_scoped3A_4[%dma_wait3A_277, %dma_wait3A_278, %dma_wait3A_279] : memref<2x128x128xf32, #tpu.memory_space<vmem>> -> memref<1x128x128xf32, #tpu.memory_space<vmem>>
      %dma_wait3A_281 = tpu.memref_squeeze %dma_wait3A_280 : memref<1x128x128xf32, #tpu.memory_space<vmem>> -> memref<128x128xf32, #tpu.memory_space<vmem>>
      %dma_wait3A_282 = arith.constant 0 : i32
      %dma_wait3A_283 = tpu.memref_slice %arg6[%add3A_222, %dma_wait3A_282] : memref<16384x128xf32, #tpu.memory_space<hbm>> -> memref<128x128xf32, #tpu.memory_space<hbm>>
      %dma_wait3A_284 = arith.constant 0 : i32
      %dma_wait3A_285 = tpu.memref_slice %arg6[%add3A_222, %dma_wait3A_284] : memref<16384x128xf32, #tpu.memory_space<hbm>> -> memref<128x128xf32, #tpu.memory_space<hbm>>
      %dma_wait3A_286 = arith.constant 0 : i32
      %dma_wait3A_287 = arith.constant 0 : i32
      %dma_wait3A_288 = tpu.memref_slice %run_scoped3A_4[%dma_wait3A_277, %dma_wait3A_286, %dma_wait3A_287] : memref<2x128x128xf32, #tpu.memory_space<vmem>> -> memref<1x128x128xf32, #tpu.memory_space<vmem>>
      %dma_wait3A_289 = tpu.memref_squeeze %dma_wait3A_288 : memref<1x128x128xf32, #tpu.memory_space<vmem>> -> memref<128x128xf32, #tpu.memory_space<vmem>>
      tpu.wait_dma2 semaphore(%run_scoped3A_7 : memref<!tpu.dma_semaphore, #tpu.memory_space<semaphore_mem>>) src(%dma_wait3A_289 : memref<128x128xf32, #tpu.memory_space<vmem>>) dst(%dma_wait3A_285 : memref<128x128xf32, #tpu.memory_space<hbm>>)
      %dma_wait3A_290 = arith.constant 1 : i32
      %dma_wait3A_291 = arith.constant 0 : i32
      %dma_wait3A_292 = arith.constant 0 : i32
      %dma_wait3A_293 = tpu.memref_slice %run_scoped3A_4[%dma_wait3A_290, %dma_wait3A_291, %dma_wait3A_292] : memref<2x128x128xf32, #tpu.memory_space<vmem>> -> memref<1x128x128xf32, #tpu.memory_space<vmem>>
      %dma_wait3A_294 = tpu.memref_squeeze %dma_wait3A_293 : memref<1x128x128xf32, #tpu.memory_space<vmem>> -> memref<128x128xf32, #tpu.memory_space<vmem>>
      %dma_wait3A_295 = arith.constant 0 : i32
      %dma_wait3A_296 = tpu.memref_slice %arg6[%add3A_263, %dma_wait3A_295] : memref<16384x128xf32, #tpu.memory_space<hbm>> -> memref<128x128xf32, #tpu.memory_space<hbm>>
      %dma_wait3A_297 = arith.constant 0 : i32
      %dma_wait3A_298 = tpu.memref_slice %arg6[%add3A_263, %dma_wait3A_297] : memref<16384x128xf32, #tpu.memory_space<hbm>> -> memref<128x128xf32, #tpu.memory_space<hbm>>
      %dma_wait3A_299 = arith.constant 0 : i32
      %dma_wait3A_300 = arith.constant 0 : i32
      %dma_wait3A_301 = tpu.memref_slice %run_scoped3A_4[%dma_wait3A_290, %dma_wait3A_299, %dma_wait3A_300] : memref<2x128x128xf32, #tpu.memory_space<vmem>> -> memref<1x128x128xf32, #tpu.memory_space<vmem>>
      %dma_wait3A_302 = tpu.memref_squeeze %dma_wait3A_301 : memref<1x128x128xf32, #tpu.memory_space<vmem>> -> memref<128x128xf32, #tpu.memory_space<vmem>>
      tpu.wait_dma2 semaphore(%run_scoped3A_7 : memref<!tpu.dma_semaphore, #tpu.memory_space<semaphore_mem>>) src(%dma_wait3A_302 : memref<128x128xf32, #tpu.memory_space<vmem>>) dst(%dma_wait3A_298 : memref<128x128xf32, #tpu.memory_space<hbm>>)
      tpu.yield
    }) : () -> ()
    "tpu.region"() ({
      %run_scoped3A = memref.alloca() : memref<100000xf32, #tpu.memory_space<vmem>>
      %run_scoped3A_3 = memref.alloca() : memref<16384xi32, #tpu.memory_space<vmem>>
      %run_scoped3A_4 = memref.alloca() : memref<2x4096xf32, #tpu.memory_space<vmem>>
      %run_scoped3A_5 = tpu.sem_alloc : memref<!tpu.dma_semaphore, #tpu.memory_space<semaphore_mem>>
      %run_scoped3A_6 = tpu.sem_alloc : memref<!tpu.dma_semaphore, #tpu.memory_space<semaphore_mem>>
      %lt3A = arith.constant 16 : i32
      %lt3A_7 = arith.cmpi slt, %add3A, %lt3A : i32
      %select_n3A = arith.constant 12 : i32
      %select_n3A_8 = arith.constant 13 : i32
      %select_n3A_9 = arith.select %lt3A_7, %select_n3A_8, %select_n3A : i32
      %lt3A_10 = arith.constant 16 : i32
      %lt3A_11 = arith.cmpi slt, %add3A, %lt3A_10 : i32
      %mul3A_12 = arith.constant 13 : i32
      %mul3A_13 = arith.muli %mul3A_12, %add3A : i32
      %mul3A_14 = arith.constant 12 : i32
      %mul3A_15 = arith.muli %mul3A_14, %add3A : i32
      %add3A_16 = arith.constant 16 : i32
      %add3A_17 = arith.addi %add3A_16, %mul3A_15 : i32
      %select_n3A_18 = arith.select %lt3A_11, %mul3A_13, %add3A_17 : i32
      %run_scoped3A_19 = arith.constant 1 : i32
      "tpu.region"() ({
        %run_scoped3A_61 = tpu.sem_alloc : memref<!tpu.dma_semaphore, #tpu.memory_space<semaphore_mem>>
        %dma_start3A_62 = arith.constant 0 : i32
        %dma_start3A_63 = tpu.memref_slice %arg5[%run_scoped3A_19, %dma_start3A_62] : memref<2x16384xi32, #tpu.memory_space<hbm>> -> memref<1x16384xi32, #tpu.memory_space<hbm>>
        %dma_start3A_64 = tpu.memref_squeeze %dma_start3A_63 : memref<1x16384xi32, #tpu.memory_space<hbm>> -> memref<16384xi32, #tpu.memory_space<hbm>>
        %dma_start3A_65 = arith.constant 0 : i32
        %dma_start3A_66 = tpu.memref_slice %arg5[%run_scoped3A_19, %dma_start3A_65] : memref<2x16384xi32, #tpu.memory_space<hbm>> -> memref<1x16384xi32, #tpu.memory_space<hbm>>
        %dma_start3A_67 = tpu.memref_squeeze %dma_start3A_66 : memref<1x16384xi32, #tpu.memory_space<hbm>> -> memref<16384xi32, #tpu.memory_space<hbm>>
        tpu.enqueue_dma source(%dma_start3A_67 : memref<16384xi32, #tpu.memory_space<hbm>>) target(%run_scoped3A_3 : memref<16384xi32, #tpu.memory_space<vmem>>) target_semaphore(%run_scoped3A_61 : memref<!tpu.dma_semaphore, #tpu.memory_space<semaphore_mem>>)
        %dma_wait3A_68 = arith.constant 0 : i32
        %dma_wait3A_69 = tpu.memref_slice %arg5[%run_scoped3A_19, %dma_wait3A_68] : memref<2x16384xi32, #tpu.memory_space<hbm>> -> memref<1x16384xi32, #tpu.memory_space<hbm>>
        %dma_wait3A_70 = tpu.memref_squeeze %dma_wait3A_69 : memref<1x16384xi32, #tpu.memory_space<hbm>> -> memref<16384xi32, #tpu.memory_space<hbm>>
        %dma_wait3A_71 = arith.constant 0 : i32
        %dma_wait3A_72 = tpu.memref_slice %arg5[%run_scoped3A_19, %dma_wait3A_71] : memref<2x16384xi32, #tpu.memory_space<hbm>> -> memref<1x16384xi32, #tpu.memory_space<hbm>>
        %dma_wait3A_73 = tpu.memref_squeeze %dma_wait3A_72 : memref<1x16384xi32, #tpu.memory_space<hbm>> -> memref<16384xi32, #tpu.memory_space<hbm>>
        tpu.wait_dma2 semaphore(%run_scoped3A_61 : memref<!tpu.dma_semaphore, #tpu.memory_space<semaphore_mem>>) src(%dma_wait3A_73 : memref<16384xi32, #tpu.memory_space<hbm>>) dst(%run_scoped3A_3 : memref<16384xi32, #tpu.memory_space<vmem>>)
        tpu.yield
      }) : () -> ()
      %dma_start3A = arith.constant 0 : i32
      %dma_start3A_20 = tpu.memref_slice %arg4[%select_n3A_18, %dma_start3A] : memref<400x100000xf32, #tpu.memory_space<hbm>> -> memref<1x100000xf32, #tpu.memory_space<hbm>>
      %dma_start3A_21 = tpu.memref_squeeze %dma_start3A_20 : memref<1x100000xf32, #tpu.memory_space<hbm>> -> memref<100000xf32, #tpu.memory_space<hbm>>
      %dma_start3A_22 = arith.constant 0 : i32
      %dma_start3A_23 = tpu.memref_slice %arg4[%select_n3A_18, %dma_start3A_22] : memref<400x100000xf32, #tpu.memory_space<hbm>> -> memref<1x100000xf32, #tpu.memory_space<hbm>>
      %dma_start3A_24 = tpu.memref_squeeze %dma_start3A_23 : memref<1x100000xf32, #tpu.memory_space<hbm>> -> memref<100000xf32, #tpu.memory_space<hbm>>
      tpu.enqueue_dma source(%dma_start3A_24 : memref<100000xf32, #tpu.memory_space<hbm>>) target(%run_scoped3A : memref<100000xf32, #tpu.memory_space<vmem>>) target_semaphore(%run_scoped3A_5 : memref<!tpu.dma_semaphore, #tpu.memory_space<semaphore_mem>>)
      %while3A = arith.constant 0 : i32
      %while3A_25 = arith.constant 0 : i32
      %while3A_26 = arith.subi %select_n3A_9, %while3A_25 : i32
      %while3A_27 = arith.addi %while3A_25, %while3A_26 : i32
      %while3A_28 = arith.constant 1 : i32
      %while3A_29 = arith.divsi %while3A_26, %while3A_28 : i32
      %while3A_30 = arith.muli %while3A_29, %while3A_28 : i32
      %while3A_31 = arith.addi %while3A_25, %while3A_30 : i32
      %while3A_32 = arith.constant 1 : i32
      scf.for %while3A_61 = %while3A_25 to %while3A_31 step %while3A_32  : i32 {
        %add3A_62 = arith.addi %select_n3A_18, %while3A_61 : i32
        %dma_wait3A_63 = arith.constant 0 : i32
        %dma_wait3A_64 = tpu.memref_slice %arg4[%add3A_62, %dma_wait3A_63] : memref<400x100000xf32, #tpu.memory_space<hbm>> -> memref<1x100000xf32, #tpu.memory_space<hbm>>
        %dma_wait3A_65 = tpu.memref_squeeze %dma_wait3A_64 : memref<1x100000xf32, #tpu.memory_space<hbm>> -> memref<100000xf32, #tpu.memory_space<hbm>>
        %dma_wait3A_66 = arith.constant 0 : i32
        %dma_wait3A_67 = tpu.memref_slice %arg4[%add3A_62, %dma_wait3A_66] : memref<400x100000xf32, #tpu.memory_space<hbm>> -> memref<1x100000xf32, #tpu.memory_space<hbm>>
        %dma_wait3A_68 = tpu.memref_squeeze %dma_wait3A_67 : memref<1x100000xf32, #tpu.memory_space<hbm>> -> memref<100000xf32, #tpu.memory_space<hbm>>
        tpu.wait_dma2 semaphore(%run_scoped3A_5 : memref<!tpu.dma_semaphore, #tpu.memory_space<semaphore_mem>>) src(%dma_wait3A_68 : memref<100000xf32, #tpu.memory_space<hbm>>) dst(%run_scoped3A : memref<100000xf32, #tpu.memory_space<vmem>>)
        %mul3A_69 = arith.constant 4 : i32
        %mul3A_70 = arith.muli %while3A_61, %mul3A_69 : i32
        %add3A_71 = arith.constant 0 : i32
        %add3A_72 = arith.addi %mul3A_70, %add3A_71 : i32
        %gt3A = arith.constant 1 : i32
        %gt3A_73 = arith.cmpi sgt, %add3A_72, %gt3A : i32
        %convert_element_type3A = arith.extui %gt3A_73 : i1 to i32
        %cond3A = arith.constant 0 : i32
        %cond3A_74 = arith.cmpi ne, %convert_element_type3A, %cond3A : i32
        scf.if %cond3A_74 {
          %dma_wait3A_183 = arith.constant 0 : i32
          %dma_wait3A_184 = arith.constant 0 : i32
          %dma_wait3A_185 = tpu.memref_slice %run_scoped3A_4[%dma_wait3A_183, %dma_wait3A_184] : memref<2x4096xf32, #tpu.memory_space<vmem>> -> memref<1x4096xf32, #tpu.memory_space<vmem>>
          %dma_wait3A_186 = tpu.memref_squeeze %dma_wait3A_185 : memref<1x4096xf32, #tpu.memory_space<vmem>> -> memref<4096xf32, #tpu.memory_space<vmem>>
          %dma_wait3A_187 = arith.constant 0 : i32
          %dma_wait3A_188 = tpu.memref_slice %arg7[%add3A_62, %dma_wait3A_187] : memref<400x16384xf32, #tpu.memory_space<hbm>> -> memref<1x4096xf32, #tpu.memory_space<hbm>>
          %dma_wait3A_189 = tpu.memref_squeeze %dma_wait3A_188 : memref<1x4096xf32, #tpu.memory_space<hbm>> -> memref<4096xf32, #tpu.memory_space<hbm>>
          %dma_wait3A_190 = arith.constant 0 : i32
          %dma_wait3A_191 = tpu.memref_slice %arg7[%add3A_62, %dma_wait3A_190] : memref<400x16384xf32, #tpu.memory_space<hbm>> -> memref<1x4096xf32, #tpu.memory_space<hbm>>
          %dma_wait3A_192 = tpu.memref_squeeze %dma_wait3A_191 : memref<1x4096xf32, #tpu.memory_space<hbm>> -> memref<4096xf32, #tpu.memory_space<hbm>>
          %dma_wait3A_193 = arith.constant 0 : i32
          %dma_wait3A_194 = tpu.memref_slice %run_scoped3A_4[%dma_wait3A_183, %dma_wait3A_193] : memref<2x4096xf32, #tpu.memory_space<vmem>> -> memref<1x4096xf32, #tpu.memory_space<vmem>>
          %dma_wait3A_195 = tpu.memref_squeeze %dma_wait3A_194 : memref<1x4096xf32, #tpu.memory_space<vmem>> -> memref<4096xf32, #tpu.memory_space<vmem>>
          tpu.wait_dma2 semaphore(%run_scoped3A_6 : memref<!tpu.dma_semaphore, #tpu.memory_space<semaphore_mem>>) src(%dma_wait3A_195 : memref<4096xf32, #tpu.memory_space<vmem>>) dst(%dma_wait3A_192 : memref<4096xf32, #tpu.memory_space<hbm>>)
        } else {
        }
        %scan3A = arith.constant 0 : i32
        %scan3A_75 = arith.constant 0 : i32
        %scan3A_76 = arith.constant 16 : i32
        %scan3A_77 = arith.addi %scan3A_75, %scan3A_76 : i32
        %scan3A_78 = arith.constant 1 : i32
        scf.for %scan3A_183 = %scan3A_75 to %scan3A_77 step %scan3A_78  : i32 {
          %mul3A_184 = arith.constant 16 : i32
          %mul3A_185 = arith.muli %scan3A_183, %mul3A_184 : i32
          %add3A_186 = arith.constant 0 : i32
          %add3A_187 = arith.addi %mul3A_185, %add3A_186 : i32
          %mul3A_188 = arith.constant 16 : i32
          %mul3A_189 = arith.muli %add3A_187, %mul3A_188 : i32
          %add3A_190 = arith.constant 0 : i32
          %add3A_191 = arith.addi %add3A_190, %mul3A_189 : i32
          %mul3A_192 = arith.constant 16 : i32
          %mul3A_193 = arith.muli %scan3A_183, %mul3A_192 : i32
          %add3A_194 = arith.constant 0 : i32
          %add3A_195 = arith.addi %mul3A_193, %add3A_194 : i32
          %mul3A_196 = arith.constant 16 : i32
          %mul3A_197 = arith.muli %add3A_195, %mul3A_196 : i32
          %get3A = arith.index_cast %add3A_191 : i32 to index
          %get3A_198 = tpu.vector_load %run_scoped3A_3[%get3A] {strides = array<i32>} : memref<16384xi32, #tpu.memory_space<vmem>>, vector<16xi32>,
          %gather3A = tpu.vector_load_idx %run_scoped3A[%get3A_198] : memref<100000xf32, #tpu.memory_space<vmem>>[vector<16xi32>], vector<16xf32>,
          %swap3A = arith.constant 0 : i32
          %swap3A_199 = arith.index_cast %swap3A : i32 to index
          %swap3A_200 = arith.index_cast %mul3A_197 : i32 to index
          %swap3A_201 = tpu.vector_load %run_scoped3A_4[%swap3A_199, %swap3A_200] {strides = array<i32>} : memref<2x4096xf32, #tpu.memory_space<vmem>>, vector<16xf32>,
          tpu.vector_store %run_scoped3A_4[%swap3A_199, %swap3A_200], %gather3A {strides = array<i32>} : memref<2x4096xf32, #tpu.memory_space<vmem>>, vector<16xf32>,
          %mul3A_202 = arith.constant 16 : i32
          %mul3A_203 = arith.muli %scan3A_183, %mul3A_202 : i32
          %add3A_204 = arith.constant 1 : i32
          %add3A_205 = arith.addi %mul3A_203, %add3A_204 : i32
          %mul3A_206 = arith.constant 16 : i32
          %mul3A_207 = arith.muli %add3A_205, %mul3A_206 : i32
          %add3A_208 = arith.constant 0 : i32
          %add3A_209 = arith.addi %add3A_208, %mul3A_207 : i32
          %mul3A_210 = arith.constant 16 : i32
          %mul3A_211 = arith.muli %scan3A_183, %mul3A_210 : i32
          %add3A_212 = arith.constant 1 : i32
          %add3A_213 = arith.addi %mul3A_211, %add3A_212 : i32
          %mul3A_214 = arith.constant 16 : i32
          %mul3A_215 = arith.muli %add3A_213, %mul3A_214 : i32
          %get3A_216 = arith.index_cast %add3A_209 : i32 to index
          %get3A_217 = tpu.vector_load %run_scoped3A_3[%get3A_216] {strides = array<i32>} : memref<16384xi32, #tpu.memory_space<vmem>>, vector<16xi32>,
          %gather3A_218 = tpu.vector_load_idx %run_scoped3A[%get3A_217] : memref<100000xf32, #tpu.memory_space<vmem>>[vector<16xi32>], vector<16xf32>,
          %swap3A_219 = arith.constant 0 : i32
          %swap3A_220 = arith.index_cast %swap3A_219 : i32 to index
          %swap3A_221 = arith.index_cast %mul3A_215 : i32 to index
          %swap3A_222 = tpu.vector_load %run_scoped3A_4[%swap3A_220, %swap3A_221] {strides = array<i32>} : memref<2x4096xf32, #tpu.memory_space<vmem>>, vector<16xf32>,
          tpu.vector_store %run_scoped3A_4[%swap3A_220, %swap3A_221], %gather3A_218 {strides = array<i32>} : memref<2x4096xf32, #tpu.memory_space<vmem>>, vector<16xf32>,
          %mul3A_223 = arith.constant 16 : i32
          %mul3A_224 = arith.muli %scan3A_183, %mul3A_223 : i32
          %add3A_225 = arith.constant 2 : i32
          %add3A_226 = arith.addi %mul3A_224, %add3A_225 : i32
          %mul3A_227 = arith.constant 16 : i32
          %mul3A_228 = arith.muli %add3A_226, %mul3A_227 : i32
          %add3A_229 = arith.constant 0 : i32
          %add3A_230 = arith.addi %add3A_229, %mul3A_228 : i32
          %mul3A_231 = arith.constant 16 : i32
          %mul3A_232 = arith.muli %scan3A_183, %mul3A_231 : i32
          %add3A_233 = arith.constant 2 : i32
          %add3A_234 = arith.addi %mul3A_232, %add3A_233 : i32
          %mul3A_235 = arith.constant 16 : i32
          %mul3A_236 = arith.muli %add3A_234, %mul3A_235 : i32
          %get3A_237 = arith.index_cast %add3A_230 : i32 to index
          %get3A_238 = tpu.vector_load %run_scoped3A_3[%get3A_237] {strides = array<i32>} : memref<16384xi32, #tpu.memory_space<vmem>>, vector<16xi32>,
          %gather3A_239 = tpu.vector_load_idx %run_scoped3A[%get3A_238] : memref<100000xf32, #tpu.memory_space<vmem>>[vector<16xi32>], vector<16xf32>,
          %swap3A_240 = arith.constant 0 : i32
          %swap3A_241 = arith.index_cast %swap3A_240 : i32 to index
          %swap3A_242 = arith.index_cast %mul3A_236 : i32 to index
          %swap3A_243 = tpu.vector_load %run_scoped3A_4[%swap3A_241, %swap3A_242] {strides = array<i32>} : memref<2x4096xf32, #tpu.memory_space<vmem>>, vector<16xf32>,
          tpu.vector_store %run_scoped3A_4[%swap3A_241, %swap3A_242], %gather3A_239 {strides = array<i32>} : memref<2x4096xf32, #tpu.memory_space<vmem>>, vector<16xf32>,
          %mul3A_244 = arith.constant 16 : i32
          %mul3A_245 = arith.muli %scan3A_183, %mul3A_244 : i32
          %add3A_246 = arith.constant 3 : i32
          %add3A_247 = arith.addi %mul3A_245, %add3A_246 : i32
          %mul3A_248 = arith.constant 16 : i32
          %mul3A_249 = arith.muli %add3A_247, %mul3A_248 : i32
          %add3A_250 = arith.constant 0 : i32
          %add3A_251 = arith.addi %add3A_250, %mul3A_249 : i32
          %mul3A_252 = arith.constant 16 : i32
          %mul3A_253 = arith.muli %scan3A_183, %mul3A_252 : i32
          %add3A_254 = arith.constant 3 : i32
          %add3A_255 = arith.addi %mul3A_253, %add3A_254 : i32
          %mul3A_256 = arith.constant 16 : i32
          %mul3A_257 = arith.muli %add3A_255, %mul3A_256 : i32
          %get3A_258 = arith.index_cast %add3A_251 : i32 to index
          %get3A_259 = tpu.vector_load %run_scoped3A_3[%get3A_258] {strides = array<i32>} : memref<16384xi32, #tpu.memory_space<vmem>>, vector<16xi32>,
          %gather3A_260 = tpu.vector_load_idx %run_scoped3A[%get3A_259] : memref<100000xf32, #tpu.memory_space<vmem>>[vector<16xi32>], vector<16xf32>,
          %swap3A_261 = arith.constant 0 : i32
          %swap3A_262 = arith.index_cast %swap3A_261 : i32 to index
          %swap3A_263 = arith.index_cast %mul3A_257 : i32 to index
          %swap3A_264 = tpu.vector_load %run_scoped3A_4[%swap3A_262, %swap3A_263] {strides = array<i32>} : memref<2x4096xf32, #tpu.memory_space<vmem>>, vector<16xf32>,
          tpu.vector_store %run_scoped3A_4[%swap3A_262, %swap3A_263], %gather3A_260 {strides = array<i32>} : memref<2x4096xf32, #tpu.memory_space<vmem>>, vector<16xf32>,
          %mul3A_265 = arith.constant 16 : i32
          %mul3A_266 = arith.muli %scan3A_183, %mul3A_265 : i32
          %add3A_267 = arith.constant 4 : i32
          %add3A_268 = arith.addi %mul3A_266, %add3A_267 : i32
          %mul3A_269 = arith.constant 16 : i32
          %mul3A_270 = arith.muli %add3A_268, %mul3A_269 : i32
          %add3A_271 = arith.constant 0 : i32
          %add3A_272 = arith.addi %add3A_271, %mul3A_270 : i32
          %mul3A_273 = arith.constant 16 : i32
          %mul3A_274 = arith.muli %scan3A_183, %mul3A_273 : i32
          %add3A_275 = arith.constant 4 : i32
          %add3A_276 = arith.addi %mul3A_274, %add3A_275 : i32
          %mul3A_277 = arith.constant 16 : i32
          %mul3A_278 = arith.muli %add3A_276, %mul3A_277 : i32
          %get3A_279 = arith.index_cast %add3A_272 : i32 to index
          %get3A_280 = tpu.vector_load %run_scoped3A_3[%get3A_279] {strides = array<i32>} : memref<16384xi32, #tpu.memory_space<vmem>>, vector<16xi32>,
          %gather3A_281 = tpu.vector_load_idx %run_scoped3A[%get3A_280] : memref<100000xf32, #tpu.memory_space<vmem>>[vector<16xi32>], vector<16xf32>,
          %swap3A_282 = arith.constant 0 : i32
          %swap3A_283 = arith.index_cast %swap3A_282 : i32 to index
          %swap3A_284 = arith.index_cast %mul3A_278 : i32 to index
          %swap3A_285 = tpu.vector_load %run_scoped3A_4[%swap3A_283, %swap3A_284] {strides = array<i32>} : memref<2x4096xf32, #tpu.memory_space<vmem>>, vector<16xf32>,
          tpu.vector_store %run_scoped3A_4[%swap3A_283, %swap3A_284], %gather3A_281 {strides = array<i32>} : memref<2x4096xf32, #tpu.memory_space<vmem>>, vector<16xf32>,
          %mul3A_286 = arith.constant 16 : i32
          %mul3A_287 = arith.muli %scan3A_183, %mul3A_286 : i32
          %add3A_288 = arith.constant 5 : i32
          %add3A_289 = arith.addi %mul3A_287, %add3A_288 : i32
          %mul3A_290 = arith.constant 16 : i32
          %mul3A_291 = arith.muli %add3A_289, %mul3A_290 : i32
          %add3A_292 = arith.constant 0 : i32
          %add3A_293 = arith.addi %add3A_292, %mul3A_291 : i32
          %mul3A_294 = arith.constant 16 : i32
          %mul3A_295 = arith.muli %scan3A_183, %mul3A_294 : i32
          %add3A_296 = arith.constant 5 : i32
          %add3A_297 = arith.addi %mul3A_295, %add3A_296 : i32
          %mul3A_298 = arith.constant 16 : i32
          %mul3A_299 = arith.muli %add3A_297, %mul3A_298 : i32
          %get3A_300 = arith.index_cast %add3A_293 : i32 to index
          %get3A_301 = tpu.vector_load %run_scoped3A_3[%get3A_300] {strides = array<i32>} : memref<16384xi32, #tpu.memory_space<vmem>>, vector<16xi32>,
          %gather3A_302 = tpu.vector_load_idx %run_scoped3A[%get3A_301] : memref<100000xf32, #tpu.memory_space<vmem>>[vector<16xi32>], vector<16xf32>,
          %swap3A_303 = arith.constant 0 : i32
          %swap3A_304 = arith.index_cast %swap3A_303 : i32 to index
          %swap3A_305 = arith.index_cast %mul3A_299 : i32 to index
          %swap3A_306 = tpu.vector_load %run_scoped3A_4[%swap3A_304, %swap3A_305] {strides = array<i32>} : memref<2x4096xf32, #tpu.memory_space<vmem>>, vector<16xf32>,
          tpu.vector_store %run_scoped3A_4[%swap3A_304, %swap3A_305], %gather3A_302 {strides = array<i32>} : memref<2x4096xf32, #tpu.memory_space<vmem>>, vector<16xf32>,
          %mul3A_307 = arith.constant 16 : i32
          %mul3A_308 = arith.muli %scan3A_183, %mul3A_307 : i32
          %add3A_309 = arith.constant 6 : i32
          %add3A_310 = arith.addi %mul3A_308, %add3A_309 : i32
          %mul3A_311 = arith.constant 16 : i32
          %mul3A_312 = arith.muli %add3A_310, %mul3A_311 : i32
          %add3A_313 = arith.constant 0 : i32
          %add3A_314 = arith.addi %add3A_313, %mul3A_312 : i32
          %mul3A_315 = arith.constant 16 : i32
          %mul3A_316 = arith.muli %scan3A_183, %mul3A_315 : i32
          %add3A_317 = arith.constant 6 : i32
          %add3A_318 = arith.addi %mul3A_316, %add3A_317 : i32
          %mul3A_319 = arith.constant 16 : i32
          %mul3A_320 = arith.muli %add3A_318, %mul3A_319 : i32
          %get3A_321 = arith.index_cast %add3A_314 : i32 to index
          %get3A_322 = tpu.vector_load %run_scoped3A_3[%get3A_321] {strides = array<i32>} : memref<16384xi32, #tpu.memory_space<vmem>>, vector<16xi32>,
          %gather3A_323 = tpu.vector_load_idx %run_scoped3A[%get3A_322] : memref<100000xf32, #tpu.memory_space<vmem>>[vector<16xi32>], vector<16xf32>,
          %swap3A_324 = arith.constant 0 : i32
          %swap3A_325 = arith.index_cast %swap3A_324 : i32 to index
          %swap3A_326 = arith.index_cast %mul3A_320 : i32 to index
          %swap3A_327 = tpu.vector_load %run_scoped3A_4[%swap3A_325, %swap3A_326] {strides = array<i32>} : memref<2x4096xf32, #tpu.memory_space<vmem>>, vector<16xf32>,
          tpu.vector_store %run_scoped3A_4[%swap3A_325, %swap3A_326], %gather3A_323 {strides = array<i32>} : memref<2x4096xf32, #tpu.memory_space<vmem>>, vector<16xf32>,
          %mul3A_328 = arith.constant 16 : i32
          %mul3A_329 = arith.muli %scan3A_183, %mul3A_328 : i32
          %add3A_330 = arith.constant 7 : i32
          %add3A_331 = arith.addi %mul3A_329, %add3A_330 : i32
          %mul3A_332 = arith.constant 16 : i32
          %mul3A_333 = arith.muli %add3A_331, %mul3A_332 : i32
          %add3A_334 = arith.constant 0 : i32
          %add3A_335 = arith.addi %add3A_334, %mul3A_333 : i32
          %mul3A_336 = arith.constant 16 : i32
          %mul3A_337 = arith.muli %scan3A_183, %mul3A_336 : i32
          %add3A_338 = arith.constant 7 : i32
          %add3A_339 = arith.addi %mul3A_337, %add3A_338 : i32
          %mul3A_340 = arith.constant 16 : i32
          %mul3A_341 = arith.muli %add3A_339, %mul3A_340 : i32
          %get3A_342 = arith.index_cast %add3A_335 : i32 to index
          %get3A_343 = tpu.vector_load %run_scoped3A_3[%get3A_342] {strides = array<i32>} : memref<16384xi32, #tpu.memory_space<vmem>>, vector<16xi32>,
          %gather3A_344 = tpu.vector_load_idx %run_scoped3A[%get3A_343] : memref<100000xf32, #tpu.memory_space<vmem>>[vector<16xi32>], vector<16xf32>,
          %swap3A_345 = arith.constant 0 : i32
          %swap3A_346 = arith.index_cast %swap3A_345 : i32 to index
          %swap3A_347 = arith.index_cast %mul3A_341 : i32 to index
          %swap3A_348 = tpu.vector_load %run_scoped3A_4[%swap3A_346, %swap3A_347] {strides = array<i32>} : memref<2x4096xf32, #tpu.memory_space<vmem>>, vector<16xf32>,
          tpu.vector_store %run_scoped3A_4[%swap3A_346, %swap3A_347], %gather3A_344 {strides = array<i32>} : memref<2x4096xf32, #tpu.memory_space<vmem>>, vector<16xf32>,
          %mul3A_349 = arith.constant 16 : i32
          %mul3A_350 = arith.muli %scan3A_183, %mul3A_349 : i32
          %add3A_351 = arith.constant 8 : i32
          %add3A_352 = arith.addi %mul3A_350, %add3A_351 : i32
          %mul3A_353 = arith.constant 16 : i32
          %mul3A_354 = arith.muli %add3A_352, %mul3A_353 : i32
          %add3A_355 = arith.constant 0 : i32
          %add3A_356 = arith.addi %add3A_355, %mul3A_354 : i32
          %mul3A_357 = arith.constant 16 : i32
          %mul3A_358 = arith.muli %scan3A_183, %mul3A_357 : i32
          %add3A_359 = arith.constant 8 : i32
          %add3A_360 = arith.addi %mul3A_358, %add3A_359 : i32
          %mul3A_361 = arith.constant 16 : i32
          %mul3A_362 = arith.muli %add3A_360, %mul3A_361 : i32
          %get3A_363 = arith.index_cast %add3A_356 : i32 to index
          %get3A_364 = tpu.vector_load %run_scoped3A_3[%get3A_363] {strides = array<i32>} : memref<16384xi32, #tpu.memory_space<vmem>>, vector<16xi32>,
          %gather3A_365 = tpu.vector_load_idx %run_scoped3A[%get3A_364] : memref<100000xf32, #tpu.memory_space<vmem>>[vector<16xi32>], vector<16xf32>,
          %swap3A_366 = arith.constant 0 : i32
          %swap3A_367 = arith.index_cast %swap3A_366 : i32 to index
          %swap3A_368 = arith.index_cast %mul3A_362 : i32 to index
          %swap3A_369 = tpu.vector_load %run_scoped3A_4[%swap3A_367, %swap3A_368] {strides = array<i32>} : memref<2x4096xf32, #tpu.memory_space<vmem>>, vector<16xf32>,
          tpu.vector_store %run_scoped3A_4[%swap3A_367, %swap3A_368], %gather3A_365 {strides = array<i32>} : memref<2x4096xf32, #tpu.memory_space<vmem>>, vector<16xf32>,
          %mul3A_370 = arith.constant 16 : i32
          %mul3A_371 = arith.muli %scan3A_183, %mul3A_370 : i32
          %add3A_372 = arith.constant 9 : i32
          %add3A_373 = arith.addi %mul3A_371, %add3A_372 : i32
          %mul3A_374 = arith.constant 16 : i32
          %mul3A_375 = arith.muli %add3A_373, %mul3A_374 : i32
          %add3A_376 = arith.constant 0 : i32
          %add3A_377 = arith.addi %add3A_376, %mul3A_375 : i32
          %mul3A_378 = arith.constant 16 : i32
          %mul3A_379 = arith.muli %scan3A_183, %mul3A_378 : i32
          %add3A_380 = arith.constant 9 : i32
          %add3A_381 = arith.addi %mul3A_379, %add3A_380 : i32
          %mul3A_382 = arith.constant 16 : i32
          %mul3A_383 = arith.muli %add3A_381, %mul3A_382 : i32
          %get3A_384 = arith.index_cast %add3A_377 : i32 to index
          %get3A_385 = tpu.vector_load %run_scoped3A_3[%get3A_384] {strides = array<i32>} : memref<16384xi32, #tpu.memory_space<vmem>>, vector<16xi32>,
          %gather3A_386 = tpu.vector_load_idx %run_scoped3A[%get3A_385] : memref<100000xf32, #tpu.memory_space<vmem>>[vector<16xi32>], vector<16xf32>,
          %swap3A_387 = arith.constant 0 : i32
          %swap3A_388 = arith.index_cast %swap3A_387 : i32 to index
          %swap3A_389 = arith.index_cast %mul3A_383 : i32 to index
          %swap3A_390 = tpu.vector_load %run_scoped3A_4[%swap3A_388, %swap3A_389] {strides = array<i32>} : memref<2x4096xf32, #tpu.memory_space<vmem>>, vector<16xf32>,
          tpu.vector_store %run_scoped3A_4[%swap3A_388, %swap3A_389], %gather3A_386 {strides = array<i32>} : memref<2x4096xf32, #tpu.memory_space<vmem>>, vector<16xf32>,
          %mul3A_391 = arith.constant 16 : i32
          %mul3A_392 = arith.muli %scan3A_183, %mul3A_391 : i32
          %add3A_393 = arith.constant 10 : i32
          %add3A_394 = arith.addi %mul3A_392, %add3A_393 : i32
          %mul3A_395 = arith.constant 16 : i32
          %mul3A_396 = arith.muli %add3A_394, %mul3A_395 : i32
          %add3A_397 = arith.constant 0 : i32
          %add3A_398 = arith.addi %add3A_397, %mul3A_396 : i32
          %mul3A_399 = arith.constant 16 : i32
          %mul3A_400 = arith.muli %scan3A_183, %mul3A_399 : i32
          %add3A_401 = arith.constant 10 : i32
          %add3A_402 = arith.addi %mul3A_400, %add3A_401 : i32
          %mul3A_403 = arith.constant 16 : i32
          %mul3A_404 = arith.muli %add3A_402, %mul3A_403 : i32
          %get3A_405 = arith.index_cast %add3A_398 : i32 to index
          %get3A_406 = tpu.vector_load %run_scoped3A_3[%get3A_405] {strides = array<i32>} : memref<16384xi32, #tpu.memory_space<vmem>>, vector<16xi32>,
          %gather3A_407 = tpu.vector_load_idx %run_scoped3A[%get3A_406] : memref<100000xf32, #tpu.memory_space<vmem>>[vector<16xi32>], vector<16xf32>,
          %swap3A_408 = arith.constant 0 : i32
          %swap3A_409 = arith.index_cast %swap3A_408 : i32 to index
          %swap3A_410 = arith.index_cast %mul3A_404 : i32 to index
          %swap3A_411 = tpu.vector_load %run_scoped3A_4[%swap3A_409, %swap3A_410] {strides = array<i32>} : memref<2x4096xf32, #tpu.memory_space<vmem>>, vector<16xf32>,
          tpu.vector_store %run_scoped3A_4[%swap3A_409, %swap3A_410], %gather3A_407 {strides = array<i32>} : memref<2x4096xf32, #tpu.memory_space<vmem>>, vector<16xf32>,
          %mul3A_412 = arith.constant 16 : i32
          %mul3A_413 = arith.muli %scan3A_183, %mul3A_412 : i32
          %add3A_414 = arith.constant 11 : i32
          %add3A_415 = arith.addi %mul3A_413, %add3A_414 : i32
          %mul3A_416 = arith.constant 16 : i32
          %mul3A_417 = arith.muli %add3A_415, %mul3A_416 : i32
          %add3A_418 = arith.constant 0 : i32
          %add3A_419 = arith.addi %add3A_418, %mul3A_417 : i32
          %mul3A_420 = arith.constant 16 : i32
          %mul3A_421 = arith.muli %scan3A_183, %mul3A_420 : i32
          %add3A_422 = arith.constant 11 : i32
          %add3A_423 = arith.addi %mul3A_421, %add3A_422 : i32
          %mul3A_424 = arith.constant 16 : i32
          %mul3A_425 = arith.muli %add3A_423, %mul3A_424 : i32
          %get3A_426 = arith.index_cast %add3A_419 : i32 to index
          %get3A_427 = tpu.vector_load %run_scoped3A_3[%get3A_426] {strides = array<i32>} : memref<16384xi32, #tpu.memory_space<vmem>>, vector<16xi32>,
          %gather3A_428 = tpu.vector_load_idx %run_scoped3A[%get3A_427] : memref<100000xf32, #tpu.memory_space<vmem>>[vector<16xi32>], vector<16xf32>,
          %swap3A_429 = arith.constant 0 : i32
          %swap3A_430 = arith.index_cast %swap3A_429 : i32 to index
          %swap3A_431 = arith.index_cast %mul3A_425 : i32 to index
          %swap3A_432 = tpu.vector_load %run_scoped3A_4[%swap3A_430, %swap3A_431] {strides = array<i32>} : memref<2x4096xf32, #tpu.memory_space<vmem>>, vector<16xf32>,
          tpu.vector_store %run_scoped3A_4[%swap3A_430, %swap3A_431], %gather3A_428 {strides = array<i32>} : memref<2x4096xf32, #tpu.memory_space<vmem>>, vector<16xf32>,
          %mul3A_433 = arith.constant 16 : i32
          %mul3A_434 = arith.muli %scan3A_183, %mul3A_433 : i32
          %add3A_435 = arith.constant 12 : i32
          %add3A_436 = arith.addi %mul3A_434, %add3A_435 : i32
          %mul3A_437 = arith.constant 16 : i32
          %mul3A_438 = arith.muli %add3A_436, %mul3A_437 : i32
          %add3A_439 = arith.constant 0 : i32
          %add3A_440 = arith.addi %add3A_439, %mul3A_438 : i32
          %mul3A_441 = arith.constant 16 : i32
          %mul3A_442 = arith.muli %scan3A_183, %mul3A_441 : i32
          %add3A_443 = arith.constant 12 : i32
          %add3A_444 = arith.addi %mul3A_442, %add3A_443 : i32
          %mul3A_445 = arith.constant 16 : i32
          %mul3A_446 = arith.muli %add3A_444, %mul3A_445 : i32
          %get3A_447 = arith.index_cast %add3A_440 : i32 to index
          %get3A_448 = tpu.vector_load %run_scoped3A_3[%get3A_447] {strides = array<i32>} : memref<16384xi32, #tpu.memory_space<vmem>>, vector<16xi32>,
          %gather3A_449 = tpu.vector_load_idx %run_scoped3A[%get3A_448] : memref<100000xf32, #tpu.memory_space<vmem>>[vector<16xi32>], vector<16xf32>,
          %swap3A_450 = arith.constant 0 : i32
          %swap3A_451 = arith.index_cast %swap3A_450 : i32 to index
          %swap3A_452 = arith.index_cast %mul3A_446 : i32 to index
          %swap3A_453 = tpu.vector_load %run_scoped3A_4[%swap3A_451, %swap3A_452] {strides = array<i32>} : memref<2x4096xf32, #tpu.memory_space<vmem>>, vector<16xf32>,
          tpu.vector_store %run_scoped3A_4[%swap3A_451, %swap3A_452], %gather3A_449 {strides = array<i32>} : memref<2x4096xf32, #tpu.memory_space<vmem>>, vector<16xf32>,
          %mul3A_454 = arith.constant 16 : i32
          %mul3A_455 = arith.muli %scan3A_183, %mul3A_454 : i32
          %add3A_456 = arith.constant 13 : i32
          %add3A_457 = arith.addi %mul3A_455, %add3A_456 : i32
          %mul3A_458 = arith.constant 16 : i32
          %mul3A_459 = arith.muli %add3A_457, %mul3A_458 : i32
          %add3A_460 = arith.constant 0 : i32
          %add3A_461 = arith.addi %add3A_460, %mul3A_459 : i32
          %mul3A_462 = arith.constant 16 : i32
          %mul3A_463 = arith.muli %scan3A_183, %mul3A_462 : i32
          %add3A_464 = arith.constant 13 : i32
          %add3A_465 = arith.addi %mul3A_463, %add3A_464 : i32
          %mul3A_466 = arith.constant 16 : i32
          %mul3A_467 = arith.muli %add3A_465, %mul3A_466 : i32
          %get3A_468 = arith.index_cast %add3A_461 : i32 to index
          %get3A_469 = tpu.vector_load %run_scoped3A_3[%get3A_468] {strides = array<i32>} : memref<16384xi32, #tpu.memory_space<vmem>>, vector<16xi32>,
          %gather3A_470 = tpu.vector_load_idx %run_scoped3A[%get3A_469] : memref<100000xf32, #tpu.memory_space<vmem>>[vector<16xi32>], vector<16xf32>,
          %swap3A_471 = arith.constant 0 : i32
          %swap3A_472 = arith.index_cast %swap3A_471 : i32 to index
          %swap3A_473 = arith.index_cast %mul3A_467 : i32 to index
          %swap3A_474 = tpu.vector_load %run_scoped3A_4[%swap3A_472, %swap3A_473] {strides = array<i32>} : memref<2x4096xf32, #tpu.memory_space<vmem>>, vector<16xf32>,
          tpu.vector_store %run_scoped3A_4[%swap3A_472, %swap3A_473], %gather3A_470 {strides = array<i32>} : memref<2x4096xf32, #tpu.memory_space<vmem>>, vector<16xf32>,
          %mul3A_475 = arith.constant 16 : i32
          %mul3A_476 = arith.muli %scan3A_183, %mul3A_475 : i32
          %add3A_477 = arith.constant 14 : i32
          %add3A_478 = arith.addi %mul3A_476, %add3A_477 : i32
          %mul3A_479 = arith.constant 16 : i32
          %mul3A_480 = arith.muli %add3A_478, %mul3A_479 : i32
          %add3A_481 = arith.constant 0 : i32
          %add3A_482 = arith.addi %add3A_481, %mul3A_480 : i32
          %mul3A_483 = arith.constant 16 : i32
          %mul3A_484 = arith.muli %scan3A_183, %mul3A_483 : i32
          %add3A_485 = arith.constant 14 : i32
          %add3A_486 = arith.addi %mul3A_484, %add3A_485 : i32
          %mul3A_487 = arith.constant 16 : i32
          %mul3A_488 = arith.muli %add3A_486, %mul3A_487 : i32
          %get3A_489 = arith.index_cast %add3A_482 : i32 to index
          %get3A_490 = tpu.vector_load %run_scoped3A_3[%get3A_489] {strides = array<i32>} : memref<16384xi32, #tpu.memory_space<vmem>>, vector<16xi32>,
          %gather3A_491 = tpu.vector_load_idx %run_scoped3A[%get3A_490] : memref<100000xf32, #tpu.memory_space<vmem>>[vector<16xi32>], vector<16xf32>,
          %swap3A_492 = arith.constant 0 : i32
          %swap3A_493 = arith.index_cast %swap3A_492 : i32 to index
          %swap3A_494 = arith.index_cast %mul3A_488 : i32 to index
          %swap3A_495 = tpu.vector_load %run_scoped3A_4[%swap3A_493, %swap3A_494] {strides = array<i32>} : memref<2x4096xf32, #tpu.memory_space<vmem>>, vector<16xf32>,
          tpu.vector_store %run_scoped3A_4[%swap3A_493, %swap3A_494], %gather3A_491 {strides = array<i32>} : memref<2x4096xf32, #tpu.memory_space<vmem>>, vector<16xf32>,
          %mul3A_496 = arith.constant 16 : i32
          %mul3A_497 = arith.muli %scan3A_183, %mul3A_496 : i32
          %add3A_498 = arith.constant 15 : i32
          %add3A_499 = arith.addi %mul3A_497, %add3A_498 : i32
          %mul3A_500 = arith.constant 16 : i32
          %mul3A_501 = arith.muli %add3A_499, %mul3A_500 : i32
          %add3A_502 = arith.constant 0 : i32
          %add3A_503 = arith.addi %add3A_502, %mul3A_501 : i32
          %mul3A_504 = arith.constant 16 : i32
          %mul3A_505 = arith.muli %scan3A_183, %mul3A_504 : i32
          %add3A_506 = arith.constant 15 : i32
          %add3A_507 = arith.addi %mul3A_505, %add3A_506 : i32
          %mul3A_508 = arith.constant 16 : i32
          %mul3A_509 = arith.muli %add3A_507, %mul3A_508 : i32
          %get3A_510 = arith.index_cast %add3A_503 : i32 to index
          %get3A_511 = tpu.vector_load %run_scoped3A_3[%get3A_510] {strides = array<i32>} : memref<16384xi32, #tpu.memory_space<vmem>>, vector<16xi32>,
          %gather3A_512 = tpu.vector_load_idx %run_scoped3A[%get3A_511] : memref<100000xf32, #tpu.memory_space<vmem>>[vector<16xi32>], vector<16xf32>,
          %swap3A_513 = arith.constant 0 : i32
          %swap3A_514 = arith.index_cast %swap3A_513 : i32 to index
          %swap3A_515 = arith.index_cast %mul3A_509 : i32 to index
          %swap3A_516 = tpu.vector_load %run_scoped3A_4[%swap3A_514, %swap3A_515] {strides = array<i32>} : memref<2x4096xf32, #tpu.memory_space<vmem>>, vector<16xf32>,
          tpu.vector_store %run_scoped3A_4[%swap3A_514, %swap3A_515], %gather3A_512 {strides = array<i32>} : memref<2x4096xf32, #tpu.memory_space<vmem>>, vector<16xf32>,
        }
        %scan3A_79 = arith.constant 16 : i32
        %dma_start3A_80 = arith.constant 0 : i32
        %dma_start3A_81 = arith.constant 0 : i32
        %dma_start3A_82 = tpu.memref_slice %run_scoped3A_4[%dma_start3A_80, %dma_start3A_81] : memref<2x4096xf32, #tpu.memory_space<vmem>> -> memref<1x4096xf32, #tpu.memory_space<vmem>>
        %dma_start3A_83 = tpu.memref_squeeze %dma_start3A_82 : memref<1x4096xf32, #tpu.memory_space<vmem>> -> memref<4096xf32, #tpu.memory_space<vmem>>
        %dma_start3A_84 = arith.constant 0 : i32
        %dma_start3A_85 = tpu.memref_slice %arg7[%add3A_62, %dma_start3A_84] : memref<400x16384xf32, #tpu.memory_space<hbm>> -> memref<1x4096xf32, #tpu.memory_space<hbm>>
        %dma_start3A_86 = tpu.memref_squeeze %dma_start3A_85 : memref<1x4096xf32, #tpu.memory_space<hbm>> -> memref<4096xf32, #tpu.memory_space<hbm>>
        %dma_start3A_87 = arith.constant 0 : i32
        %dma_start3A_88 = tpu.memref_slice %arg7[%add3A_62, %dma_start3A_87] : memref<400x16384xf32, #tpu.memory_space<hbm>> -> memref<1x4096xf32, #tpu.memory_space<hbm>>
        %dma_start3A_89 = tpu.memref_squeeze %dma_start3A_88 : memref<1x4096xf32, #tpu.memory_space<hbm>> -> memref<4096xf32, #tpu.memory_space<hbm>>
        %dma_start3A_90 = arith.constant 0 : i32
        %dma_start3A_91 = tpu.memref_slice %run_scoped3A_4[%dma_start3A_80, %dma_start3A_90] : memref<2x4096xf32, #tpu.memory_space<vmem>> -> memref<1x4096xf32, #tpu.memory_space<vmem>>
        %dma_start3A_92 = tpu.memref_squeeze %dma_start3A_91 : memref<1x4096xf32, #tpu.memory_space<vmem>> -> memref<4096xf32, #tpu.memory_space<vmem>>
        tpu.enqueue_dma source(%dma_start3A_92 : memref<4096xf32, #tpu.memory_space<vmem>>) target(%dma_start3A_89 : memref<4096xf32, #tpu.memory_space<hbm>>) target_semaphore(%run_scoped3A_6 : memref<!tpu.dma_semaphore, #tpu.memory_space<semaphore_mem>>)
        %mul3A_93 = arith.constant 4 : i32
        %mul3A_94 = arith.muli %while3A_61, %mul3A_93 : i32
        %add3A_95 = arith.constant 1 : i32
        %add3A_96 = arith.addi %mul3A_94, %add3A_95 : i32
        %gt3A_97 = arith.constant 1 : i32
        %gt3A_98 = arith.cmpi sgt, %add3A_96, %gt3A_97 : i32
        %convert_element_type3A_99 = arith.extui %gt3A_98 : i1 to i32
        %cond3A_100 = arith.constant 0 : i32
        %cond3A_101 = arith.cmpi ne, %convert_element_type3A_99, %cond3A_100 : i32
        scf.if %cond3A_101 {
          %dma_wait3A_183 = arith.constant 1 : i32
          %dma_wait3A_184 = arith.constant 0 : i32
          %dma_wait3A_185 = tpu.memref_slice %run_scoped3A_4[%dma_wait3A_183, %dma_wait3A_184] : memref<2x4096xf32, #tpu.memory_space<vmem>> -> memref<1x4096xf32, #tpu.memory_space<vmem>>
          %dma_wait3A_186 = tpu.memref_squeeze %dma_wait3A_185 : memref<1x4096xf32, #tpu.memory_space<vmem>> -> memref<4096xf32, #tpu.memory_space<vmem>>
          %dma_wait3A_187 = arith.constant 4096 : i32
          %dma_wait3A_188 = tpu.memref_slice %arg7[%add3A_62, %dma_wait3A_187] : memref<400x16384xf32, #tpu.memory_space<hbm>> -> memref<1x4096xf32, #tpu.memory_space<hbm>>
          %dma_wait3A_189 = tpu.memref_squeeze %dma_wait3A_188 : memref<1x4096xf32, #tpu.memory_space<hbm>> -> memref<4096xf32, #tpu.memory_space<hbm>>
          %dma_wait3A_190 = arith.constant 4096 : i32
          %dma_wait3A_191 = tpu.memref_slice %arg7[%add3A_62, %dma_wait3A_190] : memref<400x16384xf32, #tpu.memory_space<hbm>> -> memref<1x4096xf32, #tpu.memory_space<hbm>>
          %dma_wait3A_192 = tpu.memref_squeeze %dma_wait3A_191 : memref<1x4096xf32, #tpu.memory_space<hbm>> -> memref<4096xf32, #tpu.memory_space<hbm>>
          %dma_wait3A_193 = arith.constant 0 : i32
          %dma_wait3A_194 = tpu.memref_slice %run_scoped3A_4[%dma_wait3A_183, %dma_wait3A_193] : memref<2x4096xf32, #tpu.memory_space<vmem>> -> memref<1x4096xf32, #tpu.memory_space<vmem>>
          %dma_wait3A_195 = tpu.memref_squeeze %dma_wait3A_194 : memref<1x4096xf32, #tpu.memory_space<vmem>> -> memref<4096xf32, #tpu.memory_space<vmem>>
          tpu.wait_dma2 semaphore(%run_scoped3A_6 : memref<!tpu.dma_semaphore, #tpu.memory_space<semaphore_mem>>) src(%dma_wait3A_195 : memref<4096xf32, #tpu.memory_space<vmem>>) dst(%dma_wait3A_192 : memref<4096xf32, #tpu.memory_space<hbm>>)
        } else {
        }
        %scan3A_102 = arith.constant 0 : i32
        %scan3A_103 = arith.constant 0 : i32
        %scan3A_104 = arith.constant 16 : i32
        %scan3A_105 = arith.addi %scan3A_103, %scan3A_104 : i32
        %scan3A_106 = arith.constant 1 : i32
        scf.for %scan3A_183 = %scan3A_103 to %scan3A_105 step %scan3A_106  : i32 {
          %mul3A_184 = arith.constant 16 : i32
          %mul3A_185 = arith.muli %scan3A_183, %mul3A_184 : i32
          %add3A_186 = arith.constant 0 : i32
          %add3A_187 = arith.addi %mul3A_185, %add3A_186 : i32
          %mul3A_188 = arith.constant 16 : i32
          %mul3A_189 = arith.muli %add3A_187, %mul3A_188 : i32
          %add3A_190 = arith.constant 4096 : i32
          %add3A_191 = arith.addi %add3A_190, %mul3A_189 : i32
          %mul3A_192 = arith.constant 16 : i32
          %mul3A_193 = arith.muli %scan3A_183, %mul3A_192 : i32
          %add3A_194 = arith.constant 0 : i32
          %add3A_195 = arith.addi %mul3A_193, %add3A_194 : i32
          %mul3A_196 = arith.constant 16 : i32
          %mul3A_197 = arith.muli %add3A_195, %mul3A_196 : i32
          %get3A = arith.index_cast %add3A_191 : i32 to index
          %get3A_198 = tpu.vector_load %run_scoped3A_3[%get3A] {strides = array<i32>} : memref<16384xi32, #tpu.memory_space<vmem>>, vector<16xi32>,
          %gather3A = tpu.vector_load_idx %run_scoped3A[%get3A_198] : memref<100000xf32, #tpu.memory_space<vmem>>[vector<16xi32>], vector<16xf32>,
          %swap3A = arith.constant 1 : i32
          %swap3A_199 = arith.index_cast %swap3A : i32 to index
          %swap3A_200 = arith.index_cast %mul3A_197 : i32 to index
          %swap3A_201 = tpu.vector_load %run_scoped3A_4[%swap3A_199, %swap3A_200] {strides = array<i32>} : memref<2x4096xf32, #tpu.memory_space<vmem>>, vector<16xf32>,
          tpu.vector_store %run_scoped3A_4[%swap3A_199, %swap3A_200], %gather3A {strides = array<i32>} : memref<2x4096xf32, #tpu.memory_space<vmem>>, vector<16xf32>,
          %mul3A_202 = arith.constant 16 : i32
          %mul3A_203 = arith.muli %scan3A_183, %mul3A_202 : i32
          %add3A_204 = arith.constant 1 : i32
          %add3A_205 = arith.addi %mul3A_203, %add3A_204 : i32
          %mul3A_206 = arith.constant 16 : i32
          %mul3A_207 = arith.muli %add3A_205, %mul3A_206 : i32
          %add3A_208 = arith.constant 4096 : i32
          %add3A_209 = arith.addi %add3A_208, %mul3A_207 : i32
          %mul3A_210 = arith.constant 16 : i32
          %mul3A_211 = arith.muli %scan3A_183, %mul3A_210 : i32
          %add3A_212 = arith.constant 1 : i32
          %add3A_213 = arith.addi %mul3A_211, %add3A_212 : i32
          %mul3A_214 = arith.constant 16 : i32
          %mul3A_215 = arith.muli %add3A_213, %mul3A_214 : i32
          %get3A_216 = arith.index_cast %add3A_209 : i32 to index
          %get3A_217 = tpu.vector_load %run_scoped3A_3[%get3A_216] {strides = array<i32>} : memref<16384xi32, #tpu.memory_space<vmem>>, vector<16xi32>,
          %gather3A_218 = tpu.vector_load_idx %run_scoped3A[%get3A_217] : memref<100000xf32, #tpu.memory_space<vmem>>[vector<16xi32>], vector<16xf32>,
          %swap3A_219 = arith.constant 1 : i32
          %swap3A_220 = arith.index_cast %swap3A_219 : i32 to index
          %swap3A_221 = arith.index_cast %mul3A_215 : i32 to index
          %swap3A_222 = tpu.vector_load %run_scoped3A_4[%swap3A_220, %swap3A_221] {strides = array<i32>} : memref<2x4096xf32, #tpu.memory_space<vmem>>, vector<16xf32>,
          tpu.vector_store %run_scoped3A_4[%swap3A_220, %swap3A_221], %gather3A_218 {strides = array<i32>} : memref<2x4096xf32, #tpu.memory_space<vmem>>, vector<16xf32>,
          %mul3A_223 = arith.constant 16 : i32
          %mul3A_224 = arith.muli %scan3A_183, %mul3A_223 : i32
          %add3A_225 = arith.constant 2 : i32
          %add3A_226 = arith.addi %mul3A_224, %add3A_225 : i32
          %mul3A_227 = arith.constant 16 : i32
          %mul3A_228 = arith.muli %add3A_226, %mul3A_227 : i32
          %add3A_229 = arith.constant 4096 : i32
          %add3A_230 = arith.addi %add3A_229, %mul3A_228 : i32
          %mul3A_231 = arith.constant 16 : i32
          %mul3A_232 = arith.muli %scan3A_183, %mul3A_231 : i32
          %add3A_233 = arith.constant 2 : i32
          %add3A_234 = arith.addi %mul3A_232, %add3A_233 : i32
          %mul3A_235 = arith.constant 16 : i32
          %mul3A_236 = arith.muli %add3A_234, %mul3A_235 : i32
          %get3A_237 = arith.index_cast %add3A_230 : i32 to index
          %get3A_238 = tpu.vector_load %run_scoped3A_3[%get3A_237] {strides = array<i32>} : memref<16384xi32, #tpu.memory_space<vmem>>, vector<16xi32>,
          %gather3A_239 = tpu.vector_load_idx %run_scoped3A[%get3A_238] : memref<100000xf32, #tpu.memory_space<vmem>>[vector<16xi32>], vector<16xf32>,
          %swap3A_240 = arith.constant 1 : i32
          %swap3A_241 = arith.index_cast %swap3A_240 : i32 to index
          %swap3A_242 = arith.index_cast %mul3A_236 : i32 to index
          %swap3A_243 = tpu.vector_load %run_scoped3A_4[%swap3A_241, %swap3A_242] {strides = array<i32>} : memref<2x4096xf32, #tpu.memory_space<vmem>>, vector<16xf32>,
          tpu.vector_store %run_scoped3A_4[%swap3A_241, %swap3A_242], %gather3A_239 {strides = array<i32>} : memref<2x4096xf32, #tpu.memory_space<vmem>>, vector<16xf32>,
          %mul3A_244 = arith.constant 16 : i32
          %mul3A_245 = arith.muli %scan3A_183, %mul3A_244 : i32
          %add3A_246 = arith.constant 3 : i32
          %add3A_247 = arith.addi %mul3A_245, %add3A_246 : i32
          %mul3A_248 = arith.constant 16 : i32
          %mul3A_249 = arith.muli %add3A_247, %mul3A_248 : i32
          %add3A_250 = arith.constant 4096 : i32
          %add3A_251 = arith.addi %add3A_250, %mul3A_249 : i32
          %mul3A_252 = arith.constant 16 : i32
          %mul3A_253 = arith.muli %scan3A_183, %mul3A_252 : i32
          %add3A_254 = arith.constant 3 : i32
          %add3A_255 = arith.addi %mul3A_253, %add3A_254 : i32
          %mul3A_256 = arith.constant 16 : i32
          %mul3A_257 = arith.muli %add3A_255, %mul3A_256 : i32
          %get3A_258 = arith.index_cast %add3A_251 : i32 to index
          %get3A_259 = tpu.vector_load %run_scoped3A_3[%get3A_258] {strides = array<i32>} : memref<16384xi32, #tpu.memory_space<vmem>>, vector<16xi32>,
          %gather3A_260 = tpu.vector_load_idx %run_scoped3A[%get3A_259] : memref<100000xf32, #tpu.memory_space<vmem>>[vector<16xi32>], vector<16xf32>,
          %swap3A_261 = arith.constant 1 : i32
          %swap3A_262 = arith.index_cast %swap3A_261 : i32 to index
          %swap3A_263 = arith.index_cast %mul3A_257 : i32 to index
          %swap3A_264 = tpu.vector_load %run_scoped3A_4[%swap3A_262, %swap3A_263] {strides = array<i32>} : memref<2x4096xf32, #tpu.memory_space<vmem>>, vector<16xf32>,
          tpu.vector_store %run_scoped3A_4[%swap3A_262, %swap3A_263], %gather3A_260 {strides = array<i32>} : memref<2x4096xf32, #tpu.memory_space<vmem>>, vector<16xf32>,
          %mul3A_265 = arith.constant 16 : i32
          %mul3A_266 = arith.muli %scan3A_183, %mul3A_265 : i32
          %add3A_267 = arith.constant 4 : i32
          %add3A_268 = arith.addi %mul3A_266, %add3A_267 : i32
          %mul3A_269 = arith.constant 16 : i32
          %mul3A_270 = arith.muli %add3A_268, %mul3A_269 : i32
          %add3A_271 = arith.constant 4096 : i32
          %add3A_272 = arith.addi %add3A_271, %mul3A_270 : i32
          %mul3A_273 = arith.constant 16 : i32
          %mul3A_274 = arith.muli %scan3A_183, %mul3A_273 : i32
          %add3A_275 = arith.constant 4 : i32
          %add3A_276 = arith.addi %mul3A_274, %add3A_275 : i32
          %mul3A_277 = arith.constant 16 : i32
          %mul3A_278 = arith.muli %add3A_276, %mul3A_277 : i32
          %get3A_279 = arith.index_cast %add3A_272 : i32 to index
          %get3A_280 = tpu.vector_load %run_scoped3A_3[%get3A_279] {strides = array<i32>} : memref<16384xi32, #tpu.memory_space<vmem>>, vector<16xi32>,
          %gather3A_281 = tpu.vector_load_idx %run_scoped3A[%get3A_280] : memref<100000xf32, #tpu.memory_space<vmem>>[vector<16xi32>], vector<16xf32>,
          %swap3A_282 = arith.constant 1 : i32
          %swap3A_283 = arith.index_cast %swap3A_282 : i32 to index
          %swap3A_284 = arith.index_cast %mul3A_278 : i32 to index
          %swap3A_285 = tpu.vector_load %run_scoped3A_4[%swap3A_283, %swap3A_284] {strides = array<i32>} : memref<2x4096xf32, #tpu.memory_space<vmem>>, vector<16xf32>,
          tpu.vector_store %run_scoped3A_4[%swap3A_283, %swap3A_284], %gather3A_281 {strides = array<i32>} : memref<2x4096xf32, #tpu.memory_space<vmem>>, vector<16xf32>,
          %mul3A_286 = arith.constant 16 : i32
          %mul3A_287 = arith.muli %scan3A_183, %mul3A_286 : i32
          %add3A_288 = arith.constant 5 : i32
          %add3A_289 = arith.addi %mul3A_287, %add3A_288 : i32
          %mul3A_290 = arith.constant 16 : i32
          %mul3A_291 = arith.muli %add3A_289, %mul3A_290 : i32
          %add3A_292 = arith.constant 4096 : i32
          %add3A_293 = arith.addi %add3A_292, %mul3A_291 : i32
          %mul3A_294 = arith.constant 16 : i32
          %mul3A_295 = arith.muli %scan3A_183, %mul3A_294 : i32
          %add3A_296 = arith.constant 5 : i32
          %add3A_297 = arith.addi %mul3A_295, %add3A_296 : i32
          %mul3A_298 = arith.constant 16 : i32
          %mul3A_299 = arith.muli %add3A_297, %mul3A_298 : i32
          %get3A_300 = arith.index_cast %add3A_293 : i32 to index
          %get3A_301 = tpu.vector_load %run_scoped3A_3[%get3A_300] {strides = array<i32>} : memref<16384xi32, #tpu.memory_space<vmem>>, vector<16xi32>,
          %gather3A_302 = tpu.vector_load_idx %run_scoped3A[%get3A_301] : memref<100000xf32, #tpu.memory_space<vmem>>[vector<16xi32>], vector<16xf32>,
          %swap3A_303 = arith.constant 1 : i32
          %swap3A_304 = arith.index_cast %swap3A_303 : i32 to index
          %swap3A_305 = arith.index_cast %mul3A_299 : i32 to index
          %swap3A_306 = tpu.vector_load %run_scoped3A_4[%swap3A_304, %swap3A_305] {strides = array<i32>} : memref<2x4096xf32, #tpu.memory_space<vmem>>, vector<16xf32>,
          tpu.vector_store %run_scoped3A_4[%swap3A_304, %swap3A_305], %gather3A_302 {strides = array<i32>} : memref<2x4096xf32, #tpu.memory_space<vmem>>, vector<16xf32>,
          %mul3A_307 = arith.constant 16 : i32
          %mul3A_308 = arith.muli %scan3A_183, %mul3A_307 : i32
          %add3A_309 = arith.constant 6 : i32
          %add3A_310 = arith.addi %mul3A_308, %add3A_309 : i32
          %mul3A_311 = arith.constant 16 : i32
          %mul3A_312 = arith.muli %add3A_310, %mul3A_311 : i32
          %add3A_313 = arith.constant 4096 : i32
          %add3A_314 = arith.addi %add3A_313, %mul3A_312 : i32
          %mul3A_315 = arith.constant 16 : i32
          %mul3A_316 = arith.muli %scan3A_183, %mul3A_315 : i32
          %add3A_317 = arith.constant 6 : i32
          %add3A_318 = arith.addi %mul3A_316, %add3A_317 : i32
          %mul3A_319 = arith.constant 16 : i32
          %mul3A_320 = arith.muli %add3A_318, %mul3A_319 : i32
          %get3A_321 = arith.index_cast %add3A_314 : i32 to index
          %get3A_322 = tpu.vector_load %run_scoped3A_3[%get3A_321] {strides = array<i32>} : memref<16384xi32, #tpu.memory_space<vmem>>, vector<16xi32>,
          %gather3A_323 = tpu.vector_load_idx %run_scoped3A[%get3A_322] : memref<100000xf32, #tpu.memory_space<vmem>>[vector<16xi32>], vector<16xf32>,
          %swap3A_324 = arith.constant 1 : i32
          %swap3A_325 = arith.index_cast %swap3A_324 : i32 to index
          %swap3A_326 = arith.index_cast %mul3A_320 : i32 to index
          %swap3A_327 = tpu.vector_load %run_scoped3A_4[%swap3A_325, %swap3A_326] {strides = array<i32>} : memref<2x4096xf32, #tpu.memory_space<vmem>>, vector<16xf32>,
          tpu.vector_store %run_scoped3A_4[%swap3A_325, %swap3A_326], %gather3A_323 {strides = array<i32>} : memref<2x4096xf32, #tpu.memory_space<vmem>>, vector<16xf32>,
          %mul3A_328 = arith.constant 16 : i32
          %mul3A_329 = arith.muli %scan3A_183, %mul3A_328 : i32
          %add3A_330 = arith.constant 7 : i32
          %add3A_331 = arith.addi %mul3A_329, %add3A_330 : i32
          %mul3A_332 = arith.constant 16 : i32
          %mul3A_333 = arith.muli %add3A_331, %mul3A_332 : i32
          %add3A_334 = arith.constant 4096 : i32
          %add3A_335 = arith.addi %add3A_334, %mul3A_333 : i32
          %mul3A_336 = arith.constant 16 : i32
          %mul3A_337 = arith.muli %scan3A_183, %mul3A_336 : i32
          %add3A_338 = arith.constant 7 : i32
          %add3A_339 = arith.addi %mul3A_337, %add3A_338 : i32
          %mul3A_340 = arith.constant 16 : i32
          %mul3A_341 = arith.muli %add3A_339, %mul3A_340 : i32
          %get3A_342 = arith.index_cast %add3A_335 : i32 to index
          %get3A_343 = tpu.vector_load %run_scoped3A_3[%get3A_342] {strides = array<i32>} : memref<16384xi32, #tpu.memory_space<vmem>>, vector<16xi32>,
          %gather3A_344 = tpu.vector_load_idx %run_scoped3A[%get3A_343] : memref<100000xf32, #tpu.memory_space<vmem>>[vector<16xi32>], vector<16xf32>,
          %swap3A_345 = arith.constant 1 : i32
          %swap3A_346 = arith.index_cast %swap3A_345 : i32 to index
          %swap3A_347 = arith.index_cast %mul3A_341 : i32 to index
          %swap3A_348 = tpu.vector_load %run_scoped3A_4[%swap3A_346, %swap3A_347] {strides = array<i32>} : memref<2x4096xf32, #tpu.memory_space<vmem>>, vector<16xf32>,
          tpu.vector_store %run_scoped3A_4[%swap3A_346, %swap3A_347], %gather3A_344 {strides = array<i32>} : memref<2x4096xf32, #tpu.memory_space<vmem>>, vector<16xf32>,
          %mul3A_349 = arith.constant 16 : i32
          %mul3A_350 = arith.muli %scan3A_183, %mul3A_349 : i32
          %add3A_351 = arith.constant 8 : i32
          %add3A_352 = arith.addi %mul3A_350, %add3A_351 : i32
          %mul3A_353 = arith.constant 16 : i32
          %mul3A_354 = arith.muli %add3A_352, %mul3A_353 : i32
          %add3A_355 = arith.constant 4096 : i32
          %add3A_356 = arith.addi %add3A_355, %mul3A_354 : i32
          %mul3A_357 = arith.constant 16 : i32
          %mul3A_358 = arith.muli %scan3A_183, %mul3A_357 : i32
          %add3A_359 = arith.constant 8 : i32
          %add3A_360 = arith.addi %mul3A_358, %add3A_359 : i32
          %mul3A_361 = arith.constant 16 : i32
          %mul3A_362 = arith.muli %add3A_360, %mul3A_361 : i32
          %get3A_363 = arith.index_cast %add3A_356 : i32 to index
          %get3A_364 = tpu.vector_load %run_scoped3A_3[%get3A_363] {strides = array<i32>} : memref<16384xi32, #tpu.memory_space<vmem>>, vector<16xi32>,
          %gather3A_365 = tpu.vector_load_idx %run_scoped3A[%get3A_364] : memref<100000xf32, #tpu.memory_space<vmem>>[vector<16xi32>], vector<16xf32>,
          %swap3A_366 = arith.constant 1 : i32
          %swap3A_367 = arith.index_cast %swap3A_366 : i32 to index
          %swap3A_368 = arith.index_cast %mul3A_362 : i32 to index
          %swap3A_369 = tpu.vector_load %run_scoped3A_4[%swap3A_367, %swap3A_368] {strides = array<i32>} : memref<2x4096xf32, #tpu.memory_space<vmem>>, vector<16xf32>,
          tpu.vector_store %run_scoped3A_4[%swap3A_367, %swap3A_368], %gather3A_365 {strides = array<i32>} : memref<2x4096xf32, #tpu.memory_space<vmem>>, vector<16xf32>,
          %mul3A_370 = arith.constant 16 : i32
          %mul3A_371 = arith.muli %scan3A_183, %mul3A_370 : i32
          %add3A_372 = arith.constant 9 : i32
          %add3A_373 = arith.addi %mul3A_371, %add3A_372 : i32
          %mul3A_374 = arith.constant 16 : i32
          %mul3A_375 = arith.muli %add3A_373, %mul3A_374 : i32
          %add3A_376 = arith.constant 4096 : i32
          %add3A_377 = arith.addi %add3A_376, %mul3A_375 : i32
          %mul3A_378 = arith.constant 16 : i32
          %mul3A_379 = arith.muli %scan3A_183, %mul3A_378 : i32
          %add3A_380 = arith.constant 9 : i32
          %add3A_381 = arith.addi %mul3A_379, %add3A_380 : i32
          %mul3A_382 = arith.constant 16 : i32
          %mul3A_383 = arith.muli %add3A_381, %mul3A_382 : i32
          %get3A_384 = arith.index_cast %add3A_377 : i32 to index
          %get3A_385 = tpu.vector_load %run_scoped3A_3[%get3A_384] {strides = array<i32>} : memref<16384xi32, #tpu.memory_space<vmem>>, vector<16xi32>,
          %gather3A_386 = tpu.vector_load_idx %run_scoped3A[%get3A_385] : memref<100000xf32, #tpu.memory_space<vmem>>[vector<16xi32>], vector<16xf32>,
          %swap3A_387 = arith.constant 1 : i32
          %swap3A_388 = arith.index_cast %swap3A_387 : i32 to index
          %swap3A_389 = arith.index_cast %mul3A_383 : i32 to index
          %swap3A_390 = tpu.vector_load %run_scoped3A_4[%swap3A_388, %swap3A_389] {strides = array<i32>} : memref<2x4096xf32, #tpu.memory_space<vmem>>, vector<16xf32>,
          tpu.vector_store %run_scoped3A_4[%swap3A_388, %swap3A_389], %gather3A_386 {strides = array<i32>} : memref<2x4096xf32, #tpu.memory_space<vmem>>, vector<16xf32>,
          %mul3A_391 = arith.constant 16 : i32
          %mul3A_392 = arith.muli %scan3A_183, %mul3A_391 : i32
          %add3A_393 = arith.constant 10 : i32
          %add3A_394 = arith.addi %mul3A_392, %add3A_393 : i32
          %mul3A_395 = arith.constant 16 : i32
          %mul3A_396 = arith.muli %add3A_394, %mul3A_395 : i32
          %add3A_397 = arith.constant 4096 : i32
          %add3A_398 = arith.addi %add3A_397, %mul3A_396 : i32
          %mul3A_399 = arith.constant 16 : i32
          %mul3A_400 = arith.muli %scan3A_183, %mul3A_399 : i32
          %add3A_401 = arith.constant 10 : i32
          %add3A_402 = arith.addi %mul3A_400, %add3A_401 : i32
          %mul3A_403 = arith.constant 16 : i32
          %mul3A_404 = arith.muli %add3A_402, %mul3A_403 : i32
          %get3A_405 = arith.index_cast %add3A_398 : i32 to index
          %get3A_406 = tpu.vector_load %run_scoped3A_3[%get3A_405] {strides = array<i32>} : memref<16384xi32, #tpu.memory_space<vmem>>, vector<16xi32>,
          %gather3A_407 = tpu.vector_load_idx %run_scoped3A[%get3A_406] : memref<100000xf32, #tpu.memory_space<vmem>>[vector<16xi32>], vector<16xf32>,
          %swap3A_408 = arith.constant 1 : i32
          %swap3A_409 = arith.index_cast %swap3A_408 : i32 to index
          %swap3A_410 = arith.index_cast %mul3A_404 : i32 to index
          %swap3A_411 = tpu.vector_load %run_scoped3A_4[%swap3A_409, %swap3A_410] {strides = array<i32>} : memref<2x4096xf32, #tpu.memory_space<vmem>>, vector<16xf32>,
          tpu.vector_store %run_scoped3A_4[%swap3A_409, %swap3A_410], %gather3A_407 {strides = array<i32>} : memref<2x4096xf32, #tpu.memory_space<vmem>>, vector<16xf32>,
          %mul3A_412 = arith.constant 16 : i32
          %mul3A_413 = arith.muli %scan3A_183, %mul3A_412 : i32
          %add3A_414 = arith.constant 11 : i32
          %add3A_415 = arith.addi %mul3A_413, %add3A_414 : i32
          %mul3A_416 = arith.constant 16 : i32
          %mul3A_417 = arith.muli %add3A_415, %mul3A_416 : i32
          %add3A_418 = arith.constant 4096 : i32
          %add3A_419 = arith.addi %add3A_418, %mul3A_417 : i32
          %mul3A_420 = arith.constant 16 : i32
          %mul3A_421 = arith.muli %scan3A_183, %mul3A_420 : i32
          %add3A_422 = arith.constant 11 : i32
          %add3A_423 = arith.addi %mul3A_421, %add3A_422 : i32
          %mul3A_424 = arith.constant 16 : i32
          %mul3A_425 = arith.muli %add3A_423, %mul3A_424 : i32
          %get3A_426 = arith.index_cast %add3A_419 : i32 to index
          %get3A_427 = tpu.vector_load %run_scoped3A_3[%get3A_426] {strides = array<i32>} : memref<16384xi32, #tpu.memory_space<vmem>>, vector<16xi32>,
          %gather3A_428 = tpu.vector_load_idx %run_scoped3A[%get3A_427] : memref<100000xf32, #tpu.memory_space<vmem>>[vector<16xi32>], vector<16xf32>,
          %swap3A_429 = arith.constant 1 : i32
          %swap3A_430 = arith.index_cast %swap3A_429 : i32 to index
          %swap3A_431 = arith.index_cast %mul3A_425 : i32 to index
          %swap3A_432 = tpu.vector_load %run_scoped3A_4[%swap3A_430, %swap3A_431] {strides = array<i32>} : memref<2x4096xf32, #tpu.memory_space<vmem>>, vector<16xf32>,
          tpu.vector_store %run_scoped3A_4[%swap3A_430, %swap3A_431], %gather3A_428 {strides = array<i32>} : memref<2x4096xf32, #tpu.memory_space<vmem>>, vector<16xf32>,
          %mul3A_433 = arith.constant 16 : i32
          %mul3A_434 = arith.muli %scan3A_183, %mul3A_433 : i32
          %add3A_435 = arith.constant 12 : i32
          %add3A_436 = arith.addi %mul3A_434, %add3A_435 : i32
          %mul3A_437 = arith.constant 16 : i32
          %mul3A_438 = arith.muli %add3A_436, %mul3A_437 : i32
          %add3A_439 = arith.constant 4096 : i32
          %add3A_440 = arith.addi %add3A_439, %mul3A_438 : i32
          %mul3A_441 = arith.constant 16 : i32
          %mul3A_442 = arith.muli %scan3A_183, %mul3A_441 : i32
          %add3A_443 = arith.constant 12 : i32
          %add3A_444 = arith.addi %mul3A_442, %add3A_443 : i32
          %mul3A_445 = arith.constant 16 : i32
          %mul3A_446 = arith.muli %add3A_444, %mul3A_445 : i32
          %get3A_447 = arith.index_cast %add3A_440 : i32 to index
          %get3A_448 = tpu.vector_load %run_scoped3A_3[%get3A_447] {strides = array<i32>} : memref<16384xi32, #tpu.memory_space<vmem>>, vector<16xi32>,
          %gather3A_449 = tpu.vector_load_idx %run_scoped3A[%get3A_448] : memref<100000xf32, #tpu.memory_space<vmem>>[vector<16xi32>], vector<16xf32>,
          %swap3A_450 = arith.constant 1 : i32
          %swap3A_451 = arith.index_cast %swap3A_450 : i32 to index
          %swap3A_452 = arith.index_cast %mul3A_446 : i32 to index
          %swap3A_453 = tpu.vector_load %run_scoped3A_4[%swap3A_451, %swap3A_452] {strides = array<i32>} : memref<2x4096xf32, #tpu.memory_space<vmem>>, vector<16xf32>,
          tpu.vector_store %run_scoped3A_4[%swap3A_451, %swap3A_452], %gather3A_449 {strides = array<i32>} : memref<2x4096xf32, #tpu.memory_space<vmem>>, vector<16xf32>,
          %mul3A_454 = arith.constant 16 : i32
          %mul3A_455 = arith.muli %scan3A_183, %mul3A_454 : i32
          %add3A_456 = arith.constant 13 : i32
          %add3A_457 = arith.addi %mul3A_455, %add3A_456 : i32
          %mul3A_458 = arith.constant 16 : i32
          %mul3A_459 = arith.muli %add3A_457, %mul3A_458 : i32
          %add3A_460 = arith.constant 4096 : i32
          %add3A_461 = arith.addi %add3A_460, %mul3A_459 : i32
          %mul3A_462 = arith.constant 16 : i32
          %mul3A_463 = arith.muli %scan3A_183, %mul3A_462 : i32
          %add3A_464 = arith.constant 13 : i32
          %add3A_465 = arith.addi %mul3A_463, %add3A_464 : i32
          %mul3A_466 = arith.constant 16 : i32
          %mul3A_467 = arith.muli %add3A_465, %mul3A_466 : i32
          %get3A_468 = arith.index_cast %add3A_461 : i32 to index
          %get3A_469 = tpu.vector_load %run_scoped3A_3[%get3A_468] {strides = array<i32>} : memref<16384xi32, #tpu.memory_space<vmem>>, vector<16xi32>,
          %gather3A_470 = tpu.vector_load_idx %run_scoped3A[%get3A_469] : memref<100000xf32, #tpu.memory_space<vmem>>[vector<16xi32>], vector<16xf32>,
          %swap3A_471 = arith.constant 1 : i32
          %swap3A_472 = arith.index_cast %swap3A_471 : i32 to index
          %swap3A_473 = arith.index_cast %mul3A_467 : i32 to index
          %swap3A_474 = tpu.vector_load %run_scoped3A_4[%swap3A_472, %swap3A_473] {strides = array<i32>} : memref<2x4096xf32, #tpu.memory_space<vmem>>, vector<16xf32>,
          tpu.vector_store %run_scoped3A_4[%swap3A_472, %swap3A_473], %gather3A_470 {strides = array<i32>} : memref<2x4096xf32, #tpu.memory_space<vmem>>, vector<16xf32>,
          %mul3A_475 = arith.constant 16 : i32
          %mul3A_476 = arith.muli %scan3A_183, %mul3A_475 : i32
          %add3A_477 = arith.constant 14 : i32
          %add3A_478 = arith.addi %mul3A_476, %add3A_477 : i32
          %mul3A_479 = arith.constant 16 : i32
          %mul3A_480 = arith.muli %add3A_478, %mul3A_479 : i32
          %add3A_481 = arith.constant 4096 : i32
          %add3A_482 = arith.addi %add3A_481, %mul3A_480 : i32
          %mul3A_483 = arith.constant 16 : i32
          %mul3A_484 = arith.muli %scan3A_183, %mul3A_483 : i32
          %add3A_485 = arith.constant 14 : i32
          %add3A_486 = arith.addi %mul3A_484, %add3A_485 : i32
          %mul3A_487 = arith.constant 16 : i32
          %mul3A_488 = arith.muli %add3A_486, %mul3A_487 : i32
          %get3A_489 = arith.index_cast %add3A_482 : i32 to index
          %get3A_490 = tpu.vector_load %run_scoped3A_3[%get3A_489] {strides = array<i32>} : memref<16384xi32, #tpu.memory_space<vmem>>, vector<16xi32>,
          %gather3A_491 = tpu.vector_load_idx %run_scoped3A[%get3A_490] : memref<100000xf32, #tpu.memory_space<vmem>>[vector<16xi32>], vector<16xf32>,
          %swap3A_492 = arith.constant 1 : i32
          %swap3A_493 = arith.index_cast %swap3A_492 : i32 to index
          %swap3A_494 = arith.index_cast %mul3A_488 : i32 to index
          %swap3A_495 = tpu.vector_load %run_scoped3A_4[%swap3A_493, %swap3A_494] {strides = array<i32>} : memref<2x4096xf32, #tpu.memory_space<vmem>>, vector<16xf32>,
          tpu.vector_store %run_scoped3A_4[%swap3A_493, %swap3A_494], %gather3A_491 {strides = array<i32>} : memref<2x4096xf32, #tpu.memory_space<vmem>>, vector<16xf32>,
          %mul3A_496 = arith.constant 16 : i32
          %mul3A_497 = arith.muli %scan3A_183, %mul3A_496 : i32
          %add3A_498 = arith.constant 15 : i32
          %add3A_499 = arith.addi %mul3A_497, %add3A_498 : i32
          %mul3A_500 = arith.constant 16 : i32
          %mul3A_501 = arith.muli %add3A_499, %mul3A_500 : i32
          %add3A_502 = arith.constant 4096 : i32
          %add3A_503 = arith.addi %add3A_502, %mul3A_501 : i32
          %mul3A_504 = arith.constant 16 : i32
          %mul3A_505 = arith.muli %scan3A_183, %mul3A_504 : i32
          %add3A_506 = arith.constant 15 : i32
          %add3A_507 = arith.addi %mul3A_505, %add3A_506 : i32
          %mul3A_508 = arith.constant 16 : i32
          %mul3A_509 = arith.muli %add3A_507, %mul3A_508 : i32
          %get3A_510 = arith.index_cast %add3A_503 : i32 to index
          %get3A_511 = tpu.vector_load %run_scoped3A_3[%get3A_510] {strides = array<i32>} : memref<16384xi32, #tpu.memory_space<vmem>>, vector<16xi32>,
          %gather3A_512 = tpu.vector_load_idx %run_scoped3A[%get3A_511] : memref<100000xf32, #tpu.memory_space<vmem>>[vector<16xi32>], vector<16xf32>,
          %swap3A_513 = arith.constant 1 : i32
          %swap3A_514 = arith.index_cast %swap3A_513 : i32 to index
          %swap3A_515 = arith.index_cast %mul3A_509 : i32 to index
          %swap3A_516 = tpu.vector_load %run_scoped3A_4[%swap3A_514, %swap3A_515] {strides = array<i32>} : memref<2x4096xf32, #tpu.memory_space<vmem>>, vector<16xf32>,
          tpu.vector_store %run_scoped3A_4[%swap3A_514, %swap3A_515], %gather3A_512 {strides = array<i32>} : memref<2x4096xf32, #tpu.memory_space<vmem>>, vector<16xf32>,
        }
        %scan3A_107 = arith.constant 16 : i32
        %dma_start3A_108 = arith.constant 1 : i32
        %dma_start3A_109 = arith.constant 0 : i32
        %dma_start3A_110 = tpu.memref_slice %run_scoped3A_4[%dma_start3A_108, %dma_start3A_109] : memref<2x4096xf32, #tpu.memory_space<vmem>> -> memref<1x4096xf32, #tpu.memory_space<vmem>>
        %dma_start3A_111 = tpu.memref_squeeze %dma_start3A_110 : memref<1x4096xf32, #tpu.memory_space<vmem>> -> memref<4096xf32, #tpu.memory_space<vmem>>
        %dma_start3A_112 = arith.constant 4096 : i32
        %dma_start3A_113 = tpu.memref_slice %arg7[%add3A_62, %dma_start3A_112] : memref<400x16384xf32, #tpu.memory_space<hbm>> -> memref<1x4096xf32, #tpu.memory_space<hbm>>
        %dma_start3A_114 = tpu.memref_squeeze %dma_start3A_113 : memref<1x4096xf32, #tpu.memory_space<hbm>> -> memref<4096xf32, #tpu.memory_space<hbm>>
        %dma_start3A_115 = arith.constant 4096 : i32
        %dma_start3A_116 = tpu.memref_slice %arg7[%add3A_62, %dma_start3A_115] : memref<400x16384xf32, #tpu.memory_space<hbm>> -> memref<1x4096xf32, #tpu.memory_space<hbm>>
        %dma_start3A_117 = tpu.memref_squeeze %dma_start3A_116 : memref<1x4096xf32, #tpu.memory_space<hbm>> -> memref<4096xf32, #tpu.memory_space<hbm>>
        %dma_start3A_118 = arith.constant 0 : i32
        %dma_start3A_119 = tpu.memref_slice %run_scoped3A_4[%dma_start3A_108, %dma_start3A_118] : memref<2x4096xf32, #tpu.memory_space<vmem>> -> memref<1x4096xf32, #tpu.memory_space<vmem>>
        %dma_start3A_120 = tpu.memref_squeeze %dma_start3A_119 : memref<1x4096xf32, #tpu.memory_space<vmem>> -> memref<4096xf32, #tpu.memory_space<vmem>>
        tpu.enqueue_dma source(%dma_start3A_120 : memref<4096xf32, #tpu.memory_space<vmem>>) target(%dma_start3A_117 : memref<4096xf32, #tpu.memory_space<hbm>>) target_semaphore(%run_scoped3A_6 : memref<!tpu.dma_semaphore, #tpu.memory_space<semaphore_mem>>)
        %mul3A_121 = arith.constant 4 : i32
        %mul3A_122 = arith.muli %while3A_61, %mul3A_121 : i32
        %add3A_123 = arith.constant 2 : i32
        %add3A_124 = arith.addi %mul3A_122, %add3A_123 : i32
        %gt3A_125 = arith.constant 1 : i32
        %gt3A_126 = arith.cmpi sgt, %add3A_124, %gt3A_125 : i32
        %convert_element_type3A_127 = arith.extui %gt3A_126 : i1 to i32
        %cond3A_128 = arith.constant 0 : i32
        %cond3A_129 = arith.cmpi ne, %convert_element_type3A_127, %cond3A_128 : i32
        scf.if %cond3A_129 {
          %dma_wait3A_183 = arith.constant 0 : i32
          %dma_wait3A_184 = arith.constant 0 : i32
          %dma_wait3A_185 = tpu.memref_slice %run_scoped3A_4[%dma_wait3A_183, %dma_wait3A_184] : memref<2x4096xf32, #tpu.memory_space<vmem>> -> memref<1x4096xf32, #tpu.memory_space<vmem>>
          %dma_wait3A_186 = tpu.memref_squeeze %dma_wait3A_185 : memref<1x4096xf32, #tpu.memory_space<vmem>> -> memref<4096xf32, #tpu.memory_space<vmem>>
          %dma_wait3A_187 = arith.constant 8192 : i32
          %dma_wait3A_188 = tpu.memref_slice %arg7[%add3A_62, %dma_wait3A_187] : memref<400x16384xf32, #tpu.memory_space<hbm>> -> memref<1x4096xf32, #tpu.memory_space<hbm>>
          %dma_wait3A_189 = tpu.memref_squeeze %dma_wait3A_188 : memref<1x4096xf32, #tpu.memory_space<hbm>> -> memref<4096xf32, #tpu.memory_space<hbm>>
          %dma_wait3A_190 = arith.constant 8192 : i32
          %dma_wait3A_191 = tpu.memref_slice %arg7[%add3A_62, %dma_wait3A_190] : memref<400x16384xf32, #tpu.memory_space<hbm>> -> memref<1x4096xf32, #tpu.memory_space<hbm>>
          %dma_wait3A_192 = tpu.memref_squeeze %dma_wait3A_191 : memref<1x4096xf32, #tpu.memory_space<hbm>> -> memref<4096xf32, #tpu.memory_space<hbm>>
          %dma_wait3A_193 = arith.constant 0 : i32
          %dma_wait3A_194 = tpu.memref_slice %run_scoped3A_4[%dma_wait3A_183, %dma_wait3A_193] : memref<2x4096xf32, #tpu.memory_space<vmem>> -> memref<1x4096xf32, #tpu.memory_space<vmem>>
          %dma_wait3A_195 = tpu.memref_squeeze %dma_wait3A_194 : memref<1x4096xf32, #tpu.memory_space<vmem>> -> memref<4096xf32, #tpu.memory_space<vmem>>
          tpu.wait_dma2 semaphore(%run_scoped3A_6 : memref<!tpu.dma_semaphore, #tpu.memory_space<semaphore_mem>>) src(%dma_wait3A_195 : memref<4096xf32, #tpu.memory_space<vmem>>) dst(%dma_wait3A_192 : memref<4096xf32, #tpu.memory_space<hbm>>)
        } else {
        }
        %scan3A_130 = arith.constant 0 : i32
        %scan3A_131 = arith.constant 0 : i32
        %scan3A_132 = arith.constant 16 : i32
        %scan3A_133 = arith.addi %scan3A_131, %scan3A_132 : i32
        %scan3A_134 = arith.constant 1 : i32
        scf.for %scan3A_183 = %scan3A_131 to %scan3A_133 step %scan3A_134  : i32 {
          %mul3A_184 = arith.constant 16 : i32
          %mul3A_185 = arith.muli %scan3A_183, %mul3A_184 : i32
          %add3A_186 = arith.constant 0 : i32
          %add3A_187 = arith.addi %mul3A_185, %add3A_186 : i32
          %mul3A_188 = arith.constant 16 : i32
          %mul3A_189 = arith.muli %add3A_187, %mul3A_188 : i32
          %add3A_190 = arith.constant 8192 : i32
          %add3A_191 = arith.addi %add3A_190, %mul3A_189 : i32
          %mul3A_192 = arith.constant 16 : i32
          %mul3A_193 = arith.muli %scan3A_183, %mul3A_192 : i32
          %add3A_194 = arith.constant 0 : i32
          %add3A_195 = arith.addi %mul3A_193, %add3A_194 : i32
          %mul3A_196 = arith.constant 16 : i32
          %mul3A_197 = arith.muli %add3A_195, %mul3A_196 : i32
          %get3A = arith.index_cast %add3A_191 : i32 to index
          %get3A_198 = tpu.vector_load %run_scoped3A_3[%get3A] {strides = array<i32>} : memref<16384xi32, #tpu.memory_space<vmem>>, vector<16xi32>,
          %gather3A = tpu.vector_load_idx %run_scoped3A[%get3A_198] : memref<100000xf32, #tpu.memory_space<vmem>>[vector<16xi32>], vector<16xf32>,
          %swap3A = arith.constant 0 : i32
          %swap3A_199 = arith.index_cast %swap3A : i32 to index
          %swap3A_200 = arith.index_cast %mul3A_197 : i32 to index
          %swap3A_201 = tpu.vector_load %run_scoped3A_4[%swap3A_199, %swap3A_200] {strides = array<i32>} : memref<2x4096xf32, #tpu.memory_space<vmem>>, vector<16xf32>,
          tpu.vector_store %run_scoped3A_4[%swap3A_199, %swap3A_200], %gather3A {strides = array<i32>} : memref<2x4096xf32, #tpu.memory_space<vmem>>, vector<16xf32>,
          %mul3A_202 = arith.constant 16 : i32
          %mul3A_203 = arith.muli %scan3A_183, %mul3A_202 : i32
          %add3A_204 = arith.constant 1 : i32
          %add3A_205 = arith.addi %mul3A_203, %add3A_204 : i32
          %mul3A_206 = arith.constant 16 : i32
          %mul3A_207 = arith.muli %add3A_205, %mul3A_206 : i32
          %add3A_208 = arith.constant 8192 : i32
          %add3A_209 = arith.addi %add3A_208, %mul3A_207 : i32
          %mul3A_210 = arith.constant 16 : i32
          %mul3A_211 = arith.muli %scan3A_183, %mul3A_210 : i32
          %add3A_212 = arith.constant 1 : i32
          %add3A_213 = arith.addi %mul3A_211, %add3A_212 : i32
          %mul3A_214 = arith.constant 16 : i32
          %mul3A_215 = arith.muli %add3A_213, %mul3A_214 : i32
          %get3A_216 = arith.index_cast %add3A_209 : i32 to index
          %get3A_217 = tpu.vector_load %run_scoped3A_3[%get3A_216] {strides = array<i32>} : memref<16384xi32, #tpu.memory_space<vmem>>, vector<16xi32>,
          %gather3A_218 = tpu.vector_load_idx %run_scoped3A[%get3A_217] : memref<100000xf32, #tpu.memory_space<vmem>>[vector<16xi32>], vector<16xf32>,
          %swap3A_219 = arith.constant 0 : i32
          %swap3A_220 = arith.index_cast %swap3A_219 : i32 to index
          %swap3A_221 = arith.index_cast %mul3A_215 : i32 to index
          %swap3A_222 = tpu.vector_load %run_scoped3A_4[%swap3A_220, %swap3A_221] {strides = array<i32>} : memref<2x4096xf32, #tpu.memory_space<vmem>>, vector<16xf32>,
          tpu.vector_store %run_scoped3A_4[%swap3A_220, %swap3A_221], %gather3A_218 {strides = array<i32>} : memref<2x4096xf32, #tpu.memory_space<vmem>>, vector<16xf32>,
          %mul3A_223 = arith.constant 16 : i32
          %mul3A_224 = arith.muli %scan3A_183, %mul3A_223 : i32
          %add3A_225 = arith.constant 2 : i32
          %add3A_226 = arith.addi %mul3A_224, %add3A_225 : i32
          %mul3A_227 = arith.constant 16 : i32
          %mul3A_228 = arith.muli %add3A_226, %mul3A_227 : i32
          %add3A_229 = arith.constant 8192 : i32
          %add3A_230 = arith.addi %add3A_229, %mul3A_228 : i32
          %mul3A_231 = arith.constant 16 : i32
          %mul3A_232 = arith.muli %scan3A_183, %mul3A_231 : i32
          %add3A_233 = arith.constant 2 : i32
          %add3A_234 = arith.addi %mul3A_232, %add3A_233 : i32
          %mul3A_235 = arith.constant 16 : i32
          %mul3A_236 = arith.muli %add3A_234, %mul3A_235 : i32
          %get3A_237 = arith.index_cast %add3A_230 : i32 to index
          %get3A_238 = tpu.vector_load %run_scoped3A_3[%get3A_237] {strides = array<i32>} : memref<16384xi32, #tpu.memory_space<vmem>>, vector<16xi32>,
          %gather3A_239 = tpu.vector_load_idx %run_scoped3A[%get3A_238] : memref<100000xf32, #tpu.memory_space<vmem>>[vector<16xi32>], vector<16xf32>,
          %swap3A_240 = arith.constant 0 : i32
          %swap3A_241 = arith.index_cast %swap3A_240 : i32 to index
          %swap3A_242 = arith.index_cast %mul3A_236 : i32 to index
          %swap3A_243 = tpu.vector_load %run_scoped3A_4[%swap3A_241, %swap3A_242] {strides = array<i32>} : memref<2x4096xf32, #tpu.memory_space<vmem>>, vector<16xf32>,
          tpu.vector_store %run_scoped3A_4[%swap3A_241, %swap3A_242], %gather3A_239 {strides = array<i32>} : memref<2x4096xf32, #tpu.memory_space<vmem>>, vector<16xf32>,
          %mul3A_244 = arith.constant 16 : i32
          %mul3A_245 = arith.muli %scan3A_183, %mul3A_244 : i32
          %add3A_246 = arith.constant 3 : i32
          %add3A_247 = arith.addi %mul3A_245, %add3A_246 : i32
          %mul3A_248 = arith.constant 16 : i32
          %mul3A_249 = arith.muli %add3A_247, %mul3A_248 : i32
          %add3A_250 = arith.constant 8192 : i32
          %add3A_251 = arith.addi %add3A_250, %mul3A_249 : i32
          %mul3A_252 = arith.constant 16 : i32
          %mul3A_253 = arith.muli %scan3A_183, %mul3A_252 : i32
          %add3A_254 = arith.constant 3 : i32
          %add3A_255 = arith.addi %mul3A_253, %add3A_254 : i32
          %mul3A_256 = arith.constant 16 : i32
          %mul3A_257 = arith.muli %add3A_255, %mul3A_256 : i32
          %get3A_258 = arith.index_cast %add3A_251 : i32 to index
          %get3A_259 = tpu.vector_load %run_scoped3A_3[%get3A_258] {strides = array<i32>} : memref<16384xi32, #tpu.memory_space<vmem>>, vector<16xi32>,
          %gather3A_260 = tpu.vector_load_idx %run_scoped3A[%get3A_259] : memref<100000xf32, #tpu.memory_space<vmem>>[vector<16xi32>], vector<16xf32>,
          %swap3A_261 = arith.constant 0 : i32
          %swap3A_262 = arith.index_cast %swap3A_261 : i32 to index
          %swap3A_263 = arith.index_cast %mul3A_257 : i32 to index
          %swap3A_264 = tpu.vector_load %run_scoped3A_4[%swap3A_262, %swap3A_263] {strides = array<i32>} : memref<2x4096xf32, #tpu.memory_space<vmem>>, vector<16xf32>,
          tpu.vector_store %run_scoped3A_4[%swap3A_262, %swap3A_263], %gather3A_260 {strides = array<i32>} : memref<2x4096xf32, #tpu.memory_space<vmem>>, vector<16xf32>,
          %mul3A_265 = arith.constant 16 : i32
          %mul3A_266 = arith.muli %scan3A_183, %mul3A_265 : i32
          %add3A_267 = arith.constant 4 : i32
          %add3A_268 = arith.addi %mul3A_266, %add3A_267 : i32
          %mul3A_269 = arith.constant 16 : i32
          %mul3A_270 = arith.muli %add3A_268, %mul3A_269 : i32
          %add3A_271 = arith.constant 8192 : i32
          %add3A_272 = arith.addi %add3A_271, %mul3A_270 : i32
          %mul3A_273 = arith.constant 16 : i32
          %mul3A_274 = arith.muli %scan3A_183, %mul3A_273 : i32
          %add3A_275 = arith.constant 4 : i32
          %add3A_276 = arith.addi %mul3A_274, %add3A_275 : i32
          %mul3A_277 = arith.constant 16 : i32
          %mul3A_278 = arith.muli %add3A_276, %mul3A_277 : i32
          %get3A_279 = arith.index_cast %add3A_272 : i32 to index
          %get3A_280 = tpu.vector_load %run_scoped3A_3[%get3A_279] {strides = array<i32>} : memref<16384xi32, #tpu.memory_space<vmem>>, vector<16xi32>,
          %gather3A_281 = tpu.vector_load_idx %run_scoped3A[%get3A_280] : memref<100000xf32, #tpu.memory_space<vmem>>[vector<16xi32>], vector<16xf32>,
          %swap3A_282 = arith.constant 0 : i32
          %swap3A_283 = arith.index_cast %swap3A_282 : i32 to index
          %swap3A_284 = arith.index_cast %mul3A_278 : i32 to index
          %swap3A_285 = tpu.vector_load %run_scoped3A_4[%swap3A_283, %swap3A_284] {strides = array<i32>} : memref<2x4096xf32, #tpu.memory_space<vmem>>, vector<16xf32>,
          tpu.vector_store %run_scoped3A_4[%swap3A_283, %swap3A_284], %gather3A_281 {strides = array<i32>} : memref<2x4096xf32, #tpu.memory_space<vmem>>, vector<16xf32>,
          %mul3A_286 = arith.constant 16 : i32
          %mul3A_287 = arith.muli %scan3A_183, %mul3A_286 : i32
          %add3A_288 = arith.constant 5 : i32
          %add3A_289 = arith.addi %mul3A_287, %add3A_288 : i32
          %mul3A_290 = arith.constant 16 : i32
          %mul3A_291 = arith.muli %add3A_289, %mul3A_290 : i32
          %add3A_292 = arith.constant 8192 : i32
          %add3A_293 = arith.addi %add3A_292, %mul3A_291 : i32
          %mul3A_294 = arith.constant 16 : i32
          %mul3A_295 = arith.muli %scan3A_183, %mul3A_294 : i32
          %add3A_296 = arith.constant 5 : i32
          %add3A_297 = arith.addi %mul3A_295, %add3A_296 : i32
          %mul3A_298 = arith.constant 16 : i32
          %mul3A_299 = arith.muli %add3A_297, %mul3A_298 : i32
          %get3A_300 = arith.index_cast %add3A_293 : i32 to index
          %get3A_301 = tpu.vector_load %run_scoped3A_3[%get3A_300] {strides = array<i32>} : memref<16384xi32, #tpu.memory_space<vmem>>, vector<16xi32>,
          %gather3A_302 = tpu.vector_load_idx %run_scoped3A[%get3A_301] : memref<100000xf32, #tpu.memory_space<vmem>>[vector<16xi32>], vector<16xf32>,
          %swap3A_303 = arith.constant 0 : i32
          %swap3A_304 = arith.index_cast %swap3A_303 : i32 to index
          %swap3A_305 = arith.index_cast %mul3A_299 : i32 to index
          %swap3A_306 = tpu.vector_load %run_scoped3A_4[%swap3A_304, %swap3A_305] {strides = array<i32>} : memref<2x4096xf32, #tpu.memory_space<vmem>>, vector<16xf32>,
          tpu.vector_store %run_scoped3A_4[%swap3A_304, %swap3A_305], %gather3A_302 {strides = array<i32>} : memref<2x4096xf32, #tpu.memory_space<vmem>>, vector<16xf32>,
          %mul3A_307 = arith.constant 16 : i32
          %mul3A_308 = arith.muli %scan3A_183, %mul3A_307 : i32
          %add3A_309 = arith.constant 6 : i32
          %add3A_310 = arith.addi %mul3A_308, %add3A_309 : i32
          %mul3A_311 = arith.constant 16 : i32
          %mul3A_312 = arith.muli %add3A_310, %mul3A_311 : i32
          %add3A_313 = arith.constant 8192 : i32
          %add3A_314 = arith.addi %add3A_313, %mul3A_312 : i32
          %mul3A_315 = arith.constant 16 : i32
          %mul3A_316 = arith.muli %scan3A_183, %mul3A_315 : i32
          %add3A_317 = arith.constant 6 : i32
          %add3A_318 = arith.addi %mul3A_316, %add3A_317 : i32
          %mul3A_319 = arith.constant 16 : i32
          %mul3A_320 = arith.muli %add3A_318, %mul3A_319 : i32
          %get3A_321 = arith.index_cast %add3A_314 : i32 to index
          %get3A_322 = tpu.vector_load %run_scoped3A_3[%get3A_321] {strides = array<i32>} : memref<16384xi32, #tpu.memory_space<vmem>>, vector<16xi32>,
          %gather3A_323 = tpu.vector_load_idx %run_scoped3A[%get3A_322] : memref<100000xf32, #tpu.memory_space<vmem>>[vector<16xi32>], vector<16xf32>,
          %swap3A_324 = arith.constant 0 : i32
          %swap3A_325 = arith.index_cast %swap3A_324 : i32 to index
          %swap3A_326 = arith.index_cast %mul3A_320 : i32 to index
          %swap3A_327 = tpu.vector_load %run_scoped3A_4[%swap3A_325, %swap3A_326] {strides = array<i32>} : memref<2x4096xf32, #tpu.memory_space<vmem>>, vector<16xf32>,
          tpu.vector_store %run_scoped3A_4[%swap3A_325, %swap3A_326], %gather3A_323 {strides = array<i32>} : memref<2x4096xf32, #tpu.memory_space<vmem>>, vector<16xf32>,
          %mul3A_328 = arith.constant 16 : i32
          %mul3A_329 = arith.muli %scan3A_183, %mul3A_328 : i32
          %add3A_330 = arith.constant 7 : i32
          %add3A_331 = arith.addi %mul3A_329, %add3A_330 : i32
          %mul3A_332 = arith.constant 16 : i32
          %mul3A_333 = arith.muli %add3A_331, %mul3A_332 : i32
          %add3A_334 = arith.constant 8192 : i32
          %add3A_335 = arith.addi %add3A_334, %mul3A_333 : i32
          %mul3A_336 = arith.constant 16 : i32
          %mul3A_337 = arith.muli %scan3A_183, %mul3A_336 : i32
          %add3A_338 = arith.constant 7 : i32
          %add3A_339 = arith.addi %mul3A_337, %add3A_338 : i32
          %mul3A_340 = arith.constant 16 : i32
          %mul3A_341 = arith.muli %add3A_339, %mul3A_340 : i32
          %get3A_342 = arith.index_cast %add3A_335 : i32 to index
          %get3A_343 = tpu.vector_load %run_scoped3A_3[%get3A_342] {strides = array<i32>} : memref<16384xi32, #tpu.memory_space<vmem>>, vector<16xi32>,
          %gather3A_344 = tpu.vector_load_idx %run_scoped3A[%get3A_343] : memref<100000xf32, #tpu.memory_space<vmem>>[vector<16xi32>], vector<16xf32>,
          %swap3A_345 = arith.constant 0 : i32
          %swap3A_346 = arith.index_cast %swap3A_345 : i32 to index
          %swap3A_347 = arith.index_cast %mul3A_341 : i32 to index
          %swap3A_348 = tpu.vector_load %run_scoped3A_4[%swap3A_346, %swap3A_347] {strides = array<i32>} : memref<2x4096xf32, #tpu.memory_space<vmem>>, vector<16xf32>,
          tpu.vector_store %run_scoped3A_4[%swap3A_346, %swap3A_347], %gather3A_344 {strides = array<i32>} : memref<2x4096xf32, #tpu.memory_space<vmem>>, vector<16xf32>,
          %mul3A_349 = arith.constant 16 : i32
          %mul3A_350 = arith.muli %scan3A_183, %mul3A_349 : i32
          %add3A_351 = arith.constant 8 : i32
          %add3A_352 = arith.addi %mul3A_350, %add3A_351 : i32
          %mul3A_353 = arith.constant 16 : i32
          %mul3A_354 = arith.muli %add3A_352, %mul3A_353 : i32
          %add3A_355 = arith.constant 8192 : i32
          %add3A_356 = arith.addi %add3A_355, %mul3A_354 : i32
          %mul3A_357 = arith.constant 16 : i32
          %mul3A_358 = arith.muli %scan3A_183, %mul3A_357 : i32
          %add3A_359 = arith.constant 8 : i32
          %add3A_360 = arith.addi %mul3A_358, %add3A_359 : i32
          %mul3A_361 = arith.constant 16 : i32
          %mul3A_362 = arith.muli %add3A_360, %mul3A_361 : i32
          %get3A_363 = arith.index_cast %add3A_356 : i32 to index
          %get3A_364 = tpu.vector_load %run_scoped3A_3[%get3A_363] {strides = array<i32>} : memref<16384xi32, #tpu.memory_space<vmem>>, vector<16xi32>,
          %gather3A_365 = tpu.vector_load_idx %run_scoped3A[%get3A_364] : memref<100000xf32, #tpu.memory_space<vmem>>[vector<16xi32>], vector<16xf32>,
          %swap3A_366 = arith.constant 0 : i32
          %swap3A_367 = arith.index_cast %swap3A_366 : i32 to index
          %swap3A_368 = arith.index_cast %mul3A_362 : i32 to index
          %swap3A_369 = tpu.vector_load %run_scoped3A_4[%swap3A_367, %swap3A_368] {strides = array<i32>} : memref<2x4096xf32, #tpu.memory_space<vmem>>, vector<16xf32>,
          tpu.vector_store %run_scoped3A_4[%swap3A_367, %swap3A_368], %gather3A_365 {strides = array<i32>} : memref<2x4096xf32, #tpu.memory_space<vmem>>, vector<16xf32>,
          %mul3A_370 = arith.constant 16 : i32
          %mul3A_371 = arith.muli %scan3A_183, %mul3A_370 : i32
          %add3A_372 = arith.constant 9 : i32
          %add3A_373 = arith.addi %mul3A_371, %add3A_372 : i32
          %mul3A_374 = arith.constant 16 : i32
          %mul3A_375 = arith.muli %add3A_373, %mul3A_374 : i32
          %add3A_376 = arith.constant 8192 : i32
          %add3A_377 = arith.addi %add3A_376, %mul3A_375 : i32
          %mul3A_378 = arith.constant 16 : i32
          %mul3A_379 = arith.muli %scan3A_183, %mul3A_378 : i32
          %add3A_380 = arith.constant 9 : i32
          %add3A_381 = arith.addi %mul3A_379, %add3A_380 : i32
          %mul3A_382 = arith.constant 16 : i32
          %mul3A_383 = arith.muli %add3A_381, %mul3A_382 : i32
          %get3A_384 = arith.index_cast %add3A_377 : i32 to index
          %get3A_385 = tpu.vector_load %run_scoped3A_3[%get3A_384] {strides = array<i32>} : memref<16384xi32, #tpu.memory_space<vmem>>, vector<16xi32>,
          %gather3A_386 = tpu.vector_load_idx %run_scoped3A[%get3A_385] : memref<100000xf32, #tpu.memory_space<vmem>>[vector<16xi32>], vector<16xf32>,
          %swap3A_387 = arith.constant 0 : i32
          %swap3A_388 = arith.index_cast %swap3A_387 : i32 to index
          %swap3A_389 = arith.index_cast %mul3A_383 : i32 to index
          %swap3A_390 = tpu.vector_load %run_scoped3A_4[%swap3A_388, %swap3A_389] {strides = array<i32>} : memref<2x4096xf32, #tpu.memory_space<vmem>>, vector<16xf32>,
          tpu.vector_store %run_scoped3A_4[%swap3A_388, %swap3A_389], %gather3A_386 {strides = array<i32>} : memref<2x4096xf32, #tpu.memory_space<vmem>>, vector<16xf32>,
          %mul3A_391 = arith.constant 16 : i32
          %mul3A_392 = arith.muli %scan3A_183, %mul3A_391 : i32
          %add3A_393 = arith.constant 10 : i32
          %add3A_394 = arith.addi %mul3A_392, %add3A_393 : i32
          %mul3A_395 = arith.constant 16 : i32
          %mul3A_396 = arith.muli %add3A_394, %mul3A_395 : i32
          %add3A_397 = arith.constant 8192 : i32
          %add3A_398 = arith.addi %add3A_397, %mul3A_396 : i32
          %mul3A_399 = arith.constant 16 : i32
          %mul3A_400 = arith.muli %scan3A_183, %mul3A_399 : i32
          %add3A_401 = arith.constant 10 : i32
          %add3A_402 = arith.addi %mul3A_400, %add3A_401 : i32
          %mul3A_403 = arith.constant 16 : i32
          %mul3A_404 = arith.muli %add3A_402, %mul3A_403 : i32
          %get3A_405 = arith.index_cast %add3A_398 : i32 to index
          %get3A_406 = tpu.vector_load %run_scoped3A_3[%get3A_405] {strides = array<i32>} : memref<16384xi32, #tpu.memory_space<vmem>>, vector<16xi32>,
          %gather3A_407 = tpu.vector_load_idx %run_scoped3A[%get3A_406] : memref<100000xf32, #tpu.memory_space<vmem>>[vector<16xi32>], vector<16xf32>,
          %swap3A_408 = arith.constant 0 : i32
          %swap3A_409 = arith.index_cast %swap3A_408 : i32 to index
          %swap3A_410 = arith.index_cast %mul3A_404 : i32 to index
          %swap3A_411 = tpu.vector_load %run_scoped3A_4[%swap3A_409, %swap3A_410] {strides = array<i32>} : memref<2x4096xf32, #tpu.memory_space<vmem>>, vector<16xf32>,
          tpu.vector_store %run_scoped3A_4[%swap3A_409, %swap3A_410], %gather3A_407 {strides = array<i32>} : memref<2x4096xf32, #tpu.memory_space<vmem>>, vector<16xf32>,
          %mul3A_412 = arith.constant 16 : i32
          %mul3A_413 = arith.muli %scan3A_183, %mul3A_412 : i32
          %add3A_414 = arith.constant 11 : i32
          %add3A_415 = arith.addi %mul3A_413, %add3A_414 : i32
          %mul3A_416 = arith.constant 16 : i32
          %mul3A_417 = arith.muli %add3A_415, %mul3A_416 : i32
          %add3A_418 = arith.constant 8192 : i32
          %add3A_419 = arith.addi %add3A_418, %mul3A_417 : i32
          %mul3A_420 = arith.constant 16 : i32
          %mul3A_421 = arith.muli %scan3A_183, %mul3A_420 : i32
          %add3A_422 = arith.constant 11 : i32
          %add3A_423 = arith.addi %mul3A_421, %add3A_422 : i32
          %mul3A_424 = arith.constant 16 : i32
          %mul3A_425 = arith.muli %add3A_423, %mul3A_424 : i32
          %get3A_426 = arith.index_cast %add3A_419 : i32 to index
          %get3A_427 = tpu.vector_load %run_scoped3A_3[%get3A_426] {strides = array<i32>} : memref<16384xi32, #tpu.memory_space<vmem>>, vector<16xi32>,
          %gather3A_428 = tpu.vector_load_idx %run_scoped3A[%get3A_427] : memref<100000xf32, #tpu.memory_space<vmem>>[vector<16xi32>], vector<16xf32>,
          %swap3A_429 = arith.constant 0 : i32
          %swap3A_430 = arith.index_cast %swap3A_429 : i32 to index
          %swap3A_431 = arith.index_cast %mul3A_425 : i32 to index
          %swap3A_432 = tpu.vector_load %run_scoped3A_4[%swap3A_430, %swap3A_431] {strides = array<i32>} : memref<2x4096xf32, #tpu.memory_space<vmem>>, vector<16xf32>,
          tpu.vector_store %run_scoped3A_4[%swap3A_430, %swap3A_431], %gather3A_428 {strides = array<i32>} : memref<2x4096xf32, #tpu.memory_space<vmem>>, vector<16xf32>,
          %mul3A_433 = arith.constant 16 : i32
          %mul3A_434 = arith.muli %scan3A_183, %mul3A_433 : i32
          %add3A_435 = arith.constant 12 : i32
          %add3A_436 = arith.addi %mul3A_434, %add3A_435 : i32
          %mul3A_437 = arith.constant 16 : i32
          %mul3A_438 = arith.muli %add3A_436, %mul3A_437 : i32
          %add3A_439 = arith.constant 8192 : i32
          %add3A_440 = arith.addi %add3A_439, %mul3A_438 : i32
          %mul3A_441 = arith.constant 16 : i32
          %mul3A_442 = arith.muli %scan3A_183, %mul3A_441 : i32
          %add3A_443 = arith.constant 12 : i32
          %add3A_444 = arith.addi %mul3A_442, %add3A_443 : i32
          %mul3A_445 = arith.constant 16 : i32
          %mul3A_446 = arith.muli %add3A_444, %mul3A_445 : i32
          %get3A_447 = arith.index_cast %add3A_440 : i32 to index
          %get3A_448 = tpu.vector_load %run_scoped3A_3[%get3A_447] {strides = array<i32>} : memref<16384xi32, #tpu.memory_space<vmem>>, vector<16xi32>,
          %gather3A_449 = tpu.vector_load_idx %run_scoped3A[%get3A_448] : memref<100000xf32, #tpu.memory_space<vmem>>[vector<16xi32>], vector<16xf32>,
          %swap3A_450 = arith.constant 0 : i32
          %swap3A_451 = arith.index_cast %swap3A_450 : i32 to index
          %swap3A_452 = arith.index_cast %mul3A_446 : i32 to index
          %swap3A_453 = tpu.vector_load %run_scoped3A_4[%swap3A_451, %swap3A_452] {strides = array<i32>} : memref<2x4096xf32, #tpu.memory_space<vmem>>, vector<16xf32>,
          tpu.vector_store %run_scoped3A_4[%swap3A_451, %swap3A_452], %gather3A_449 {strides = array<i32>} : memref<2x4096xf32, #tpu.memory_space<vmem>>, vector<16xf32>,
          %mul3A_454 = arith.constant 16 : i32
          %mul3A_455 = arith.muli %scan3A_183, %mul3A_454 : i32
          %add3A_456 = arith.constant 13 : i32
          %add3A_457 = arith.addi %mul3A_455, %add3A_456 : i32
          %mul3A_458 = arith.constant 16 : i32
          %mul3A_459 = arith.muli %add3A_457, %mul3A_458 : i32
          %add3A_460 = arith.constant 8192 : i32
          %add3A_461 = arith.addi %add3A_460, %mul3A_459 : i32
          %mul3A_462 = arith.constant 16 : i32
          %mul3A_463 = arith.muli %scan3A_183, %mul3A_462 : i32
          %add3A_464 = arith.constant 13 : i32
          %add3A_465 = arith.addi %mul3A_463, %add3A_464 : i32
          %mul3A_466 = arith.constant 16 : i32
          %mul3A_467 = arith.muli %add3A_465, %mul3A_466 : i32
          %get3A_468 = arith.index_cast %add3A_461 : i32 to index
          %get3A_469 = tpu.vector_load %run_scoped3A_3[%get3A_468] {strides = array<i32>} : memref<16384xi32, #tpu.memory_space<vmem>>, vector<16xi32>,
          %gather3A_470 = tpu.vector_load_idx %run_scoped3A[%get3A_469] : memref<100000xf32, #tpu.memory_space<vmem>>[vector<16xi32>], vector<16xf32>,
          %swap3A_471 = arith.constant 0 : i32
          %swap3A_472 = arith.index_cast %swap3A_471 : i32 to index
          %swap3A_473 = arith.index_cast %mul3A_467 : i32 to index
          %swap3A_474 = tpu.vector_load %run_scoped3A_4[%swap3A_472, %swap3A_473] {strides = array<i32>} : memref<2x4096xf32, #tpu.memory_space<vmem>>, vector<16xf32>,
          tpu.vector_store %run_scoped3A_4[%swap3A_472, %swap3A_473], %gather3A_470 {strides = array<i32>} : memref<2x4096xf32, #tpu.memory_space<vmem>>, vector<16xf32>,
          %mul3A_475 = arith.constant 16 : i32
          %mul3A_476 = arith.muli %scan3A_183, %mul3A_475 : i32
          %add3A_477 = arith.constant 14 : i32
          %add3A_478 = arith.addi %mul3A_476, %add3A_477 : i32
          %mul3A_479 = arith.constant 16 : i32
          %mul3A_480 = arith.muli %add3A_478, %mul3A_479 : i32
          %add3A_481 = arith.constant 8192 : i32
          %add3A_482 = arith.addi %add3A_481, %mul3A_480 : i32
          %mul3A_483 = arith.constant 16 : i32
          %mul3A_484 = arith.muli %scan3A_183, %mul3A_483 : i32
          %add3A_485 = arith.constant 14 : i32
          %add3A_486 = arith.addi %mul3A_484, %add3A_485 : i32
          %mul3A_487 = arith.constant 16 : i32
          %mul3A_488 = arith.muli %add3A_486, %mul3A_487 : i32
          %get3A_489 = arith.index_cast %add3A_482 : i32 to index
          %get3A_490 = tpu.vector_load %run_scoped3A_3[%get3A_489] {strides = array<i32>} : memref<16384xi32, #tpu.memory_space<vmem>>, vector<16xi32>,
          %gather3A_491 = tpu.vector_load_idx %run_scoped3A[%get3A_490] : memref<100000xf32, #tpu.memory_space<vmem>>[vector<16xi32>], vector<16xf32>,
          %swap3A_492 = arith.constant 0 : i32
          %swap3A_493 = arith.index_cast %swap3A_492 : i32 to index
          %swap3A_494 = arith.index_cast %mul3A_488 : i32 to index
          %swap3A_495 = tpu.vector_load %run_scoped3A_4[%swap3A_493, %swap3A_494] {strides = array<i32>} : memref<2x4096xf32, #tpu.memory_space<vmem>>, vector<16xf32>,
          tpu.vector_store %run_scoped3A_4[%swap3A_493, %swap3A_494], %gather3A_491 {strides = array<i32>} : memref<2x4096xf32, #tpu.memory_space<vmem>>, vector<16xf32>,
          %mul3A_496 = arith.constant 16 : i32
          %mul3A_497 = arith.muli %scan3A_183, %mul3A_496 : i32
          %add3A_498 = arith.constant 15 : i32
          %add3A_499 = arith.addi %mul3A_497, %add3A_498 : i32
          %mul3A_500 = arith.constant 16 : i32
          %mul3A_501 = arith.muli %add3A_499, %mul3A_500 : i32
          %add3A_502 = arith.constant 8192 : i32
          %add3A_503 = arith.addi %add3A_502, %mul3A_501 : i32
          %mul3A_504 = arith.constant 16 : i32
          %mul3A_505 = arith.muli %scan3A_183, %mul3A_504 : i32
          %add3A_506 = arith.constant 15 : i32
          %add3A_507 = arith.addi %mul3A_505, %add3A_506 : i32
          %mul3A_508 = arith.constant 16 : i32
          %mul3A_509 = arith.muli %add3A_507, %mul3A_508 : i32
          %get3A_510 = arith.index_cast %add3A_503 : i32 to index
          %get3A_511 = tpu.vector_load %run_scoped3A_3[%get3A_510] {strides = array<i32>} : memref<16384xi32, #tpu.memory_space<vmem>>, vector<16xi32>,
          %gather3A_512 = tpu.vector_load_idx %run_scoped3A[%get3A_511] : memref<100000xf32, #tpu.memory_space<vmem>>[vector<16xi32>], vector<16xf32>,
          %swap3A_513 = arith.constant 0 : i32
          %swap3A_514 = arith.index_cast %swap3A_513 : i32 to index
          %swap3A_515 = arith.index_cast %mul3A_509 : i32 to index
          %swap3A_516 = tpu.vector_load %run_scoped3A_4[%swap3A_514, %swap3A_515] {strides = array<i32>} : memref<2x4096xf32, #tpu.memory_space<vmem>>, vector<16xf32>,
          tpu.vector_store %run_scoped3A_4[%swap3A_514, %swap3A_515], %gather3A_512 {strides = array<i32>} : memref<2x4096xf32, #tpu.memory_space<vmem>>, vector<16xf32>,
        }
        %scan3A_135 = arith.constant 16 : i32
        %dma_start3A_136 = arith.constant 0 : i32
        %dma_start3A_137 = arith.constant 0 : i32
        %dma_start3A_138 = tpu.memref_slice %run_scoped3A_4[%dma_start3A_136, %dma_start3A_137] : memref<2x4096xf32, #tpu.memory_space<vmem>> -> memref<1x4096xf32, #tpu.memory_space<vmem>>
        %dma_start3A_139 = tpu.memref_squeeze %dma_start3A_138 : memref<1x4096xf32, #tpu.memory_space<vmem>> -> memref<4096xf32, #tpu.memory_space<vmem>>
        %dma_start3A_140 = arith.constant 8192 : i32
        %dma_start3A_141 = tpu.memref_slice %arg7[%add3A_62, %dma_start3A_140] : memref<400x16384xf32, #tpu.memory_space<hbm>> -> memref<1x4096xf32, #tpu.memory_space<hbm>>
        %dma_start3A_142 = tpu.memref_squeeze %dma_start3A_141 : memref<1x4096xf32, #tpu.memory_space<hbm>> -> memref<4096xf32, #tpu.memory_space<hbm>>
        %dma_start3A_143 = arith.constant 8192 : i32
        %dma_start3A_144 = tpu.memref_slice %arg7[%add3A_62, %dma_start3A_143] : memref<400x16384xf32, #tpu.memory_space<hbm>> -> memref<1x4096xf32, #tpu.memory_space<hbm>>
        %dma_start3A_145 = tpu.memref_squeeze %dma_start3A_144 : memref<1x4096xf32, #tpu.memory_space<hbm>> -> memref<4096xf32, #tpu.memory_space<hbm>>
        %dma_start3A_146 = arith.constant 0 : i32
        %dma_start3A_147 = tpu.memref_slice %run_scoped3A_4[%dma_start3A_136, %dma_start3A_146] : memref<2x4096xf32, #tpu.memory_space<vmem>> -> memref<1x4096xf32, #tpu.memory_space<vmem>>
        %dma_start3A_148 = tpu.memref_squeeze %dma_start3A_147 : memref<1x4096xf32, #tpu.memory_space<vmem>> -> memref<4096xf32, #tpu.memory_space<vmem>>
        tpu.enqueue_dma source(%dma_start3A_148 : memref<4096xf32, #tpu.memory_space<vmem>>) target(%dma_start3A_145 : memref<4096xf32, #tpu.memory_space<hbm>>) target_semaphore(%run_scoped3A_6 : memref<!tpu.dma_semaphore, #tpu.memory_space<semaphore_mem>>)
        %mul3A_149 = arith.constant 4 : i32
        %mul3A_150 = arith.muli %while3A_61, %mul3A_149 : i32
        %add3A_151 = arith.constant 3 : i32
        %add3A_152 = arith.addi %mul3A_150, %add3A_151 : i32
        %gt3A_153 = arith.constant 1 : i32
        %gt3A_154 = arith.cmpi sgt, %add3A_152, %gt3A_153 : i32
        %convert_element_type3A_155 = arith.extui %gt3A_154 : i1 to i32
        %cond3A_156 = arith.constant 0 : i32
        %cond3A_157 = arith.cmpi ne, %convert_element_type3A_155, %cond3A_156 : i32
        scf.if %cond3A_157 {
          %dma_wait3A_183 = arith.constant 1 : i32
          %dma_wait3A_184 = arith.constant 0 : i32
          %dma_wait3A_185 = tpu.memref_slice %run_scoped3A_4[%dma_wait3A_183, %dma_wait3A_184] : memref<2x4096xf32, #tpu.memory_space<vmem>> -> memref<1x4096xf32, #tpu.memory_space<vmem>>
          %dma_wait3A_186 = tpu.memref_squeeze %dma_wait3A_185 : memref<1x4096xf32, #tpu.memory_space<vmem>> -> memref<4096xf32, #tpu.memory_space<vmem>>
          %dma_wait3A_187 = arith.constant 12288 : i32
          %dma_wait3A_188 = tpu.memref_slice %arg7[%add3A_62, %dma_wait3A_187] : memref<400x16384xf32, #tpu.memory_space<hbm>> -> memref<1x4096xf32, #tpu.memory_space<hbm>>
          %dma_wait3A_189 = tpu.memref_squeeze %dma_wait3A_188 : memref<1x4096xf32, #tpu.memory_space<hbm>> -> memref<4096xf32, #tpu.memory_space<hbm>>
          %dma_wait3A_190 = arith.constant 12288 : i32
          %dma_wait3A_191 = tpu.memref_slice %arg7[%add3A_62, %dma_wait3A_190] : memref<400x16384xf32, #tpu.memory_space<hbm>> -> memref<1x4096xf32, #tpu.memory_space<hbm>>
          %dma_wait3A_192 = tpu.memref_squeeze %dma_wait3A_191 : memref<1x4096xf32, #tpu.memory_space<hbm>> -> memref<4096xf32, #tpu.memory_space<hbm>>
          %dma_wait3A_193 = arith.constant 0 : i32
          %dma_wait3A_194 = tpu.memref_slice %run_scoped3A_4[%dma_wait3A_183, %dma_wait3A_193] : memref<2x4096xf32, #tpu.memory_space<vmem>> -> memref<1x4096xf32, #tpu.memory_space<vmem>>
          %dma_wait3A_195 = tpu.memref_squeeze %dma_wait3A_194 : memref<1x4096xf32, #tpu.memory_space<vmem>> -> memref<4096xf32, #tpu.memory_space<vmem>>
          tpu.wait_dma2 semaphore(%run_scoped3A_6 : memref<!tpu.dma_semaphore, #tpu.memory_space<semaphore_mem>>) src(%dma_wait3A_195 : memref<4096xf32, #tpu.memory_space<vmem>>) dst(%dma_wait3A_192 : memref<4096xf32, #tpu.memory_space<hbm>>)
        } else {
        }
        %scan3A_158 = arith.constant 0 : i32
        %scan3A_159 = arith.constant 0 : i32
        %scan3A_160 = arith.constant 16 : i32
        %scan3A_161 = arith.addi %scan3A_159, %scan3A_160 : i32
        %scan3A_162 = arith.constant 1 : i32
        scf.for %scan3A_183 = %scan3A_159 to %scan3A_161 step %scan3A_162  : i32 {
          %mul3A_184 = arith.constant 16 : i32
          %mul3A_185 = arith.muli %scan3A_183, %mul3A_184 : i32
          %add3A_186 = arith.constant 0 : i32
          %add3A_187 = arith.addi %mul3A_185, %add3A_186 : i32
          %mul3A_188 = arith.constant 16 : i32
          %mul3A_189 = arith.muli %add3A_187, %mul3A_188 : i32
          %add3A_190 = arith.constant 12288 : i32
          %add3A_191 = arith.addi %add3A_190, %mul3A_189 : i32
          %mul3A_192 = arith.constant 16 : i32
          %mul3A_193 = arith.muli %scan3A_183, %mul3A_192 : i32
          %add3A_194 = arith.constant 0 : i32
          %add3A_195 = arith.addi %mul3A_193, %add3A_194 : i32
          %mul3A_196 = arith.constant 16 : i32
          %mul3A_197 = arith.muli %add3A_195, %mul3A_196 : i32
          %get3A = arith.index_cast %add3A_191 : i32 to index
          %get3A_198 = tpu.vector_load %run_scoped3A_3[%get3A] {strides = array<i32>} : memref<16384xi32, #tpu.memory_space<vmem>>, vector<16xi32>,
          %gather3A = tpu.vector_load_idx %run_scoped3A[%get3A_198] : memref<100000xf32, #tpu.memory_space<vmem>>[vector<16xi32>], vector<16xf32>,
          %swap3A = arith.constant 1 : i32
          %swap3A_199 = arith.index_cast %swap3A : i32 to index
          %swap3A_200 = arith.index_cast %mul3A_197 : i32 to index
          %swap3A_201 = tpu.vector_load %run_scoped3A_4[%swap3A_199, %swap3A_200] {strides = array<i32>} : memref<2x4096xf32, #tpu.memory_space<vmem>>, vector<16xf32>,
          tpu.vector_store %run_scoped3A_4[%swap3A_199, %swap3A_200], %gather3A {strides = array<i32>} : memref<2x4096xf32, #tpu.memory_space<vmem>>, vector<16xf32>,
          %mul3A_202 = arith.constant 16 : i32
          %mul3A_203 = arith.muli %scan3A_183, %mul3A_202 : i32
          %add3A_204 = arith.constant 1 : i32
          %add3A_205 = arith.addi %mul3A_203, %add3A_204 : i32
          %mul3A_206 = arith.constant 16 : i32
          %mul3A_207 = arith.muli %add3A_205, %mul3A_206 : i32
          %add3A_208 = arith.constant 12288 : i32
          %add3A_209 = arith.addi %add3A_208, %mul3A_207 : i32
          %mul3A_210 = arith.constant 16 : i32
          %mul3A_211 = arith.muli %scan3A_183, %mul3A_210 : i32
          %add3A_212 = arith.constant 1 : i32
          %add3A_213 = arith.addi %mul3A_211, %add3A_212 : i32
          %mul3A_214 = arith.constant 16 : i32
          %mul3A_215 = arith.muli %add3A_213, %mul3A_214 : i32
          %get3A_216 = arith.index_cast %add3A_209 : i32 to index
          %get3A_217 = tpu.vector_load %run_scoped3A_3[%get3A_216] {strides = array<i32>} : memref<16384xi32, #tpu.memory_space<vmem>>, vector<16xi32>,
          %gather3A_218 = tpu.vector_load_idx %run_scoped3A[%get3A_217] : memref<100000xf32, #tpu.memory_space<vmem>>[vector<16xi32>], vector<16xf32>,
          %swap3A_219 = arith.constant 1 : i32
          %swap3A_220 = arith.index_cast %swap3A_219 : i32 to index
          %swap3A_221 = arith.index_cast %mul3A_215 : i32 to index
          %swap3A_222 = tpu.vector_load %run_scoped3A_4[%swap3A_220, %swap3A_221] {strides = array<i32>} : memref<2x4096xf32, #tpu.memory_space<vmem>>, vector<16xf32>,
          tpu.vector_store %run_scoped3A_4[%swap3A_220, %swap3A_221], %gather3A_218 {strides = array<i32>} : memref<2x4096xf32, #tpu.memory_space<vmem>>, vector<16xf32>,
          %mul3A_223 = arith.constant 16 : i32
          %mul3A_224 = arith.muli %scan3A_183, %mul3A_223 : i32
          %add3A_225 = arith.constant 2 : i32
          %add3A_226 = arith.addi %mul3A_224, %add3A_225 : i32
          %mul3A_227 = arith.constant 16 : i32
          %mul3A_228 = arith.muli %add3A_226, %mul3A_227 : i32
          %add3A_229 = arith.constant 12288 : i32
          %add3A_230 = arith.addi %add3A_229, %mul3A_228 : i32
          %mul3A_231 = arith.constant 16 : i32
          %mul3A_232 = arith.muli %scan3A_183, %mul3A_231 : i32
          %add3A_233 = arith.constant 2 : i32
          %add3A_234 = arith.addi %mul3A_232, %add3A_233 : i32
          %mul3A_235 = arith.constant 16 : i32
          %mul3A_236 = arith.muli %add3A_234, %mul3A_235 : i32
          %get3A_237 = arith.index_cast %add3A_230 : i32 to index
          %get3A_238 = tpu.vector_load %run_scoped3A_3[%get3A_237] {strides = array<i32>} : memref<16384xi32, #tpu.memory_space<vmem>>, vector<16xi32>,
          %gather3A_239 = tpu.vector_load_idx %run_scoped3A[%get3A_238] : memref<100000xf32, #tpu.memory_space<vmem>>[vector<16xi32>], vector<16xf32>,
          %swap3A_240 = arith.constant 1 : i32
          %swap3A_241 = arith.index_cast %swap3A_240 : i32 to index
          %swap3A_242 = arith.index_cast %mul3A_236 : i32 to index
          %swap3A_243 = tpu.vector_load %run_scoped3A_4[%swap3A_241, %swap3A_242] {strides = array<i32>} : memref<2x4096xf32, #tpu.memory_space<vmem>>, vector<16xf32>,
          tpu.vector_store %run_scoped3A_4[%swap3A_241, %swap3A_242], %gather3A_239 {strides = array<i32>} : memref<2x4096xf32, #tpu.memory_space<vmem>>, vector<16xf32>,
          %mul3A_244 = arith.constant 16 : i32
          %mul3A_245 = arith.muli %scan3A_183, %mul3A_244 : i32
          %add3A_246 = arith.constant 3 : i32
          %add3A_247 = arith.addi %mul3A_245, %add3A_246 : i32
          %mul3A_248 = arith.constant 16 : i32
          %mul3A_249 = arith.muli %add3A_247, %mul3A_248 : i32
          %add3A_250 = arith.constant 12288 : i32
          %add3A_251 = arith.addi %add3A_250, %mul3A_249 : i32
          %mul3A_252 = arith.constant 16 : i32
          %mul3A_253 = arith.muli %scan3A_183, %mul3A_252 : i32
          %add3A_254 = arith.constant 3 : i32
          %add3A_255 = arith.addi %mul3A_253, %add3A_254 : i32
          %mul3A_256 = arith.constant 16 : i32
          %mul3A_257 = arith.muli %add3A_255, %mul3A_256 : i32
          %get3A_258 = arith.index_cast %add3A_251 : i32 to index
          %get3A_259 = tpu.vector_load %run_scoped3A_3[%get3A_258] {strides = array<i32>} : memref<16384xi32, #tpu.memory_space<vmem>>, vector<16xi32>,
          %gather3A_260 = tpu.vector_load_idx %run_scoped3A[%get3A_259] : memref<100000xf32, #tpu.memory_space<vmem>>[vector<16xi32>], vector<16xf32>,
          %swap3A_261 = arith.constant 1 : i32
          %swap3A_262 = arith.index_cast %swap3A_261 : i32 to index
          %swap3A_263 = arith.index_cast %mul3A_257 : i32 to index
          %swap3A_264 = tpu.vector_load %run_scoped3A_4[%swap3A_262, %swap3A_263] {strides = array<i32>} : memref<2x4096xf32, #tpu.memory_space<vmem>>, vector<16xf32>,
          tpu.vector_store %run_scoped3A_4[%swap3A_262, %swap3A_263], %gather3A_260 {strides = array<i32>} : memref<2x4096xf32, #tpu.memory_space<vmem>>, vector<16xf32>,
          %mul3A_265 = arith.constant 16 : i32
          %mul3A_266 = arith.muli %scan3A_183, %mul3A_265 : i32
          %add3A_267 = arith.constant 4 : i32
          %add3A_268 = arith.addi %mul3A_266, %add3A_267 : i32
          %mul3A_269 = arith.constant 16 : i32
          %mul3A_270 = arith.muli %add3A_268, %mul3A_269 : i32
          %add3A_271 = arith.constant 12288 : i32
          %add3A_272 = arith.addi %add3A_271, %mul3A_270 : i32
          %mul3A_273 = arith.constant 16 : i32
          %mul3A_274 = arith.muli %scan3A_183, %mul3A_273 : i32
          %add3A_275 = arith.constant 4 : i32
          %add3A_276 = arith.addi %mul3A_274, %add3A_275 : i32
          %mul3A_277 = arith.constant 16 : i32
          %mul3A_278 = arith.muli %add3A_276, %mul3A_277 : i32
          %get3A_279 = arith.index_cast %add3A_272 : i32 to index
          %get3A_280 = tpu.vector_load %run_scoped3A_3[%get3A_279] {strides = array<i32>} : memref<16384xi32, #tpu.memory_space<vmem>>, vector<16xi32>,
          %gather3A_281 = tpu.vector_load_idx %run_scoped3A[%get3A_280] : memref<100000xf32, #tpu.memory_space<vmem>>[vector<16xi32>], vector<16xf32>,
          %swap3A_282 = arith.constant 1 : i32
          %swap3A_283 = arith.index_cast %swap3A_282 : i32 to index
          %swap3A_284 = arith.index_cast %mul3A_278 : i32 to index
          %swap3A_285 = tpu.vector_load %run_scoped3A_4[%swap3A_283, %swap3A_284] {strides = array<i32>} : memref<2x4096xf32, #tpu.memory_space<vmem>>, vector<16xf32>,
          tpu.vector_store %run_scoped3A_4[%swap3A_283, %swap3A_284], %gather3A_281 {strides = array<i32>} : memref<2x4096xf32, #tpu.memory_space<vmem>>, vector<16xf32>,
          %mul3A_286 = arith.constant 16 : i32
          %mul3A_287 = arith.muli %scan3A_183, %mul3A_286 : i32
          %add3A_288 = arith.constant 5 : i32
          %add3A_289 = arith.addi %mul3A_287, %add3A_288 : i32
          %mul3A_290 = arith.constant 16 : i32
          %mul3A_291 = arith.muli %add3A_289, %mul3A_290 : i32
          %add3A_292 = arith.constant 12288 : i32
          %add3A_293 = arith.addi %add3A_292, %mul3A_291 : i32
          %mul3A_294 = arith.constant 16 : i32
          %mul3A_295 = arith.muli %scan3A_183, %mul3A_294 : i32
          %add3A_296 = arith.constant 5 : i32
          %add3A_297 = arith.addi %mul3A_295, %add3A_296 : i32
          %mul3A_298 = arith.constant 16 : i32
          %mul3A_299 = arith.muli %add3A_297, %mul3A_298 : i32
          %get3A_300 = arith.index_cast %add3A_293 : i32 to index
          %get3A_301 = tpu.vector_load %run_scoped3A_3[%get3A_300] {strides = array<i32>} : memref<16384xi32, #tpu.memory_space<vmem>>, vector<16xi32>,
          %gather3A_302 = tpu.vector_load_idx %run_scoped3A[%get3A_301] : memref<100000xf32, #tpu.memory_space<vmem>>[vector<16xi32>], vector<16xf32>,
          %swap3A_303 = arith.constant 1 : i32
          %swap3A_304 = arith.index_cast %swap3A_303 : i32 to index
          %swap3A_305 = arith.index_cast %mul3A_299 : i32 to index
          %swap3A_306 = tpu.vector_load %run_scoped3A_4[%swap3A_304, %swap3A_305] {strides = array<i32>} : memref<2x4096xf32, #tpu.memory_space<vmem>>, vector<16xf32>,
          tpu.vector_store %run_scoped3A_4[%swap3A_304, %swap3A_305], %gather3A_302 {strides = array<i32>} : memref<2x4096xf32, #tpu.memory_space<vmem>>, vector<16xf32>,
          %mul3A_307 = arith.constant 16 : i32
          %mul3A_308 = arith.muli %scan3A_183, %mul3A_307 : i32
          %add3A_309 = arith.constant 6 : i32
          %add3A_310 = arith.addi %mul3A_308, %add3A_309 : i32
          %mul3A_311 = arith.constant 16 : i32
          %mul3A_312 = arith.muli %add3A_310, %mul3A_311 : i32
          %add3A_313 = arith.constant 12288 : i32
          %add3A_314 = arith.addi %add3A_313, %mul3A_312 : i32
          %mul3A_315 = arith.constant 16 : i32
          %mul3A_316 = arith.muli %scan3A_183, %mul3A_315 : i32
          %add3A_317 = arith.constant 6 : i32
          %add3A_318 = arith.addi %mul3A_316, %add3A_317 : i32
          %mul3A_319 = arith.constant 16 : i32
          %mul3A_320 = arith.muli %add3A_318, %mul3A_319 : i32
          %get3A_321 = arith.index_cast %add3A_314 : i32 to index
          %get3A_322 = tpu.vector_load %run_scoped3A_3[%get3A_321] {strides = array<i32>} : memref<16384xi32, #tpu.memory_space<vmem>>, vector<16xi32>,
          %gather3A_323 = tpu.vector_load_idx %run_scoped3A[%get3A_322] : memref<100000xf32, #tpu.memory_space<vmem>>[vector<16xi32>], vector<16xf32>,
          %swap3A_324 = arith.constant 1 : i32
          %swap3A_325 = arith.index_cast %swap3A_324 : i32 to index
          %swap3A_326 = arith.index_cast %mul3A_320 : i32 to index
          %swap3A_327 = tpu.vector_load %run_scoped3A_4[%swap3A_325, %swap3A_326] {strides = array<i32>} : memref<2x4096xf32, #tpu.memory_space<vmem>>, vector<16xf32>,
          tpu.vector_store %run_scoped3A_4[%swap3A_325, %swap3A_326], %gather3A_323 {strides = array<i32>} : memref<2x4096xf32, #tpu.memory_space<vmem>>, vector<16xf32>,
          %mul3A_328 = arith.constant 16 : i32
          %mul3A_329 = arith.muli %scan3A_183, %mul3A_328 : i32
          %add3A_330 = arith.constant 7 : i32
          %add3A_331 = arith.addi %mul3A_329, %add3A_330 : i32
          %mul3A_332 = arith.constant 16 : i32
          %mul3A_333 = arith.muli %add3A_331, %mul3A_332 : i32
          %add3A_334 = arith.constant 12288 : i32
          %add3A_335 = arith.addi %add3A_334, %mul3A_333 : i32
          %mul3A_336 = arith.constant 16 : i32
          %mul3A_337 = arith.muli %scan3A_183, %mul3A_336 : i32
          %add3A_338 = arith.constant 7 : i32
          %add3A_339 = arith.addi %mul3A_337, %add3A_338 : i32
          %mul3A_340 = arith.constant 16 : i32
          %mul3A_341 = arith.muli %add3A_339, %mul3A_340 : i32
          %get3A_342 = arith.index_cast %add3A_335 : i32 to index
          %get3A_343 = tpu.vector_load %run_scoped3A_3[%get3A_342] {strides = array<i32>} : memref<16384xi32, #tpu.memory_space<vmem>>, vector<16xi32>,
          %gather3A_344 = tpu.vector_load_idx %run_scoped3A[%get3A_343] : memref<100000xf32, #tpu.memory_space<vmem>>[vector<16xi32>], vector<16xf32>,
          %swap3A_345 = arith.constant 1 : i32
          %swap3A_346 = arith.index_cast %swap3A_345 : i32 to index
          %swap3A_347 = arith.index_cast %mul3A_341 : i32 to index
          %swap3A_348 = tpu.vector_load %run_scoped3A_4[%swap3A_346, %swap3A_347] {strides = array<i32>} : memref<2x4096xf32, #tpu.memory_space<vmem>>, vector<16xf32>,
          tpu.vector_store %run_scoped3A_4[%swap3A_346, %swap3A_347], %gather3A_344 {strides = array<i32>} : memref<2x4096xf32, #tpu.memory_space<vmem>>, vector<16xf32>,
          %mul3A_349 = arith.constant 16 : i32
          %mul3A_350 = arith.muli %scan3A_183, %mul3A_349 : i32
          %add3A_351 = arith.constant 8 : i32
          %add3A_352 = arith.addi %mul3A_350, %add3A_351 : i32
          %mul3A_353 = arith.constant 16 : i32
          %mul3A_354 = arith.muli %add3A_352, %mul3A_353 : i32
          %add3A_355 = arith.constant 12288 : i32
          %add3A_356 = arith.addi %add3A_355, %mul3A_354 : i32
          %mul3A_357 = arith.constant 16 : i32
          %mul3A_358 = arith.muli %scan3A_183, %mul3A_357 : i32
          %add3A_359 = arith.constant 8 : i32
          %add3A_360 = arith.addi %mul3A_358, %add3A_359 : i32
          %mul3A_361 = arith.constant 16 : i32
          %mul3A_362 = arith.muli %add3A_360, %mul3A_361 : i32
          %get3A_363 = arith.index_cast %add3A_356 : i32 to index
          %get3A_364 = tpu.vector_load %run_scoped3A_3[%get3A_363] {strides = array<i32>} : memref<16384xi32, #tpu.memory_space<vmem>>, vector<16xi32>,
          %gather3A_365 = tpu.vector_load_idx %run_scoped3A[%get3A_364] : memref<100000xf32, #tpu.memory_space<vmem>>[vector<16xi32>], vector<16xf32>,
          %swap3A_366 = arith.constant 1 : i32
          %swap3A_367 = arith.index_cast %swap3A_366 : i32 to index
          %swap3A_368 = arith.index_cast %mul3A_362 : i32 to index
          %swap3A_369 = tpu.vector_load %run_scoped3A_4[%swap3A_367, %swap3A_368] {strides = array<i32>} : memref<2x4096xf32, #tpu.memory_space<vmem>>, vector<16xf32>,
          tpu.vector_store %run_scoped3A_4[%swap3A_367, %swap3A_368], %gather3A_365 {strides = array<i32>} : memref<2x4096xf32, #tpu.memory_space<vmem>>, vector<16xf32>,
          %mul3A_370 = arith.constant 16 : i32
          %mul3A_371 = arith.muli %scan3A_183, %mul3A_370 : i32
          %add3A_372 = arith.constant 9 : i32
          %add3A_373 = arith.addi %mul3A_371, %add3A_372 : i32
          %mul3A_374 = arith.constant 16 : i32
          %mul3A_375 = arith.muli %add3A_373, %mul3A_374 : i32
          %add3A_376 = arith.constant 12288 : i32
          %add3A_377 = arith.addi %add3A_376, %mul3A_375 : i32
          %mul3A_378 = arith.constant 16 : i32
          %mul3A_379 = arith.muli %scan3A_183, %mul3A_378 : i32
          %add3A_380 = arith.constant 9 : i32
          %add3A_381 = arith.addi %mul3A_379, %add3A_380 : i32
          %mul3A_382 = arith.constant 16 : i32
          %mul3A_383 = arith.muli %add3A_381, %mul3A_382 : i32
          %get3A_384 = arith.index_cast %add3A_377 : i32 to index
          %get3A_385 = tpu.vector_load %run_scoped3A_3[%get3A_384] {strides = array<i32>} : memref<16384xi32, #tpu.memory_space<vmem>>, vector<16xi32>,
          %gather3A_386 = tpu.vector_load_idx %run_scoped3A[%get3A_385] : memref<100000xf32, #tpu.memory_space<vmem>>[vector<16xi32>], vector<16xf32>,
          %swap3A_387 = arith.constant 1 : i32
          %swap3A_388 = arith.index_cast %swap3A_387 : i32 to index
          %swap3A_389 = arith.index_cast %mul3A_383 : i32 to index
          %swap3A_390 = tpu.vector_load %run_scoped3A_4[%swap3A_388, %swap3A_389] {strides = array<i32>} : memref<2x4096xf32, #tpu.memory_space<vmem>>, vector<16xf32>,
          tpu.vector_store %run_scoped3A_4[%swap3A_388, %swap3A_389], %gather3A_386 {strides = array<i32>} : memref<2x4096xf32, #tpu.memory_space<vmem>>, vector<16xf32>,
          %mul3A_391 = arith.constant 16 : i32
          %mul3A_392 = arith.muli %scan3A_183, %mul3A_391 : i32
          %add3A_393 = arith.constant 10 : i32
          %add3A_394 = arith.addi %mul3A_392, %add3A_393 : i32
          %mul3A_395 = arith.constant 16 : i32
          %mul3A_396 = arith.muli %add3A_394, %mul3A_395 : i32
          %add3A_397 = arith.constant 12288 : i32
          %add3A_398 = arith.addi %add3A_397, %mul3A_396 : i32
          %mul3A_399 = arith.constant 16 : i32
          %mul3A_400 = arith.muli %scan3A_183, %mul3A_399 : i32
          %add3A_401 = arith.constant 10 : i32
          %add3A_402 = arith.addi %mul3A_400, %add3A_401 : i32
          %mul3A_403 = arith.constant 16 : i32
          %mul3A_404 = arith.muli %add3A_402, %mul3A_403 : i32
          %get3A_405 = arith.index_cast %add3A_398 : i32 to index
          %get3A_406 = tpu.vector_load %run_scoped3A_3[%get3A_405] {strides = array<i32>} : memref<16384xi32, #tpu.memory_space<vmem>>, vector<16xi32>,
          %gather3A_407 = tpu.vector_load_idx %run_scoped3A[%get3A_406] : memref<100000xf32, #tpu.memory_space<vmem>>[vector<16xi32>], vector<16xf32>,
          %swap3A_408 = arith.constant 1 : i32
          %swap3A_409 = arith.index_cast %swap3A_408 : i32 to index
          %swap3A_410 = arith.index_cast %mul3A_404 : i32 to index
          %swap3A_411 = tpu.vector_load %run_scoped3A_4[%swap3A_409, %swap3A_410] {strides = array<i32>} : memref<2x4096xf32, #tpu.memory_space<vmem>>, vector<16xf32>,
          tpu.vector_store %run_scoped3A_4[%swap3A_409, %swap3A_410], %gather3A_407 {strides = array<i32>} : memref<2x4096xf32, #tpu.memory_space<vmem>>, vector<16xf32>,
          %mul3A_412 = arith.constant 16 : i32
          %mul3A_413 = arith.muli %scan3A_183, %mul3A_412 : i32
          %add3A_414 = arith.constant 11 : i32
          %add3A_415 = arith.addi %mul3A_413, %add3A_414 : i32
          %mul3A_416 = arith.constant 16 : i32
          %mul3A_417 = arith.muli %add3A_415, %mul3A_416 : i32
          %add3A_418 = arith.constant 12288 : i32
          %add3A_419 = arith.addi %add3A_418, %mul3A_417 : i32
          %mul3A_420 = arith.constant 16 : i32
          %mul3A_421 = arith.muli %scan3A_183, %mul3A_420 : i32
          %add3A_422 = arith.constant 11 : i32
          %add3A_423 = arith.addi %mul3A_421, %add3A_422 : i32
          %mul3A_424 = arith.constant 16 : i32
          %mul3A_425 = arith.muli %add3A_423, %mul3A_424 : i32
          %get3A_426 = arith.index_cast %add3A_419 : i32 to index
          %get3A_427 = tpu.vector_load %run_scoped3A_3[%get3A_426] {strides = array<i32>} : memref<16384xi32, #tpu.memory_space<vmem>>, vector<16xi32>,
          %gather3A_428 = tpu.vector_load_idx %run_scoped3A[%get3A_427] : memref<100000xf32, #tpu.memory_space<vmem>>[vector<16xi32>], vector<16xf32>,
          %swap3A_429 = arith.constant 1 : i32
          %swap3A_430 = arith.index_cast %swap3A_429 : i32 to index
          %swap3A_431 = arith.index_cast %mul3A_425 : i32 to index
          %swap3A_432 = tpu.vector_load %run_scoped3A_4[%swap3A_430, %swap3A_431] {strides = array<i32>} : memref<2x4096xf32, #tpu.memory_space<vmem>>, vector<16xf32>,
          tpu.vector_store %run_scoped3A_4[%swap3A_430, %swap3A_431], %gather3A_428 {strides = array<i32>} : memref<2x4096xf32, #tpu.memory_space<vmem>>, vector<16xf32>,
          %mul3A_433 = arith.constant 16 : i32
          %mul3A_434 = arith.muli %scan3A_183, %mul3A_433 : i32
          %add3A_435 = arith.constant 12 : i32
          %add3A_436 = arith.addi %mul3A_434, %add3A_435 : i32
          %mul3A_437 = arith.constant 16 : i32
          %mul3A_438 = arith.muli %add3A_436, %mul3A_437 : i32
          %add3A_439 = arith.constant 12288 : i32
          %add3A_440 = arith.addi %add3A_439, %mul3A_438 : i32
          %mul3A_441 = arith.constant 16 : i32
          %mul3A_442 = arith.muli %scan3A_183, %mul3A_441 : i32
          %add3A_443 = arith.constant 12 : i32
          %add3A_444 = arith.addi %mul3A_442, %add3A_443 : i32
          %mul3A_445 = arith.constant 16 : i32
          %mul3A_446 = arith.muli %add3A_444, %mul3A_445 : i32
          %get3A_447 = arith.index_cast %add3A_440 : i32 to index
          %get3A_448 = tpu.vector_load %run_scoped3A_3[%get3A_447] {strides = array<i32>} : memref<16384xi32, #tpu.memory_space<vmem>>, vector<16xi32>,
          %gather3A_449 = tpu.vector_load_idx %run_scoped3A[%get3A_448] : memref<100000xf32, #tpu.memory_space<vmem>>[vector<16xi32>], vector<16xf32>,
          %swap3A_450 = arith.constant 1 : i32
          %swap3A_451 = arith.index_cast %swap3A_450 : i32 to index
          %swap3A_452 = arith.index_cast %mul3A_446 : i32 to index
          %swap3A_453 = tpu.vector_load %run_scoped3A_4[%swap3A_451, %swap3A_452] {strides = array<i32>} : memref<2x4096xf32, #tpu.memory_space<vmem>>, vector<16xf32>,
          tpu.vector_store %run_scoped3A_4[%swap3A_451, %swap3A_452], %gather3A_449 {strides = array<i32>} : memref<2x4096xf32, #tpu.memory_space<vmem>>, vector<16xf32>,
          %mul3A_454 = arith.constant 16 : i32
          %mul3A_455 = arith.muli %scan3A_183, %mul3A_454 : i32
          %add3A_456 = arith.constant 13 : i32
          %add3A_457 = arith.addi %mul3A_455, %add3A_456 : i32
          %mul3A_458 = arith.constant 16 : i32
          %mul3A_459 = arith.muli %add3A_457, %mul3A_458 : i32
          %add3A_460 = arith.constant 12288 : i32
          %add3A_461 = arith.addi %add3A_460, %mul3A_459 : i32
          %mul3A_462 = arith.constant 16 : i32
          %mul3A_463 = arith.muli %scan3A_183, %mul3A_462 : i32
          %add3A_464 = arith.constant 13 : i32
          %add3A_465 = arith.addi %mul3A_463, %add3A_464 : i32
          %mul3A_466 = arith.constant 16 : i32
          %mul3A_467 = arith.muli %add3A_465, %mul3A_466 : i32
          %get3A_468 = arith.index_cast %add3A_461 : i32 to index
          %get3A_469 = tpu.vector_load %run_scoped3A_3[%get3A_468] {strides = array<i32>} : memref<16384xi32, #tpu.memory_space<vmem>>, vector<16xi32>,
          %gather3A_470 = tpu.vector_load_idx %run_scoped3A[%get3A_469] : memref<100000xf32, #tpu.memory_space<vmem>>[vector<16xi32>], vector<16xf32>,
          %swap3A_471 = arith.constant 1 : i32
          %swap3A_472 = arith.index_cast %swap3A_471 : i32 to index
          %swap3A_473 = arith.index_cast %mul3A_467 : i32 to index
          %swap3A_474 = tpu.vector_load %run_scoped3A_4[%swap3A_472, %swap3A_473] {strides = array<i32>} : memref<2x4096xf32, #tpu.memory_space<vmem>>, vector<16xf32>,
          tpu.vector_store %run_scoped3A_4[%swap3A_472, %swap3A_473], %gather3A_470 {strides = array<i32>} : memref<2x4096xf32, #tpu.memory_space<vmem>>, vector<16xf32>,
          %mul3A_475 = arith.constant 16 : i32
          %mul3A_476 = arith.muli %scan3A_183, %mul3A_475 : i32
          %add3A_477 = arith.constant 14 : i32
          %add3A_478 = arith.addi %mul3A_476, %add3A_477 : i32
          %mul3A_479 = arith.constant 16 : i32
          %mul3A_480 = arith.muli %add3A_478, %mul3A_479 : i32
          %add3A_481 = arith.constant 12288 : i32
          %add3A_482 = arith.addi %add3A_481, %mul3A_480 : i32
          %mul3A_483 = arith.constant 16 : i32
          %mul3A_484 = arith.muli %scan3A_183, %mul3A_483 : i32
          %add3A_485 = arith.constant 14 : i32
          %add3A_486 = arith.addi %mul3A_484, %add3A_485 : i32
          %mul3A_487 = arith.constant 16 : i32
          %mul3A_488 = arith.muli %add3A_486, %mul3A_487 : i32
          %get3A_489 = arith.index_cast %add3A_482 : i32 to index
          %get3A_490 = tpu.vector_load %run_scoped3A_3[%get3A_489] {strides = array<i32>} : memref<16384xi32, #tpu.memory_space<vmem>>, vector<16xi32>,
          %gather3A_491 = tpu.vector_load_idx %run_scoped3A[%get3A_490] : memref<100000xf32, #tpu.memory_space<vmem>>[vector<16xi32>], vector<16xf32>,
          %swap3A_492 = arith.constant 1 : i32
          %swap3A_493 = arith.index_cast %swap3A_492 : i32 to index
          %swap3A_494 = arith.index_cast %mul3A_488 : i32 to index
          %swap3A_495 = tpu.vector_load %run_scoped3A_4[%swap3A_493, %swap3A_494] {strides = array<i32>} : memref<2x4096xf32, #tpu.memory_space<vmem>>, vector<16xf32>,
          tpu.vector_store %run_scoped3A_4[%swap3A_493, %swap3A_494], %gather3A_491 {strides = array<i32>} : memref<2x4096xf32, #tpu.memory_space<vmem>>, vector<16xf32>,
          %mul3A_496 = arith.constant 16 : i32
          %mul3A_497 = arith.muli %scan3A_183, %mul3A_496 : i32
          %add3A_498 = arith.constant 15 : i32
          %add3A_499 = arith.addi %mul3A_497, %add3A_498 : i32
          %mul3A_500 = arith.constant 16 : i32
          %mul3A_501 = arith.muli %add3A_499, %mul3A_500 : i32
          %add3A_502 = arith.constant 12288 : i32
          %add3A_503 = arith.addi %add3A_502, %mul3A_501 : i32
          %mul3A_504 = arith.constant 16 : i32
          %mul3A_505 = arith.muli %scan3A_183, %mul3A_504 : i32
          %add3A_506 = arith.constant 15 : i32
          %add3A_507 = arith.addi %mul3A_505, %add3A_506 : i32
          %mul3A_508 = arith.constant 16 : i32
          %mul3A_509 = arith.muli %add3A_507, %mul3A_508 : i32
          %get3A_510 = arith.index_cast %add3A_503 : i32 to index
          %get3A_511 = tpu.vector_load %run_scoped3A_3[%get3A_510] {strides = array<i32>} : memref<16384xi32, #tpu.memory_space<vmem>>, vector<16xi32>,
          %gather3A_512 = tpu.vector_load_idx %run_scoped3A[%get3A_511] : memref<100000xf32, #tpu.memory_space<vmem>>[vector<16xi32>], vector<16xf32>,
          %swap3A_513 = arith.constant 1 : i32
          %swap3A_514 = arith.index_cast %swap3A_513 : i32 to index
          %swap3A_515 = arith.index_cast %mul3A_509 : i32 to index
          %swap3A_516 = tpu.vector_load %run_scoped3A_4[%swap3A_514, %swap3A_515] {strides = array<i32>} : memref<2x4096xf32, #tpu.memory_space<vmem>>, vector<16xf32>,
          tpu.vector_store %run_scoped3A_4[%swap3A_514, %swap3A_515], %gather3A_512 {strides = array<i32>} : memref<2x4096xf32, #tpu.memory_space<vmem>>, vector<16xf32>,
        }
        %scan3A_163 = arith.constant 16 : i32
        %dma_start3A_164 = arith.constant 1 : i32
        %dma_start3A_165 = arith.constant 0 : i32
        %dma_start3A_166 = tpu.memref_slice %run_scoped3A_4[%dma_start3A_164, %dma_start3A_165] : memref<2x4096xf32, #tpu.memory_space<vmem>> -> memref<1x4096xf32, #tpu.memory_space<vmem>>
        %dma_start3A_167 = tpu.memref_squeeze %dma_start3A_166 : memref<1x4096xf32, #tpu.memory_space<vmem>> -> memref<4096xf32, #tpu.memory_space<vmem>>
        %dma_start3A_168 = arith.constant 12288 : i32
        %dma_start3A_169 = tpu.memref_slice %arg7[%add3A_62, %dma_start3A_168] : memref<400x16384xf32, #tpu.memory_space<hbm>> -> memref<1x4096xf32, #tpu.memory_space<hbm>>
        %dma_start3A_170 = tpu.memref_squeeze %dma_start3A_169 : memref<1x4096xf32, #tpu.memory_space<hbm>> -> memref<4096xf32, #tpu.memory_space<hbm>>
        %dma_start3A_171 = arith.constant 12288 : i32
        %dma_start3A_172 = tpu.memref_slice %arg7[%add3A_62, %dma_start3A_171] : memref<400x16384xf32, #tpu.memory_space<hbm>> -> memref<1x4096xf32, #tpu.memory_space<hbm>>
        %dma_start3A_173 = tpu.memref_squeeze %dma_start3A_172 : memref<1x4096xf32, #tpu.memory_space<hbm>> -> memref<4096xf32, #tpu.memory_space<hbm>>
        %dma_start3A_174 = arith.constant 0 : i32
        %dma_start3A_175 = tpu.memref_slice %run_scoped3A_4[%dma_start3A_164, %dma_start3A_174] : memref<2x4096xf32, #tpu.memory_space<vmem>> -> memref<1x4096xf32, #tpu.memory_space<vmem>>
        %dma_start3A_176 = tpu.memref_squeeze %dma_start3A_175 : memref<1x4096xf32, #tpu.memory_space<vmem>> -> memref<4096xf32, #tpu.memory_space<vmem>>
        tpu.enqueue_dma source(%dma_start3A_176 : memref<4096xf32, #tpu.memory_space<vmem>>) target(%dma_start3A_173 : memref<4096xf32, #tpu.memory_space<hbm>>) target_semaphore(%run_scoped3A_6 : memref<!tpu.dma_semaphore, #tpu.memory_space<semaphore_mem>>)
        %add3A_177 = arith.constant 1 : i32
        %add3A_178 = arith.addi %while3A_61, %add3A_177 : i32
        %lt3A_179 = arith.cmpi slt, %add3A_178, %select_n3A_9 : i32
        %convert_element_type3A_180 = arith.extui %lt3A_179 : i1 to i32
        %cond3A_181 = arith.constant 0 : i32
        %cond3A_182 = arith.cmpi ne, %convert_element_type3A_180, %cond3A_181 : i32
        scf.if %cond3A_182 {
          %add3A_183 = arith.constant 1 : i32
          %add3A_184 = arith.addi %add3A_62, %add3A_183 : i32
          %dma_start3A_185 = arith.constant 0 : i32
          %dma_start3A_186 = tpu.memref_slice %arg4[%add3A_184, %dma_start3A_185] : memref<400x100000xf32, #tpu.memory_space<hbm>> -> memref<1x100000xf32, #tpu.memory_space<hbm>>
          %dma_start3A_187 = tpu.memref_squeeze %dma_start3A_186 : memref<1x100000xf32, #tpu.memory_space<hbm>> -> memref<100000xf32, #tpu.memory_space<hbm>>
          %dma_start3A_188 = arith.constant 0 : i32
          %dma_start3A_189 = tpu.memref_slice %arg4[%add3A_184, %dma_start3A_188] : memref<400x100000xf32, #tpu.memory_space<hbm>> -> memref<1x100000xf32, #tpu.memory_space<hbm>>
          %dma_start3A_190 = tpu.memref_squeeze %dma_start3A_189 : memref<1x100000xf32, #tpu.memory_space<hbm>> -> memref<100000xf32, #tpu.memory_space<hbm>>
          tpu.enqueue_dma source(%dma_start3A_190 : memref<100000xf32, #tpu.memory_space<hbm>>) target(%run_scoped3A : memref<100000xf32, #tpu.memory_space<vmem>>) target_semaphore(%run_scoped3A_5 : memref<!tpu.dma_semaphore, #tpu.memory_space<semaphore_mem>>)
        } else {
        }
      }
      %while3A_33 = arith.constant 1 : i32
      scf.for %while3A_61 = %while3A_31 to %while3A_27 step %while3A_33  : i32 {
        %add3A_62 = arith.addi %select_n3A_18, %while3A_61 : i32
        %dma_wait3A_63 = arith.constant 0 : i32
        %dma_wait3A_64 = tpu.memref_slice %arg4[%add3A_62, %dma_wait3A_63] : memref<400x100000xf32, #tpu.memory_space<hbm>> -> memref<1x100000xf32, #tpu.memory_space<hbm>>
        %dma_wait3A_65 = tpu.memref_squeeze %dma_wait3A_64 : memref<1x100000xf32, #tpu.memory_space<hbm>> -> memref<100000xf32, #tpu.memory_space<hbm>>
        %dma_wait3A_66 = arith.constant 0 : i32
        %dma_wait3A_67 = tpu.memref_slice %arg4[%add3A_62, %dma_wait3A_66] : memref<400x100000xf32, #tpu.memory_space<hbm>> -> memref<1x100000xf32, #tpu.memory_space<hbm>>
        %dma_wait3A_68 = tpu.memref_squeeze %dma_wait3A_67 : memref<1x100000xf32, #tpu.memory_space<hbm>> -> memref<100000xf32, #tpu.memory_space<hbm>>
        tpu.wait_dma2 semaphore(%run_scoped3A_5 : memref<!tpu.dma_semaphore, #tpu.memory_space<semaphore_mem>>) src(%dma_wait3A_68 : memref<100000xf32, #tpu.memory_space<hbm>>) dst(%run_scoped3A : memref<100000xf32, #tpu.memory_space<vmem>>)
        %mul3A_69 = arith.constant 4 : i32
        %mul3A_70 = arith.muli %while3A_61, %mul3A_69 : i32
        %add3A_71 = arith.constant 0 : i32
        %add3A_72 = arith.addi %mul3A_70, %add3A_71 : i32
        %gt3A = arith.constant 1 : i32
        %gt3A_73 = arith.cmpi sgt, %add3A_72, %gt3A : i32
        %convert_element_type3A = arith.extui %gt3A_73 : i1 to i32
        %cond3A = arith.constant 0 : i32
        %cond3A_74 = arith.cmpi ne, %convert_element_type3A, %cond3A : i32
        scf.if %cond3A_74 {
          %dma_wait3A_183 = arith.constant 0 : i32
          %dma_wait3A_184 = arith.constant 0 : i32
          %dma_wait3A_185 = tpu.memref_slice %run_scoped3A_4[%dma_wait3A_183, %dma_wait3A_184] : memref<2x4096xf32, #tpu.memory_space<vmem>> -> memref<1x4096xf32, #tpu.memory_space<vmem>>
          %dma_wait3A_186 = tpu.memref_squeeze %dma_wait3A_185 : memref<1x4096xf32, #tpu.memory_space<vmem>> -> memref<4096xf32, #tpu.memory_space<vmem>>
          %dma_wait3A_187 = arith.constant 0 : i32
          %dma_wait3A_188 = tpu.memref_slice %arg7[%add3A_62, %dma_wait3A_187] : memref<400x16384xf32, #tpu.memory_space<hbm>> -> memref<1x4096xf32, #tpu.memory_space<hbm>>
          %dma_wait3A_189 = tpu.memref_squeeze %dma_wait3A_188 : memref<1x4096xf32, #tpu.memory_space<hbm>> -> memref<4096xf32, #tpu.memory_space<hbm>>
          %dma_wait3A_190 = arith.constant 0 : i32
          %dma_wait3A_191 = tpu.memref_slice %arg7[%add3A_62, %dma_wait3A_190] : memref<400x16384xf32, #tpu.memory_space<hbm>> -> memref<1x4096xf32, #tpu.memory_space<hbm>>
          %dma_wait3A_192 = tpu.memref_squeeze %dma_wait3A_191 : memref<1x4096xf32, #tpu.memory_space<hbm>> -> memref<4096xf32, #tpu.memory_space<hbm>>
          %dma_wait3A_193 = arith.constant 0 : i32
          %dma_wait3A_194 = tpu.memref_slice %run_scoped3A_4[%dma_wait3A_183, %dma_wait3A_193] : memref<2x4096xf32, #tpu.memory_space<vmem>> -> memref<1x4096xf32, #tpu.memory_space<vmem>>
          %dma_wait3A_195 = tpu.memref_squeeze %dma_wait3A_194 : memref<1x4096xf32, #tpu.memory_space<vmem>> -> memref<4096xf32, #tpu.memory_space<vmem>>
          tpu.wait_dma2 semaphore(%run_scoped3A_6 : memref<!tpu.dma_semaphore, #tpu.memory_space<semaphore_mem>>) src(%dma_wait3A_195 : memref<4096xf32, #tpu.memory_space<vmem>>) dst(%dma_wait3A_192 : memref<4096xf32, #tpu.memory_space<hbm>>)
        } else {
        }
        %scan3A = arith.constant 0 : i32
        %scan3A_75 = arith.constant 0 : i32
        %scan3A_76 = arith.constant 16 : i32
        %scan3A_77 = arith.addi %scan3A_75, %scan3A_76 : i32
        %scan3A_78 = arith.constant 1 : i32
        scf.for %scan3A_183 = %scan3A_75 to %scan3A_77 step %scan3A_78  : i32 {
          %mul3A_184 = arith.constant 16 : i32
          %mul3A_185 = arith.muli %scan3A_183, %mul3A_184 : i32
          %add3A_186 = arith.constant 0 : i32
          %add3A_187 = arith.addi %mul3A_185, %add3A_186 : i32
          %mul3A_188 = arith.constant 16 : i32
          %mul3A_189 = arith.muli %add3A_187, %mul3A_188 : i32
          %add3A_190 = arith.constant 0 : i32
          %add3A_191 = arith.addi %add3A_190, %mul3A_189 : i32
          %mul3A_192 = arith.constant 16 : i32
          %mul3A_193 = arith.muli %scan3A_183, %mul3A_192 : i32
          %add3A_194 = arith.constant 0 : i32
          %add3A_195 = arith.addi %mul3A_193, %add3A_194 : i32
          %mul3A_196 = arith.constant 16 : i32
          %mul3A_197 = arith.muli %add3A_195, %mul3A_196 : i32
          %get3A = arith.index_cast %add3A_191 : i32 to index
          %get3A_198 = tpu.vector_load %run_scoped3A_3[%get3A] {strides = array<i32>} : memref<16384xi32, #tpu.memory_space<vmem>>, vector<16xi32>,
          %gather3A = tpu.vector_load_idx %run_scoped3A[%get3A_198] : memref<100000xf32, #tpu.memory_space<vmem>>[vector<16xi32>], vector<16xf32>,
          %swap3A = arith.constant 0 : i32
          %swap3A_199 = arith.index_cast %swap3A : i32 to index
          %swap3A_200 = arith.index_cast %mul3A_197 : i32 to index
          %swap3A_201 = tpu.vector_load %run_scoped3A_4[%swap3A_199, %swap3A_200] {strides = array<i32>} : memref<2x4096xf32, #tpu.memory_space<vmem>>, vector<16xf32>,
          tpu.vector_store %run_scoped3A_4[%swap3A_199, %swap3A_200], %gather3A {strides = array<i32>} : memref<2x4096xf32, #tpu.memory_space<vmem>>, vector<16xf32>,
          %mul3A_202 = arith.constant 16 : i32
          %mul3A_203 = arith.muli %scan3A_183, %mul3A_202 : i32
          %add3A_204 = arith.constant 1 : i32
          %add3A_205 = arith.addi %mul3A_203, %add3A_204 : i32
          %mul3A_206 = arith.constant 16 : i32
          %mul3A_207 = arith.muli %add3A_205, %mul3A_206 : i32
          %add3A_208 = arith.constant 0 : i32
          %add3A_209 = arith.addi %add3A_208, %mul3A_207 : i32
          %mul3A_210 = arith.constant 16 : i32
          %mul3A_211 = arith.muli %scan3A_183, %mul3A_210 : i32
          %add3A_212 = arith.constant 1 : i32
          %add3A_213 = arith.addi %mul3A_211, %add3A_212 : i32
          %mul3A_214 = arith.constant 16 : i32
          %mul3A_215 = arith.muli %add3A_213, %mul3A_214 : i32
          %get3A_216 = arith.index_cast %add3A_209 : i32 to index
          %get3A_217 = tpu.vector_load %run_scoped3A_3[%get3A_216] {strides = array<i32>} : memref<16384xi32, #tpu.memory_space<vmem>>, vector<16xi32>,
          %gather3A_218 = tpu.vector_load_idx %run_scoped3A[%get3A_217] : memref<100000xf32, #tpu.memory_space<vmem>>[vector<16xi32>], vector<16xf32>,
          %swap3A_219 = arith.constant 0 : i32
          %swap3A_220 = arith.index_cast %swap3A_219 : i32 to index
          %swap3A_221 = arith.index_cast %mul3A_215 : i32 to index
          %swap3A_222 = tpu.vector_load %run_scoped3A_4[%swap3A_220, %swap3A_221] {strides = array<i32>} : memref<2x4096xf32, #tpu.memory_space<vmem>>, vector<16xf32>,
          tpu.vector_store %run_scoped3A_4[%swap3A_220, %swap3A_221], %gather3A_218 {strides = array<i32>} : memref<2x4096xf32, #tpu.memory_space<vmem>>, vector<16xf32>,
          %mul3A_223 = arith.constant 16 : i32
          %mul3A_224 = arith.muli %scan3A_183, %mul3A_223 : i32
          %add3A_225 = arith.constant 2 : i32
          %add3A_226 = arith.addi %mul3A_224, %add3A_225 : i32
          %mul3A_227 = arith.constant 16 : i32
          %mul3A_228 = arith.muli %add3A_226, %mul3A_227 : i32
          %add3A_229 = arith.constant 0 : i32
          %add3A_230 = arith.addi %add3A_229, %mul3A_228 : i32
          %mul3A_231 = arith.constant 16 : i32
          %mul3A_232 = arith.muli %scan3A_183, %mul3A_231 : i32
          %add3A_233 = arith.constant 2 : i32
          %add3A_234 = arith.addi %mul3A_232, %add3A_233 : i32
          %mul3A_235 = arith.constant 16 : i32
          %mul3A_236 = arith.muli %add3A_234, %mul3A_235 : i32
          %get3A_237 = arith.index_cast %add3A_230 : i32 to index
          %get3A_238 = tpu.vector_load %run_scoped3A_3[%get3A_237] {strides = array<i32>} : memref<16384xi32, #tpu.memory_space<vmem>>, vector<16xi32>,
          %gather3A_239 = tpu.vector_load_idx %run_scoped3A[%get3A_238] : memref<100000xf32, #tpu.memory_space<vmem>>[vector<16xi32>], vector<16xf32>,
          %swap3A_240 = arith.constant 0 : i32
          %swap3A_241 = arith.index_cast %swap3A_240 : i32 to index
          %swap3A_242 = arith.index_cast %mul3A_236 : i32 to index
          %swap3A_243 = tpu.vector_load %run_scoped3A_4[%swap3A_241, %swap3A_242] {strides = array<i32>} : memref<2x4096xf32, #tpu.memory_space<vmem>>, vector<16xf32>,
          tpu.vector_store %run_scoped3A_4[%swap3A_241, %swap3A_242], %gather3A_239 {strides = array<i32>} : memref<2x4096xf32, #tpu.memory_space<vmem>>, vector<16xf32>,
          %mul3A_244 = arith.constant 16 : i32
          %mul3A_245 = arith.muli %scan3A_183, %mul3A_244 : i32
          %add3A_246 = arith.constant 3 : i32
          %add3A_247 = arith.addi %mul3A_245, %add3A_246 : i32
          %mul3A_248 = arith.constant 16 : i32
          %mul3A_249 = arith.muli %add3A_247, %mul3A_248 : i32
          %add3A_250 = arith.constant 0 : i32
          %add3A_251 = arith.addi %add3A_250, %mul3A_249 : i32
          %mul3A_252 = arith.constant 16 : i32
          %mul3A_253 = arith.muli %scan3A_183, %mul3A_252 : i32
          %add3A_254 = arith.constant 3 : i32
          %add3A_255 = arith.addi %mul3A_253, %add3A_254 : i32
          %mul3A_256 = arith.constant 16 : i32
          %mul3A_257 = arith.muli %add3A_255, %mul3A_256 : i32
          %get3A_258 = arith.index_cast %add3A_251 : i32 to index
          %get3A_259 = tpu.vector_load %run_scoped3A_3[%get3A_258] {strides = array<i32>} : memref<16384xi32, #tpu.memory_space<vmem>>, vector<16xi32>,
          %gather3A_260 = tpu.vector_load_idx %run_scoped3A[%get3A_259] : memref<100000xf32, #tpu.memory_space<vmem>>[vector<16xi32>], vector<16xf32>,
          %swap3A_261 = arith.constant 0 : i32
          %swap3A_262 = arith.index_cast %swap3A_261 : i32 to index
          %swap3A_263 = arith.index_cast %mul3A_257 : i32 to index
          %swap3A_264 = tpu.vector_load %run_scoped3A_4[%swap3A_262, %swap3A_263] {strides = array<i32>} : memref<2x4096xf32, #tpu.memory_space<vmem>>, vector<16xf32>,
          tpu.vector_store %run_scoped3A_4[%swap3A_262, %swap3A_263], %gather3A_260 {strides = array<i32>} : memref<2x4096xf32, #tpu.memory_space<vmem>>, vector<16xf32>,
          %mul3A_265 = arith.constant 16 : i32
          %mul3A_266 = arith.muli %scan3A_183, %mul3A_265 : i32
          %add3A_267 = arith.constant 4 : i32
          %add3A_268 = arith.addi %mul3A_266, %add3A_267 : i32
          %mul3A_269 = arith.constant 16 : i32
          %mul3A_270 = arith.muli %add3A_268, %mul3A_269 : i32
          %add3A_271 = arith.constant 0 : i32
          %add3A_272 = arith.addi %add3A_271, %mul3A_270 : i32
          %mul3A_273 = arith.constant 16 : i32
          %mul3A_274 = arith.muli %scan3A_183, %mul3A_273 : i32
          %add3A_275 = arith.constant 4 : i32
          %add3A_276 = arith.addi %mul3A_274, %add3A_275 : i32
          %mul3A_277 = arith.constant 16 : i32
          %mul3A_278 = arith.muli %add3A_276, %mul3A_277 : i32
          %get3A_279 = arith.index_cast %add3A_272 : i32 to index
          %get3A_280 = tpu.vector_load %run_scoped3A_3[%get3A_279] {strides = array<i32>} : memref<16384xi32, #tpu.memory_space<vmem>>, vector<16xi32>,
          %gather3A_281 = tpu.vector_load_idx %run_scoped3A[%get3A_280] : memref<100000xf32, #tpu.memory_space<vmem>>[vector<16xi32>], vector<16xf32>,
          %swap3A_282 = arith.constant 0 : i32
          %swap3A_283 = arith.index_cast %swap3A_282 : i32 to index
          %swap3A_284 = arith.index_cast %mul3A_278 : i32 to index
          %swap3A_285 = tpu.vector_load %run_scoped3A_4[%swap3A_283, %swap3A_284] {strides = array<i32>} : memref<2x4096xf32, #tpu.memory_space<vmem>>, vector<16xf32>,
          tpu.vector_store %run_scoped3A_4[%swap3A_283, %swap3A_284], %gather3A_281 {strides = array<i32>} : memref<2x4096xf32, #tpu.memory_space<vmem>>, vector<16xf32>,
          %mul3A_286 = arith.constant 16 : i32
          %mul3A_287 = arith.muli %scan3A_183, %mul3A_286 : i32
          %add3A_288 = arith.constant 5 : i32
          %add3A_289 = arith.addi %mul3A_287, %add3A_288 : i32
          %mul3A_290 = arith.constant 16 : i32
          %mul3A_291 = arith.muli %add3A_289, %mul3A_290 : i32
          %add3A_292 = arith.constant 0 : i32
          %add3A_293 = arith.addi %add3A_292, %mul3A_291 : i32
          %mul3A_294 = arith.constant 16 : i32
          %mul3A_295 = arith.muli %scan3A_183, %mul3A_294 : i32
          %add3A_296 = arith.constant 5 : i32
          %add3A_297 = arith.addi %mul3A_295, %add3A_296 : i32
          %mul3A_298 = arith.constant 16 : i32
          %mul3A_299 = arith.muli %add3A_297, %mul3A_298 : i32
          %get3A_300 = arith.index_cast %add3A_293 : i32 to index
          %get3A_301 = tpu.vector_load %run_scoped3A_3[%get3A_300] {strides = array<i32>} : memref<16384xi32, #tpu.memory_space<vmem>>, vector<16xi32>,
          %gather3A_302 = tpu.vector_load_idx %run_scoped3A[%get3A_301] : memref<100000xf32, #tpu.memory_space<vmem>>[vector<16xi32>], vector<16xf32>,
          %swap3A_303 = arith.constant 0 : i32
          %swap3A_304 = arith.index_cast %swap3A_303 : i32 to index
          %swap3A_305 = arith.index_cast %mul3A_299 : i32 to index
          %swap3A_306 = tpu.vector_load %run_scoped3A_4[%swap3A_304, %swap3A_305] {strides = array<i32>} : memref<2x4096xf32, #tpu.memory_space<vmem>>, vector<16xf32>,
          tpu.vector_store %run_scoped3A_4[%swap3A_304, %swap3A_305], %gather3A_302 {strides = array<i32>} : memref<2x4096xf32, #tpu.memory_space<vmem>>, vector<16xf32>,
          %mul3A_307 = arith.constant 16 : i32
          %mul3A_308 = arith.muli %scan3A_183, %mul3A_307 : i32
          %add3A_309 = arith.constant 6 : i32
          %add3A_310 = arith.addi %mul3A_308, %add3A_309 : i32
          %mul3A_311 = arith.constant 16 : i32
          %mul3A_312 = arith.muli %add3A_310, %mul3A_311 : i32
          %add3A_313 = arith.constant 0 : i32
          %add3A_314 = arith.addi %add3A_313, %mul3A_312 : i32
          %mul3A_315 = arith.constant 16 : i32
          %mul3A_316 = arith.muli %scan3A_183, %mul3A_315 : i32
          %add3A_317 = arith.constant 6 : i32
          %add3A_318 = arith.addi %mul3A_316, %add3A_317 : i32
          %mul3A_319 = arith.constant 16 : i32
          %mul3A_320 = arith.muli %add3A_318, %mul3A_319 : i32
          %get3A_321 = arith.index_cast %add3A_314 : i32 to index
          %get3A_322 = tpu.vector_load %run_scoped3A_3[%get3A_321] {strides = array<i32>} : memref<16384xi32, #tpu.memory_space<vmem>>, vector<16xi32>,
          %gather3A_323 = tpu.vector_load_idx %run_scoped3A[%get3A_322] : memref<100000xf32, #tpu.memory_space<vmem>>[vector<16xi32>], vector<16xf32>,
          %swap3A_324 = arith.constant 0 : i32
          %swap3A_325 = arith.index_cast %swap3A_324 : i32 to index
          %swap3A_326 = arith.index_cast %mul3A_320 : i32 to index
          %swap3A_327 = tpu.vector_load %run_scoped3A_4[%swap3A_325, %swap3A_326] {strides = array<i32>} : memref<2x4096xf32, #tpu.memory_space<vmem>>, vector<16xf32>,
          tpu.vector_store %run_scoped3A_4[%swap3A_325, %swap3A_326], %gather3A_323 {strides = array<i32>} : memref<2x4096xf32, #tpu.memory_space<vmem>>, vector<16xf32>,
          %mul3A_328 = arith.constant 16 : i32
          %mul3A_329 = arith.muli %scan3A_183, %mul3A_328 : i32
          %add3A_330 = arith.constant 7 : i32
          %add3A_331 = arith.addi %mul3A_329, %add3A_330 : i32
          %mul3A_332 = arith.constant 16 : i32
          %mul3A_333 = arith.muli %add3A_331, %mul3A_332 : i32
          %add3A_334 = arith.constant 0 : i32
          %add3A_335 = arith.addi %add3A_334, %mul3A_333 : i32
          %mul3A_336 = arith.constant 16 : i32
          %mul3A_337 = arith.muli %scan3A_183, %mul3A_336 : i32
          %add3A_338 = arith.constant 7 : i32
          %add3A_339 = arith.addi %mul3A_337, %add3A_338 : i32
          %mul3A_340 = arith.constant 16 : i32
          %mul3A_341 = arith.muli %add3A_339, %mul3A_340 : i32
          %get3A_342 = arith.index_cast %add3A_335 : i32 to index
          %get3A_343 = tpu.vector_load %run_scoped3A_3[%get3A_342] {strides = array<i32>} : memref<16384xi32, #tpu.memory_space<vmem>>, vector<16xi32>,
          %gather3A_344 = tpu.vector_load_idx %run_scoped3A[%get3A_343] : memref<100000xf32, #tpu.memory_space<vmem>>[vector<16xi32>], vector<16xf32>,
          %swap3A_345 = arith.constant 0 : i32
          %swap3A_346 = arith.index_cast %swap3A_345 : i32 to index
          %swap3A_347 = arith.index_cast %mul3A_341 : i32 to index
          %swap3A_348 = tpu.vector_load %run_scoped3A_4[%swap3A_346, %swap3A_347] {strides = array<i32>} : memref<2x4096xf32, #tpu.memory_space<vmem>>, vector<16xf32>,
          tpu.vector_store %run_scoped3A_4[%swap3A_346, %swap3A_347], %gather3A_344 {strides = array<i32>} : memref<2x4096xf32, #tpu.memory_space<vmem>>, vector<16xf32>,
          %mul3A_349 = arith.constant 16 : i32
          %mul3A_350 = arith.muli %scan3A_183, %mul3A_349 : i32
          %add3A_351 = arith.constant 8 : i32
          %add3A_352 = arith.addi %mul3A_350, %add3A_351 : i32
          %mul3A_353 = arith.constant 16 : i32
          %mul3A_354 = arith.muli %add3A_352, %mul3A_353 : i32
          %add3A_355 = arith.constant 0 : i32
          %add3A_356 = arith.addi %add3A_355, %mul3A_354 : i32
          %mul3A_357 = arith.constant 16 : i32
          %mul3A_358 = arith.muli %scan3A_183, %mul3A_357 : i32
          %add3A_359 = arith.constant 8 : i32
          %add3A_360 = arith.addi %mul3A_358, %add3A_359 : i32
          %mul3A_361 = arith.constant 16 : i32
          %mul3A_362 = arith.muli %add3A_360, %mul3A_361 : i32
          %get3A_363 = arith.index_cast %add3A_356 : i32 to index
          %get3A_364 = tpu.vector_load %run_scoped3A_3[%get3A_363] {strides = array<i32>} : memref<16384xi32, #tpu.memory_space<vmem>>, vector<16xi32>,
          %gather3A_365 = tpu.vector_load_idx %run_scoped3A[%get3A_364] : memref<100000xf32, #tpu.memory_space<vmem>>[vector<16xi32>], vector<16xf32>,
          %swap3A_366 = arith.constant 0 : i32
          %swap3A_367 = arith.index_cast %swap3A_366 : i32 to index
          %swap3A_368 = arith.index_cast %mul3A_362 : i32 to index
          %swap3A_369 = tpu.vector_load %run_scoped3A_4[%swap3A_367, %swap3A_368] {strides = array<i32>} : memref<2x4096xf32, #tpu.memory_space<vmem>>, vector<16xf32>,
          tpu.vector_store %run_scoped3A_4[%swap3A_367, %swap3A_368], %gather3A_365 {strides = array<i32>} : memref<2x4096xf32, #tpu.memory_space<vmem>>, vector<16xf32>,
          %mul3A_370 = arith.constant 16 : i32
          %mul3A_371 = arith.muli %scan3A_183, %mul3A_370 : i32
          %add3A_372 = arith.constant 9 : i32
          %add3A_373 = arith.addi %mul3A_371, %add3A_372 : i32
          %mul3A_374 = arith.constant 16 : i32
          %mul3A_375 = arith.muli %add3A_373, %mul3A_374 : i32
          %add3A_376 = arith.constant 0 : i32
          %add3A_377 = arith.addi %add3A_376, %mul3A_375 : i32
          %mul3A_378 = arith.constant 16 : i32
          %mul3A_379 = arith.muli %scan3A_183, %mul3A_378 : i32
          %add3A_380 = arith.constant 9 : i32
          %add3A_381 = arith.addi %mul3A_379, %add3A_380 : i32
          %mul3A_382 = arith.constant 16 : i32
          %mul3A_383 = arith.muli %add3A_381, %mul3A_382 : i32
          %get3A_384 = arith.index_cast %add3A_377 : i32 to index
          %get3A_385 = tpu.vector_load %run_scoped3A_3[%get3A_384] {strides = array<i32>} : memref<16384xi32, #tpu.memory_space<vmem>>, vector<16xi32>,
          %gather3A_386 = tpu.vector_load_idx %run_scoped3A[%get3A_385] : memref<100000xf32, #tpu.memory_space<vmem>>[vector<16xi32>], vector<16xf32>,
          %swap3A_387 = arith.constant 0 : i32
          %swap3A_388 = arith.index_cast %swap3A_387 : i32 to index
          %swap3A_389 = arith.index_cast %mul3A_383 : i32 to index
          %swap3A_390 = tpu.vector_load %run_scoped3A_4[%swap3A_388, %swap3A_389] {strides = array<i32>} : memref<2x4096xf32, #tpu.memory_space<vmem>>, vector<16xf32>,
          tpu.vector_store %run_scoped3A_4[%swap3A_388, %swap3A_389], %gather3A_386 {strides = array<i32>} : memref<2x4096xf32, #tpu.memory_space<vmem>>, vector<16xf32>,
          %mul3A_391 = arith.constant 16 : i32
          %mul3A_392 = arith.muli %scan3A_183, %mul3A_391 : i32
          %add3A_393 = arith.constant 10 : i32
          %add3A_394 = arith.addi %mul3A_392, %add3A_393 : i32
          %mul3A_395 = arith.constant 16 : i32
          %mul3A_396 = arith.muli %add3A_394, %mul3A_395 : i32
          %add3A_397 = arith.constant 0 : i32
          %add3A_398 = arith.addi %add3A_397, %mul3A_396 : i32
          %mul3A_399 = arith.constant 16 : i32
          %mul3A_400 = arith.muli %scan3A_183, %mul3A_399 : i32
          %add3A_401 = arith.constant 10 : i32
          %add3A_402 = arith.addi %mul3A_400, %add3A_401 : i32
          %mul3A_403 = arith.constant 16 : i32
          %mul3A_404 = arith.muli %add3A_402, %mul3A_403 : i32
          %get3A_405 = arith.index_cast %add3A_398 : i32 to index
          %get3A_406 = tpu.vector_load %run_scoped3A_3[%get3A_405] {strides = array<i32>} : memref<16384xi32, #tpu.memory_space<vmem>>, vector<16xi32>,
          %gather3A_407 = tpu.vector_load_idx %run_scoped3A[%get3A_406] : memref<100000xf32, #tpu.memory_space<vmem>>[vector<16xi32>], vector<16xf32>,
          %swap3A_408 = arith.constant 0 : i32
          %swap3A_409 = arith.index_cast %swap3A_408 : i32 to index
          %swap3A_410 = arith.index_cast %mul3A_404 : i32 to index
          %swap3A_411 = tpu.vector_load %run_scoped3A_4[%swap3A_409, %swap3A_410] {strides = array<i32>} : memref<2x4096xf32, #tpu.memory_space<vmem>>, vector<16xf32>,
          tpu.vector_store %run_scoped3A_4[%swap3A_409, %swap3A_410], %gather3A_407 {strides = array<i32>} : memref<2x4096xf32, #tpu.memory_space<vmem>>, vector<16xf32>,
          %mul3A_412 = arith.constant 16 : i32
          %mul3A_413 = arith.muli %scan3A_183, %mul3A_412 : i32
          %add3A_414 = arith.constant 11 : i32
          %add3A_415 = arith.addi %mul3A_413, %add3A_414 : i32
          %mul3A_416 = arith.constant 16 : i32
          %mul3A_417 = arith.muli %add3A_415, %mul3A_416 : i32
          %add3A_418 = arith.constant 0 : i32
          %add3A_419 = arith.addi %add3A_418, %mul3A_417 : i32
          %mul3A_420 = arith.constant 16 : i32
          %mul3A_421 = arith.muli %scan3A_183, %mul3A_420 : i32
          %add3A_422 = arith.constant 11 : i32
          %add3A_423 = arith.addi %mul3A_421, %add3A_422 : i32
          %mul3A_424 = arith.constant 16 : i32
          %mul3A_425 = arith.muli %add3A_423, %mul3A_424 : i32
          %get3A_426 = arith.index_cast %add3A_419 : i32 to index
          %get3A_427 = tpu.vector_load %run_scoped3A_3[%get3A_426] {strides = array<i32>} : memref<16384xi32, #tpu.memory_space<vmem>>, vector<16xi32>,
          %gather3A_428 = tpu.vector_load_idx %run_scoped3A[%get3A_427] : memref<100000xf32, #tpu.memory_space<vmem>>[vector<16xi32>], vector<16xf32>,
          %swap3A_429 = arith.constant 0 : i32
          %swap3A_430 = arith.index_cast %swap3A_429 : i32 to index
          %swap3A_431 = arith.index_cast %mul3A_425 : i32 to index
          %swap3A_432 = tpu.vector_load %run_scoped3A_4[%swap3A_430, %swap3A_431] {strides = array<i32>} : memref<2x4096xf32, #tpu.memory_space<vmem>>, vector<16xf32>,
          tpu.vector_store %run_scoped3A_4[%swap3A_430, %swap3A_431], %gather3A_428 {strides = array<i32>} : memref<2x4096xf32, #tpu.memory_space<vmem>>, vector<16xf32>,
          %mul3A_433 = arith.constant 16 : i32
          %mul3A_434 = arith.muli %scan3A_183, %mul3A_433 : i32
          %add3A_435 = arith.constant 12 : i32
          %add3A_436 = arith.addi %mul3A_434, %add3A_435 : i32
          %mul3A_437 = arith.constant 16 : i32
          %mul3A_438 = arith.muli %add3A_436, %mul3A_437 : i32
          %add3A_439 = arith.constant 0 : i32
          %add3A_440 = arith.addi %add3A_439, %mul3A_438 : i32
          %mul3A_441 = arith.constant 16 : i32
          %mul3A_442 = arith.muli %scan3A_183, %mul3A_441 : i32
          %add3A_443 = arith.constant 12 : i32
          %add3A_444 = arith.addi %mul3A_442, %add3A_443 : i32
          %mul3A_445 = arith.constant 16 : i32
          %mul3A_446 = arith.muli %add3A_444, %mul3A_445 : i32
          %get3A_447 = arith.index_cast %add3A_440 : i32 to index
          %get3A_448 = tpu.vector_load %run_scoped3A_3[%get3A_447] {strides = array<i32>} : memref<16384xi32, #tpu.memory_space<vmem>>, vector<16xi32>,
          %gather3A_449 = tpu.vector_load_idx %run_scoped3A[%get3A_448] : memref<100000xf32, #tpu.memory_space<vmem>>[vector<16xi32>], vector<16xf32>,
          %swap3A_450 = arith.constant 0 : i32
          %swap3A_451 = arith.index_cast %swap3A_450 : i32 to index
          %swap3A_452 = arith.index_cast %mul3A_446 : i32 to index
          %swap3A_453 = tpu.vector_load %run_scoped3A_4[%swap3A_451, %swap3A_452] {strides = array<i32>} : memref<2x4096xf32, #tpu.memory_space<vmem>>, vector<16xf32>,
          tpu.vector_store %run_scoped3A_4[%swap3A_451, %swap3A_452], %gather3A_449 {strides = array<i32>} : memref<2x4096xf32, #tpu.memory_space<vmem>>, vector<16xf32>,
          %mul3A_454 = arith.constant 16 : i32
          %mul3A_455 = arith.muli %scan3A_183, %mul3A_454 : i32
          %add3A_456 = arith.constant 13 : i32
          %add3A_457 = arith.addi %mul3A_455, %add3A_456 : i32
          %mul3A_458 = arith.constant 16 : i32
          %mul3A_459 = arith.muli %add3A_457, %mul3A_458 : i32
          %add3A_460 = arith.constant 0 : i32
          %add3A_461 = arith.addi %add3A_460, %mul3A_459 : i32
          %mul3A_462 = arith.constant 16 : i32
          %mul3A_463 = arith.muli %scan3A_183, %mul3A_462 : i32
          %add3A_464 = arith.constant 13 : i32
          %add3A_465 = arith.addi %mul3A_463, %add3A_464 : i32
          %mul3A_466 = arith.constant 16 : i32
          %mul3A_467 = arith.muli %add3A_465, %mul3A_466 : i32
          %get3A_468 = arith.index_cast %add3A_461 : i32 to index
          %get3A_469 = tpu.vector_load %run_scoped3A_3[%get3A_468] {strides = array<i32>} : memref<16384xi32, #tpu.memory_space<vmem>>, vector<16xi32>,
          %gather3A_470 = tpu.vector_load_idx %run_scoped3A[%get3A_469] : memref<100000xf32, #tpu.memory_space<vmem>>[vector<16xi32>], vector<16xf32>,
          %swap3A_471 = arith.constant 0 : i32
          %swap3A_472 = arith.index_cast %swap3A_471 : i32 to index
          %swap3A_473 = arith.index_cast %mul3A_467 : i32 to index
          %swap3A_474 = tpu.vector_load %run_scoped3A_4[%swap3A_472, %swap3A_473] {strides = array<i32>} : memref<2x4096xf32, #tpu.memory_space<vmem>>, vector<16xf32>,
          tpu.vector_store %run_scoped3A_4[%swap3A_472, %swap3A_473], %gather3A_470 {strides = array<i32>} : memref<2x4096xf32, #tpu.memory_space<vmem>>, vector<16xf32>,
          %mul3A_475 = arith.constant 16 : i32
          %mul3A_476 = arith.muli %scan3A_183, %mul3A_475 : i32
          %add3A_477 = arith.constant 14 : i32
          %add3A_478 = arith.addi %mul3A_476, %add3A_477 : i32
          %mul3A_479 = arith.constant 16 : i32
          %mul3A_480 = arith.muli %add3A_478, %mul3A_479 : i32
          %add3A_481 = arith.constant 0 : i32
          %add3A_482 = arith.addi %add3A_481, %mul3A_480 : i32
          %mul3A_483 = arith.constant 16 : i32
          %mul3A_484 = arith.muli %scan3A_183, %mul3A_483 : i32
          %add3A_485 = arith.constant 14 : i32
          %add3A_486 = arith.addi %mul3A_484, %add3A_485 : i32
          %mul3A_487 = arith.constant 16 : i32
          %mul3A_488 = arith.muli %add3A_486, %mul3A_487 : i32
          %get3A_489 = arith.index_cast %add3A_482 : i32 to index
          %get3A_490 = tpu.vector_load %run_scoped3A_3[%get3A_489] {strides = array<i32>} : memref<16384xi32, #tpu.memory_space<vmem>>, vector<16xi32>,
          %gather3A_491 = tpu.vector_load_idx %run_scoped3A[%get3A_490] : memref<100000xf32, #tpu.memory_space<vmem>>[vector<16xi32>], vector<16xf32>,
          %swap3A_492 = arith.constant 0 : i32
          %swap3A_493 = arith.index_cast %swap3A_492 : i32 to index
          %swap3A_494 = arith.index_cast %mul3A_488 : i32 to index
          %swap3A_495 = tpu.vector_load %run_scoped3A_4[%swap3A_493, %swap3A_494] {strides = array<i32>} : memref<2x4096xf32, #tpu.memory_space<vmem>>, vector<16xf32>,
          tpu.vector_store %run_scoped3A_4[%swap3A_493, %swap3A_494], %gather3A_491 {strides = array<i32>} : memref<2x4096xf32, #tpu.memory_space<vmem>>, vector<16xf32>,
          %mul3A_496 = arith.constant 16 : i32
          %mul3A_497 = arith.muli %scan3A_183, %mul3A_496 : i32
          %add3A_498 = arith.constant 15 : i32
          %add3A_499 = arith.addi %mul3A_497, %add3A_498 : i32
          %mul3A_500 = arith.constant 16 : i32
          %mul3A_501 = arith.muli %add3A_499, %mul3A_500 : i32
          %add3A_502 = arith.constant 0 : i32
          %add3A_503 = arith.addi %add3A_502, %mul3A_501 : i32
          %mul3A_504 = arith.constant 16 : i32
          %mul3A_505 = arith.muli %scan3A_183, %mul3A_504 : i32
          %add3A_506 = arith.constant 15 : i32
          %add3A_507 = arith.addi %mul3A_505, %add3A_506 : i32
          %mul3A_508 = arith.constant 16 : i32
          %mul3A_509 = arith.muli %add3A_507, %mul3A_508 : i32
          %get3A_510 = arith.index_cast %add3A_503 : i32 to index
          %get3A_511 = tpu.vector_load %run_scoped3A_3[%get3A_510] {strides = array<i32>} : memref<16384xi32, #tpu.memory_space<vmem>>, vector<16xi32>,
          %gather3A_512 = tpu.vector_load_idx %run_scoped3A[%get3A_511] : memref<100000xf32, #tpu.memory_space<vmem>>[vector<16xi32>], vector<16xf32>,
          %swap3A_513 = arith.constant 0 : i32
          %swap3A_514 = arith.index_cast %swap3A_513 : i32 to index
          %swap3A_515 = arith.index_cast %mul3A_509 : i32 to index
          %swap3A_516 = tpu.vector_load %run_scoped3A_4[%swap3A_514, %swap3A_515] {strides = array<i32>} : memref<2x4096xf32, #tpu.memory_space<vmem>>, vector<16xf32>,
          tpu.vector_store %run_scoped3A_4[%swap3A_514, %swap3A_515], %gather3A_512 {strides = array<i32>} : memref<2x4096xf32, #tpu.memory_space<vmem>>, vector<16xf32>,
        }
        %scan3A_79 = arith.constant 16 : i32
        %dma_start3A_80 = arith.constant 0 : i32
        %dma_start3A_81 = arith.constant 0 : i32
        %dma_start3A_82 = tpu.memref_slice %run_scoped3A_4[%dma_start3A_80, %dma_start3A_81] : memref<2x4096xf32, #tpu.memory_space<vmem>> -> memref<1x4096xf32, #tpu.memory_space<vmem>>
        %dma_start3A_83 = tpu.memref_squeeze %dma_start3A_82 : memref<1x4096xf32, #tpu.memory_space<vmem>> -> memref<4096xf32, #tpu.memory_space<vmem>>
        %dma_start3A_84 = arith.constant 0 : i32
        %dma_start3A_85 = tpu.memref_slice %arg7[%add3A_62, %dma_start3A_84] : memref<400x16384xf32, #tpu.memory_space<hbm>> -> memref<1x4096xf32, #tpu.memory_space<hbm>>
        %dma_start3A_86 = tpu.memref_squeeze %dma_start3A_85 : memref<1x4096xf32, #tpu.memory_space<hbm>> -> memref<4096xf32, #tpu.memory_space<hbm>>
        %dma_start3A_87 = arith.constant 0 : i32
        %dma_start3A_88 = tpu.memref_slice %arg7[%add3A_62, %dma_start3A_87] : memref<400x16384xf32, #tpu.memory_space<hbm>> -> memref<1x4096xf32, #tpu.memory_space<hbm>>
        %dma_start3A_89 = tpu.memref_squeeze %dma_start3A_88 : memref<1x4096xf32, #tpu.memory_space<hbm>> -> memref<4096xf32, #tpu.memory_space<hbm>>
        %dma_start3A_90 = arith.constant 0 : i32
        %dma_start3A_91 = tpu.memref_slice %run_scoped3A_4[%dma_start3A_80, %dma_start3A_90] : memref<2x4096xf32, #tpu.memory_space<vmem>> -> memref<1x4096xf32, #tpu.memory_space<vmem>>
        %dma_start3A_92 = tpu.memref_squeeze %dma_start3A_91 : memref<1x4096xf32, #tpu.memory_space<vmem>> -> memref<4096xf32, #tpu.memory_space<vmem>>
        tpu.enqueue_dma source(%dma_start3A_92 : memref<4096xf32, #tpu.memory_space<vmem>>) target(%dma_start3A_89 : memref<4096xf32, #tpu.memory_space<hbm>>) target_semaphore(%run_scoped3A_6 : memref<!tpu.dma_semaphore, #tpu.memory_space<semaphore_mem>>)
        %mul3A_93 = arith.constant 4 : i32
        %mul3A_94 = arith.muli %while3A_61, %mul3A_93 : i32
        %add3A_95 = arith.constant 1 : i32
        %add3A_96 = arith.addi %mul3A_94, %add3A_95 : i32
        %gt3A_97 = arith.constant 1 : i32
        %gt3A_98 = arith.cmpi sgt, %add3A_96, %gt3A_97 : i32
        %convert_element_type3A_99 = arith.extui %gt3A_98 : i1 to i32
        %cond3A_100 = arith.constant 0 : i32
        %cond3A_101 = arith.cmpi ne, %convert_element_type3A_99, %cond3A_100 : i32
        scf.if %cond3A_101 {
          %dma_wait3A_183 = arith.constant 1 : i32
          %dma_wait3A_184 = arith.constant 0 : i32
          %dma_wait3A_185 = tpu.memref_slice %run_scoped3A_4[%dma_wait3A_183, %dma_wait3A_184] : memref<2x4096xf32, #tpu.memory_space<vmem>> -> memref<1x4096xf32, #tpu.memory_space<vmem>>
          %dma_wait3A_186 = tpu.memref_squeeze %dma_wait3A_185 : memref<1x4096xf32, #tpu.memory_space<vmem>> -> memref<4096xf32, #tpu.memory_space<vmem>>
          %dma_wait3A_187 = arith.constant 4096 : i32
          %dma_wait3A_188 = tpu.memref_slice %arg7[%add3A_62, %dma_wait3A_187] : memref<400x16384xf32, #tpu.memory_space<hbm>> -> memref<1x4096xf32, #tpu.memory_space<hbm>>
          %dma_wait3A_189 = tpu.memref_squeeze %dma_wait3A_188 : memref<1x4096xf32, #tpu.memory_space<hbm>> -> memref<4096xf32, #tpu.memory_space<hbm>>
          %dma_wait3A_190 = arith.constant 4096 : i32
          %dma_wait3A_191 = tpu.memref_slice %arg7[%add3A_62, %dma_wait3A_190] : memref<400x16384xf32, #tpu.memory_space<hbm>> -> memref<1x4096xf32, #tpu.memory_space<hbm>>
          %dma_wait3A_192 = tpu.memref_squeeze %dma_wait3A_191 : memref<1x4096xf32, #tpu.memory_space<hbm>> -> memref<4096xf32, #tpu.memory_space<hbm>>
          %dma_wait3A_193 = arith.constant 0 : i32
          %dma_wait3A_194 = tpu.memref_slice %run_scoped3A_4[%dma_wait3A_183, %dma_wait3A_193] : memref<2x4096xf32, #tpu.memory_space<vmem>> -> memref<1x4096xf32, #tpu.memory_space<vmem>>
          %dma_wait3A_195 = tpu.memref_squeeze %dma_wait3A_194 : memref<1x4096xf32, #tpu.memory_space<vmem>> -> memref<4096xf32, #tpu.memory_space<vmem>>
          tpu.wait_dma2 semaphore(%run_scoped3A_6 : memref<!tpu.dma_semaphore, #tpu.memory_space<semaphore_mem>>) src(%dma_wait3A_195 : memref<4096xf32, #tpu.memory_space<vmem>>) dst(%dma_wait3A_192 : memref<4096xf32, #tpu.memory_space<hbm>>)
        } else {
        }
        %scan3A_102 = arith.constant 0 : i32
        %scan3A_103 = arith.constant 0 : i32
        %scan3A_104 = arith.constant 16 : i32
        %scan3A_105 = arith.addi %scan3A_103, %scan3A_104 : i32
        %scan3A_106 = arith.constant 1 : i32
        scf.for %scan3A_183 = %scan3A_103 to %scan3A_105 step %scan3A_106  : i32 {
          %mul3A_184 = arith.constant 16 : i32
          %mul3A_185 = arith.muli %scan3A_183, %mul3A_184 : i32
          %add3A_186 = arith.constant 0 : i32
          %add3A_187 = arith.addi %mul3A_185, %add3A_186 : i32
          %mul3A_188 = arith.constant 16 : i32
          %mul3A_189 = arith.muli %add3A_187, %mul3A_188 : i32
          %add3A_190 = arith.constant 4096 : i32
          %add3A_191 = arith.addi %add3A_190, %mul3A_189 : i32
          %mul3A_192 = arith.constant 16 : i32
          %mul3A_193 = arith.muli %scan3A_183, %mul3A_192 : i32
          %add3A_194 = arith.constant 0 : i32
          %add3A_195 = arith.addi %mul3A_193, %add3A_194 : i32
          %mul3A_196 = arith.constant 16 : i32
          %mul3A_197 = arith.muli %add3A_195, %mul3A_196 : i32
          %get3A = arith.index_cast %add3A_191 : i32 to index
          %get3A_198 = tpu.vector_load %run_scoped3A_3[%get3A] {strides = array<i32>} : memref<16384xi32, #tpu.memory_space<vmem>>, vector<16xi32>,
          %gather3A = tpu.vector_load_idx %run_scoped3A[%get3A_198] : memref<100000xf32, #tpu.memory_space<vmem>>[vector<16xi32>], vector<16xf32>,
          %swap3A = arith.constant 1 : i32
          %swap3A_199 = arith.index_cast %swap3A : i32 to index
          %swap3A_200 = arith.index_cast %mul3A_197 : i32 to index
          %swap3A_201 = tpu.vector_load %run_scoped3A_4[%swap3A_199, %swap3A_200] {strides = array<i32>} : memref<2x4096xf32, #tpu.memory_space<vmem>>, vector<16xf32>,
          tpu.vector_store %run_scoped3A_4[%swap3A_199, %swap3A_200], %gather3A {strides = array<i32>} : memref<2x4096xf32, #tpu.memory_space<vmem>>, vector<16xf32>,
          %mul3A_202 = arith.constant 16 : i32
          %mul3A_203 = arith.muli %scan3A_183, %mul3A_202 : i32
          %add3A_204 = arith.constant 1 : i32
          %add3A_205 = arith.addi %mul3A_203, %add3A_204 : i32
          %mul3A_206 = arith.constant 16 : i32
          %mul3A_207 = arith.muli %add3A_205, %mul3A_206 : i32
          %add3A_208 = arith.constant 4096 : i32
          %add3A_209 = arith.addi %add3A_208, %mul3A_207 : i32
          %mul3A_210 = arith.constant 16 : i32
          %mul3A_211 = arith.muli %scan3A_183, %mul3A_210 : i32
          %add3A_212 = arith.constant 1 : i32
          %add3A_213 = arith.addi %mul3A_211, %add3A_212 : i32
          %mul3A_214 = arith.constant 16 : i32
          %mul3A_215 = arith.muli %add3A_213, %mul3A_214 : i32
          %get3A_216 = arith.index_cast %add3A_209 : i32 to index
          %get3A_217 = tpu.vector_load %run_scoped3A_3[%get3A_216] {strides = array<i32>} : memref<16384xi32, #tpu.memory_space<vmem>>, vector<16xi32>,
          %gather3A_218 = tpu.vector_load_idx %run_scoped3A[%get3A_217] : memref<100000xf32, #tpu.memory_space<vmem>>[vector<16xi32>], vector<16xf32>,
          %swap3A_219 = arith.constant 1 : i32
          %swap3A_220 = arith.index_cast %swap3A_219 : i32 to index
          %swap3A_221 = arith.index_cast %mul3A_215 : i32 to index
          %swap3A_222 = tpu.vector_load %run_scoped3A_4[%swap3A_220, %swap3A_221] {strides = array<i32>} : memref<2x4096xf32, #tpu.memory_space<vmem>>, vector<16xf32>,
          tpu.vector_store %run_scoped3A_4[%swap3A_220, %swap3A_221], %gather3A_218 {strides = array<i32>} : memref<2x4096xf32, #tpu.memory_space<vmem>>, vector<16xf32>,
          %mul3A_223 = arith.constant 16 : i32
          %mul3A_224 = arith.muli %scan3A_183, %mul3A_223 : i32
          %add3A_225 = arith.constant 2 : i32
          %add3A_226 = arith.addi %mul3A_224, %add3A_225 : i32
          %mul3A_227 = arith.constant 16 : i32
          %mul3A_228 = arith.muli %add3A_226, %mul3A_227 : i32
          %add3A_229 = arith.constant 4096 : i32
          %add3A_230 = arith.addi %add3A_229, %mul3A_228 : i32
          %mul3A_231 = arith.constant 16 : i32
          %mul3A_232 = arith.muli %scan3A_183, %mul3A_231 : i32
          %add3A_233 = arith.constant 2 : i32
          %add3A_234 = arith.addi %mul3A_232, %add3A_233 : i32
          %mul3A_235 = arith.constant 16 : i32
          %mul3A_236 = arith.muli %add3A_234, %mul3A_235 : i32
          %get3A_237 = arith.index_cast %add3A_230 : i32 to index
          %get3A_238 = tpu.vector_load %run_scoped3A_3[%get3A_237] {strides = array<i32>} : memref<16384xi32, #tpu.memory_space<vmem>>, vector<16xi32>,
          %gather3A_239 = tpu.vector_load_idx %run_scoped3A[%get3A_238] : memref<100000xf32, #tpu.memory_space<vmem>>[vector<16xi32>], vector<16xf32>,
          %swap3A_240 = arith.constant 1 : i32
          %swap3A_241 = arith.index_cast %swap3A_240 : i32 to index
          %swap3A_242 = arith.index_cast %mul3A_236 : i32 to index
          %swap3A_243 = tpu.vector_load %run_scoped3A_4[%swap3A_241, %swap3A_242] {strides = array<i32>} : memref<2x4096xf32, #tpu.memory_space<vmem>>, vector<16xf32>,
          tpu.vector_store %run_scoped3A_4[%swap3A_241, %swap3A_242], %gather3A_239 {strides = array<i32>} : memref<2x4096xf32, #tpu.memory_space<vmem>>, vector<16xf32>,
          %mul3A_244 = arith.constant 16 : i32
          %mul3A_245 = arith.muli %scan3A_183, %mul3A_244 : i32
          %add3A_246 = arith.constant 3 : i32
          %add3A_247 = arith.addi %mul3A_245, %add3A_246 : i32
          %mul3A_248 = arith.constant 16 : i32
          %mul3A_249 = arith.muli %add3A_247, %mul3A_248 : i32
          %add3A_250 = arith.constant 4096 : i32
          %add3A_251 = arith.addi %add3A_250, %mul3A_249 : i32
          %mul3A_252 = arith.constant 16 : i32
          %mul3A_253 = arith.muli %scan3A_183, %mul3A_252 : i32
          %add3A_254 = arith.constant 3 : i32
          %add3A_255 = arith.addi %mul3A_253, %add3A_254 : i32
          %mul3A_256 = arith.constant 16 : i32
          %mul3A_257 = arith.muli %add3A_255, %mul3A_256 : i32
          %get3A_258 = arith.index_cast %add3A_251 : i32 to index
          %get3A_259 = tpu.vector_load %run_scoped3A_3[%get3A_258] {strides = array<i32>} : memref<16384xi32, #tpu.memory_space<vmem>>, vector<16xi32>,
          %gather3A_260 = tpu.vector_load_idx %run_scoped3A[%get3A_259] : memref<100000xf32, #tpu.memory_space<vmem>>[vector<16xi32>], vector<16xf32>,
          %swap3A_261 = arith.constant 1 : i32
          %swap3A_262 = arith.index_cast %swap3A_261 : i32 to index
          %swap3A_263 = arith.index_cast %mul3A_257 : i32 to index
          %swap3A_264 = tpu.vector_load %run_scoped3A_4[%swap3A_262, %swap3A_263] {strides = array<i32>} : memref<2x4096xf32, #tpu.memory_space<vmem>>, vector<16xf32>,
          tpu.vector_store %run_scoped3A_4[%swap3A_262, %swap3A_263], %gather3A_260 {strides = array<i32>} : memref<2x4096xf32, #tpu.memory_space<vmem>>, vector<16xf32>,
          %mul3A_265 = arith.constant 16 : i32
          %mul3A_266 = arith.muli %scan3A_183, %mul3A_265 : i32
          %add3A_267 = arith.constant 4 : i32
          %add3A_268 = arith.addi %mul3A_266, %add3A_267 : i32
          %mul3A_269 = arith.constant 16 : i32
          %mul3A_270 = arith.muli %add3A_268, %mul3A_269 : i32
          %add3A_271 = arith.constant 4096 : i32
          %add3A_272 = arith.addi %add3A_271, %mul3A_270 : i32
          %mul3A_273 = arith.constant 16 : i32
          %mul3A_274 = arith.muli %scan3A_183, %mul3A_273 : i32
          %add3A_275 = arith.constant 4 : i32
          %add3A_276 = arith.addi %mul3A_274, %add3A_275 : i32
          %mul3A_277 = arith.constant 16 : i32
          %mul3A_278 = arith.muli %add3A_276, %mul3A_277 : i32
          %get3A_279 = arith.index_cast %add3A_272 : i32 to index
          %get3A_280 = tpu.vector_load %run_scoped3A_3[%get3A_279] {strides = array<i32>} : memref<16384xi32, #tpu.memory_space<vmem>>, vector<16xi32>,
          %gather3A_281 = tpu.vector_load_idx %run_scoped3A[%get3A_280] : memref<100000xf32, #tpu.memory_space<vmem>>[vector<16xi32>], vector<16xf32>,
          %swap3A_282 = arith.constant 1 : i32
          %swap3A_283 = arith.index_cast %swap3A_282 : i32 to index
          %swap3A_284 = arith.index_cast %mul3A_278 : i32 to index
          %swap3A_285 = tpu.vector_load %run_scoped3A_4[%swap3A_283, %swap3A_284] {strides = array<i32>} : memref<2x4096xf32, #tpu.memory_space<vmem>>, vector<16xf32>,
          tpu.vector_store %run_scoped3A_4[%swap3A_283, %swap3A_284], %gather3A_281 {strides = array<i32>} : memref<2x4096xf32, #tpu.memory_space<vmem>>, vector<16xf32>,
          %mul3A_286 = arith.constant 16 : i32
          %mul3A_287 = arith.muli %scan3A_183, %mul3A_286 : i32
          %add3A_288 = arith.constant 5 : i32
          %add3A_289 = arith.addi %mul3A_287, %add3A_288 : i32
          %mul3A_290 = arith.constant 16 : i32
          %mul3A_291 = arith.muli %add3A_289, %mul3A_290 : i32
          %add3A_292 = arith.constant 4096 : i32
          %add3A_293 = arith.addi %add3A_292, %mul3A_291 : i32
          %mul3A_294 = arith.constant 16 : i32
          %mul3A_295 = arith.muli %scan3A_183, %mul3A_294 : i32
          %add3A_296 = arith.constant 5 : i32
          %add3A_297 = arith.addi %mul3A_295, %add3A_296 : i32
          %mul3A_298 = arith.constant 16 : i32
          %mul3A_299 = arith.muli %add3A_297, %mul3A_298 : i32
          %get3A_300 = arith.index_cast %add3A_293 : i32 to index
          %get3A_301 = tpu.vector_load %run_scoped3A_3[%get3A_300] {strides = array<i32>} : memref<16384xi32, #tpu.memory_space<vmem>>, vector<16xi32>,
          %gather3A_302 = tpu.vector_load_idx %run_scoped3A[%get3A_301] : memref<100000xf32, #tpu.memory_space<vmem>>[vector<16xi32>], vector<16xf32>,
          %swap3A_303 = arith.constant 1 : i32
          %swap3A_304 = arith.index_cast %swap3A_303 : i32 to index
          %swap3A_305 = arith.index_cast %mul3A_299 : i32 to index
          %swap3A_306 = tpu.vector_load %run_scoped3A_4[%swap3A_304, %swap3A_305] {strides = array<i32>} : memref<2x4096xf32, #tpu.memory_space<vmem>>, vector<16xf32>,
          tpu.vector_store %run_scoped3A_4[%swap3A_304, %swap3A_305], %gather3A_302 {strides = array<i32>} : memref<2x4096xf32, #tpu.memory_space<vmem>>, vector<16xf32>,
          %mul3A_307 = arith.constant 16 : i32
          %mul3A_308 = arith.muli %scan3A_183, %mul3A_307 : i32
          %add3A_309 = arith.constant 6 : i32
          %add3A_310 = arith.addi %mul3A_308, %add3A_309 : i32
          %mul3A_311 = arith.constant 16 : i32
          %mul3A_312 = arith.muli %add3A_310, %mul3A_311 : i32
          %add3A_313 = arith.constant 4096 : i32
          %add3A_314 = arith.addi %add3A_313, %mul3A_312 : i32
          %mul3A_315 = arith.constant 16 : i32
          %mul3A_316 = arith.muli %scan3A_183, %mul3A_315 : i32
          %add3A_317 = arith.constant 6 : i32
          %add3A_318 = arith.addi %mul3A_316, %add3A_317 : i32
          %mul3A_319 = arith.constant 16 : i32
          %mul3A_320 = arith.muli %add3A_318, %mul3A_319 : i32
          %get3A_321 = arith.index_cast %add3A_314 : i32 to index
          %get3A_322 = tpu.vector_load %run_scoped3A_3[%get3A_321] {strides = array<i32>} : memref<16384xi32, #tpu.memory_space<vmem>>, vector<16xi32>,
          %gather3A_323 = tpu.vector_load_idx %run_scoped3A[%get3A_322] : memref<100000xf32, #tpu.memory_space<vmem>>[vector<16xi32>], vector<16xf32>,
          %swap3A_324 = arith.constant 1 : i32
          %swap3A_325 = arith.index_cast %swap3A_324 : i32 to index
          %swap3A_326 = arith.index_cast %mul3A_320 : i32 to index
          %swap3A_327 = tpu.vector_load %run_scoped3A_4[%swap3A_325, %swap3A_326] {strides = array<i32>} : memref<2x4096xf32, #tpu.memory_space<vmem>>, vector<16xf32>,
          tpu.vector_store %run_scoped3A_4[%swap3A_325, %swap3A_326], %gather3A_323 {strides = array<i32>} : memref<2x4096xf32, #tpu.memory_space<vmem>>, vector<16xf32>,
          %mul3A_328 = arith.constant 16 : i32
          %mul3A_329 = arith.muli %scan3A_183, %mul3A_328 : i32
          %add3A_330 = arith.constant 7 : i32
          %add3A_331 = arith.addi %mul3A_329, %add3A_330 : i32
          %mul3A_332 = arith.constant 16 : i32
          %mul3A_333 = arith.muli %add3A_331, %mul3A_332 : i32
          %add3A_334 = arith.constant 4096 : i32
          %add3A_335 = arith.addi %add3A_334, %mul3A_333 : i32
          %mul3A_336 = arith.constant 16 : i32
          %mul3A_337 = arith.muli %scan3A_183, %mul3A_336 : i32
          %add3A_338 = arith.constant 7 : i32
          %add3A_339 = arith.addi %mul3A_337, %add3A_338 : i32
          %mul3A_340 = arith.constant 16 : i32
          %mul3A_341 = arith.muli %add3A_339, %mul3A_340 : i32
          %get3A_342 = arith.index_cast %add3A_335 : i32 to index
          %get3A_343 = tpu.vector_load %run_scoped3A_3[%get3A_342] {strides = array<i32>} : memref<16384xi32, #tpu.memory_space<vmem>>, vector<16xi32>,
          %gather3A_344 = tpu.vector_load_idx %run_scoped3A[%get3A_343] : memref<100000xf32, #tpu.memory_space<vmem>>[vector<16xi32>], vector<16xf32>,
          %swap3A_345 = arith.constant 1 : i32
          %swap3A_346 = arith.index_cast %swap3A_345 : i32 to index
          %swap3A_347 = arith.index_cast %mul3A_341 : i32 to index
          %swap3A_348 = tpu.vector_load %run_scoped3A_4[%swap3A_346, %swap3A_347] {strides = array<i32>} : memref<2x4096xf32, #tpu.memory_space<vmem>>, vector<16xf32>,
          tpu.vector_store %run_scoped3A_4[%swap3A_346, %swap3A_347], %gather3A_344 {strides = array<i32>} : memref<2x4096xf32, #tpu.memory_space<vmem>>, vector<16xf32>,
          %mul3A_349 = arith.constant 16 : i32
          %mul3A_350 = arith.muli %scan3A_183, %mul3A_349 : i32
          %add3A_351 = arith.constant 8 : i32
          %add3A_352 = arith.addi %mul3A_350, %add3A_351 : i32
          %mul3A_353 = arith.constant 16 : i32
          %mul3A_354 = arith.muli %add3A_352, %mul3A_353 : i32
          %add3A_355 = arith.constant 4096 : i32
          %add3A_356 = arith.addi %add3A_355, %mul3A_354 : i32
          %mul3A_357 = arith.constant 16 : i32
          %mul3A_358 = arith.muli %scan3A_183, %mul3A_357 : i32
          %add3A_359 = arith.constant 8 : i32
          %add3A_360 = arith.addi %mul3A_358, %add3A_359 : i32
          %mul3A_361 = arith.constant 16 : i32
          %mul3A_362 = arith.muli %add3A_360, %mul3A_361 : i32
          %get3A_363 = arith.index_cast %add3A_356 : i32 to index
          %get3A_364 = tpu.vector_load %run_scoped3A_3[%get3A_363] {strides = array<i32>} : memref<16384xi32, #tpu.memory_space<vmem>>, vector<16xi32>,
          %gather3A_365 = tpu.vector_load_idx %run_scoped3A[%get3A_364] : memref<100000xf32, #tpu.memory_space<vmem>>[vector<16xi32>], vector<16xf32>,
          %swap3A_366 = arith.constant 1 : i32
          %swap3A_367 = arith.index_cast %swap3A_366 : i32 to index
          %swap3A_368 = arith.index_cast %mul3A_362 : i32 to index
          %swap3A_369 = tpu.vector_load %run_scoped3A_4[%swap3A_367, %swap3A_368] {strides = array<i32>} : memref<2x4096xf32, #tpu.memory_space<vmem>>, vector<16xf32>,
          tpu.vector_store %run_scoped3A_4[%swap3A_367, %swap3A_368], %gather3A_365 {strides = array<i32>} : memref<2x4096xf32, #tpu.memory_space<vmem>>, vector<16xf32>,
          %mul3A_370 = arith.constant 16 : i32
          %mul3A_371 = arith.muli %scan3A_183, %mul3A_370 : i32
          %add3A_372 = arith.constant 9 : i32
          %add3A_373 = arith.addi %mul3A_371, %add3A_372 : i32
          %mul3A_374 = arith.constant 16 : i32
          %mul3A_375 = arith.muli %add3A_373, %mul3A_374 : i32
          %add3A_376 = arith.constant 4096 : i32
          %add3A_377 = arith.addi %add3A_376, %mul3A_375 : i32
          %mul3A_378 = arith.constant 16 : i32
          %mul3A_379 = arith.muli %scan3A_183, %mul3A_378 : i32
          %add3A_380 = arith.constant 9 : i32
          %add3A_381 = arith.addi %mul3A_379, %add3A_380 : i32
          %mul3A_382 = arith.constant 16 : i32
          %mul3A_383 = arith.muli %add3A_381, %mul3A_382 : i32
          %get3A_384 = arith.index_cast %add3A_377 : i32 to index
          %get3A_385 = tpu.vector_load %run_scoped3A_3[%get3A_384] {strides = array<i32>} : memref<16384xi32, #tpu.memory_space<vmem>>, vector<16xi32>,
          %gather3A_386 = tpu.vector_load_idx %run_scoped3A[%get3A_385] : memref<100000xf32, #tpu.memory_space<vmem>>[vector<16xi32>], vector<16xf32>,
          %swap3A_387 = arith.constant 1 : i32
          %swap3A_388 = arith.index_cast %swap3A_387 : i32 to index
          %swap3A_389 = arith.index_cast %mul3A_383 : i32 to index
          %swap3A_390 = tpu.vector_load %run_scoped3A_4[%swap3A_388, %swap3A_389] {strides = array<i32>} : memref<2x4096xf32, #tpu.memory_space<vmem>>, vector<16xf32>,
          tpu.vector_store %run_scoped3A_4[%swap3A_388, %swap3A_389], %gather3A_386 {strides = array<i32>} : memref<2x4096xf32, #tpu.memory_space<vmem>>, vector<16xf32>,
          %mul3A_391 = arith.constant 16 : i32
          %mul3A_392 = arith.muli %scan3A_183, %mul3A_391 : i32
          %add3A_393 = arith.constant 10 : i32
          %add3A_394 = arith.addi %mul3A_392, %add3A_393 : i32
          %mul3A_395 = arith.constant 16 : i32
          %mul3A_396 = arith.muli %add3A_394, %mul3A_395 : i32
          %add3A_397 = arith.constant 4096 : i32
          %add3A_398 = arith.addi %add3A_397, %mul3A_396 : i32
          %mul3A_399 = arith.constant 16 : i32
          %mul3A_400 = arith.muli %scan3A_183, %mul3A_399 : i32
          %add3A_401 = arith.constant 10 : i32
          %add3A_402 = arith.addi %mul3A_400, %add3A_401 : i32
          %mul3A_403 = arith.constant 16 : i32
          %mul3A_404 = arith.muli %add3A_402, %mul3A_403 : i32
          %get3A_405 = arith.index_cast %add3A_398 : i32 to index
          %get3A_406 = tpu.vector_load %run_scoped3A_3[%get3A_405] {strides = array<i32>} : memref<16384xi32, #tpu.memory_space<vmem>>, vector<16xi32>,
          %gather3A_407 = tpu.vector_load_idx %run_scoped3A[%get3A_406] : memref<100000xf32, #tpu.memory_space<vmem>>[vector<16xi32>], vector<16xf32>,
          %swap3A_408 = arith.constant 1 : i32
          %swap3A_409 = arith.index_cast %swap3A_408 : i32 to index
          %swap3A_410 = arith.index_cast %mul3A_404 : i32 to index
          %swap3A_411 = tpu.vector_load %run_scoped3A_4[%swap3A_409, %swap3A_410] {strides = array<i32>} : memref<2x4096xf32, #tpu.memory_space<vmem>>, vector<16xf32>,
          tpu.vector_store %run_scoped3A_4[%swap3A_409, %swap3A_410], %gather3A_407 {strides = array<i32>} : memref<2x4096xf32, #tpu.memory_space<vmem>>, vector<16xf32>,
          %mul3A_412 = arith.constant 16 : i32
          %mul3A_413 = arith.muli %scan3A_183, %mul3A_412 : i32
          %add3A_414 = arith.constant 11 : i32
          %add3A_415 = arith.addi %mul3A_413, %add3A_414 : i32
          %mul3A_416 = arith.constant 16 : i32
          %mul3A_417 = arith.muli %add3A_415, %mul3A_416 : i32
          %add3A_418 = arith.constant 4096 : i32
          %add3A_419 = arith.addi %add3A_418, %mul3A_417 : i32
          %mul3A_420 = arith.constant 16 : i32
          %mul3A_421 = arith.muli %scan3A_183, %mul3A_420 : i32
          %add3A_422 = arith.constant 11 : i32
          %add3A_423 = arith.addi %mul3A_421, %add3A_422 : i32
          %mul3A_424 = arith.constant 16 : i32
          %mul3A_425 = arith.muli %add3A_423, %mul3A_424 : i32
          %get3A_426 = arith.index_cast %add3A_419 : i32 to index
          %get3A_427 = tpu.vector_load %run_scoped3A_3[%get3A_426] {strides = array<i32>} : memref<16384xi32, #tpu.memory_space<vmem>>, vector<16xi32>,
          %gather3A_428 = tpu.vector_load_idx %run_scoped3A[%get3A_427] : memref<100000xf32, #tpu.memory_space<vmem>>[vector<16xi32>], vector<16xf32>,
          %swap3A_429 = arith.constant 1 : i32
          %swap3A_430 = arith.index_cast %swap3A_429 : i32 to index
          %swap3A_431 = arith.index_cast %mul3A_425 : i32 to index
          %swap3A_432 = tpu.vector_load %run_scoped3A_4[%swap3A_430, %swap3A_431] {strides = array<i32>} : memref<2x4096xf32, #tpu.memory_space<vmem>>, vector<16xf32>,
          tpu.vector_store %run_scoped3A_4[%swap3A_430, %swap3A_431], %gather3A_428 {strides = array<i32>} : memref<2x4096xf32, #tpu.memory_space<vmem>>, vector<16xf32>,
          %mul3A_433 = arith.constant 16 : i32
          %mul3A_434 = arith.muli %scan3A_183, %mul3A_433 : i32
          %add3A_435 = arith.constant 12 : i32
          %add3A_436 = arith.addi %mul3A_434, %add3A_435 : i32
          %mul3A_437 = arith.constant 16 : i32
          %mul3A_438 = arith.muli %add3A_436, %mul3A_437 : i32
          %add3A_439 = arith.constant 4096 : i32
          %add3A_440 = arith.addi %add3A_439, %mul3A_438 : i32
          %mul3A_441 = arith.constant 16 : i32
          %mul3A_442 = arith.muli %scan3A_183, %mul3A_441 : i32
          %add3A_443 = arith.constant 12 : i32
          %add3A_444 = arith.addi %mul3A_442, %add3A_443 : i32
          %mul3A_445 = arith.constant 16 : i32
          %mul3A_446 = arith.muli %add3A_444, %mul3A_445 : i32
          %get3A_447 = arith.index_cast %add3A_440 : i32 to index
          %get3A_448 = tpu.vector_load %run_scoped3A_3[%get3A_447] {strides = array<i32>} : memref<16384xi32, #tpu.memory_space<vmem>>, vector<16xi32>,
          %gather3A_449 = tpu.vector_load_idx %run_scoped3A[%get3A_448] : memref<100000xf32, #tpu.memory_space<vmem>>[vector<16xi32>], vector<16xf32>,
          %swap3A_450 = arith.constant 1 : i32
          %swap3A_451 = arith.index_cast %swap3A_450 : i32 to index
          %swap3A_452 = arith.index_cast %mul3A_446 : i32 to index
          %swap3A_453 = tpu.vector_load %run_scoped3A_4[%swap3A_451, %swap3A_452] {strides = array<i32>} : memref<2x4096xf32, #tpu.memory_space<vmem>>, vector<16xf32>,
          tpu.vector_store %run_scoped3A_4[%swap3A_451, %swap3A_452], %gather3A_449 {strides = array<i32>} : memref<2x4096xf32, #tpu.memory_space<vmem>>, vector<16xf32>,
          %mul3A_454 = arith.constant 16 : i32
          %mul3A_455 = arith.muli %scan3A_183, %mul3A_454 : i32
          %add3A_456 = arith.constant 13 : i32
          %add3A_457 = arith.addi %mul3A_455, %add3A_456 : i32
          %mul3A_458 = arith.constant 16 : i32
          %mul3A_459 = arith.muli %add3A_457, %mul3A_458 : i32
          %add3A_460 = arith.constant 4096 : i32
          %add3A_461 = arith.addi %add3A_460, %mul3A_459 : i32
          %mul3A_462 = arith.constant 16 : i32
          %mul3A_463 = arith.muli %scan3A_183, %mul3A_462 : i32
          %add3A_464 = arith.constant 13 : i32
          %add3A_465 = arith.addi %mul3A_463, %add3A_464 : i32
          %mul3A_466 = arith.constant 16 : i32
          %mul3A_467 = arith.muli %add3A_465, %mul3A_466 : i32
          %get3A_468 = arith.index_cast %add3A_461 : i32 to index
          %get3A_469 = tpu.vector_load %run_scoped3A_3[%get3A_468] {strides = array<i32>} : memref<16384xi32, #tpu.memory_space<vmem>>, vector<16xi32>,
          %gather3A_470 = tpu.vector_load_idx %run_scoped3A[%get3A_469] : memref<100000xf32, #tpu.memory_space<vmem>>[vector<16xi32>], vector<16xf32>,
          %swap3A_471 = arith.constant 1 : i32
          %swap3A_472 = arith.index_cast %swap3A_471 : i32 to index
          %swap3A_473 = arith.index_cast %mul3A_467 : i32 to index
          %swap3A_474 = tpu.vector_load %run_scoped3A_4[%swap3A_472, %swap3A_473] {strides = array<i32>} : memref<2x4096xf32, #tpu.memory_space<vmem>>, vector<16xf32>,
          tpu.vector_store %run_scoped3A_4[%swap3A_472, %swap3A_473], %gather3A_470 {strides = array<i32>} : memref<2x4096xf32, #tpu.memory_space<vmem>>, vector<16xf32>,
          %mul3A_475 = arith.constant 16 : i32
          %mul3A_476 = arith.muli %scan3A_183, %mul3A_475 : i32
          %add3A_477 = arith.constant 14 : i32
          %add3A_478 = arith.addi %mul3A_476, %add3A_477 : i32
          %mul3A_479 = arith.constant 16 : i32
          %mul3A_480 = arith.muli %add3A_478, %mul3A_479 : i32
          %add3A_481 = arith.constant 4096 : i32
          %add3A_482 = arith.addi %add3A_481, %mul3A_480 : i32
          %mul3A_483 = arith.constant 16 : i32
          %mul3A_484 = arith.muli %scan3A_183, %mul3A_483 : i32
          %add3A_485 = arith.constant 14 : i32
          %add3A_486 = arith.addi %mul3A_484, %add3A_485 : i32
          %mul3A_487 = arith.constant 16 : i32
          %mul3A_488 = arith.muli %add3A_486, %mul3A_487 : i32
          %get3A_489 = arith.index_cast %add3A_482 : i32 to index
          %get3A_490 = tpu.vector_load %run_scoped3A_3[%get3A_489] {strides = array<i32>} : memref<16384xi32, #tpu.memory_space<vmem>>, vector<16xi32>,
          %gather3A_491 = tpu.vector_load_idx %run_scoped3A[%get3A_490] : memref<100000xf32, #tpu.memory_space<vmem>>[vector<16xi32>], vector<16xf32>,
          %swap3A_492 = arith.constant 1 : i32
          %swap3A_493 = arith.index_cast %swap3A_492 : i32 to index
          %swap3A_494 = arith.index_cast %mul3A_488 : i32 to index
          %swap3A_495 = tpu.vector_load %run_scoped3A_4[%swap3A_493, %swap3A_494] {strides = array<i32>} : memref<2x4096xf32, #tpu.memory_space<vmem>>, vector<16xf32>,
          tpu.vector_store %run_scoped3A_4[%swap3A_493, %swap3A_494], %gather3A_491 {strides = array<i32>} : memref<2x4096xf32, #tpu.memory_space<vmem>>, vector<16xf32>,
          %mul3A_496 = arith.constant 16 : i32
          %mul3A_497 = arith.muli %scan3A_183, %mul3A_496 : i32
          %add3A_498 = arith.constant 15 : i32
          %add3A_499 = arith.addi %mul3A_497, %add3A_498 : i32
          %mul3A_500 = arith.constant 16 : i32
          %mul3A_501 = arith.muli %add3A_499, %mul3A_500 : i32
          %add3A_502 = arith.constant 4096 : i32
          %add3A_503 = arith.addi %add3A_502, %mul3A_501 : i32
          %mul3A_504 = arith.constant 16 : i32
          %mul3A_505 = arith.muli %scan3A_183, %mul3A_504 : i32
          %add3A_506 = arith.constant 15 : i32
          %add3A_507 = arith.addi %mul3A_505, %add3A_506 : i32
          %mul3A_508 = arith.constant 16 : i32
          %mul3A_509 = arith.muli %add3A_507, %mul3A_508 : i32
          %get3A_510 = arith.index_cast %add3A_503 : i32 to index
          %get3A_511 = tpu.vector_load %run_scoped3A_3[%get3A_510] {strides = array<i32>} : memref<16384xi32, #tpu.memory_space<vmem>>, vector<16xi32>,
          %gather3A_512 = tpu.vector_load_idx %run_scoped3A[%get3A_511] : memref<100000xf32, #tpu.memory_space<vmem>>[vector<16xi32>], vector<16xf32>,
          %swap3A_513 = arith.constant 1 : i32
          %swap3A_514 = arith.index_cast %swap3A_513 : i32 to index
          %swap3A_515 = arith.index_cast %mul3A_509 : i32 to index
          %swap3A_516 = tpu.vector_load %run_scoped3A_4[%swap3A_514, %swap3A_515] {strides = array<i32>} : memref<2x4096xf32, #tpu.memory_space<vmem>>, vector<16xf32>,
          tpu.vector_store %run_scoped3A_4[%swap3A_514, %swap3A_515], %gather3A_512 {strides = array<i32>} : memref<2x4096xf32, #tpu.memory_space<vmem>>, vector<16xf32>,
        }
        %scan3A_107 = arith.constant 16 : i32
        %dma_start3A_108 = arith.constant 1 : i32
        %dma_start3A_109 = arith.constant 0 : i32
        %dma_start3A_110 = tpu.memref_slice %run_scoped3A_4[%dma_start3A_108, %dma_start3A_109] : memref<2x4096xf32, #tpu.memory_space<vmem>> -> memref<1x4096xf32, #tpu.memory_space<vmem>>
        %dma_start3A_111 = tpu.memref_squeeze %dma_start3A_110 : memref<1x4096xf32, #tpu.memory_space<vmem>> -> memref<4096xf32, #tpu.memory_space<vmem>>
        %dma_start3A_112 = arith.constant 4096 : i32
        %dma_start3A_113 = tpu.memref_slice %arg7[%add3A_62, %dma_start3A_112] : memref<400x16384xf32, #tpu.memory_space<hbm>> -> memref<1x4096xf32, #tpu.memory_space<hbm>>
        %dma_start3A_114 = tpu.memref_squeeze %dma_start3A_113 : memref<1x4096xf32, #tpu.memory_space<hbm>> -> memref<4096xf32, #tpu.memory_space<hbm>>
        %dma_start3A_115 = arith.constant 4096 : i32
        %dma_start3A_116 = tpu.memref_slice %arg7[%add3A_62, %dma_start3A_115] : memref<400x16384xf32, #tpu.memory_space<hbm>> -> memref<1x4096xf32, #tpu.memory_space<hbm>>
        %dma_start3A_117 = tpu.memref_squeeze %dma_start3A_116 : memref<1x4096xf32, #tpu.memory_space<hbm>> -> memref<4096xf32, #tpu.memory_space<hbm>>
        %dma_start3A_118 = arith.constant 0 : i32
        %dma_start3A_119 = tpu.memref_slice %run_scoped3A_4[%dma_start3A_108, %dma_start3A_118] : memref<2x4096xf32, #tpu.memory_space<vmem>> -> memref<1x4096xf32, #tpu.memory_space<vmem>>
        %dma_start3A_120 = tpu.memref_squeeze %dma_start3A_119 : memref<1x4096xf32, #tpu.memory_space<vmem>> -> memref<4096xf32, #tpu.memory_space<vmem>>
        tpu.enqueue_dma source(%dma_start3A_120 : memref<4096xf32, #tpu.memory_space<vmem>>) target(%dma_start3A_117 : memref<4096xf32, #tpu.memory_space<hbm>>) target_semaphore(%run_scoped3A_6 : memref<!tpu.dma_semaphore, #tpu.memory_space<semaphore_mem>>)
        %mul3A_121 = arith.constant 4 : i32
        %mul3A_122 = arith.muli %while3A_61, %mul3A_121 : i32
        %add3A_123 = arith.constant 2 : i32
        %add3A_124 = arith.addi %mul3A_122, %add3A_123 : i32
        %gt3A_125 = arith.constant 1 : i32
        %gt3A_126 = arith.cmpi sgt, %add3A_124, %gt3A_125 : i32
        %convert_element_type3A_127 = arith.extui %gt3A_126 : i1 to i32
        %cond3A_128 = arith.constant 0 : i32
        %cond3A_129 = arith.cmpi ne, %convert_element_type3A_127, %cond3A_128 : i32
        scf.if %cond3A_129 {
          %dma_wait3A_183 = arith.constant 0 : i32
          %dma_wait3A_184 = arith.constant 0 : i32
          %dma_wait3A_185 = tpu.memref_slice %run_scoped3A_4[%dma_wait3A_183, %dma_wait3A_184] : memref<2x4096xf32, #tpu.memory_space<vmem>> -> memref<1x4096xf32, #tpu.memory_space<vmem>>
          %dma_wait3A_186 = tpu.memref_squeeze %dma_wait3A_185 : memref<1x4096xf32, #tpu.memory_space<vmem>> -> memref<4096xf32, #tpu.memory_space<vmem>>
          %dma_wait3A_187 = arith.constant 8192 : i32
          %dma_wait3A_188 = tpu.memref_slice %arg7[%add3A_62, %dma_wait3A_187] : memref<400x16384xf32, #tpu.memory_space<hbm>> -> memref<1x4096xf32, #tpu.memory_space<hbm>>
          %dma_wait3A_189 = tpu.memref_squeeze %dma_wait3A_188 : memref<1x4096xf32, #tpu.memory_space<hbm>> -> memref<4096xf32, #tpu.memory_space<hbm>>
          %dma_wait3A_190 = arith.constant 8192 : i32
          %dma_wait3A_191 = tpu.memref_slice %arg7[%add3A_62, %dma_wait3A_190] : memref<400x16384xf32, #tpu.memory_space<hbm>> -> memref<1x4096xf32, #tpu.memory_space<hbm>>
          %dma_wait3A_192 = tpu.memref_squeeze %dma_wait3A_191 : memref<1x4096xf32, #tpu.memory_space<hbm>> -> memref<4096xf32, #tpu.memory_space<hbm>>
          %dma_wait3A_193 = arith.constant 0 : i32
          %dma_wait3A_194 = tpu.memref_slice %run_scoped3A_4[%dma_wait3A_183, %dma_wait3A_193] : memref<2x4096xf32, #tpu.memory_space<vmem>> -> memref<1x4096xf32, #tpu.memory_space<vmem>>
          %dma_wait3A_195 = tpu.memref_squeeze %dma_wait3A_194 : memref<1x4096xf32, #tpu.memory_space<vmem>> -> memref<4096xf32, #tpu.memory_space<vmem>>
          tpu.wait_dma2 semaphore(%run_scoped3A_6 : memref<!tpu.dma_semaphore, #tpu.memory_space<semaphore_mem>>) src(%dma_wait3A_195 : memref<4096xf32, #tpu.memory_space<vmem>>) dst(%dma_wait3A_192 : memref<4096xf32, #tpu.memory_space<hbm>>)
        } else {
        }
        %scan3A_130 = arith.constant 0 : i32
        %scan3A_131 = arith.constant 0 : i32
        %scan3A_132 = arith.constant 16 : i32
        %scan3A_133 = arith.addi %scan3A_131, %scan3A_132 : i32
        %scan3A_134 = arith.constant 1 : i32
        scf.for %scan3A_183 = %scan3A_131 to %scan3A_133 step %scan3A_134  : i32 {
          %mul3A_184 = arith.constant 16 : i32
          %mul3A_185 = arith.muli %scan3A_183, %mul3A_184 : i32
          %add3A_186 = arith.constant 0 : i32
          %add3A_187 = arith.addi %mul3A_185, %add3A_186 : i32
          %mul3A_188 = arith.constant 16 : i32
          %mul3A_189 = arith.muli %add3A_187, %mul3A_188 : i32
          %add3A_190 = arith.constant 8192 : i32
          %add3A_191 = arith.addi %add3A_190, %mul3A_189 : i32
          %mul3A_192 = arith.constant 16 : i32
          %mul3A_193 = arith.muli %scan3A_183, %mul3A_192 : i32
          %add3A_194 = arith.constant 0 : i32
          %add3A_195 = arith.addi %mul3A_193, %add3A_194 : i32
          %mul3A_196 = arith.constant 16 : i32
          %mul3A_197 = arith.muli %add3A_195, %mul3A_196 : i32
          %get3A = arith.index_cast %add3A_191 : i32 to index
          %get3A_198 = tpu.vector_load %run_scoped3A_3[%get3A] {strides = array<i32>} : memref<16384xi32, #tpu.memory_space<vmem>>, vector<16xi32>,
          %gather3A = tpu.vector_load_idx %run_scoped3A[%get3A_198] : memref<100000xf32, #tpu.memory_space<vmem>>[vector<16xi32>], vector<16xf32>,
          %swap3A = arith.constant 0 : i32
          %swap3A_199 = arith.index_cast %swap3A : i32 to index
          %swap3A_200 = arith.index_cast %mul3A_197 : i32 to index
          %swap3A_201 = tpu.vector_load %run_scoped3A_4[%swap3A_199, %swap3A_200] {strides = array<i32>} : memref<2x4096xf32, #tpu.memory_space<vmem>>, vector<16xf32>,
          tpu.vector_store %run_scoped3A_4[%swap3A_199, %swap3A_200], %gather3A {strides = array<i32>} : memref<2x4096xf32, #tpu.memory_space<vmem>>, vector<16xf32>,
          %mul3A_202 = arith.constant 16 : i32
          %mul3A_203 = arith.muli %scan3A_183, %mul3A_202 : i32
          %add3A_204 = arith.constant 1 : i32
          %add3A_205 = arith.addi %mul3A_203, %add3A_204 : i32
          %mul3A_206 = arith.constant 16 : i32
          %mul3A_207 = arith.muli %add3A_205, %mul3A_206 : i32
          %add3A_208 = arith.constant 8192 : i32
          %add3A_209 = arith.addi %add3A_208, %mul3A_207 : i32
          %mul3A_210 = arith.constant 16 : i32
          %mul3A_211 = arith.muli %scan3A_183, %mul3A_210 : i32
          %add3A_212 = arith.constant 1 : i32
          %add3A_213 = arith.addi %mul3A_211, %add3A_212 : i32
          %mul3A_214 = arith.constant 16 : i32
          %mul3A_215 = arith.muli %add3A_213, %mul3A_214 : i32
          %get3A_216 = arith.index_cast %add3A_209 : i32 to index
          %get3A_217 = tpu.vector_load %run_scoped3A_3[%get3A_216] {strides = array<i32>} : memref<16384xi32, #tpu.memory_space<vmem>>, vector<16xi32>,
          %gather3A_218 = tpu.vector_load_idx %run_scoped3A[%get3A_217] : memref<100000xf32, #tpu.memory_space<vmem>>[vector<16xi32>], vector<16xf32>,
          %swap3A_219 = arith.constant 0 : i32
          %swap3A_220 = arith.index_cast %swap3A_219 : i32 to index
          %swap3A_221 = arith.index_cast %mul3A_215 : i32 to index
          %swap3A_222 = tpu.vector_load %run_scoped3A_4[%swap3A_220, %swap3A_221] {strides = array<i32>} : memref<2x4096xf32, #tpu.memory_space<vmem>>, vector<16xf32>,
          tpu.vector_store %run_scoped3A_4[%swap3A_220, %swap3A_221], %gather3A_218 {strides = array<i32>} : memref<2x4096xf32, #tpu.memory_space<vmem>>, vector<16xf32>,
          %mul3A_223 = arith.constant 16 : i32
          %mul3A_224 = arith.muli %scan3A_183, %mul3A_223 : i32
          %add3A_225 = arith.constant 2 : i32
          %add3A_226 = arith.addi %mul3A_224, %add3A_225 : i32
          %mul3A_227 = arith.constant 16 : i32
          %mul3A_228 = arith.muli %add3A_226, %mul3A_227 : i32
          %add3A_229 = arith.constant 8192 : i32
          %add3A_230 = arith.addi %add3A_229, %mul3A_228 : i32
          %mul3A_231 = arith.constant 16 : i32
          %mul3A_232 = arith.muli %scan3A_183, %mul3A_231 : i32
          %add3A_233 = arith.constant 2 : i32
          %add3A_234 = arith.addi %mul3A_232, %add3A_233 : i32
          %mul3A_235 = arith.constant 16 : i32
          %mul3A_236 = arith.muli %add3A_234, %mul3A_235 : i32
          %get3A_237 = arith.index_cast %add3A_230 : i32 to index
          %get3A_238 = tpu.vector_load %run_scoped3A_3[%get3A_237] {strides = array<i32>} : memref<16384xi32, #tpu.memory_space<vmem>>, vector<16xi32>,
          %gather3A_239 = tpu.vector_load_idx %run_scoped3A[%get3A_238] : memref<100000xf32, #tpu.memory_space<vmem>>[vector<16xi32>], vector<16xf32>,
          %swap3A_240 = arith.constant 0 : i32
          %swap3A_241 = arith.index_cast %swap3A_240 : i32 to index
          %swap3A_242 = arith.index_cast %mul3A_236 : i32 to index
          %swap3A_243 = tpu.vector_load %run_scoped3A_4[%swap3A_241, %swap3A_242] {strides = array<i32>} : memref<2x4096xf32, #tpu.memory_space<vmem>>, vector<16xf32>,
          tpu.vector_store %run_scoped3A_4[%swap3A_241, %swap3A_242], %gather3A_239 {strides = array<i32>} : memref<2x4096xf32, #tpu.memory_space<vmem>>, vector<16xf32>,
          %mul3A_244 = arith.constant 16 : i32
          %mul3A_245 = arith.muli %scan3A_183, %mul3A_244 : i32
          %add3A_246 = arith.constant 3 : i32
          %add3A_247 = arith.addi %mul3A_245, %add3A_246 : i32
          %mul3A_248 = arith.constant 16 : i32
          %mul3A_249 = arith.muli %add3A_247, %mul3A_248 : i32
          %add3A_250 = arith.constant 8192 : i32
          %add3A_251 = arith.addi %add3A_250, %mul3A_249 : i32
          %mul3A_252 = arith.constant 16 : i32
          %mul3A_253 = arith.muli %scan3A_183, %mul3A_252 : i32
          %add3A_254 = arith.constant 3 : i32
          %add3A_255 = arith.addi %mul3A_253, %add3A_254 : i32
          %mul3A_256 = arith.constant 16 : i32
          %mul3A_257 = arith.muli %add3A_255, %mul3A_256 : i32
          %get3A_258 = arith.index_cast %add3A_251 : i32 to index
          %get3A_259 = tpu.vector_load %run_scoped3A_3[%get3A_258] {strides = array<i32>} : memref<16384xi32, #tpu.memory_space<vmem>>, vector<16xi32>,
          %gather3A_260 = tpu.vector_load_idx %run_scoped3A[%get3A_259] : memref<100000xf32, #tpu.memory_space<vmem>>[vector<16xi32>], vector<16xf32>,
          %swap3A_261 = arith.constant 0 : i32
          %swap3A_262 = arith.index_cast %swap3A_261 : i32 to index
          %swap3A_263 = arith.index_cast %mul3A_257 : i32 to index
          %swap3A_264 = tpu.vector_load %run_scoped3A_4[%swap3A_262, %swap3A_263] {strides = array<i32>} : memref<2x4096xf32, #tpu.memory_space<vmem>>, vector<16xf32>,
          tpu.vector_store %run_scoped3A_4[%swap3A_262, %swap3A_263], %gather3A_260 {strides = array<i32>} : memref<2x4096xf32, #tpu.memory_space<vmem>>, vector<16xf32>,
          %mul3A_265 = arith.constant 16 : i32
          %mul3A_266 = arith.muli %scan3A_183, %mul3A_265 : i32
          %add3A_267 = arith.constant 4 : i32
          %add3A_268 = arith.addi %mul3A_266, %add3A_267 : i32
          %mul3A_269 = arith.constant 16 : i32
          %mul3A_270 = arith.muli %add3A_268, %mul3A_269 : i32
          %add3A_271 = arith.constant 8192 : i32
          %add3A_272 = arith.addi %add3A_271, %mul3A_270 : i32
          %mul3A_273 = arith.constant 16 : i32
          %mul3A_274 = arith.muli %scan3A_183, %mul3A_273 : i32
          %add3A_275 = arith.constant 4 : i32
          %add3A_276 = arith.addi %mul3A_274, %add3A_275 : i32
          %mul3A_277 = arith.constant 16 : i32
          %mul3A_278 = arith.muli %add3A_276, %mul3A_277 : i32
          %get3A_279 = arith.index_cast %add3A_272 : i32 to index
          %get3A_280 = tpu.vector_load %run_scoped3A_3[%get3A_279] {strides = array<i32>} : memref<16384xi32, #tpu.memory_space<vmem>>, vector<16xi32>,
          %gather3A_281 = tpu.vector_load_idx %run_scoped3A[%get3A_280] : memref<100000xf32, #tpu.memory_space<vmem>>[vector<16xi32>], vector<16xf32>,
          %swap3A_282 = arith.constant 0 : i32
          %swap3A_283 = arith.index_cast %swap3A_282 : i32 to index
          %swap3A_284 = arith.index_cast %mul3A_278 : i32 to index
          %swap3A_285 = tpu.vector_load %run_scoped3A_4[%swap3A_283, %swap3A_284] {strides = array<i32>} : memref<2x4096xf32, #tpu.memory_space<vmem>>, vector<16xf32>,
          tpu.vector_store %run_scoped3A_4[%swap3A_283, %swap3A_284], %gather3A_281 {strides = array<i32>} : memref<2x4096xf32, #tpu.memory_space<vmem>>, vector<16xf32>,
          %mul3A_286 = arith.constant 16 : i32
          %mul3A_287 = arith.muli %scan3A_183, %mul3A_286 : i32
          %add3A_288 = arith.constant 5 : i32
          %add3A_289 = arith.addi %mul3A_287, %add3A_288 : i32
          %mul3A_290 = arith.constant 16 : i32
          %mul3A_291 = arith.muli %add3A_289, %mul3A_290 : i32
          %add3A_292 = arith.constant 8192 : i32
          %add3A_293 = arith.addi %add3A_292, %mul3A_291 : i32
          %mul3A_294 = arith.constant 16 : i32
          %mul3A_295 = arith.muli %scan3A_183, %mul3A_294 : i32
          %add3A_296 = arith.constant 5 : i32
          %add3A_297 = arith.addi %mul3A_295, %add3A_296 : i32
          %mul3A_298 = arith.constant 16 : i32
          %mul3A_299 = arith.muli %add3A_297, %mul3A_298 : i32
          %get3A_300 = arith.index_cast %add3A_293 : i32 to index
          %get3A_301 = tpu.vector_load %run_scoped3A_3[%get3A_300] {strides = array<i32>} : memref<16384xi32, #tpu.memory_space<vmem>>, vector<16xi32>,
          %gather3A_302 = tpu.vector_load_idx %run_scoped3A[%get3A_301] : memref<100000xf32, #tpu.memory_space<vmem>>[vector<16xi32>], vector<16xf32>,
          %swap3A_303 = arith.constant 0 : i32
          %swap3A_304 = arith.index_cast %swap3A_303 : i32 to index
          %swap3A_305 = arith.index_cast %mul3A_299 : i32 to index
          %swap3A_306 = tpu.vector_load %run_scoped3A_4[%swap3A_304, %swap3A_305] {strides = array<i32>} : memref<2x4096xf32, #tpu.memory_space<vmem>>, vector<16xf32>,
          tpu.vector_store %run_scoped3A_4[%swap3A_304, %swap3A_305], %gather3A_302 {strides = array<i32>} : memref<2x4096xf32, #tpu.memory_space<vmem>>, vector<16xf32>,
          %mul3A_307 = arith.constant 16 : i32
          %mul3A_308 = arith.muli %scan3A_183, %mul3A_307 : i32
          %add3A_309 = arith.constant 6 : i32
          %add3A_310 = arith.addi %mul3A_308, %add3A_309 : i32
          %mul3A_311 = arith.constant 16 : i32
          %mul3A_312 = arith.muli %add3A_310, %mul3A_311 : i32
          %add3A_313 = arith.constant 8192 : i32
          %add3A_314 = arith.addi %add3A_313, %mul3A_312 : i32
          %mul3A_315 = arith.constant 16 : i32
          %mul3A_316 = arith.muli %scan3A_183, %mul3A_315 : i32
          %add3A_317 = arith.constant 6 : i32
          %add3A_318 = arith.addi %mul3A_316, %add3A_317 : i32
          %mul3A_319 = arith.constant 16 : i32
          %mul3A_320 = arith.muli %add3A_318, %mul3A_319 : i32
          %get3A_321 = arith.index_cast %add3A_314 : i32 to index
          %get3A_322 = tpu.vector_load %run_scoped3A_3[%get3A_321] {strides = array<i32>} : memref<16384xi32, #tpu.memory_space<vmem>>, vector<16xi32>,
          %gather3A_323 = tpu.vector_load_idx %run_scoped3A[%get3A_322] : memref<100000xf32, #tpu.memory_space<vmem>>[vector<16xi32>], vector<16xf32>,
          %swap3A_324 = arith.constant 0 : i32
          %swap3A_325 = arith.index_cast %swap3A_324 : i32 to index
          %swap3A_326 = arith.index_cast %mul3A_320 : i32 to index
          %swap3A_327 = tpu.vector_load %run_scoped3A_4[%swap3A_325, %swap3A_326] {strides = array<i32>} : memref<2x4096xf32, #tpu.memory_space<vmem>>, vector<16xf32>,
          tpu.vector_store %run_scoped3A_4[%swap3A_325, %swap3A_326], %gather3A_323 {strides = array<i32>} : memref<2x4096xf32, #tpu.memory_space<vmem>>, vector<16xf32>,
          %mul3A_328 = arith.constant 16 : i32
          %mul3A_329 = arith.muli %scan3A_183, %mul3A_328 : i32
          %add3A_330 = arith.constant 7 : i32
          %add3A_331 = arith.addi %mul3A_329, %add3A_330 : i32
          %mul3A_332 = arith.constant 16 : i32
          %mul3A_333 = arith.muli %add3A_331, %mul3A_332 : i32
          %add3A_334 = arith.constant 8192 : i32
          %add3A_335 = arith.addi %add3A_334, %mul3A_333 : i32
          %mul3A_336 = arith.constant 16 : i32
          %mul3A_337 = arith.muli %scan3A_183, %mul3A_336 : i32
          %add3A_338 = arith.constant 7 : i32
          %add3A_339 = arith.addi %mul3A_337, %add3A_338 : i32
          %mul3A_340 = arith.constant 16 : i32
          %mul3A_341 = arith.muli %add3A_339, %mul3A_340 : i32
          %get3A_342 = arith.index_cast %add3A_335 : i32 to index
          %get3A_343 = tpu.vector_load %run_scoped3A_3[%get3A_342] {strides = array<i32>} : memref<16384xi32, #tpu.memory_space<vmem>>, vector<16xi32>,
          %gather3A_344 = tpu.vector_load_idx %run_scoped3A[%get3A_343] : memref<100000xf32, #tpu.memory_space<vmem>>[vector<16xi32>], vector<16xf32>,
          %swap3A_345 = arith.constant 0 : i32
          %swap3A_346 = arith.index_cast %swap3A_345 : i32 to index
          %swap3A_347 = arith.index_cast %mul3A_341 : i32 to index
          %swap3A_348 = tpu.vector_load %run_scoped3A_4[%swap3A_346, %swap3A_347] {strides = array<i32>} : memref<2x4096xf32, #tpu.memory_space<vmem>>, vector<16xf32>,
          tpu.vector_store %run_scoped3A_4[%swap3A_346, %swap3A_347], %gather3A_344 {strides = array<i32>} : memref<2x4096xf32, #tpu.memory_space<vmem>>, vector<16xf32>,
          %mul3A_349 = arith.constant 16 : i32
          %mul3A_350 = arith.muli %scan3A_183, %mul3A_349 : i32
          %add3A_351 = arith.constant 8 : i32
          %add3A_352 = arith.addi %mul3A_350, %add3A_351 : i32
          %mul3A_353 = arith.constant 16 : i32
          %mul3A_354 = arith.muli %add3A_352, %mul3A_353 : i32
          %add3A_355 = arith.constant 8192 : i32
          %add3A_356 = arith.addi %add3A_355, %mul3A_354 : i32
          %mul3A_357 = arith.constant 16 : i32
          %mul3A_358 = arith.muli %scan3A_183, %mul3A_357 : i32
          %add3A_359 = arith.constant 8 : i32
          %add3A_360 = arith.addi %mul3A_358, %add3A_359 : i32
          %mul3A_361 = arith.constant 16 : i32
          %mul3A_362 = arith.muli %add3A_360, %mul3A_361 : i32
          %get3A_363 = arith.index_cast %add3A_356 : i32 to index
          %get3A_364 = tpu.vector_load %run_scoped3A_3[%get3A_363] {strides = array<i32>} : memref<16384xi32, #tpu.memory_space<vmem>>, vector<16xi32>,
          %gather3A_365 = tpu.vector_load_idx %run_scoped3A[%get3A_364] : memref<100000xf32, #tpu.memory_space<vmem>>[vector<16xi32>], vector<16xf32>,
          %swap3A_366 = arith.constant 0 : i32
          %swap3A_367 = arith.index_cast %swap3A_366 : i32 to index
          %swap3A_368 = arith.index_cast %mul3A_362 : i32 to index
          %swap3A_369 = tpu.vector_load %run_scoped3A_4[%swap3A_367, %swap3A_368] {strides = array<i32>} : memref<2x4096xf32, #tpu.memory_space<vmem>>, vector<16xf32>,
          tpu.vector_store %run_scoped3A_4[%swap3A_367, %swap3A_368], %gather3A_365 {strides = array<i32>} : memref<2x4096xf32, #tpu.memory_space<vmem>>, vector<16xf32>,
          %mul3A_370 = arith.constant 16 : i32
          %mul3A_371 = arith.muli %scan3A_183, %mul3A_370 : i32
          %add3A_372 = arith.constant 9 : i32
          %add3A_373 = arith.addi %mul3A_371, %add3A_372 : i32
          %mul3A_374 = arith.constant 16 : i32
          %mul3A_375 = arith.muli %add3A_373, %mul3A_374 : i32
          %add3A_376 = arith.constant 8192 : i32
          %add3A_377 = arith.addi %add3A_376, %mul3A_375 : i32
          %mul3A_378 = arith.constant 16 : i32
          %mul3A_379 = arith.muli %scan3A_183, %mul3A_378 : i32
          %add3A_380 = arith.constant 9 : i32
          %add3A_381 = arith.addi %mul3A_379, %add3A_380 : i32
          %mul3A_382 = arith.constant 16 : i32
          %mul3A_383 = arith.muli %add3A_381, %mul3A_382 : i32
          %get3A_384 = arith.index_cast %add3A_377 : i32 to index
          %get3A_385 = tpu.vector_load %run_scoped3A_3[%get3A_384] {strides = array<i32>} : memref<16384xi32, #tpu.memory_space<vmem>>, vector<16xi32>,
          %gather3A_386 = tpu.vector_load_idx %run_scoped3A[%get3A_385] : memref<100000xf32, #tpu.memory_space<vmem>>[vector<16xi32>], vector<16xf32>,
          %swap3A_387 = arith.constant 0 : i32
          %swap3A_388 = arith.index_cast %swap3A_387 : i32 to index
          %swap3A_389 = arith.index_cast %mul3A_383 : i32 to index
          %swap3A_390 = tpu.vector_load %run_scoped3A_4[%swap3A_388, %swap3A_389] {strides = array<i32>} : memref<2x4096xf32, #tpu.memory_space<vmem>>, vector<16xf32>,
          tpu.vector_store %run_scoped3A_4[%swap3A_388, %swap3A_389], %gather3A_386 {strides = array<i32>} : memref<2x4096xf32, #tpu.memory_space<vmem>>, vector<16xf32>,
          %mul3A_391 = arith.constant 16 : i32
          %mul3A_392 = arith.muli %scan3A_183, %mul3A_391 : i32
          %add3A_393 = arith.constant 10 : i32
          %add3A_394 = arith.addi %mul3A_392, %add3A_393 : i32
          %mul3A_395 = arith.constant 16 : i32
          %mul3A_396 = arith.muli %add3A_394, %mul3A_395 : i32
          %add3A_397 = arith.constant 8192 : i32
          %add3A_398 = arith.addi %add3A_397, %mul3A_396 : i32
          %mul3A_399 = arith.constant 16 : i32
          %mul3A_400 = arith.muli %scan3A_183, %mul3A_399 : i32
          %add3A_401 = arith.constant 10 : i32
          %add3A_402 = arith.addi %mul3A_400, %add3A_401 : i32
          %mul3A_403 = arith.constant 16 : i32
          %mul3A_404 = arith.muli %add3A_402, %mul3A_403 : i32
          %get3A_405 = arith.index_cast %add3A_398 : i32 to index
          %get3A_406 = tpu.vector_load %run_scoped3A_3[%get3A_405] {strides = array<i32>} : memref<16384xi32, #tpu.memory_space<vmem>>, vector<16xi32>,
          %gather3A_407 = tpu.vector_load_idx %run_scoped3A[%get3A_406] : memref<100000xf32, #tpu.memory_space<vmem>>[vector<16xi32>], vector<16xf32>,
          %swap3A_408 = arith.constant 0 : i32
          %swap3A_409 = arith.index_cast %swap3A_408 : i32 to index
          %swap3A_410 = arith.index_cast %mul3A_404 : i32 to index
          %swap3A_411 = tpu.vector_load %run_scoped3A_4[%swap3A_409, %swap3A_410] {strides = array<i32>} : memref<2x4096xf32, #tpu.memory_space<vmem>>, vector<16xf32>,
          tpu.vector_store %run_scoped3A_4[%swap3A_409, %swap3A_410], %gather3A_407 {strides = array<i32>} : memref<2x4096xf32, #tpu.memory_space<vmem>>, vector<16xf32>,
          %mul3A_412 = arith.constant 16 : i32
          %mul3A_413 = arith.muli %scan3A_183, %mul3A_412 : i32
          %add3A_414 = arith.constant 11 : i32
          %add3A_415 = arith.addi %mul3A_413, %add3A_414 : i32
          %mul3A_416 = arith.constant 16 : i32
          %mul3A_417 = arith.muli %add3A_415, %mul3A_416 : i32
          %add3A_418 = arith.constant 8192 : i32
          %add3A_419 = arith.addi %add3A_418, %mul3A_417 : i32
          %mul3A_420 = arith.constant 16 : i32
          %mul3A_421 = arith.muli %scan3A_183, %mul3A_420 : i32
          %add3A_422 = arith.constant 11 : i32
          %add3A_423 = arith.addi %mul3A_421, %add3A_422 : i32
          %mul3A_424 = arith.constant 16 : i32
          %mul3A_425 = arith.muli %add3A_423, %mul3A_424 : i32
          %get3A_426 = arith.index_cast %add3A_419 : i32 to index
          %get3A_427 = tpu.vector_load %run_scoped3A_3[%get3A_426] {strides = array<i32>} : memref<16384xi32, #tpu.memory_space<vmem>>, vector<16xi32>,
          %gather3A_428 = tpu.vector_load_idx %run_scoped3A[%get3A_427] : memref<100000xf32, #tpu.memory_space<vmem>>[vector<16xi32>], vector<16xf32>,
          %swap3A_429 = arith.constant 0 : i32
          %swap3A_430 = arith.index_cast %swap3A_429 : i32 to index
          %swap3A_431 = arith.index_cast %mul3A_425 : i32 to index
          %swap3A_432 = tpu.vector_load %run_scoped3A_4[%swap3A_430, %swap3A_431] {strides = array<i32>} : memref<2x4096xf32, #tpu.memory_space<vmem>>, vector<16xf32>,
          tpu.vector_store %run_scoped3A_4[%swap3A_430, %swap3A_431], %gather3A_428 {strides = array<i32>} : memref<2x4096xf32, #tpu.memory_space<vmem>>, vector<16xf32>,
          %mul3A_433 = arith.constant 16 : i32
          %mul3A_434 = arith.muli %scan3A_183, %mul3A_433 : i32
          %add3A_435 = arith.constant 12 : i32
          %add3A_436 = arith.addi %mul3A_434, %add3A_435 : i32
          %mul3A_437 = arith.constant 16 : i32
          %mul3A_438 = arith.muli %add3A_436, %mul3A_437 : i32
          %add3A_439 = arith.constant 8192 : i32
          %add3A_440 = arith.addi %add3A_439, %mul3A_438 : i32
          %mul3A_441 = arith.constant 16 : i32
          %mul3A_442 = arith.muli %scan3A_183, %mul3A_441 : i32
          %add3A_443 = arith.constant 12 : i32
          %add3A_444 = arith.addi %mul3A_442, %add3A_443 : i32
          %mul3A_445 = arith.constant 16 : i32
          %mul3A_446 = arith.muli %add3A_444, %mul3A_445 : i32
          %get3A_447 = arith.index_cast %add3A_440 : i32 to index
          %get3A_448 = tpu.vector_load %run_scoped3A_3[%get3A_447] {strides = array<i32>} : memref<16384xi32, #tpu.memory_space<vmem>>, vector<16xi32>,
          %gather3A_449 = tpu.vector_load_idx %run_scoped3A[%get3A_448] : memref<100000xf32, #tpu.memory_space<vmem>>[vector<16xi32>], vector<16xf32>,
          %swap3A_450 = arith.constant 0 : i32
          %swap3A_451 = arith.index_cast %swap3A_450 : i32 to index
          %swap3A_452 = arith.index_cast %mul3A_446 : i32 to index
          %swap3A_453 = tpu.vector_load %run_scoped3A_4[%swap3A_451, %swap3A_452] {strides = array<i32>} : memref<2x4096xf32, #tpu.memory_space<vmem>>, vector<16xf32>,
          tpu.vector_store %run_scoped3A_4[%swap3A_451, %swap3A_452], %gather3A_449 {strides = array<i32>} : memref<2x4096xf32, #tpu.memory_space<vmem>>, vector<16xf32>,
          %mul3A_454 = arith.constant 16 : i32
          %mul3A_455 = arith.muli %scan3A_183, %mul3A_454 : i32
          %add3A_456 = arith.constant 13 : i32
          %add3A_457 = arith.addi %mul3A_455, %add3A_456 : i32
          %mul3A_458 = arith.constant 16 : i32
          %mul3A_459 = arith.muli %add3A_457, %mul3A_458 : i32
          %add3A_460 = arith.constant 8192 : i32
          %add3A_461 = arith.addi %add3A_460, %mul3A_459 : i32
          %mul3A_462 = arith.constant 16 : i32
          %mul3A_463 = arith.muli %scan3A_183, %mul3A_462 : i32
          %add3A_464 = arith.constant 13 : i32
          %add3A_465 = arith.addi %mul3A_463, %add3A_464 : i32
          %mul3A_466 = arith.constant 16 : i32
          %mul3A_467 = arith.muli %add3A_465, %mul3A_466 : i32
          %get3A_468 = arith.index_cast %add3A_461 : i32 to index
          %get3A_469 = tpu.vector_load %run_scoped3A_3[%get3A_468] {strides = array<i32>} : memref<16384xi32, #tpu.memory_space<vmem>>, vector<16xi32>,
          %gather3A_470 = tpu.vector_load_idx %run_scoped3A[%get3A_469] : memref<100000xf32, #tpu.memory_space<vmem>>[vector<16xi32>], vector<16xf32>,
          %swap3A_471 = arith.constant 0 : i32
          %swap3A_472 = arith.index_cast %swap3A_471 : i32 to index
          %swap3A_473 = arith.index_cast %mul3A_467 : i32 to index
          %swap3A_474 = tpu.vector_load %run_scoped3A_4[%swap3A_472, %swap3A_473] {strides = array<i32>} : memref<2x4096xf32, #tpu.memory_space<vmem>>, vector<16xf32>,
          tpu.vector_store %run_scoped3A_4[%swap3A_472, %swap3A_473], %gather3A_470 {strides = array<i32>} : memref<2x4096xf32, #tpu.memory_space<vmem>>, vector<16xf32>,
          %mul3A_475 = arith.constant 16 : i32
          %mul3A_476 = arith.muli %scan3A_183, %mul3A_475 : i32
          %add3A_477 = arith.constant 14 : i32
          %add3A_478 = arith.addi %mul3A_476, %add3A_477 : i32
          %mul3A_479 = arith.constant 16 : i32
          %mul3A_480 = arith.muli %add3A_478, %mul3A_479 : i32
          %add3A_481 = arith.constant 8192 : i32
          %add3A_482 = arith.addi %add3A_481, %mul3A_480 : i32
          %mul3A_483 = arith.constant 16 : i32
          %mul3A_484 = arith.muli %scan3A_183, %mul3A_483 : i32
          %add3A_485 = arith.constant 14 : i32
          %add3A_486 = arith.addi %mul3A_484, %add3A_485 : i32
          %mul3A_487 = arith.constant 16 : i32
          %mul3A_488 = arith.muli %add3A_486, %mul3A_487 : i32
          %get3A_489 = arith.index_cast %add3A_482 : i32 to index
          %get3A_490 = tpu.vector_load %run_scoped3A_3[%get3A_489] {strides = array<i32>} : memref<16384xi32, #tpu.memory_space<vmem>>, vector<16xi32>,
          %gather3A_491 = tpu.vector_load_idx %run_scoped3A[%get3A_490] : memref<100000xf32, #tpu.memory_space<vmem>>[vector<16xi32>], vector<16xf32>,
          %swap3A_492 = arith.constant 0 : i32
          %swap3A_493 = arith.index_cast %swap3A_492 : i32 to index
          %swap3A_494 = arith.index_cast %mul3A_488 : i32 to index
          %swap3A_495 = tpu.vector_load %run_scoped3A_4[%swap3A_493, %swap3A_494] {strides = array<i32>} : memref<2x4096xf32, #tpu.memory_space<vmem>>, vector<16xf32>,
          tpu.vector_store %run_scoped3A_4[%swap3A_493, %swap3A_494], %gather3A_491 {strides = array<i32>} : memref<2x4096xf32, #tpu.memory_space<vmem>>, vector<16xf32>,
          %mul3A_496 = arith.constant 16 : i32
          %mul3A_497 = arith.muli %scan3A_183, %mul3A_496 : i32
          %add3A_498 = arith.constant 15 : i32
          %add3A_499 = arith.addi %mul3A_497, %add3A_498 : i32
          %mul3A_500 = arith.constant 16 : i32
          %mul3A_501 = arith.muli %add3A_499, %mul3A_500 : i32
          %add3A_502 = arith.constant 8192 : i32
          %add3A_503 = arith.addi %add3A_502, %mul3A_501 : i32
          %mul3A_504 = arith.constant 16 : i32
          %mul3A_505 = arith.muli %scan3A_183, %mul3A_504 : i32
          %add3A_506 = arith.constant 15 : i32
          %add3A_507 = arith.addi %mul3A_505, %add3A_506 : i32
          %mul3A_508 = arith.constant 16 : i32
          %mul3A_509 = arith.muli %add3A_507, %mul3A_508 : i32
          %get3A_510 = arith.index_cast %add3A_503 : i32 to index
          %get3A_511 = tpu.vector_load %run_scoped3A_3[%get3A_510] {strides = array<i32>} : memref<16384xi32, #tpu.memory_space<vmem>>, vector<16xi32>,
          %gather3A_512 = tpu.vector_load_idx %run_scoped3A[%get3A_511] : memref<100000xf32, #tpu.memory_space<vmem>>[vector<16xi32>], vector<16xf32>,
          %swap3A_513 = arith.constant 0 : i32
          %swap3A_514 = arith.index_cast %swap3A_513 : i32 to index
          %swap3A_515 = arith.index_cast %mul3A_509 : i32 to index
          %swap3A_516 = tpu.vector_load %run_scoped3A_4[%swap3A_514, %swap3A_515] {strides = array<i32>} : memref<2x4096xf32, #tpu.memory_space<vmem>>, vector<16xf32>,
          tpu.vector_store %run_scoped3A_4[%swap3A_514, %swap3A_515], %gather3A_512 {strides = array<i32>} : memref<2x4096xf32, #tpu.memory_space<vmem>>, vector<16xf32>,
        }
        %scan3A_135 = arith.constant 16 : i32
        %dma_start3A_136 = arith.constant 0 : i32
        %dma_start3A_137 = arith.constant 0 : i32
        %dma_start3A_138 = tpu.memref_slice %run_scoped3A_4[%dma_start3A_136, %dma_start3A_137] : memref<2x4096xf32, #tpu.memory_space<vmem>> -> memref<1x4096xf32, #tpu.memory_space<vmem>>
        %dma_start3A_139 = tpu.memref_squeeze %dma_start3A_138 : memref<1x4096xf32, #tpu.memory_space<vmem>> -> memref<4096xf32, #tpu.memory_space<vmem>>
        %dma_start3A_140 = arith.constant 8192 : i32
        %dma_start3A_141 = tpu.memref_slice %arg7[%add3A_62, %dma_start3A_140] : memref<400x16384xf32, #tpu.memory_space<hbm>> -> memref<1x4096xf32, #tpu.memory_space<hbm>>
        %dma_start3A_142 = tpu.memref_squeeze %dma_start3A_141 : memref<1x4096xf32, #tpu.memory_space<hbm>> -> memref<4096xf32, #tpu.memory_space<hbm>>
        %dma_start3A_143 = arith.constant 8192 : i32
        %dma_start3A_144 = tpu.memref_slice %arg7[%add3A_62, %dma_start3A_143] : memref<400x16384xf32, #tpu.memory_space<hbm>> -> memref<1x4096xf32, #tpu.memory_space<hbm>>
        %dma_start3A_145 = tpu.memref_squeeze %dma_start3A_144 : memref<1x4096xf32, #tpu.memory_space<hbm>> -> memref<4096xf32, #tpu.memory_space<hbm>>
        %dma_start3A_146 = arith.constant 0 : i32
        %dma_start3A_147 = tpu.memref_slice %run_scoped3A_4[%dma_start3A_136, %dma_start3A_146] : memref<2x4096xf32, #tpu.memory_space<vmem>> -> memref<1x4096xf32, #tpu.memory_space<vmem>>
        %dma_start3A_148 = tpu.memref_squeeze %dma_start3A_147 : memref<1x4096xf32, #tpu.memory_space<vmem>> -> memref<4096xf32, #tpu.memory_space<vmem>>
        tpu.enqueue_dma source(%dma_start3A_148 : memref<4096xf32, #tpu.memory_space<vmem>>) target(%dma_start3A_145 : memref<4096xf32, #tpu.memory_space<hbm>>) target_semaphore(%run_scoped3A_6 : memref<!tpu.dma_semaphore, #tpu.memory_space<semaphore_mem>>)
        %mul3A_149 = arith.constant 4 : i32
        %mul3A_150 = arith.muli %while3A_61, %mul3A_149 : i32
        %add3A_151 = arith.constant 3 : i32
        %add3A_152 = arith.addi %mul3A_150, %add3A_151 : i32
        %gt3A_153 = arith.constant 1 : i32
        %gt3A_154 = arith.cmpi sgt, %add3A_152, %gt3A_153 : i32
        %convert_element_type3A_155 = arith.extui %gt3A_154 : i1 to i32
        %cond3A_156 = arith.constant 0 : i32
        %cond3A_157 = arith.cmpi ne, %convert_element_type3A_155, %cond3A_156 : i32
        scf.if %cond3A_157 {
          %dma_wait3A_183 = arith.constant 1 : i32
          %dma_wait3A_184 = arith.constant 0 : i32
          %dma_wait3A_185 = tpu.memref_slice %run_scoped3A_4[%dma_wait3A_183, %dma_wait3A_184] : memref<2x4096xf32, #tpu.memory_space<vmem>> -> memref<1x4096xf32, #tpu.memory_space<vmem>>
          %dma_wait3A_186 = tpu.memref_squeeze %dma_wait3A_185 : memref<1x4096xf32, #tpu.memory_space<vmem>> -> memref<4096xf32, #tpu.memory_space<vmem>>
          %dma_wait3A_187 = arith.constant 12288 : i32
          %dma_wait3A_188 = tpu.memref_slice %arg7[%add3A_62, %dma_wait3A_187] : memref<400x16384xf32, #tpu.memory_space<hbm>> -> memref<1x4096xf32, #tpu.memory_space<hbm>>
          %dma_wait3A_189 = tpu.memref_squeeze %dma_wait3A_188 : memref<1x4096xf32, #tpu.memory_space<hbm>> -> memref<4096xf32, #tpu.memory_space<hbm>>
          %dma_wait3A_190 = arith.constant 12288 : i32
          %dma_wait3A_191 = tpu.memref_slice %arg7[%add3A_62, %dma_wait3A_190] : memref<400x16384xf32, #tpu.memory_space<hbm>> -> memref<1x4096xf32, #tpu.memory_space<hbm>>
          %dma_wait3A_192 = tpu.memref_squeeze %dma_wait3A_191 : memref<1x4096xf32, #tpu.memory_space<hbm>> -> memref<4096xf32, #tpu.memory_space<hbm>>
          %dma_wait3A_193 = arith.constant 0 : i32
          %dma_wait3A_194 = tpu.memref_slice %run_scoped3A_4[%dma_wait3A_183, %dma_wait3A_193] : memref<2x4096xf32, #tpu.memory_space<vmem>> -> memref<1x4096xf32, #tpu.memory_space<vmem>>
          %dma_wait3A_195 = tpu.memref_squeeze %dma_wait3A_194 : memref<1x4096xf32, #tpu.memory_space<vmem>> -> memref<4096xf32, #tpu.memory_space<vmem>>
          tpu.wait_dma2 semaphore(%run_scoped3A_6 : memref<!tpu.dma_semaphore, #tpu.memory_space<semaphore_mem>>) src(%dma_wait3A_195 : memref<4096xf32, #tpu.memory_space<vmem>>) dst(%dma_wait3A_192 : memref<4096xf32, #tpu.memory_space<hbm>>)
        } else {
        }
        %scan3A_158 = arith.constant 0 : i32
        %scan3A_159 = arith.constant 0 : i32
        %scan3A_160 = arith.constant 16 : i32
        %scan3A_161 = arith.addi %scan3A_159, %scan3A_160 : i32
        %scan3A_162 = arith.constant 1 : i32
        scf.for %scan3A_183 = %scan3A_159 to %scan3A_161 step %scan3A_162  : i32 {
          %mul3A_184 = arith.constant 16 : i32
          %mul3A_185 = arith.muli %scan3A_183, %mul3A_184 : i32
          %add3A_186 = arith.constant 0 : i32
          %add3A_187 = arith.addi %mul3A_185, %add3A_186 : i32
          %mul3A_188 = arith.constant 16 : i32
          %mul3A_189 = arith.muli %add3A_187, %mul3A_188 : i32
          %add3A_190 = arith.constant 12288 : i32
          %add3A_191 = arith.addi %add3A_190, %mul3A_189 : i32
          %mul3A_192 = arith.constant 16 : i32
          %mul3A_193 = arith.muli %scan3A_183, %mul3A_192 : i32
          %add3A_194 = arith.constant 0 : i32
          %add3A_195 = arith.addi %mul3A_193, %add3A_194 : i32
          %mul3A_196 = arith.constant 16 : i32
          %mul3A_197 = arith.muli %add3A_195, %mul3A_196 : i32
          %get3A = arith.index_cast %add3A_191 : i32 to index
          %get3A_198 = tpu.vector_load %run_scoped3A_3[%get3A] {strides = array<i32>} : memref<16384xi32, #tpu.memory_space<vmem>>, vector<16xi32>,
          %gather3A = tpu.vector_load_idx %run_scoped3A[%get3A_198] : memref<100000xf32, #tpu.memory_space<vmem>>[vector<16xi32>], vector<16xf32>,
          %swap3A = arith.constant 1 : i32
          %swap3A_199 = arith.index_cast %swap3A : i32 to index
          %swap3A_200 = arith.index_cast %mul3A_197 : i32 to index
          %swap3A_201 = tpu.vector_load %run_scoped3A_4[%swap3A_199, %swap3A_200] {strides = array<i32>} : memref<2x4096xf32, #tpu.memory_space<vmem>>, vector<16xf32>,
          tpu.vector_store %run_scoped3A_4[%swap3A_199, %swap3A_200], %gather3A {strides = array<i32>} : memref<2x4096xf32, #tpu.memory_space<vmem>>, vector<16xf32>,
          %mul3A_202 = arith.constant 16 : i32
          %mul3A_203 = arith.muli %scan3A_183, %mul3A_202 : i32
          %add3A_204 = arith.constant 1 : i32
          %add3A_205 = arith.addi %mul3A_203, %add3A_204 : i32
          %mul3A_206 = arith.constant 16 : i32
          %mul3A_207 = arith.muli %add3A_205, %mul3A_206 : i32
          %add3A_208 = arith.constant 12288 : i32
          %add3A_209 = arith.addi %add3A_208, %mul3A_207 : i32
          %mul3A_210 = arith.constant 16 : i32
          %mul3A_211 = arith.muli %scan3A_183, %mul3A_210 : i32
          %add3A_212 = arith.constant 1 : i32
          %add3A_213 = arith.addi %mul3A_211, %add3A_212 : i32
          %mul3A_214 = arith.constant 16 : i32
          %mul3A_215 = arith.muli %add3A_213, %mul3A_214 : i32
          %get3A_216 = arith.index_cast %add3A_209 : i32 to index
          %get3A_217 = tpu.vector_load %run_scoped3A_3[%get3A_216] {strides = array<i32>} : memref<16384xi32, #tpu.memory_space<vmem>>, vector<16xi32>,
          %gather3A_218 = tpu.vector_load_idx %run_scoped3A[%get3A_217] : memref<100000xf32, #tpu.memory_space<vmem>>[vector<16xi32>], vector<16xf32>,
          %swap3A_219 = arith.constant 1 : i32
          %swap3A_220 = arith.index_cast %swap3A_219 : i32 to index
          %swap3A_221 = arith.index_cast %mul3A_215 : i32 to index
          %swap3A_222 = tpu.vector_load %run_scoped3A_4[%swap3A_220, %swap3A_221] {strides = array<i32>} : memref<2x4096xf32, #tpu.memory_space<vmem>>, vector<16xf32>,
          tpu.vector_store %run_scoped3A_4[%swap3A_220, %swap3A_221], %gather3A_218 {strides = array<i32>} : memref<2x4096xf32, #tpu.memory_space<vmem>>, vector<16xf32>,
          %mul3A_223 = arith.constant 16 : i32
          %mul3A_224 = arith.muli %scan3A_183, %mul3A_223 : i32
          %add3A_225 = arith.constant 2 : i32
          %add3A_226 = arith.addi %mul3A_224, %add3A_225 : i32
          %mul3A_227 = arith.constant 16 : i32
          %mul3A_228 = arith.muli %add3A_226, %mul3A_227 : i32
          %add3A_229 = arith.constant 12288 : i32
          %add3A_230 = arith.addi %add3A_229, %mul3A_228 : i32
          %mul3A_231 = arith.constant 16 : i32
          %mul3A_232 = arith.muli %scan3A_183, %mul3A_231 : i32
          %add3A_233 = arith.constant 2 : i32
          %add3A_234 = arith.addi %mul3A_232, %add3A_233 : i32
          %mul3A_235 = arith.constant 16 : i32
          %mul3A_236 = arith.muli %add3A_234, %mul3A_235 : i32
          %get3A_237 = arith.index_cast %add3A_230 : i32 to index
          %get3A_238 = tpu.vector_load %run_scoped3A_3[%get3A_237] {strides = array<i32>} : memref<16384xi32, #tpu.memory_space<vmem>>, vector<16xi32>,
          %gather3A_239 = tpu.vector_load_idx %run_scoped3A[%get3A_238] : memref<100000xf32, #tpu.memory_space<vmem>>[vector<16xi32>], vector<16xf32>,
          %swap3A_240 = arith.constant 1 : i32
          %swap3A_241 = arith.index_cast %swap3A_240 : i32 to index
          %swap3A_242 = arith.index_cast %mul3A_236 : i32 to index
          %swap3A_243 = tpu.vector_load %run_scoped3A_4[%swap3A_241, %swap3A_242] {strides = array<i32>} : memref<2x4096xf32, #tpu.memory_space<vmem>>, vector<16xf32>,
          tpu.vector_store %run_scoped3A_4[%swap3A_241, %swap3A_242], %gather3A_239 {strides = array<i32>} : memref<2x4096xf32, #tpu.memory_space<vmem>>, vector<16xf32>,
          %mul3A_244 = arith.constant 16 : i32
          %mul3A_245 = arith.muli %scan3A_183, %mul3A_244 : i32
          %add3A_246 = arith.constant 3 : i32
          %add3A_247 = arith.addi %mul3A_245, %add3A_246 : i32
          %mul3A_248 = arith.constant 16 : i32
          %mul3A_249 = arith.muli %add3A_247, %mul3A_248 : i32
          %add3A_250 = arith.constant 12288 : i32
          %add3A_251 = arith.addi %add3A_250, %mul3A_249 : i32
          %mul3A_252 = arith.constant 16 : i32
          %mul3A_253 = arith.muli %scan3A_183, %mul3A_252 : i32
          %add3A_254 = arith.constant 3 : i32
          %add3A_255 = arith.addi %mul3A_253, %add3A_254 : i32
          %mul3A_256 = arith.constant 16 : i32
          %mul3A_257 = arith.muli %add3A_255, %mul3A_256 : i32
          %get3A_258 = arith.index_cast %add3A_251 : i32 to index
          %get3A_259 = tpu.vector_load %run_scoped3A_3[%get3A_258] {strides = array<i32>} : memref<16384xi32, #tpu.memory_space<vmem>>, vector<16xi32>,
          %gather3A_260 = tpu.vector_load_idx %run_scoped3A[%get3A_259] : memref<100000xf32, #tpu.memory_space<vmem>>[vector<16xi32>], vector<16xf32>,
          %swap3A_261 = arith.constant 1 : i32
          %swap3A_262 = arith.index_cast %swap3A_261 : i32 to index
          %swap3A_263 = arith.index_cast %mul3A_257 : i32 to index
          %swap3A_264 = tpu.vector_load %run_scoped3A_4[%swap3A_262, %swap3A_263] {strides = array<i32>} : memref<2x4096xf32, #tpu.memory_space<vmem>>, vector<16xf32>,
          tpu.vector_store %run_scoped3A_4[%swap3A_262, %swap3A_263], %gather3A_260 {strides = array<i32>} : memref<2x4096xf32, #tpu.memory_space<vmem>>, vector<16xf32>,
          %mul3A_265 = arith.constant 16 : i32
          %mul3A_266 = arith.muli %scan3A_183, %mul3A_265 : i32
          %add3A_267 = arith.constant 4 : i32
          %add3A_268 = arith.addi %mul3A_266, %add3A_267 : i32
          %mul3A_269 = arith.constant 16 : i32
          %mul3A_270 = arith.muli %add3A_268, %mul3A_269 : i32
          %add3A_271 = arith.constant 12288 : i32
          %add3A_272 = arith.addi %add3A_271, %mul3A_270 : i32
          %mul3A_273 = arith.constant 16 : i32
          %mul3A_274 = arith.muli %scan3A_183, %mul3A_273 : i32
          %add3A_275 = arith.constant 4 : i32
          %add3A_276 = arith.addi %mul3A_274, %add3A_275 : i32
          %mul3A_277 = arith.constant 16 : i32
          %mul3A_278 = arith.muli %add3A_276, %mul3A_277 : i32
          %get3A_279 = arith.index_cast %add3A_272 : i32 to index
          %get3A_280 = tpu.vector_load %run_scoped3A_3[%get3A_279] {strides = array<i32>} : memref<16384xi32, #tpu.memory_space<vmem>>, vector<16xi32>,
          %gather3A_281 = tpu.vector_load_idx %run_scoped3A[%get3A_280] : memref<100000xf32, #tpu.memory_space<vmem>>[vector<16xi32>], vector<16xf32>,
          %swap3A_282 = arith.constant 1 : i32
          %swap3A_283 = arith.index_cast %swap3A_282 : i32 to index
          %swap3A_284 = arith.index_cast %mul3A_278 : i32 to index
          %swap3A_285 = tpu.vector_load %run_scoped3A_4[%swap3A_283, %swap3A_284] {strides = array<i32>} : memref<2x4096xf32, #tpu.memory_space<vmem>>, vector<16xf32>,
          tpu.vector_store %run_scoped3A_4[%swap3A_283, %swap3A_284], %gather3A_281 {strides = array<i32>} : memref<2x4096xf32, #tpu.memory_space<vmem>>, vector<16xf32>,
          %mul3A_286 = arith.constant 16 : i32
          %mul3A_287 = arith.muli %scan3A_183, %mul3A_286 : i32
          %add3A_288 = arith.constant 5 : i32
          %add3A_289 = arith.addi %mul3A_287, %add3A_288 : i32
          %mul3A_290 = arith.constant 16 : i32
          %mul3A_291 = arith.muli %add3A_289, %mul3A_290 : i32
          %add3A_292 = arith.constant 12288 : i32
          %add3A_293 = arith.addi %add3A_292, %mul3A_291 : i32
          %mul3A_294 = arith.constant 16 : i32
          %mul3A_295 = arith.muli %scan3A_183, %mul3A_294 : i32
          %add3A_296 = arith.constant 5 : i32
          %add3A_297 = arith.addi %mul3A_295, %add3A_296 : i32
          %mul3A_298 = arith.constant 16 : i32
          %mul3A_299 = arith.muli %add3A_297, %mul3A_298 : i32
          %get3A_300 = arith.index_cast %add3A_293 : i32 to index
          %get3A_301 = tpu.vector_load %run_scoped3A_3[%get3A_300] {strides = array<i32>} : memref<16384xi32, #tpu.memory_space<vmem>>, vector<16xi32>,
          %gather3A_302 = tpu.vector_load_idx %run_scoped3A[%get3A_301] : memref<100000xf32, #tpu.memory_space<vmem>>[vector<16xi32>], vector<16xf32>,
          %swap3A_303 = arith.constant 1 : i32
          %swap3A_304 = arith.index_cast %swap3A_303 : i32 to index
          %swap3A_305 = arith.index_cast %mul3A_299 : i32 to index
          %swap3A_306 = tpu.vector_load %run_scoped3A_4[%swap3A_304, %swap3A_305] {strides = array<i32>} : memref<2x4096xf32, #tpu.memory_space<vmem>>, vector<16xf32>,
          tpu.vector_store %run_scoped3A_4[%swap3A_304, %swap3A_305], %gather3A_302 {strides = array<i32>} : memref<2x4096xf32, #tpu.memory_space<vmem>>, vector<16xf32>,
          %mul3A_307 = arith.constant 16 : i32
          %mul3A_308 = arith.muli %scan3A_183, %mul3A_307 : i32
          %add3A_309 = arith.constant 6 : i32
          %add3A_310 = arith.addi %mul3A_308, %add3A_309 : i32
          %mul3A_311 = arith.constant 16 : i32
          %mul3A_312 = arith.muli %add3A_310, %mul3A_311 : i32
          %add3A_313 = arith.constant 12288 : i32
          %add3A_314 = arith.addi %add3A_313, %mul3A_312 : i32
          %mul3A_315 = arith.constant 16 : i32
          %mul3A_316 = arith.muli %scan3A_183, %mul3A_315 : i32
          %add3A_317 = arith.constant 6 : i32
          %add3A_318 = arith.addi %mul3A_316, %add3A_317 : i32
          %mul3A_319 = arith.constant 16 : i32
          %mul3A_320 = arith.muli %add3A_318, %mul3A_319 : i32
          %get3A_321 = arith.index_cast %add3A_314 : i32 to index
          %get3A_322 = tpu.vector_load %run_scoped3A_3[%get3A_321] {strides = array<i32>} : memref<16384xi32, #tpu.memory_space<vmem>>, vector<16xi32>,
          %gather3A_323 = tpu.vector_load_idx %run_scoped3A[%get3A_322] : memref<100000xf32, #tpu.memory_space<vmem>>[vector<16xi32>], vector<16xf32>,
          %swap3A_324 = arith.constant 1 : i32
          %swap3A_325 = arith.index_cast %swap3A_324 : i32 to index
          %swap3A_326 = arith.index_cast %mul3A_320 : i32 to index
          %swap3A_327 = tpu.vector_load %run_scoped3A_4[%swap3A_325, %swap3A_326] {strides = array<i32>} : memref<2x4096xf32, #tpu.memory_space<vmem>>, vector<16xf32>,
          tpu.vector_store %run_scoped3A_4[%swap3A_325, %swap3A_326], %gather3A_323 {strides = array<i32>} : memref<2x4096xf32, #tpu.memory_space<vmem>>, vector<16xf32>,
          %mul3A_328 = arith.constant 16 : i32
          %mul3A_329 = arith.muli %scan3A_183, %mul3A_328 : i32
          %add3A_330 = arith.constant 7 : i32
          %add3A_331 = arith.addi %mul3A_329, %add3A_330 : i32
          %mul3A_332 = arith.constant 16 : i32
          %mul3A_333 = arith.muli %add3A_331, %mul3A_332 : i32
          %add3A_334 = arith.constant 12288 : i32
          %add3A_335 = arith.addi %add3A_334, %mul3A_333 : i32
          %mul3A_336 = arith.constant 16 : i32
          %mul3A_337 = arith.muli %scan3A_183, %mul3A_336 : i32
          %add3A_338 = arith.constant 7 : i32
          %add3A_339 = arith.addi %mul3A_337, %add3A_338 : i32
          %mul3A_340 = arith.constant 16 : i32
          %mul3A_341 = arith.muli %add3A_339, %mul3A_340 : i32
          %get3A_342 = arith.index_cast %add3A_335 : i32 to index
          %get3A_343 = tpu.vector_load %run_scoped3A_3[%get3A_342] {strides = array<i32>} : memref<16384xi32, #tpu.memory_space<vmem>>, vector<16xi32>,
          %gather3A_344 = tpu.vector_load_idx %run_scoped3A[%get3A_343] : memref<100000xf32, #tpu.memory_space<vmem>>[vector<16xi32>], vector<16xf32>,
          %swap3A_345 = arith.constant 1 : i32
          %swap3A_346 = arith.index_cast %swap3A_345 : i32 to index
          %swap3A_347 = arith.index_cast %mul3A_341 : i32 to index
          %swap3A_348 = tpu.vector_load %run_scoped3A_4[%swap3A_346, %swap3A_347] {strides = array<i32>} : memref<2x4096xf32, #tpu.memory_space<vmem>>, vector<16xf32>,
          tpu.vector_store %run_scoped3A_4[%swap3A_346, %swap3A_347], %gather3A_344 {strides = array<i32>} : memref<2x4096xf32, #tpu.memory_space<vmem>>, vector<16xf32>,
          %mul3A_349 = arith.constant 16 : i32
          %mul3A_350 = arith.muli %scan3A_183, %mul3A_349 : i32
          %add3A_351 = arith.constant 8 : i32
          %add3A_352 = arith.addi %mul3A_350, %add3A_351 : i32
          %mul3A_353 = arith.constant 16 : i32
          %mul3A_354 = arith.muli %add3A_352, %mul3A_353 : i32
          %add3A_355 = arith.constant 12288 : i32
          %add3A_356 = arith.addi %add3A_355, %mul3A_354 : i32
          %mul3A_357 = arith.constant 16 : i32
          %mul3A_358 = arith.muli %scan3A_183, %mul3A_357 : i32
          %add3A_359 = arith.constant 8 : i32
          %add3A_360 = arith.addi %mul3A_358, %add3A_359 : i32
          %mul3A_361 = arith.constant 16 : i32
          %mul3A_362 = arith.muli %add3A_360, %mul3A_361 : i32
          %get3A_363 = arith.index_cast %add3A_356 : i32 to index
          %get3A_364 = tpu.vector_load %run_scoped3A_3[%get3A_363] {strides = array<i32>} : memref<16384xi32, #tpu.memory_space<vmem>>, vector<16xi32>,
          %gather3A_365 = tpu.vector_load_idx %run_scoped3A[%get3A_364] : memref<100000xf32, #tpu.memory_space<vmem>>[vector<16xi32>], vector<16xf32>,
          %swap3A_366 = arith.constant 1 : i32
          %swap3A_367 = arith.index_cast %swap3A_366 : i32 to index
          %swap3A_368 = arith.index_cast %mul3A_362 : i32 to index
          %swap3A_369 = tpu.vector_load %run_scoped3A_4[%swap3A_367, %swap3A_368] {strides = array<i32>} : memref<2x4096xf32, #tpu.memory_space<vmem>>, vector<16xf32>,
          tpu.vector_store %run_scoped3A_4[%swap3A_367, %swap3A_368], %gather3A_365 {strides = array<i32>} : memref<2x4096xf32, #tpu.memory_space<vmem>>, vector<16xf32>,
          %mul3A_370 = arith.constant 16 : i32
          %mul3A_371 = arith.muli %scan3A_183, %mul3A_370 : i32
          %add3A_372 = arith.constant 9 : i32
          %add3A_373 = arith.addi %mul3A_371, %add3A_372 : i32
          %mul3A_374 = arith.constant 16 : i32
          %mul3A_375 = arith.muli %add3A_373, %mul3A_374 : i32
          %add3A_376 = arith.constant 12288 : i32
          %add3A_377 = arith.addi %add3A_376, %mul3A_375 : i32
          %mul3A_378 = arith.constant 16 : i32
          %mul3A_379 = arith.muli %scan3A_183, %mul3A_378 : i32
          %add3A_380 = arith.constant 9 : i32
          %add3A_381 = arith.addi %mul3A_379, %add3A_380 : i32
          %mul3A_382 = arith.constant 16 : i32
          %mul3A_383 = arith.muli %add3A_381, %mul3A_382 : i32
          %get3A_384 = arith.index_cast %add3A_377 : i32 to index
          %get3A_385 = tpu.vector_load %run_scoped3A_3[%get3A_384] {strides = array<i32>} : memref<16384xi32, #tpu.memory_space<vmem>>, vector<16xi32>,
          %gather3A_386 = tpu.vector_load_idx %run_scoped3A[%get3A_385] : memref<100000xf32, #tpu.memory_space<vmem>>[vector<16xi32>], vector<16xf32>,
          %swap3A_387 = arith.constant 1 : i32
          %swap3A_388 = arith.index_cast %swap3A_387 : i32 to index
          %swap3A_389 = arith.index_cast %mul3A_383 : i32 to index
          %swap3A_390 = tpu.vector_load %run_scoped3A_4[%swap3A_388, %swap3A_389] {strides = array<i32>} : memref<2x4096xf32, #tpu.memory_space<vmem>>, vector<16xf32>,
          tpu.vector_store %run_scoped3A_4[%swap3A_388, %swap3A_389], %gather3A_386 {strides = array<i32>} : memref<2x4096xf32, #tpu.memory_space<vmem>>, vector<16xf32>,
          %mul3A_391 = arith.constant 16 : i32
          %mul3A_392 = arith.muli %scan3A_183, %mul3A_391 : i32
          %add3A_393 = arith.constant 10 : i32
          %add3A_394 = arith.addi %mul3A_392, %add3A_393 : i32
          %mul3A_395 = arith.constant 16 : i32
          %mul3A_396 = arith.muli %add3A_394, %mul3A_395 : i32
          %add3A_397 = arith.constant 12288 : i32
          %add3A_398 = arith.addi %add3A_397, %mul3A_396 : i32
          %mul3A_399 = arith.constant 16 : i32
          %mul3A_400 = arith.muli %scan3A_183, %mul3A_399 : i32
          %add3A_401 = arith.constant 10 : i32
          %add3A_402 = arith.addi %mul3A_400, %add3A_401 : i32
          %mul3A_403 = arith.constant 16 : i32
          %mul3A_404 = arith.muli %add3A_402, %mul3A_403 : i32
          %get3A_405 = arith.index_cast %add3A_398 : i32 to index
          %get3A_406 = tpu.vector_load %run_scoped3A_3[%get3A_405] {strides = array<i32>} : memref<16384xi32, #tpu.memory_space<vmem>>, vector<16xi32>,
          %gather3A_407 = tpu.vector_load_idx %run_scoped3A[%get3A_406] : memref<100000xf32, #tpu.memory_space<vmem>>[vector<16xi32>], vector<16xf32>,
          %swap3A_408 = arith.constant 1 : i32
          %swap3A_409 = arith.index_cast %swap3A_408 : i32 to index
          %swap3A_410 = arith.index_cast %mul3A_404 : i32 to index
          %swap3A_411 = tpu.vector_load %run_scoped3A_4[%swap3A_409, %swap3A_410] {strides = array<i32>} : memref<2x4096xf32, #tpu.memory_space<vmem>>, vector<16xf32>,
          tpu.vector_store %run_scoped3A_4[%swap3A_409, %swap3A_410], %gather3A_407 {strides = array<i32>} : memref<2x4096xf32, #tpu.memory_space<vmem>>, vector<16xf32>,
          %mul3A_412 = arith.constant 16 : i32
          %mul3A_413 = arith.muli %scan3A_183, %mul3A_412 : i32
          %add3A_414 = arith.constant 11 : i32
          %add3A_415 = arith.addi %mul3A_413, %add3A_414 : i32
          %mul3A_416 = arith.constant 16 : i32
          %mul3A_417 = arith.muli %add3A_415, %mul3A_416 : i32
          %add3A_418 = arith.constant 12288 : i32
          %add3A_419 = arith.addi %add3A_418, %mul3A_417 : i32
          %mul3A_420 = arith.constant 16 : i32
          %mul3A_421 = arith.muli %scan3A_183, %mul3A_420 : i32
          %add3A_422 = arith.constant 11 : i32
          %add3A_423 = arith.addi %mul3A_421, %add3A_422 : i32
          %mul3A_424 = arith.constant 16 : i32
          %mul3A_425 = arith.muli %add3A_423, %mul3A_424 : i32
          %get3A_426 = arith.index_cast %add3A_419 : i32 to index
          %get3A_427 = tpu.vector_load %run_scoped3A_3[%get3A_426] {strides = array<i32>} : memref<16384xi32, #tpu.memory_space<vmem>>, vector<16xi32>,
          %gather3A_428 = tpu.vector_load_idx %run_scoped3A[%get3A_427] : memref<100000xf32, #tpu.memory_space<vmem>>[vector<16xi32>], vector<16xf32>,
          %swap3A_429 = arith.constant 1 : i32
          %swap3A_430 = arith.index_cast %swap3A_429 : i32 to index
          %swap3A_431 = arith.index_cast %mul3A_425 : i32 to index
          %swap3A_432 = tpu.vector_load %run_scoped3A_4[%swap3A_430, %swap3A_431] {strides = array<i32>} : memref<2x4096xf32, #tpu.memory_space<vmem>>, vector<16xf32>,
          tpu.vector_store %run_scoped3A_4[%swap3A_430, %swap3A_431], %gather3A_428 {strides = array<i32>} : memref<2x4096xf32, #tpu.memory_space<vmem>>, vector<16xf32>,
          %mul3A_433 = arith.constant 16 : i32
          %mul3A_434 = arith.muli %scan3A_183, %mul3A_433 : i32
          %add3A_435 = arith.constant 12 : i32
          %add3A_436 = arith.addi %mul3A_434, %add3A_435 : i32
          %mul3A_437 = arith.constant 16 : i32
          %mul3A_438 = arith.muli %add3A_436, %mul3A_437 : i32
          %add3A_439 = arith.constant 12288 : i32
          %add3A_440 = arith.addi %add3A_439, %mul3A_438 : i32
          %mul3A_441 = arith.constant 16 : i32
          %mul3A_442 = arith.muli %scan3A_183, %mul3A_441 : i32
          %add3A_443 = arith.constant 12 : i32
          %add3A_444 = arith.addi %mul3A_442, %add3A_443 : i32
          %mul3A_445 = arith.constant 16 : i32
          %mul3A_446 = arith.muli %add3A_444, %mul3A_445 : i32
          %get3A_447 = arith.index_cast %add3A_440 : i32 to index
          %get3A_448 = tpu.vector_load %run_scoped3A_3[%get3A_447] {strides = array<i32>} : memref<16384xi32, #tpu.memory_space<vmem>>, vector<16xi32>,
          %gather3A_449 = tpu.vector_load_idx %run_scoped3A[%get3A_448] : memref<100000xf32, #tpu.memory_space<vmem>>[vector<16xi32>], vector<16xf32>,
          %swap3A_450 = arith.constant 1 : i32
          %swap3A_451 = arith.index_cast %swap3A_450 : i32 to index
          %swap3A_452 = arith.index_cast %mul3A_446 : i32 to index
          %swap3A_453 = tpu.vector_load %run_scoped3A_4[%swap3A_451, %swap3A_452] {strides = array<i32>} : memref<2x4096xf32, #tpu.memory_space<vmem>>, vector<16xf32>,
          tpu.vector_store %run_scoped3A_4[%swap3A_451, %swap3A_452], %gather3A_449 {strides = array<i32>} : memref<2x4096xf32, #tpu.memory_space<vmem>>, vector<16xf32>,
          %mul3A_454 = arith.constant 16 : i32
          %mul3A_455 = arith.muli %scan3A_183, %mul3A_454 : i32
          %add3A_456 = arith.constant 13 : i32
          %add3A_457 = arith.addi %mul3A_455, %add3A_456 : i32
          %mul3A_458 = arith.constant 16 : i32
          %mul3A_459 = arith.muli %add3A_457, %mul3A_458 : i32
          %add3A_460 = arith.constant 12288 : i32
          %add3A_461 = arith.addi %add3A_460, %mul3A_459 : i32
          %mul3A_462 = arith.constant 16 : i32
          %mul3A_463 = arith.muli %scan3A_183, %mul3A_462 : i32
          %add3A_464 = arith.constant 13 : i32
          %add3A_465 = arith.addi %mul3A_463, %add3A_464 : i32
          %mul3A_466 = arith.constant 16 : i32
          %mul3A_467 = arith.muli %add3A_465, %mul3A_466 : i32
          %get3A_468 = arith.index_cast %add3A_461 : i32 to index
          %get3A_469 = tpu.vector_load %run_scoped3A_3[%get3A_468] {strides = array<i32>} : memref<16384xi32, #tpu.memory_space<vmem>>, vector<16xi32>,
          %gather3A_470 = tpu.vector_load_idx %run_scoped3A[%get3A_469] : memref<100000xf32, #tpu.memory_space<vmem>>[vector<16xi32>], vector<16xf32>,
          %swap3A_471 = arith.constant 1 : i32
          %swap3A_472 = arith.index_cast %swap3A_471 : i32 to index
          %swap3A_473 = arith.index_cast %mul3A_467 : i32 to index
          %swap3A_474 = tpu.vector_load %run_scoped3A_4[%swap3A_472, %swap3A_473] {strides = array<i32>} : memref<2x4096xf32, #tpu.memory_space<vmem>>, vector<16xf32>,
          tpu.vector_store %run_scoped3A_4[%swap3A_472, %swap3A_473], %gather3A_470 {strides = array<i32>} : memref<2x4096xf32, #tpu.memory_space<vmem>>, vector<16xf32>,
          %mul3A_475 = arith.constant 16 : i32
          %mul3A_476 = arith.muli %scan3A_183, %mul3A_475 : i32
          %add3A_477 = arith.constant 14 : i32
          %add3A_478 = arith.addi %mul3A_476, %add3A_477 : i32
          %mul3A_479 = arith.constant 16 : i32
          %mul3A_480 = arith.muli %add3A_478, %mul3A_479 : i32
          %add3A_481 = arith.constant 12288 : i32
          %add3A_482 = arith.addi %add3A_481, %mul3A_480 : i32
          %mul3A_483 = arith.constant 16 : i32
          %mul3A_484 = arith.muli %scan3A_183, %mul3A_483 : i32
          %add3A_485 = arith.constant 14 : i32
          %add3A_486 = arith.addi %mul3A_484, %add3A_485 : i32
          %mul3A_487 = arith.constant 16 : i32
          %mul3A_488 = arith.muli %add3A_486, %mul3A_487 : i32
          %get3A_489 = arith.index_cast %add3A_482 : i32 to index
          %get3A_490 = tpu.vector_load %run_scoped3A_3[%get3A_489] {strides = array<i32>} : memref<16384xi32, #tpu.memory_space<vmem>>, vector<16xi32>,
          %gather3A_491 = tpu.vector_load_idx %run_scoped3A[%get3A_490] : memref<100000xf32, #tpu.memory_space<vmem>>[vector<16xi32>], vector<16xf32>,
          %swap3A_492 = arith.constant 1 : i32
          %swap3A_493 = arith.index_cast %swap3A_492 : i32 to index
          %swap3A_494 = arith.index_cast %mul3A_488 : i32 to index
          %swap3A_495 = tpu.vector_load %run_scoped3A_4[%swap3A_493, %swap3A_494] {strides = array<i32>} : memref<2x4096xf32, #tpu.memory_space<vmem>>, vector<16xf32>,
          tpu.vector_store %run_scoped3A_4[%swap3A_493, %swap3A_494], %gather3A_491 {strides = array<i32>} : memref<2x4096xf32, #tpu.memory_space<vmem>>, vector<16xf32>,
          %mul3A_496 = arith.constant 16 : i32
          %mul3A_497 = arith.muli %scan3A_183, %mul3A_496 : i32
          %add3A_498 = arith.constant 15 : i32
          %add3A_499 = arith.addi %mul3A_497, %add3A_498 : i32
          %mul3A_500 = arith.constant 16 : i32
          %mul3A_501 = arith.muli %add3A_499, %mul3A_500 : i32
          %add3A_502 = arith.constant 12288 : i32
          %add3A_503 = arith.addi %add3A_502, %mul3A_501 : i32
          %mul3A_504 = arith.constant 16 : i32
          %mul3A_505 = arith.muli %scan3A_183, %mul3A_504 : i32
          %add3A_506 = arith.constant 15 : i32
          %add3A_507 = arith.addi %mul3A_505, %add3A_506 : i32
          %mul3A_508 = arith.constant 16 : i32
          %mul3A_509 = arith.muli %add3A_507, %mul3A_508 : i32
          %get3A_510 = arith.index_cast %add3A_503 : i32 to index
          %get3A_511 = tpu.vector_load %run_scoped3A_3[%get3A_510] {strides = array<i32>} : memref<16384xi32, #tpu.memory_space<vmem>>, vector<16xi32>,
          %gather3A_512 = tpu.vector_load_idx %run_scoped3A[%get3A_511] : memref<100000xf32, #tpu.memory_space<vmem>>[vector<16xi32>], vector<16xf32>,
          %swap3A_513 = arith.constant 1 : i32
          %swap3A_514 = arith.index_cast %swap3A_513 : i32 to index
          %swap3A_515 = arith.index_cast %mul3A_509 : i32 to index
          %swap3A_516 = tpu.vector_load %run_scoped3A_4[%swap3A_514, %swap3A_515] {strides = array<i32>} : memref<2x4096xf32, #tpu.memory_space<vmem>>, vector<16xf32>,
          tpu.vector_store %run_scoped3A_4[%swap3A_514, %swap3A_515], %gather3A_512 {strides = array<i32>} : memref<2x4096xf32, #tpu.memory_space<vmem>>, vector<16xf32>,
        }
        %scan3A_163 = arith.constant 16 : i32
        %dma_start3A_164 = arith.constant 1 : i32
        %dma_start3A_165 = arith.constant 0 : i32
        %dma_start3A_166 = tpu.memref_slice %run_scoped3A_4[%dma_start3A_164, %dma_start3A_165] : memref<2x4096xf32, #tpu.memory_space<vmem>> -> memref<1x4096xf32, #tpu.memory_space<vmem>>
        %dma_start3A_167 = tpu.memref_squeeze %dma_start3A_166 : memref<1x4096xf32, #tpu.memory_space<vmem>> -> memref<4096xf32, #tpu.memory_space<vmem>>
        %dma_start3A_168 = arith.constant 12288 : i32
        %dma_start3A_169 = tpu.memref_slice %arg7[%add3A_62, %dma_start3A_168] : memref<400x16384xf32, #tpu.memory_space<hbm>> -> memref<1x4096xf32, #tpu.memory_space<hbm>>
        %dma_start3A_170 = tpu.memref_squeeze %dma_start3A_169 : memref<1x4096xf32, #tpu.memory_space<hbm>> -> memref<4096xf32, #tpu.memory_space<hbm>>
        %dma_start3A_171 = arith.constant 12288 : i32
        %dma_start3A_172 = tpu.memref_slice %arg7[%add3A_62, %dma_start3A_171] : memref<400x16384xf32, #tpu.memory_space<hbm>> -> memref<1x4096xf32, #tpu.memory_space<hbm>>
        %dma_start3A_173 = tpu.memref_squeeze %dma_start3A_172 : memref<1x4096xf32, #tpu.memory_space<hbm>> -> memref<4096xf32, #tpu.memory_space<hbm>>
        %dma_start3A_174 = arith.constant 0 : i32
        %dma_start3A_175 = tpu.memref_slice %run_scoped3A_4[%dma_start3A_164, %dma_start3A_174] : memref<2x4096xf32, #tpu.memory_space<vmem>> -> memref<1x4096xf32, #tpu.memory_space<vmem>>
        %dma_start3A_176 = tpu.memref_squeeze %dma_start3A_175 : memref<1x4096xf32, #tpu.memory_space<vmem>> -> memref<4096xf32, #tpu.memory_space<vmem>>
        tpu.enqueue_dma source(%dma_start3A_176 : memref<4096xf32, #tpu.memory_space<vmem>>) target(%dma_start3A_173 : memref<4096xf32, #tpu.memory_space<hbm>>) target_semaphore(%run_scoped3A_6 : memref<!tpu.dma_semaphore, #tpu.memory_space<semaphore_mem>>)
        %add3A_177 = arith.constant 1 : i32
        %add3A_178 = arith.addi %while3A_61, %add3A_177 : i32
        %lt3A_179 = arith.cmpi slt, %add3A_178, %select_n3A_9 : i32
        %convert_element_type3A_180 = arith.extui %lt3A_179 : i1 to i32
        %cond3A_181 = arith.constant 0 : i32
        %cond3A_182 = arith.cmpi ne, %convert_element_type3A_180, %cond3A_181 : i32
        scf.if %cond3A_182 {
          %add3A_183 = arith.constant 1 : i32
          %add3A_184 = arith.addi %add3A_62, %add3A_183 : i32
          %dma_start3A_185 = arith.constant 0 : i32
          %dma_start3A_186 = tpu.memref_slice %arg4[%add3A_184, %dma_start3A_185] : memref<400x100000xf32, #tpu.memory_space<hbm>> -> memref<1x100000xf32, #tpu.memory_space<hbm>>
          %dma_start3A_187 = tpu.memref_squeeze %dma_start3A_186 : memref<1x100000xf32, #tpu.memory_space<hbm>> -> memref<100000xf32, #tpu.memory_space<hbm>>
          %dma_start3A_188 = arith.constant 0 : i32
          %dma_start3A_189 = tpu.memref_slice %arg4[%add3A_184, %dma_start3A_188] : memref<400x100000xf32, #tpu.memory_space<hbm>> -> memref<1x100000xf32, #tpu.memory_space<hbm>>
          %dma_start3A_190 = tpu.memref_squeeze %dma_start3A_189 : memref<1x100000xf32, #tpu.memory_space<hbm>> -> memref<100000xf32, #tpu.memory_space<hbm>>
          tpu.enqueue_dma source(%dma_start3A_190 : memref<100000xf32, #tpu.memory_space<hbm>>) target(%run_scoped3A : memref<100000xf32, #tpu.memory_space<vmem>>) target_semaphore(%run_scoped3A_5 : memref<!tpu.dma_semaphore, #tpu.memory_space<semaphore_mem>>)
        } else {
        }
      }
      %add3A_34 = arith.addi %select_n3A_18, %select_n3A_9 : i32
      %sub3A = arith.constant 1 : i32
      %sub3A_35 = arith.subi %add3A_34, %sub3A : i32
      %dma_wait3A = arith.constant 0 : i32
      %dma_wait3A_36 = arith.constant 0 : i32
      %dma_wait3A_37 = tpu.memref_slice %run_scoped3A_4[%dma_wait3A, %dma_wait3A_36] : memref<2x4096xf32, #tpu.memory_space<vmem>> -> memref<1x4096xf32, #tpu.memory_space<vmem>>
      %dma_wait3A_38 = tpu.memref_squeeze %dma_wait3A_37 : memref<1x4096xf32, #tpu.memory_space<vmem>> -> memref<4096xf32, #tpu.memory_space<vmem>>
      %dma_wait3A_39 = arith.constant 8192 : i32
      %dma_wait3A_40 = tpu.memref_slice %arg7[%sub3A_35, %dma_wait3A_39] : memref<400x16384xf32, #tpu.memory_space<hbm>> -> memref<1x4096xf32, #tpu.memory_space<hbm>>
      %dma_wait3A_41 = tpu.memref_squeeze %dma_wait3A_40 : memref<1x4096xf32, #tpu.memory_space<hbm>> -> memref<4096xf32, #tpu.memory_space<hbm>>
      %dma_wait3A_42 = arith.constant 8192 : i32
      %dma_wait3A_43 = tpu.memref_slice %arg7[%sub3A_35, %dma_wait3A_42] : memref<400x16384xf32, #tpu.memory_space<hbm>> -> memref<1x4096xf32, #tpu.memory_space<hbm>>
      %dma_wait3A_44 = tpu.memref_squeeze %dma_wait3A_43 : memref<1x4096xf32, #tpu.memory_space<hbm>> -> memref<4096xf32, #tpu.memory_space<hbm>>
      %dma_wait3A_45 = arith.constant 0 : i32
      %dma_wait3A_46 = tpu.memref_slice %run_scoped3A_4[%dma_wait3A, %dma_wait3A_45] : memref<2x4096xf32, #tpu.memory_space<vmem>> -> memref<1x4096xf32, #tpu.memory_space<vmem>>
      %dma_wait3A_47 = tpu.memref_squeeze %dma_wait3A_46 : memref<1x4096xf32, #tpu.memory_space<vmem>> -> memref<4096xf32, #tpu.memory_space<vmem>>
      tpu.wait_dma2 semaphore(%run_scoped3A_6 : memref<!tpu.dma_semaphore, #tpu.memory_space<semaphore_mem>>) src(%dma_wait3A_47 : memref<4096xf32, #tpu.memory_space<vmem>>) dst(%dma_wait3A_44 : memref<4096xf32, #tpu.memory_space<hbm>>)
      %dma_wait3A_48 = arith.constant 1 : i32
      %dma_wait3A_49 = arith.constant 0 : i32
      %dma_wait3A_50 = tpu.memref_slice %run_scoped3A_4[%dma_wait3A_48, %dma_wait3A_49] : memref<2x4096xf32, #tpu.memory_space<vmem>> -> memref<1x4096xf32, #tpu.memory_space<vmem>>
      %dma_wait3A_51 = tpu.memref_squeeze %dma_wait3A_50 : memref<1x4096xf32, #tpu.memory_space<vmem>> -> memref<4096xf32, #tpu.memory_space<vmem>>
      %dma_wait3A_52 = arith.constant 12288 : i32
      %dma_wait3A_53 = tpu.memref_slice %arg7[%sub3A_35, %dma_wait3A_52] : memref<400x16384xf32, #tpu.memory_space<hbm>> -> memref<1x4096xf32, #tpu.memory_space<hbm>>
      %dma_wait3A_54 = tpu.memref_squeeze %dma_wait3A_53 : memref<1x4096xf32, #tpu.memory_space<hbm>> -> memref<4096xf32, #tpu.memory_space<hbm>>
      %dma_wait3A_55 = arith.constant 12288 : i32
      %dma_wait3A_56 = tpu.memref_slice %arg7[%sub3A_35, %dma_wait3A_55] : memref<400x16384xf32, #tpu.memory_space<hbm>> -> memref<1x4096xf32, #tpu.memory_space<hbm>>
      %dma_wait3A_57 = tpu.memref_squeeze %dma_wait3A_56 : memref<1x4096xf32, #tpu.memory_space<hbm>> -> memref<4096xf32, #tpu.memory_space<hbm>>
      %dma_wait3A_58 = arith.constant 0 : i32
      %dma_wait3A_59 = tpu.memref_slice %run_scoped3A_4[%dma_wait3A_48, %dma_wait3A_58] : memref<2x4096xf32, #tpu.memory_space<vmem>> -> memref<1x4096xf32, #tpu.memory_space<vmem>>
      %dma_wait3A_60 = tpu.memref_squeeze %dma_wait3A_59 : memref<1x4096xf32, #tpu.memory_space<vmem>> -> memref<4096xf32, #tpu.memory_space<vmem>>
      tpu.wait_dma2 semaphore(%run_scoped3A_6 : memref<!tpu.dma_semaphore, #tpu.memory_space<semaphore_mem>>) src(%dma_wait3A_60 : memref<4096xf32, #tpu.memory_space<vmem>>) dst(%dma_wait3A_57 : memref<4096xf32, #tpu.memory_space<hbm>>)
      tpu.yield
    }) : () -> ()
    return
  }
}

</mosaic_0001>

<sc_bundles>
// kernel: _run.3.cloned.1.call-start
scs
__scs_entry_jumppad:
0x0: {  	(pc) =	sbr.rel $0x88, $3  }
0x1: {  	(tag) =	ssettag $0x0;
	lr =	simm.s32 $0x1  }
0x2: {  	[smem:$0x3F9D] =	sst lr;
	_ =	strace $0xD0000000  }
0x3: {  	_ = 	snop  }
0x4: {  	_ = 	snop  }
0x5: {  	_ = 	snop  }
0x6: {  	_ = 	snop  }
0x7: {  	_ = 	snop  }
__scs_overlays_trampoline_lowered:
0x8: {  	[smem:$0x3FAC] =	sst s0  }
0x9: {  	[smem:$0x3FAD] =	sst s1  }
0xa: {  	[smem:$0x3FAE] =	sst s2  }
0xb: {  	[smem:$0x3FAF] =	sst s3  }
0xc: {  	[smem:$0x3FB0] =	sst s4  }
0xd: {  	[smem:$0x3FB1] =	sst s5  }
0xe: {  	[smem:$0x3FB2] =	sst s6  }
0xf: {  	[smem:$0x3FB3] =	sst s7  }
0x10: {  	[smem:$0x3FB4] =	sst s8  }
0x11: {  	[smem:$0x3FB5] =	sst s9;
	s0 =	simm.s32 @!p0 $0x0  }
0x12: {  	s1 =	sld [smem:$0x3F9B];
	s0 =	simm.s32 @p0 $0x1  }
0x13: {  	[smem:$0x3FB6] =	sst s0;
	s0 =	simm.s32 @!p1 $0x0  }
0x14: {  	s2 =	sld [smem:$0x3F9A];
	s0 =	simm.s32 @p1 $0x1  }
0x15: {  	[smem:$0x3FB7] =	sst s0;
	s0 =	simm.s32 @!p2 $0x0  }
0x16: {  	s3 =	sld [smem:$0x3FDB];
	s0 =	simm.s32 @p2 $0x1  }
0x17: {  	s4 =	simm.s32 $0x1BF5;
	[smem:$0x3FB9] =	sst s0  }
0x18: {  	s0 =	sld [smem:$0x3F9C];
	_ =	swait.ge [sflag:s4], $0x0  }
0x19: {  	s7 =	sld [smem:$0x3F9D]  }
0x1a: {  	s8 =	sadd.s32 $0xFFFFE003, lr  }
0x1b: {  	s9 =	sadd.s32 $0xFFFFFEF7, lr;
	s5 =	simm.s32 $0xFFFFFFFF;
	p2 =	slt.u32 s8, $0xFFFFF086  }
0x1c: {  	p1 =	slt.u32 s9, $0xF7A;
	s5 =	simm.s32 @!p2 $0x0  }
0x1d: {  	s5 =	simm.s32 @p1 $0x1;
	p0 =	seq.s32 s7, s2  }
0x1e: {  	s7 =	smul.u32 @!p0 $0xF7A, s2;
	p2 =	seq.s32 @!p0 s5, $0x0  }
0x1f: {  	s9 =	smul.u32 $0xF7A, s1;
	s8 =	simm.s32 @!p0 $0x1BF5;
	p2 =	por !p2, p0  }
0x20: {  	[sflag:s8] =	ssyncset.s32 @!p0 $0xFFFFF086;
	s6 =	sadd.s32 @!p0 s3, s7;
	s7 =	simm.s32 @!p0 $0x108  }
0x21: {  	s3 =	sadd.s32 s3, s9;
	s6 =	sadd.s32 @!p0 $0x88, s6;
	s7 =	simm.s32 @p2 $0x1082  }
0x22: {  	[simem:s7], [sflag:s8] =	dma.local @!p0 [hbm:s6], $0xF7A  }
0x23: {  	s9 =	sor.u32 $0xD0000000, s2;
	s6 =	simm.s32 $0x108;
	_ =	swait.ge @!p0 [sflag:s8], $0x0  }
0x24: {  	s3 =	sadd.s32 $0x88, s3;
	s6 =	simm.s32 @!p1 $0x1082;
	[sflag:s4] =	ssyncset.s32 $0xFFFFF086  }
0x25: {  	[simem:s6], [sflag:s4] =	dma.local [hbm:s3], $0xF7A  }
0x26: {  	[smem:$0x3F9D] =	sst s1;
	(tag) =	ssettag s2;
	_ =	strace s9  }
0x27: {  	s1 =	sld [smem:$0x3FAD]  }
0x28: {  	s2 =	sld [smem:$0x3FAE]  }
0x29: {  	s4 =	sld [smem:$0x3FB0]  }
0x2a: {  	p0 =	seq.s32 s5, $0x0;
	s5 =	sld [smem:$0x3FB1]  }
0x2b: {  	s6 =	sld [smem:$0x3FB2]  }
0x2c: {  	s7 =	sld [smem:$0x3FB3]  }
0x2d: {  	s3 =	simm.s32 $0x108;
	s8 =	sld [smem:$0x3FB4]  }
0x2e: {  	s3 =	simm.s32 @!p0 $0x1082;
	s9 =	sld [smem:$0x3FB5]  }
0x2f: {  	lr =	sadd.s32 s0, s3;
	s0 =	sld [smem:$0x3FAC]  }
0x30: {  	s3 =	sld [smem:$0x3FAF]  }
0x31: {  	[smem:$0x3FB8] =	sst s10  }
0x32: {  	s10 =	sld [smem:$0x3FB6];
	_ =	sdelay $0x3  }
0x33: {  	p0 =	seq.s32 s10, $0x1;
	s10 =	sld [smem:$0x3FB8];
	_ =	sdelay $0x3  }
0x34: {  	[smem:$0x3FB8] =	sst s10  }
0x35: {  	s10 =	sld [smem:$0x3FB7];
	_ =	sdelay $0x3  }
0x36: {  	p1 =	seq.s32 s10, $0x1;
	s10 =	sld [smem:$0x3FB8];
	_ =	sdelay $0x3  }
0x37: {  	[smem:$0x3FB8] =	sst s10  }
0x38: {  	s10 =	sld [smem:$0x3FB9]  }
0x39: {  	_ = 	snop;
	(pc) =	sbr.ind lr, $3  }
0x3a: {  	_ = 	snop  }
0x3b: {  	_ = 	snop  }
0x3c: {  	p2 =	seq.s32 s10, $0x1;
	s10 =	sld [smem:$0x3FB8]  }
0x3d: {  	_ =	shalt  }
0x3e: {  	_ =	shalt  }
0x3f: {  	_ =	shalt  }
0x40: {  	_ =	shalt  }
0x41: {  	_ =	shalt  }
0x42: {  	_ =	shalt  }
0x43: {  	_ =	shalt  }
0x44: {  	_ =	shalt  }
0x45: {  	_ =	shalt  }
0x46: {  	_ =	shalt  }
0x47: {  	_ =	shalt  }
0x48: {  	_ =	shalt  }
0x49: {  	_ =	shalt  }
0x4a: {  	_ =	shalt  }
0x4b: {  	_ =	shalt  }
0x4c: {  	_ =	shalt  }
0x4d: {  	_ =	shalt  }
0x4e: {  	_ =	shalt  }
0x4f: {  	_ =	shalt  }
0x50: {  	_ =	shalt  }
0x51: {  	_ =	shalt  }
0x52: {  	_ =	shalt  }
0x53: {  	_ =	shalt  }
0x54: {  	_ =	shalt  }
0x55: {  	_ =	shalt  }
0x56: {  	_ =	shalt  }
0x57: {  	_ =	shalt  }
0x58: {  	_ =	shalt  }
0x59: {  	_ =	shalt  }
0x5a: {  	_ =	shalt  }
0x5b: {  	_ =	shalt  }
0x5c: {  	_ =	shalt  }
0x5d: {  	_ =	shalt  }
0x5e: {  	_ =	shalt  }
0x5f: {  	_ =	shalt  }
0x60: {  	_ =	shalt  }
0x61: {  	_ =	shalt  }
0x62: {  	_ =	shalt  }
0x63: {  	_ =	shalt  }
0x64: {  	_ =	shalt  }
0x65: {  	_ =	shalt  }
0x66: {  	_ =	shalt  }
0x67: {  	_ =	shalt  }
0x68: {  	_ =	shalt  }
0x69: {  	_ =	shalt  }
0x6a: {  	_ =	shalt  }
0x6b: {  	_ =	shalt  }
0x6c: {  	_ =	shalt  }
0x6d: {  	_ =	shalt  }
0x6e: {  	_ =	shalt  }
0x6f: {  	_ =	shalt  }
0x70: {  	_ =	shalt  }
0x71: {  	_ =	shalt  }
0x72: {  	_ =	shalt  }
0x73: {  	_ =	shalt  }
0x74: {  	_ =	shalt  }
0x75: {  	_ =	shalt  }
0x76: {  	_ =	shalt  }
0x77: {  	_ =	shalt  }
0x78: {  	_ =	shalt  }
0x79: {  	_ =	shalt  }
0x7a: {  	_ =	shalt  }
0x7b: {  	_ =	shalt  }
0x7c: {  	_ =	shalt  }
0x7d: {  	_ =	shalt  }
0x7e: {  	_ =	shalt  }
0x7f: {  	_ =	shalt  }
0x80: {  	_ =	shalt  }
0x81: {  	_ =	shalt  }
0x82: {  	_ =	shalt  }
0x83: {  	_ =	shalt  }
0x84: {  	_ =	shalt  }
0x85: {  	_ =	shalt  }
0x86: {  	_ =	shalt  }
0x87: {  	_ =	shalt  }
.Lfunc_end0:
.L_simem_size_0:
called_computation_lowered:
.L_overlay_start_0:
0x88: {  	s2 =	sld [smem:$0x3FD9]  }
0x89: {  	s3 =	sld [smem:$0x3FFE];
	_ =	sdelay $0x1  }
0x8a: {  	s1 =	srdreg.scid  }
0x8b: {  	s0 =	sand.u32 $0x1, s1  }
0x8c: {  	s15 =	sshll.u32 s0, $0xA;
	s2 =	sadd.s32 s3, s2  }
0x8d: {  	s2 =	sadd.s32 s2, s15  }
0x8e: {  	[smem:$0x3FC4] =	sst s2  }
0x8f: {  	_ = 	snop  }
0x90: {  	s2 =	sld [smem:$0x3FC9]  }
0x91: {  	s16 =	sld [smem:$0x3FD0]  }
0x92: {  	s4 =	sld [smem:$0x3FC8]  }
0x93: {  	s5 =	sld [smem:$0x3FC7]  }
0x94: {  	s7 =	simm.s32 $0xA;
	s8 =	simm.s32 $0x10;
	s6 =	sld [smem:$0x3FC6]  }
0x95: {  	[smem:s8], [sflag:s7] =	dma.local [hbm:s16], $0x1  }
0x96: {  	_ =	swait.eq [sflag:s7], $0x1  }
0x97: {  	[sflag:s7] =	ssyncset.done $0x0  }
0x98: {  	s17 =	sld [smem:$0x10];
	[sflag:s7] =	ssyncadd.s32 $0xFFFFFFFF  }
0x99: {  	s18 =	sld [smem:$0x11];
	(tm) =	ssettm $0x1  }
0x9a: {  	s19 =	sld [smem:$0x3FFB];
	_ =	sdelay $0x3  }
0x9b: {  	_ =	strace s19  }
0x9c: {  	s8 =	sld [smem:$0x3FFC];
	_ =	sdelay $0x3  }
0x9d: {  	_ =	strace s8  }
0x9e: {  	s8 =	sld [smem:$0x3FFD];
	_ =	sdelay $0x3  }
0x9f: {  	_ =	strace s8  }
0xa0: {  	_ =	strace $0x8FFFFFFF  }
0xa1: {  	s20 =	sld [smem:$0x3FDB];
	_ =	sdelay $0x1  }
0xa2: {  	s9 =	simm.s32 $_scs_section_size  }
0xa3: {  	s10 =	simm.s32 $_size__tile_overlayer_lowered;
	s11 =	simm.s32 $_tile_overlayer_lowered  }
0xa4: {  	s23 =	simm.s32 $0x1BFF;
	s22 =	sshll.u32 s11, $0x1;
	s8 =	sadd.s32 s9, s20  }
0xa5: {  	s12 =	simm.s32 $0x0;
	s21 =	sshll.u32 s10, $0x1;
	s10 =	sadd.s32 s22, s8  }
0xa6: {  	[timem:s12], [sflag:s23] =	dma.local [hbm:s10], s21  }
0xa7: {  	_ =	swait.ge [sflag:s23], s21  }
0xa8: {  	s9 =	ssub.s32 $0x0, s21;
	[sflag:s23] =	ssyncset.done $0x0  }
0xa9: {  	[sflag:s23] =	ssyncadd.s32 s9;
	_ =	sdelay $0x1  }
0xaa: {  	s24 =	simm.s32 $0x1B8B  }
0xab: {  	_ =	swait.ge [sflag:s24], $0x1  }
0xac: {  	[sflag:s24] =	ssyncset.done $0x0  }
0xad: {  	s25 =	simm.s32 $0x1B8E;
	[sflag:s24] =	ssyncadd.s32 $0xFFFFFFFF  }
0xae: {  	s26 =	simm.s32 $execute0_lowered;
	[smem:$0x3FD2] =	sst s25  }
0xaf: {  	s9 =	sshll.u32 s26, $0x1;
	_ =	strace $0x80000046;
	[dreg:$0x1] =	wrdreg $0xFFFFFFFF  }
0xb0: {  	s28 =	simm.s32 $_size_execute0_lowered;
	s8 =	sadd.s32 s8, s9;
	[dreg:$0x0] =	wrdreg $0x0  }
0xb1: {  	s9 =	sshll.u32 s28, $0x1;
	[dreg:$0x2] =	wrdreg s8  }
0xb2: {  	[dreg:$0x3] =	wrdreg s9  }
0xb3: {  	[dreg:$0x4] =	wrdreg $0xC0  }
0xb4: {  	_ =	task [dreg:s12], $0x5FFFF  }
0xb5: {  	[dreg:$0x1] =	wrdreg $0xFFFFFFFF  }
0xb6: {  	[dreg:$0x0] =	wrdreg $0x60  }
0xb7: {  	[dreg:$0x2] =	wrdreg s2  }
0xb8: {  	[dreg:$0x3] =	wrdreg s4  }
0xb9: {  	[dreg:$0x4] =	wrdreg s5  }
0xba: {  	[dreg:$0x5] =	wrdreg s6  }
0xbb: {  	[dreg:$0x6] =	wrdreg s17  }
0xbc: {  	[dreg:$0x7] =	wrdreg s18  }
0xbd: {  	[dreg:$0x8] =	wrdreg $0x9  }
0xbe: {  	_ =	task.clear_ibuf [dreg:s12], $0x9FFFF;
	_ =	strace $0x90000046  }
0xbf: {  	s29 =	simm.s32 $0x9;
	_ =	strace $0x80000048  }
0xc0: {  	_ =	swait.ge [sflag:s29], $0x1  }
0xc1: {  	[sflag:s29] =	ssyncadd.s32 $0xFFFFFFFF  }
0xc2: {  	_ =	strace $0x90000048  }
0xc3: {  	_ =	sfence  }
0xc4: {  	s30 =	sld [smem:$0x0];
	_ =	sdelay $0x2  }
0xc5: {  	s31 =	sshll.u32 s1, $0xD;
	s1 =	sshrl.u32 s1, $0x2  }
0xc6: {  	s3 =	sand.u32 $0x4000, s31;
	s1 =	sadd.s32 s1, s30  }
0xc7: {  	s0 =	sor.u32 s3, s0;
	s1 =	sshll.u32 s1, $0x11  }
0xc8: {  	s0 =	sor.u32 s1, s0  }
0xc9: {  	s0 =	sadd.s32 $0x8F2B, s0  }
0xca: {  	[sflag:s0] =	ssyncadd.remote.s32 $0x1  }
0xcb: {  	_ =	sfence.sel $0xFFFF  }
0xcc: {  	[dreg:$0x0] =	wrdreg $0xFFFFFFFF;
	(pc) =	sbr.abs _section_cstart, $3  }
0xcd: {  	[dreg:$0x1] =	wrdreg $0xFFFFFFFF  }
0xce: {  	_ =	task.clear_ibuf [dreg:s12], $0x2FFFF;
	_ =	strace $0x9FFFFFFF  }
0xcf: {  	(tm) =	ssettm $0x7FFFFFFF  }
tec
execute0_lowered:
.L_overlay_start_1:
0x0: {  	(tag) =	ssettag $0x1  }
0x1: {  	s0 =	rddreg [dreg:$0x0]  }
0x2: {  	s1 =	rddreg [dreg:$0x1]  }
0x3: {  	s3 =	rddreg [dreg:$0x2]  }
0x4: {  	s2 =	rddreg [dreg:$0x3]  }
0x5: {  	s4 =	rddreg [dreg:$0x4]  }
0x6: {  	s6 =	srdreg.scid;
	s13 =	stileid.u32  }
0x7: {  	s5 =	rddreg [dreg:$0x5];
	s14 =	simm.s32 $0xD;
	s28 =	simm.s32 $0x4400  }
0x8: {  	s31 =	simm.s32 $0x1;
	s7 =	sand.u32 $0x1, s6;
	s8 =	sshll.u32 s13, $0x1  }
0x9: {  	s6 =	simm.s32 $0x0;
	p0 =	slt.u32 s13, $0x8;
	s17 =	sadd.s32 $0x1000, s5  }
0xa: {  	s18 =	sadd.s32 $0x2000, s5;
	s13 =	simm.s32 $0x8400;
	s8 =	sor.u32 s7, s8  }
0xb: {  	[smem:$0x7FF] =	sst s6;
	s9 =	ssub.s32 $0x2, s7;
	s14 =	simm.s32 @!p0 $0xC  }
0xc: {  	s19 =	smul.u32 $0xC, s8;
	_ =	strace $0x80000047;
	s10 =	sshrl.u32 s9, $0x1  }
0xd: {  	s11 =	smul.u32 $0xD, s8;
	s12 =	sshll.u32 s8, $0x7;
	s22 =	sshll.u32 s8, $0xD  }
0xe: {  	s20 =	ssub.s32 s9, s10;
	s21 =	sadd.s32 s2, s12;
	s9 =	sadd.s32 $0x10, s2  }
0xf: {  	s10 =	sadd.s32 s4, s22;
	s22 =	simm.s32 $0x100;
	s7 =	sadd.s32 $0x10, s19  }
0x10: {  	[dreg:$0x7] =	wrdreg s21;
	s26 =	sadd.s32 s12, s9;
	s29 =	sadd.s32 $0x800, s10  }
0x11: {  	s30 =	sadd.s32 $0x1000, s10;
	s15 =	sadd.s32 $0x1800, s10;
	s7 =	smov.u32 @p0 s11  }
0x12: {  	s19 =	sadd.s32 $0x3000, s5;
	s20 =	smax.u32 s20, $0x1;
	s23 =	sshrl.u32 s7, $0x3  }
0x13: {  	[dreg:$0x8] =	wrdreg s26;
	s25 =	sshll.u32 s7, $0x7;
	s24 =	smul.u32 $0xC3800, s23  }
0x14: {  	s21 =	simm.s32 $0x80;
	[dreg:$0x9] =	wrdreg s29;
	s4 =	sand.u32 $0x380, s25  }
0x15: {  	[dreg:$0xa] =	wrdreg s30;
	s23 =	simm.s32 $0x3;
	s2 =	sor.u32 s4, s24  }
0x16: {  	s25 =	simm.s32 $0x400;
	s24 =	simm.s32 $0xC400;
	s2 =	sshrl.u32 s2, $0x3  }
0x17: {  	s4 =	simm.s32 $0x2;
	s16 =	sadd.s32 s3, s2;
	s2 =	simm.s32 $0x0  }
.LBB2_1:
0x18: {  	s8 =	rddreg [dreg:$0x7]  }
0x19: {  	[tilespmem:s6], [sflag:$0x3] =	stream.strided.gather [hbm4b:s8+s21], $0x200, s22, s21, $0x38;
	[tilespmem:$0x1E700] =	vst v63  }
0x1a: {  	_ =	swait.ge [sflag:s23], $0x200  }
0x1b: {  	[sflag:s23] =	ssyncset.done $0x0  }
0x1c: {  	s11 =	simm.s32 $0x200;
	s29 =	rddreg [dreg:$0x8];
	[sflag:s23] =	ssyncadd.s32 $0xFFFFFE00  }
0x1d: {  	[tilespmem:s11], [sflag:$0x3] =	stream.strided.gather [hbm4b:s29+s21], $0x200, s22, s21, $0x38;
	[tilespmem:$0x1E700] =	vst v63  }
0x1e: {  	_ =	swait.ge [sflag:s23], $0x200  }
0x1f: {  	[sflag:s23] =	ssyncset.done $0x0  }
0x20: {  	[sflag:s23] =	ssyncadd.s32 $0xFFFFFE00  }
0x21: {  	[tilespmem:s25], [sflag:$0x1] =	stream.indirect.gather [hbm4b:s0+s21], $0x80, s6, s21, $0xb8;
	[tilespmem:$0x1E700] =	vst v63  }
0x22: {  	_ = 	snop  }
0x23: {  	[tilespmem:s13], [sflag:$0x1] =	stream.indirect.gather [hbm4b:s1+s21], $0x80, s11, s21, $0xb8;
	[tilespmem:$0x1E700] =	vst v63  }
0x24: {  	_ = 	snop  }
0x25: {  	[tilespmem:s28], [sflag:$0x1] =	stream.indirect.gather [hbm4b:s0+s21], $0x80, s21, s21, $0xb8;
	[tilespmem:$0x1E700] =	vst v63  }
0x26: {  	s30 =	simm.s32 $0x280  }
0x27: {  	[tilespmem:s24], [sflag:$0x1] =	stream.indirect.gather [hbm4b:s1+s21], $0x80, s30, s21, $0xb8;
	[tilespmem:$0x1E700] =	vst v63  }
0x28: {  	_ =	swait.ge [sflag:s31], $0x4000  }
0x29: {  	[sflag:s31] =	ssyncset.done $0x0  }
0x2a: {  	[sflag:s31] =	ssyncadd.s32 $0xFFFFC000  }
0x2b: {  	_ =	swait.ge [sflag:s31], $0x4000  }
0x2c: {  	[sflag:s31] =	ssyncset.done $0x0  }
0x2d: {  	s8 =	simm.s32 $0x0;
	[sflag:s31] =	ssyncadd.s32 $0xFFFFC000  }
0x2e: {  	v7 =	vld [tilespmem:s8+$0x8400]  }
0x2f: {  	v11 =	vld [tilespmem:s8+$0x8410]  }
0x30: {  	v5 =	vld [tilespmem:s8+$0x8420]  }
0x31: {  	v4 =	vld [tilespmem:s8+$0x8430]  }
0x32: {  	v3 =	vld [tilespmem:s8+$0x8440]  }
0x33: {  	v2 =	vld [tilespmem:s8+$0x8450]  }
0x34: {  	v1 =	vld [tilespmem:s8+$0x8460]  }
0x35: {  	v0 =	vld [tilespmem:s8+$0x8470]  }
0x36: {  	v12 =	vld [tilespmem:s8+$0x400]  }
0x37: {  	v13 =	vld [tilespmem:s8+$0x410]  }
0x38: {  	v10 =	vld [tilespmem:s8+$0x420]  }
0x39: {  	v9 =	vld [tilespmem:s8+$0x430]  }
0x3a: {  	v8 =	vld [tilespmem:s8+$0x440]  }
0x3b: {  	v6 =	vld [tilespmem:s8+$0x450];
	v12 =	vadd.f32 v7, v12  }
0x3c: {  	s11 =	simm.s32 $0x200;
	v11 =	vadd.f32 v11, v13;
	v7 =	vld [tilespmem:s8+$0x460]  }
.LBB2_2:
0x3d: {  	s12 =	sshra.s32 s11, $0x2;
	p0 =	sne.s32 s11, $0xFE00;
	[tilespmem:s8+$0x400] =	vst v12;
	v5 =	vadd.f32 v5, v10;
	v10 =	vld [tilespmem:s8+$0x470]  }
0x3e: {  	v12 =	vld [tilespmem:s12+$0x8400];
	[tilespmem:s8+$0x410] =	vst v11;
	v4 =	vadd.f32 v4, v9  }
0x3f: {  	v11 =	vld [tilespmem:s12+$0x8410];
	[tilespmem:s8+$0x420] =	vst v5;
	v3 =	vadd.f32 v3, v8  }
0x40: {  	v5 =	vld [tilespmem:s12+$0x8420];
	[tilespmem:s8+$0x430] =	vst v4;
	v2 =	vadd.f32 v2, v6  }
0x41: {  	v4 =	vld [tilespmem:s12+$0x8430];
	[tilespmem:s8+$0x440] =	vst v3;
	v1 =	vadd.f32 v1, v7  }
0x42: {  	v3 =	vld [tilespmem:s12+$0x8440];
	[tilespmem:s8+$0x450] =	vst v2;
	v0 =	vadd.f32 v0, v10  }
0x43: {  	v2 =	vld [tilespmem:s12+$0x8450];
	[tilespmem:s8+$0x460] =	vst v1  }
0x44: {  	v1 =	vld [tilespmem:s12+$0x8460];
	[tilespmem:s8+$0x470] =	vst v0;
	s8 =	smov.u32 s12  }
0x45: {  	v0 =	vld [tilespmem:s8+$0x8470]  }
0x46: {  	v6 =	vld [tilespmem:s8+$0x400]  }
0x47: {  	v7 =	vld [tilespmem:s8+$0x410]  }
.Ltmp0:
0x48: {  	v10 =	vld [tilespmem:s8+$0x420];
	(pc) =	sbr.rel @p0 .LBB2_2-.Ltmp0, $4  }
0x49: {  	v9 =	vld [tilespmem:s8+$0x430]  }
0x4a: {  	v8 =	vld [tilespmem:s8+$0x440]  }
0x4b: {  	v12 =	vadd.f32 v12, v6;
	v6 =	vld [tilespmem:s8+$0x450]  }
0x4c: {  	s11 =	sadd.s32 $0x200, s11;
	v11 =	vadd.f32 v11, v7;
	v7 =	vld [tilespmem:s8+$0x460]  }
0x4d: {  	[tilespmem:s8+$0x400] =	vst v12;
	v5 =	vadd.f32 v5, v10;
	v10 =	vld [tilespmem:s8+$0x470]  }
0x4e: {  	[tilespmem:s8+$0x410] =	vst v11;
	v4 =	vadd.f32 v4, v9  }
0x4f: {  	[tilespmem:s8+$0x420] =	vst v5;
	v3 =	vadd.f32 v3, v8  }
0x50: {  	[tilespmem:s8+$0x430] =	vst v4;
	v2 =	vadd.f32 v2, v6  }
0x51: {  	[tilespmem:s8+$0x440] =	vst v3;
	v1 =	vadd.f32 v1, v7  }
0x52: {  	[tilespmem:s8+$0x450] =	vst v2;
	v0 =	vadd.f32 v0, v10  }
0x53: {  	[tilespmem:s8+$0x460] =	vst v1  }
0x54: {  	s29 =	simm.s32 $0x0;
	[tilespmem:s8+$0x470] =	vst v0  }
0x55: {  	[hbm4b:s10+s29] =	stream.linear.scatter [tilespmem:s25], [sflag:$0x2], $0x4000, $0x38;
	[tilespmem:$0x1E700] =	vst v63  }
0x56: {  	_ =	swait.ge [sflag:s4], $0x4000  }
0x57: {  	[sflag:s4] =	ssyncset.done $0x0  }
0x58: {  	[sflag:s4] =	ssyncadd.s32 $0xFFFFC000  }
0x59: {  	[tilespmem:s25], [sflag:$0x1] =	stream.indirect.gather [hbm4b:s0+s21], $0x80, s22, s21, $0xb8;
	[tilespmem:$0x1E700] =	vst v63  }
0x5a: {  	s30 =	simm.s32 $0x300  }
0x5b: {  	[tilespmem:s13], [sflag:$0x1] =	stream.indirect.gather [hbm4b:s1+s21], $0x80, s30, s21, $0xb8;
	[tilespmem:$0x1E700] =	vst v63  }
0x5c: {  	_ =	swait.ge [sflag:s31], $0x4000  }
0x5d: {  	[sflag:s31] =	ssyncset.done $0x0  }
0x5e: {  	[sflag:s31] =	ssyncadd.s32 $0xFFFFC000  }
0x5f: {  	_ =	swait.ge [sflag:s31], $0x4000  }
0x60: {  	[sflag:s31] =	ssyncset.done $0x0  }
0x61: {  	s8 =	simm.s32 $0x0;
	[sflag:s31] =	ssyncadd.s32 $0xFFFFC000  }
0x62: {  	v7 =	vld [tilespmem:s8+$0xC400]  }
0x63: {  	v11 =	vld [tilespmem:s8+$0xC410]  }
0x64: {  	v5 =	vld [tilespmem:s8+$0xC420]  }
0x65: {  	v4 =	vld [tilespmem:s8+$0xC430]  }
0x66: {  	v3 =	vld [tilespmem:s8+$0xC440]  }
0x67: {  	v2 =	vld [tilespmem:s8+$0xC450]  }
0x68: {  	v1 =	vld [tilespmem:s8+$0xC460]  }
0x69: {  	v0 =	vld [tilespmem:s8+$0xC470]  }
0x6a: {  	v12 =	vld [tilespmem:s8+$0x4400]  }
0x6b: {  	v13 =	vld [tilespmem:s8+$0x4410]  }
0x6c: {  	v10 =	vld [tilespmem:s8+$0x4420]  }
0x6d: {  	v9 =	vld [tilespmem:s8+$0x4430]  }
0x6e: {  	v8 =	vld [tilespmem:s8+$0x4440]  }
0x6f: {  	v6 =	vld [tilespmem:s8+$0x4450];
	v12 =	vadd.f32 v7, v12  }
0x70: {  	s11 =	simm.s32 $0x200;
	v11 =	vadd.f32 v11, v13;
	v7 =	vld [tilespmem:s8+$0x4460]  }
.LBB2_4:
0x71: {  	s12 =	sshra.s32 s11, $0x2;
	p0 =	sne.s32 s11, $0xFE00;
	[tilespmem:s8+$0x4400] =	vst v12;
	v5 =	vadd.f32 v5, v10;
	v10 =	vld [tilespmem:s8+$0x4470]  }
0x72: {  	v12 =	vld [tilespmem:s12+$0xC400];
	[tilespmem:s8+$0x4410] =	vst v11;
	v4 =	vadd.f32 v4, v9  }
0x73: {  	v11 =	vld [tilespmem:s12+$0xC410];
	[tilespmem:s8+$0x4420] =	vst v5;
	v3 =	vadd.f32 v3, v8  }
0x74: {  	v5 =	vld [tilespmem:s12+$0xC420];
	[tilespmem:s8+$0x4430] =	vst v4;
	v2 =	vadd.f32 v2, v6  }
0x75: {  	v4 =	vld [tilespmem:s12+$0xC430];
	[tilespmem:s8+$0x4440] =	vst v3;
	v1 =	vadd.f32 v1, v7  }
0x76: {  	v3 =	vld [tilespmem:s12+$0xC440];
	[tilespmem:s8+$0x4450] =	vst v2;
	v0 =	vadd.f32 v0, v10  }
0x77: {  	v2 =	vld [tilespmem:s12+$0xC450];
	[tilespmem:s8+$0x4460] =	vst v1  }
0x78: {  	v1 =	vld [tilespmem:s12+$0xC460];
	[tilespmem:s8+$0x4470] =	vst v0;
	s8 =	smov.u32 s12  }
0x79: {  	v0 =	vld [tilespmem:s8+$0xC470]  }
0x7a: {  	v6 =	vld [tilespmem:s8+$0x4400]  }
0x7b: {  	v7 =	vld [tilespmem:s8+$0x4410]  }
.Ltmp1:
0x7c: {  	v10 =	vld [tilespmem:s8+$0x4420];
	(pc) =	sbr.rel @p0 .LBB2_4-.Ltmp1, $4  }
0x7d: {  	v9 =	vld [tilespmem:s8+$0x4430]  }
0x7e: {  	v8 =	vld [tilespmem:s8+$0x4440]  }
0x7f: {  	v12 =	vadd.f32 v12, v6;
	v6 =	vld [tilespmem:s8+$0x4450]  }
0x80: {  	s11 =	sadd.s32 $0x200, s11;
	v11 =	vadd.f32 v11, v7;
	v7 =	vld [tilespmem:s8+$0x4460]  }
0x81: {  	[tilespmem:s8+$0x4400] =	vst v12;
	v5 =	vadd.f32 v5, v10;
	v10 =	vld [tilespmem:s8+$0x4470]  }
0x82: {  	[tilespmem:s8+$0x4410] =	vst v11;
	v4 =	vadd.f32 v4, v9  }
0x83: {  	[tilespmem:s8+$0x4420] =	vst v5;
	v3 =	vadd.f32 v3, v8  }
0x84: {  	[tilespmem:s8+$0x4430] =	vst v4;
	v2 =	vadd.f32 v2, v6  }
0x85: {  	[tilespmem:s8+$0x4440] =	vst v3;
	v1 =	vadd.f32 v1, v7  }
0x86: {  	[tilespmem:s8+$0x4450] =	vst v2;
	v0 =	vadd.f32 v0, v10  }
0x87: {  	[tilespmem:s8+$0x4460] =	vst v1  }
0x88: {  	s26 =	simm.s32 $0x0;
	s11 =	rddreg [dreg:$0x9];
	[tilespmem:s8+$0x4470] =	vst v0  }
0x89: {  	[hbm4b:s11+s26] =	stream.linear.scatter [tilespmem:s28], [sflag:$0x2], $0x4000, $0x38;
	[tilespmem:$0x1E700] =	vst v63  }
0x8a: {  	_ =	swait.ge [sflag:s4], $0x4000  }
0x8b: {  	[sflag:s4] =	ssyncset.done $0x0  }
0x8c: {  	s29 =	simm.s32 $0x180;
	[sflag:s4] =	ssyncadd.s32 $0xFFFFC000  }
0x8d: {  	[tilespmem:s28], [sflag:$0x1] =	stream.indirect.gather [hbm4b:s0+s21], $0x80, s29, s21, $0xb8;
	[tilespmem:$0x1E700] =	vst v63  }
0x8e: {  	s30 =	simm.s32 $0x380  }
0x8f: {  	[tilespmem:s24], [sflag:$0x1] =	stream.indirect.gather [hbm4b:s1+s21], $0x80, s30, s21, $0xb8;
	[tilespmem:$0x1E700] =	vst v63  }
0x90: {  	_ =	swait.ge [sflag:s31], $0x4000  }
0x91: {  	[sflag:s31] =	ssyncset.done $0x0  }
0x92: {  	[sflag:s31] =	ssyncadd.s32 $0xFFFFC000  }
0x93: {  	_ =	swait.ge [sflag:s31], $0x4000  }
0x94: {  	[sflag:s31] =	ssyncset.done $0x0  }
0x95: {  	s8 =	simm.s32 $0x0;
	[sflag:s31] =	ssyncadd.s32 $0xFFFFC000  }
0x96: {  	v7 =	vld [tilespmem:s8+$0x8400]  }
0x97: {  	v11 =	vld [tilespmem:s8+$0x8410]  }
0x98: {  	v5 =	vld [tilespmem:s8+$0x8420]  }
0x99: {  	v4 =	vld [tilespmem:s8+$0x8430]  }
0x9a: {  	v3 =	vld [tilespmem:s8+$0x8440]  }
0x9b: {  	v2 =	vld [tilespmem:s8+$0x8450]  }
0x9c: {  	v1 =	vld [tilespmem:s8+$0x8460]  }
0x9d: {  	v0 =	vld [tilespmem:s8+$0x8470]  }
0x9e: {  	v12 =	vld [tilespmem:s8+$0x400]  }
0x9f: {  	v13 =	vld [tilespmem:s8+$0x410]  }
0xa0: {  	v10 =	vld [tilespmem:s8+$0x420]  }
0xa1: {  	v9 =	vld [tilespmem:s8+$0x430]  }
0xa2: {  	v8 =	vld [tilespmem:s8+$0x440]  }
0xa3: {  	v6 =	vld [tilespmem:s8+$0x450];
	v12 =	vadd.f32 v7, v12  }
0xa4: {  	s11 =	simm.s32 $0x200;
	v11 =	vadd.f32 v11, v13;
	v7 =	vld [tilespmem:s8+$0x460]  }
.LBB2_6:
0xa5: {  	s12 =	sshra.s32 s11, $0x2;
	p0 =	sne.s32 s11, $0xFE00;
	[tilespmem:s8+$0x400] =	vst v12;
	v5 =	vadd.f32 v5, v10;
	v10 =	vld [tilespmem:s8+$0x470]  }
0xa6: {  	v12 =	vld [tilespmem:s12+$0x8400];
	[tilespmem:s8+$0x410] =	vst v11;
	v4 =	vadd.f32 v4, v9  }
0xa7: {  	v11 =	vld [tilespmem:s12+$0x8410];
	[tilespmem:s8+$0x420] =	vst v5;
	v3 =	vadd.f32 v3, v8  }
0xa8: {  	v5 =	vld [tilespmem:s12+$0x8420];
	[tilespmem:s8+$0x430] =	vst v4;
	v2 =	vadd.f32 v2, v6  }
0xa9: {  	v4 =	vld [tilespmem:s12+$0x8430];
	[tilespmem:s8+$0x440] =	vst v3;
	v1 =	vadd.f32 v1, v7  }
0xaa: {  	v3 =	vld [tilespmem:s12+$0x8440];
	[tilespmem:s8+$0x450] =	vst v2;
	v0 =	vadd.f32 v0, v10  }
0xab: {  	v2 =	vld [tilespmem:s12+$0x8450];
	[tilespmem:s8+$0x460] =	vst v1  }
0xac: {  	v1 =	vld [tilespmem:s12+$0x8460];
	[tilespmem:s8+$0x470] =	vst v0;
	s8 =	smov.u32 s12  }
0xad: {  	v0 =	vld [tilespmem:s8+$0x8470]  }
0xae: {  	v6 =	vld [tilespmem:s8+$0x400]  }
0xaf: {  	v7 =	vld [tilespmem:s8+$0x410]  }
.Ltmp2:
0xb0: {  	v10 =	vld [tilespmem:s8+$0x420];
	(pc) =	sbr.rel @p0 .LBB2_6-.Ltmp2, $4  }
0xb1: {  	v9 =	vld [tilespmem:s8+$0x430]  }
0xb2: {  	v8 =	vld [tilespmem:s8+$0x440]  }
0xb3: {  	v12 =	vadd.f32 v12, v6;
	v6 =	vld [tilespmem:s8+$0x450]  }
0xb4: {  	s11 =	sadd.s32 $0x200, s11;
	v11 =	vadd.f32 v11, v7;
	v7 =	vld [tilespmem:s8+$0x460]  }
0xb5: {  	[tilespmem:s8+$0x400] =	vst v12;
	v5 =	vadd.f32 v5, v10;
	v10 =	vld [tilespmem:s8+$0x470]  }
0xb6: {  	[tilespmem:s8+$0x410] =	vst v11;
	v4 =	vadd.f32 v4, v9  }
0xb7: {  	[tilespmem:s8+$0x420] =	vst v5;
	v3 =	vadd.f32 v3, v8  }
0xb8: {  	[tilespmem:s8+$0x430] =	vst v4;
	v2 =	vadd.f32 v2, v6  }
0xb9: {  	[tilespmem:s8+$0x440] =	vst v3;
	v1 =	vadd.f32 v1, v7  }
0xba: {  	[tilespmem:s8+$0x450] =	vst v2;
	v0 =	vadd.f32 v0, v10  }
0xbb: {  	[tilespmem:s8+$0x460] =	vst v1  }
0xbc: {  	s30 =	simm.s32 $0x0;
	s11 =	rddreg [dreg:$0xa];
	[tilespmem:s8+$0x470] =	vst v0  }
0xbd: {  	[hbm4b:s11+s30] =	stream.linear.scatter [tilespmem:s25], [sflag:$0x2], $0x4000, $0x38;
	[tilespmem:$0x1E700] =	vst v63  }
0xbe: {  	_ =	swait.ge [sflag:s31], $0x4000  }
0xbf: {  	[sflag:s31] =	ssyncset.done $0x0  }
0xc0: {  	[sflag:s31] =	ssyncadd.s32 $0xFFFFC000  }
0xc1: {  	_ =	swait.ge [sflag:s31], $0x4000  }
0xc2: {  	[sflag:s31] =	ssyncset.done $0x0  }
0xc3: {  	s8 =	simm.s32 $0x0;
	[sflag:s31] =	ssyncadd.s32 $0xFFFFC000  }
0xc4: {  	v7 =	vld [tilespmem:s8+$0xC400]  }
0xc5: {  	v11 =	vld [tilespmem:s8+$0xC410]  }
0xc6: {  	v5 =	vld [tilespmem:s8+$0xC420]  }
0xc7: {  	v4 =	vld [tilespmem:s8+$0xC430]  }
0xc8: {  	v3 =	vld [tilespmem:s8+$0xC440]  }
0xc9: {  	v2 =	vld [tilespmem:s8+$0xC450]  }
0xca: {  	v1 =	vld [tilespmem:s8+$0xC460]  }
0xcb: {  	v0 =	vld [tilespmem:s8+$0xC470]  }
0xcc: {  	v12 =	vld [tilespmem:s8+$0x4400]  }
0xcd: {  	v13 =	vld [tilespmem:s8+$0x4410]  }
0xce: {  	v10 =	vld [tilespmem:s8+$0x4420]  }
0xcf: {  	v9 =	vld [tilespmem:s8+$0x4430]  }
0xd0: {  	v8 =	vld [tilespmem:s8+$0x4440]  }
0xd1: {  	v6 =	vld [tilespmem:s8+$0x4450];
	v12 =	vadd.f32 v7, v12  }
0xd2: {  	s11 =	simm.s32 $0x200;
	v11 =	vadd.f32 v11, v13;
	v7 =	vld [tilespmem:s8+$0x4460]  }
.LBB2_8:
0xd3: {  	s12 =	sshra.s32 s11, $0x2;
	p0 =	sne.s32 s11, $0xFE00;
	[tilespmem:s8+$0x4400] =	vst v12;
	v5 =	vadd.f32 v5, v10;
	v10 =	vld [tilespmem:s8+$0x4470]  }
0xd4: {  	v12 =	vld [tilespmem:s12+$0xC400];
	[tilespmem:s8+$0x4410] =	vst v11;
	v4 =	vadd.f32 v4, v9  }
0xd5: {  	v11 =	vld [tilespmem:s12+$0xC410];
	[tilespmem:s8+$0x4420] =	vst v5;
	v3 =	vadd.f32 v3, v8  }
0xd6: {  	v5 =	vld [tilespmem:s12+$0xC420];
	[tilespmem:s8+$0x4430] =	vst v4;
	v2 =	vadd.f32 v2, v6  }
0xd7: {  	v4 =	vld [tilespmem:s12+$0xC430];
	[tilespmem:s8+$0x4440] =	vst v3;
	v1 =	vadd.f32 v1, v7  }
0xd8: {  	v3 =	vld [tilespmem:s12+$0xC440];
	[tilespmem:s8+$0x4450] =	vst v2;
	v0 =	vadd.f32 v0, v10  }
0xd9: {  	v2 =	vld [tilespmem:s12+$0xC450];
	[tilespmem:s8+$0x4460] =	vst v1  }
0xda: {  	v1 =	vld [tilespmem:s12+$0xC460];
	[tilespmem:s8+$0x4470] =	vst v0;
	s8 =	smov.u32 s12  }
0xdb: {  	v0 =	vld [tilespmem:s8+$0xC470]  }
0xdc: {  	v6 =	vld [tilespmem:s8+$0x4400]  }
0xdd: {  	v7 =	vld [tilespmem:s8+$0x4410]  }
.Ltmp3:
0xde: {  	v10 =	vld [tilespmem:s8+$0x4420];
	(pc) =	sbr.rel @p0 .LBB2_8-.Ltmp3, $4  }
0xdf: {  	v9 =	vld [tilespmem:s8+$0x4430]  }
0xe0: {  	v8 =	vld [tilespmem:s8+$0x4440]  }
0xe1: {  	v12 =	vadd.f32 v12, v6;
	v6 =	vld [tilespmem:s8+$0x4450]  }
0xe2: {  	s11 =	sadd.s32 $0x200, s11;
	v11 =	vadd.f32 v11, v7;
	v7 =	vld [tilespmem:s8+$0x4460]  }
0xe3: {  	[tilespmem:s8+$0x4400] =	vst v12;
	v5 =	vadd.f32 v5, v10;
	v63 =	vld [tilespmem:s8+$0x4470]  }
0xe4: {  	[tilespmem:s8+$0x4410] =	vst v11;
	v4 =	vadd.f32 v4, v9  }
0xe5: {  	[tilespmem:s8+$0x4420] =	vst v5;
	v3 =	vadd.f32 v3, v8  }
0xe6: {  	[tilespmem:s8+$0x4430] =	vst v4;
	v2 =	vadd.f32 v2, v6  }
0xe7: {  	[tilespmem:s8+$0x4440] =	vst v3;
	v1 =	vadd.f32 v1, v7  }
0xe8: {  	[tilespmem:s8+$0x4450] =	vst v2;
	v0 =	vadd.f32 v0, v63  }
0xe9: {  	[tilespmem:s8+$0x4460] =	vst v1  }
0xea: {  	s29 =	simm.s32 $0x0;
	[tilespmem:s8+$0x4470] =	vst v0  }
0xeb: {  	[hbm4b:s15+s29] =	stream.linear.scatter [tilespmem:s28], [sflag:$0x2], $0x4000, $0x38;
	[tilespmem:$0x1E700] =	vst v63  }
0xec: {  	_ =	swait.ge [sflag:s4], $0x4000  }
0xed: {  	[sflag:s4] =	ssyncset.done $0x0  }
0xee: {  	[sflag:s4] =	ssyncadd.s32 $0xFFFFC000  }
0xef: {  	_ =	swait.ge [sflag:s4], $0x4000  }
0xf0: {  	[sflag:s4] =	ssyncset.done $0x0  }
0xf1: {  	s30 =	simm.s32 $0x18700;
	[sflag:s4] =	ssyncadd.s32 $0xFFFFC000  }
0xf2: {  	[tilespmem:s30], [sflag:$0x3] =	stream.strided.gather [hbm4b:s9+s21], $0x4000, s22, s21, $0x38;
	[tilespmem:$0x1E700] =	vst v63  }
0xf3: {  	_ =	swait.ge [sflag:s23], $0x4000  }
0xf4: {  	[sflag:s23] =	ssyncset.done $0x0  }
0xf5: {  	[sflag:s23] =	ssyncadd.s32 $0xFFFFC000  }
0xf6: {  	[tilespmem:s29], [sflag:$0x1] =	stream.strided.gather [hbm4b:s16+s21], $0x18700, s25, s21, $0x38;
	[tilespmem:$0x1E700] =	vst v63  }
.LBB2_10:
0xf7: {  	_ =	swait.ge [sflag:s31], $0x18700;
	s8 =	sand.u32 $0x3FFFFFFF, s29  }
0xf8: {  	[sflag:s31] =	ssyncset.done $0x0;
	p0 =	seq.s32 s8, $0x0  }
0xf9: {  	[sflag:s31] =	ssyncadd.s32 $0xFFFE7900;
	s8 =	simm.s32 @!p0 $0x2  }
0xfa: {  	_ =	swait.ge @!p0 [sflag:s8], $0x1000  }
0xfb: {  	[sflag:s8] =	ssyncset.done @!p0 $0x0  }
0xfc: {  	s26 =	simm.s32 $0x18780;
	[sflag:s8] =	ssyncadd.s32 @!p0 $0xFFFFF000  }
0xfd: {  	v0 =	vld [tilespmem:s26+$0x70]  }
0xfe: {  	v1 =	vld [tilespmem:s26+$0xFFFFFF90]  }
0xff: {  	v2 =	vld [tilespmem:s26+$0xFFFFFFA0]  }
0x100: {  	v3 =	vld [tilespmem:s26+$0xFFFFFFB0]  }
0x101: {  	v4 =	vld [tilespmem:s26+$0xFFFFFFC0]  }
0x102: {  	v5 =	vld [tilespmem:s26+$0xFFFFFFD0]  }
0x103: {  	v6 =	vld [tilespmem:s26+$0xFFFFFFE0]  }
0x104: {  	v7 =	vld [tilespmem:s26+$0xFFFFFFF0]  }
0x105: {  	v8 =	vld [tilespmem:s26+$0x0]  }
0x106: {  	v9 =	vld [tilespmem:s26+$0x10]  }
0x107: {  	v10 =	vld [tilespmem:s26+$0x20]  }
0x108: {  	v11 =	vld [tilespmem:s26+$0x30]  }
0x109: {  	v12 =	vld [tilespmem:s26+$0x40]  }
0x10a: {  	v13 =	vld [tilespmem:s26+$0x50]  }
0x10b: {  	v14 =	vld [tilespmem:s26+$0x60]  }
0x10c: {  	v15 =	vld [tilespmem:s26+$0xFFFFFF80]  }
0x10d: {  	v0 =	vld.idx.msk [tilespmem:v0+s6+$0x0], $0xffff  }
0x10e: {  	v1 =	vld.idx.msk [tilespmem:v1+s6+$0x0], $0xffff  }
0x10f: {  	v2 =	vld.idx.msk [tilespmem:v2+s6+$0x0], $0xffff  }
0x110: {  	v3 =	vld.idx.msk [tilespmem:v3+s6+$0x0], $0xffff  }
0x111: {  	v4 =	vld.idx.msk [tilespmem:v4+s6+$0x0], $0xffff  }
0x112: {  	s26 =	simm.s32 $0x0;
	v5 =	vld.idx.msk [tilespmem:v5+s6+$0x0], $0xffff  }
0x113: {  	v6 =	vld.idx.msk [tilespmem:v6+s6+$0x0], $0xffff;
	[tilespmem:s26+$0x1C870] =	vst v0  }
0x114: {  	v7 =	vld.idx.msk [tilespmem:v7+s6+$0x0], $0xffff;
	[tilespmem:s26+$0x1C710] =	vst v1  }
0x115: {  	v15 =	vld.idx.msk [tilespmem:v15+s6+$0x0], $0xffff;
	[tilespmem:s26+$0x1C720] =	vst v2  }
0x116: {  	v8 =	vld.idx.msk [tilespmem:v8+s6+$0x0], $0xffff;
	[tilespmem:s26+$0x1C730] =	vst v3  }
0x117: {  	v9 =	vld.idx.msk [tilespmem:v9+s6+$0x0], $0xffff;
	[tilespmem:s26+$0x1C740] =	vst v4  }
0x118: {  	[tilespmem:s26+$0x1C750] =	vst v5;
	v0 =	vld.idx.msk [tilespmem:v10+s6+$0x0], $0xffff  }
0x119: {  	[tilespmem:s26+$0x1C760] =	vst v6;
	v1 =	vld.idx.msk [tilespmem:v11+s6+$0x0], $0xffff  }
0x11a: {  	[tilespmem:s26+$0x1C770] =	vst v7;
	v2 =	vld.idx.msk [tilespmem:v12+s6+$0x0], $0xffff  }
0x11b: {  	s8 =	sadd.s32 s7, s29;
	[tilespmem:s26+$0x1C700] =	vst v15;
	v3 =	vld.idx.msk [tilespmem:v13+s6+$0x0], $0xffff  }
0x11c: {  	s12 =	simm.s32 $0x18880;
	s11 =	sshll.u32 s8, $0x7;
	[tilespmem:s26+$0x1C800] =	vst v8;
	v4 =	vld.idx.msk [tilespmem:v14+s6+$0x0], $0xffff  }
0x11d: {  	s30 =	simm.s32 $0x1000;
	s24 =	sand.u32 $0x380, s11;
	s11 =	simm.s32 $0x800;
	v5 =	vld [tilespmem:s12+$0x70];
	[tilespmem:s26+$0x1C810] =	vst v9  }
.LBB2_11:
0x11e: {  	p1 =	sne.s32 s30, $0x7800;
	v6 =	vld [tilespmem:s12+$0xFFFFFF90];
	[tilespmem:s26+$0x1C820] =	vst v0  }
0x11f: {  	v0 =	vld [tilespmem:s12+$0xFFFFFFA0];
	[tilespmem:s26+$0x1C830] =	vst v1  }
0x120: {  	v1 =	vld [tilespmem:s12+$0xFFFFFFB0];
	[tilespmem:s26+$0x1C840] =	vst v2  }
0x121: {  	v2 =	vld [tilespmem:s12+$0xFFFFFFC0];
	[tilespmem:s26+$0x1C850] =	vst v3  }
0x122: {  	v3 =	vld [tilespmem:s12+$0xFFFFFFD0];
	[tilespmem:s26+$0x1C860] =	vst v4  }
0x123: {  	v4 =	vld [tilespmem:s12+$0xFFFFFFE0]  }
0x124: {  	v7 =	vld [tilespmem:s12+$0xFFFFFFF0]  }
0x125: {  	v5 =	vld.idx.msk [tilespmem:v5+s6+$0x0], $0xffff  }
0x126: {  	v8 =	vld [tilespmem:s12+$0x0]  }
0x127: {  	v9 =	vld [tilespmem:s12+$0x10]  }
0x128: {  	v10 =	vld [tilespmem:s12+$0x20]  }
0x129: {  	v11 =	vld [tilespmem:s12+$0x30]  }
0x12a: {  	s26 =	sshra.s32 s11, $0x2;
	s11 =	smov.u32 s30;
	v12 =	vld [tilespmem:s12+$0x40]  }
0x12b: {  	v13 =	vld [tilespmem:s12+$0x50];
	[tilespmem:s26+$0x1C870] =	vst v5  }
0x12c: {  	v5 =	vld [tilespmem:s12+$0x60]  }
0x12d: {  	v14 =	vld [tilespmem:s12+$0xFFFFFF80]  }
0x12e: {  	v6 =	vld.idx.msk [tilespmem:v6+s6+$0x0], $0xffff  }
0x12f: {  	v0 =	vld.idx.msk [tilespmem:v0+s6+$0x0], $0xffff  }
0x130: {  	v1 =	vld.idx.msk [tilespmem:v1+s6+$0x0], $0xffff  }
0x131: {  	v2 =	vld.idx.msk [tilespmem:v2+s6+$0x0], $0xffff  }
0x132: {  	v3 =	vld.idx.msk [tilespmem:v3+s6+$0x0], $0xffff  }
0x133: {  	v4 =	vld.idx.msk [tilespmem:v4+s6+$0x0], $0xffff  }
0x134: {  	[tilespmem:s26+$0x1C710] =	vst v6;
	v6 =	vld.idx.msk [tilespmem:v7+s6+$0x0], $0xffff  }
0x135: {  	v7 =	vld.idx.msk [tilespmem:v14+s6+$0x0], $0xffff;
	[tilespmem:s26+$0x1C720] =	vst v0  }
0x136: {  	[tilespmem:s26+$0x1C730] =	vst v1;
	v8 =	vld.idx.msk [tilespmem:v8+s6+$0x0], $0xffff  }
0x137: {  	[tilespmem:s26+$0x1C740] =	vst v2;
	v9 =	vld.idx.msk [tilespmem:v9+s6+$0x0], $0xffff  }
0x138: {  	[tilespmem:s26+$0x1C750] =	vst v3;
	v0 =	vld.idx.msk [tilespmem:v10+s6+$0x0], $0xffff  }
.Ltmp4:
0x139: {  	[tilespmem:s26+$0x1C760] =	vst v4;
	v1 =	vld.idx.msk [tilespmem:v11+s6+$0x0], $0xffff;
	(pc) =	sbr.rel @p1 .LBB2_11-.Ltmp4, $4  }
0x13a: {  	[tilespmem:s26+$0x1C770] =	vst v6;
	v2 =	vld.idx.msk [tilespmem:v12+s6+$0x0], $0xffff  }
0x13b: {  	[tilespmem:s26+$0x1C700] =	vst v7;
	v3 =	vld.idx.msk [tilespmem:v13+s6+$0x0], $0xffff  }
0x13c: {  	s12 =	sadd.s32 $0x100, s12;
	[tilespmem:s26+$0x1C800] =	vst v8;
	v4 =	vld.idx.msk [tilespmem:v5+s6+$0x0], $0xffff  }
0x13d: {  	s30 =	sadd.s32 $0x800, s30;
	v5 =	vld [tilespmem:s12+$0x70];
	[tilespmem:s26+$0x1C810] =	vst v9  }
0x13e: {  	v6 =	vld [tilespmem:s12+$0xFFFFFF90]  }
0x13f: {  	v7 =	vld [tilespmem:s12+$0xFFFFFFA0]  }
0x140: {  	v8 =	vld [tilespmem:s12+$0xFFFFFFB0]  }
0x141: {  	v9 =	vld [tilespmem:s12+$0xFFFFFFC0]  }
0x142: {  	v10 =	vld [tilespmem:s12+$0xFFFFFFD0]  }
0x143: {  	v11 =	vld [tilespmem:s12+$0xFFFFFFE0]  }
0x144: {  	v12 =	vld [tilespmem:s12+$0xFFFFFFF0]  }
0x145: {  	v13 =	vld [tilespmem:s12+$0x0]  }
0x146: {  	v14 =	vld [tilespmem:s12+$0x10]  }
0x147: {  	v15 =	vld [tilespmem:s12+$0x20]  }
0x148: {  	v16 =	vld [tilespmem:s12+$0x30]  }
0x149: {  	v17 =	vld [tilespmem:s12+$0x40]  }
0x14a: {  	v18 =	vld [tilespmem:s12+$0x50]  }
0x14b: {  	v19 =	vld [tilespmem:s12+$0x60]  }
0x14c: {  	v49 =	vld [tilespmem:s12+$0xFFFFFF80]  }
0x14d: {  	[tilespmem:s26+$0x1C820] =	vst v0;
	v5 =	vld.idx.msk [tilespmem:v5+s6+$0x0], $0xffff  }
0x14e: {  	[tilespmem:s26+$0x1C830] =	vst v1;
	v50 =	vld.idx.msk [tilespmem:v6+s6+$0x0], $0xffff  }
0x14f: {  	[tilespmem:s26+$0x1C840] =	vst v2;
	v51 =	vld.idx.msk [tilespmem:v7+s6+$0x0], $0xffff  }
0x150: {  	[tilespmem:s26+$0x1C850] =	vst v3;
	v52 =	vld.idx.msk [tilespmem:v8+s6+$0x0], $0xffff  }
0x151: {  	s13 =	sshra.s32 s11, $0x2;
	[tilespmem:s26+$0x1C860] =	vst v4;
	v53 =	vld.idx.msk [tilespmem:v9+s6+$0x0], $0xffff  }
0x152: {  	v54 =	vld.idx.msk [tilespmem:v10+s6+$0x0], $0xffff;
	[tilespmem:s13+$0x1C870] =	vst v5  }
0x153: {  	v55 =	vld.idx.msk [tilespmem:v11+s6+$0x0], $0xffff;
	[tilespmem:s13+$0x1C710] =	vst v50  }
0x154: {  	v56 =	vld.idx.msk [tilespmem:v12+s6+$0x0], $0xffff;
	[tilespmem:s13+$0x1C720] =	vst v51  }
0x155: {  	v0 =	vld.idx.msk [tilespmem:v49+s6+$0x0], $0xffff;
	[tilespmem:s13+$0x1C730] =	vst v52  }
0x156: {  	v57 =	vld.idx.msk [tilespmem:v13+s6+$0x0], $0xffff;
	[tilespmem:s13+$0x1C740] =	vst v53  }
0x157: {  	v58 =	vld.idx.msk [tilespmem:v14+s6+$0x0], $0xffff;
	[tilespmem:s13+$0x1C750] =	vst v54  }
0x158: {  	v59 =	vld.idx.msk [tilespmem:v15+s6+$0x0], $0xffff;
	[tilespmem:s13+$0x1C760] =	vst v55  }
0x159: {  	v60 =	vld.idx.msk [tilespmem:v16+s6+$0x0], $0xffff;
	[tilespmem:s13+$0x1C770] =	vst v56  }
0x15a: {  	v61 =	vld.idx.msk [tilespmem:v17+s6+$0x0], $0xffff;
	[tilespmem:s13+$0x1C700] =	vst v0  }
0x15b: {  	v62 =	vld.idx.msk [tilespmem:v18+s6+$0x0], $0xffff;
	[tilespmem:s13+$0x1C800] =	vst v57  }
0x15c: {  	s26 =	sshll.u32 s8, $0xE;
	v63 =	vld.idx.msk [tilespmem:v19+s6+$0x0], $0xffff;
	[tilespmem:s13+$0x1C810] =	vst v58  }
0x15d: {  	s11 =	sand.u32 $0xFFFE0000, s26;
	[tilespmem:s13+$0x1C820] =	vst v59  }
0x15e: {  	s11 =	sor.u32 s24, s11;
	[tilespmem:s13+$0x1C830] =	vst v60  }
0x15f: {  	s24 =	sshrl.u32 s11, $0x3;
	[tilespmem:s13+$0x1C840] =	vst v61  }
0x160: {  	s12 =	simm.s32 $0x1C700;
	s11 =	sadd.s32 s5, s24;
	[tilespmem:s13+$0x1C850] =	vst v62  }
0x161: {  	s30 =	simm.s32 $0x1C800;
	s26 =	simm.s32 $0x80;
	[tilespmem:s13+$0x1C860] =	vst v63;
	s13 =	sadd.s32 $0x0, s11  }
.LBB2_13:
0x162: {  	[hbm4b:s13+s6] =	stream.linear.scatter [tilespmem:s12], [sflag:$0x2], $0x80, $0x38;
	[tilespmem:$0x1E700] =	vst v63  }
0x163: {  	s13 =	smov.u32 s26;
	s12 =	smov.u32 s30;
	p1 =	sne.s32 s26, $0xF80  }
.Ltmp5:
0x164: {  	s26 =	sadd.s32 $0x80, s26;
	(pc) =	sbr.rel @p1 .LBB2_13-.Ltmp5, $2  }
0x165: {  	_ =	sdelay $0x2  }
0x166: {  	s30 =	sadd.s32 $0x100, s30;
	s13 =	sadd.s32 s13, s11  }
0x167: {  	[hbm4b:s13+s6] =	stream.linear.scatter [tilespmem:s12], [sflag:$0x2], $0x80, $0x38;
	[tilespmem:$0x1E700] =	vst v63  }
0x168: {  	s11 =	simm.s32 @!p0 $0x2  }
0x169: {  	_ =	swait.ge @!p0 [sflag:s11], $0x1000  }
0x16a: {  	[sflag:s11] =	ssyncset.done @!p0 $0x0  }
0x16b: {  	s30 =	simm.s32 $0x0;
	[sflag:s11] =	ssyncadd.s32 @!p0 $0xFFFFF000  }
0x16c: {  	v0 =	vld [tilespmem:s30+$0x197F0]  }
0x16d: {  	v1 =	vld [tilespmem:s30+$0x19700]  }
0x16e: {  	v2 =	vld [tilespmem:s30+$0x19710]  }
0x16f: {  	v3 =	vld [tilespmem:s30+$0x19720]  }
0x170: {  	v4 =	vld [tilespmem:s30+$0x19730]  }
0x171: {  	v5 =	vld [tilespmem:s30+$0x19740]  }
0x172: {  	v6 =	vld [tilespmem:s30+$0x19750]  }
0x173: {  	v7 =	vld [tilespmem:s30+$0x19760]  }
0x174: {  	v8 =	vld [tilespmem:s30+$0x19770]  }
0x175: {  	v9 =	vld [tilespmem:s30+$0x19780]  }
0x176: {  	v10 =	vld [tilespmem:s30+$0x19790]  }
0x177: {  	v11 =	vld [tilespmem:s30+$0x197A0]  }
0x178: {  	v12 =	vld [tilespmem:s30+$0x197B0]  }
0x179: {  	v13 =	vld [tilespmem:s30+$0x197C0]  }
0x17a: {  	v14 =	vld [tilespmem:s30+$0x197D0]  }
0x17b: {  	v15 =	vld [tilespmem:s30+$0x197E0]  }
0x17c: {  	v0 =	vld.idx.msk [tilespmem:v0+s6+$0x0], $0xffff  }
0x17d: {  	v1 =	vld.idx.msk [tilespmem:v1+s6+$0x0], $0xffff  }
0x17e: {  	v2 =	vld.idx.msk [tilespmem:v2+s6+$0x0], $0xffff  }
0x17f: {  	v3 =	vld.idx.msk [tilespmem:v3+s6+$0x0], $0xffff  }
0x180: {  	v4 =	vld.idx.msk [tilespmem:v4+s6+$0x0], $0xffff  }
0x181: {  	s26 =	simm.s32 $0x1C880;
	v5 =	vld.idx.msk [tilespmem:v5+s6+$0x0], $0xffff  }
0x182: {  	v6 =	vld.idx.msk [tilespmem:v6+s6+$0x0], $0xffff;
	[tilespmem:s26+$0x70] =	vst v0  }
0x183: {  	v7 =	vld.idx.msk [tilespmem:v7+s6+$0x0], $0xffff;
	[tilespmem:s26+$0xFFFFFF00] =	vst v1  }
0x184: {  	v8 =	vld.idx.msk [tilespmem:v8+s6+$0x0], $0xffff;
	[tilespmem:s26+$0xFFFFFF10] =	vst v2  }
0x185: {  	v9 =	vld.idx.msk [tilespmem:v9+s6+$0x0], $0xffff;
	[tilespmem:s26+$0xFFFFFF20] =	vst v3  }
0x186: {  	[tilespmem:s26+$0xFFFFFF30] =	vst v4;
	v0 =	vld.idx.msk [tilespmem:v10+s6+$0x0], $0xffff  }
0x187: {  	[tilespmem:s26+$0xFFFFFF40] =	vst v5;
	v1 =	vld.idx.msk [tilespmem:v11+s6+$0x0], $0xffff  }
0x188: {  	[tilespmem:s26+$0xFFFFFF50] =	vst v6;
	v2 =	vld.idx.msk [tilespmem:v12+s6+$0x0], $0xffff  }
0x189: {  	[tilespmem:s26+$0xFFFFFF60] =	vst v7;
	v3 =	vld.idx.msk [tilespmem:v13+s6+$0x0], $0xffff  }
0x18a: {  	[tilespmem:s26+$0xFFFFFF70] =	vst v8;
	v4 =	vld.idx.msk [tilespmem:v14+s6+$0x0], $0xffff  }
0x18b: {  	s12 =	simm.s32 $0x100;
	s11 =	simm.s32 $0x800;
	[tilespmem:s26+$0x0] =	vst v9;
	v5 =	vld.idx.msk [tilespmem:v15+s6+$0x0], $0xffff  }
.LBB2_15:
0x18c: {  	p0 =	sne.s32 s11, $0x3C00;
	v6 =	vld [tilespmem:s12+$0x197F0];
	[tilespmem:s26+$0x10] =	vst v0  }
0x18d: {  	v0 =	vld [tilespmem:s12+$0x19700];
	[tilespmem:s26+$0x20] =	vst v1  }
0x18e: {  	v1 =	vld [tilespmem:s12+$0x19710];
	[tilespmem:s26+$0x30] =	vst v2  }
0x18f: {  	v2 =	vld [tilespmem:s12+$0x19720];
	[tilespmem:s26+$0x40] =	vst v3  }
0x190: {  	v3 =	vld [tilespmem:s12+$0x19730];
	[tilespmem:s26+$0x50] =	vst v4  }
0x191: {  	v4 =	vld [tilespmem:s12+$0x19740];
	[tilespmem:s26+$0x60] =	vst v5  }
0x192: {  	v5 =	vld [tilespmem:s12+$0x19750]  }
0x193: {  	v7 =	vld [tilespmem:s12+$0x19760]  }
0x194: {  	v6 =	vld.idx.msk [tilespmem:v6+s6+$0x0], $0xffff  }
0x195: {  	v8 =	vld [tilespmem:s12+$0x19770]  }
0x196: {  	v9 =	vld [tilespmem:s12+$0x19780]  }
0x197: {  	v10 =	vld [tilespmem:s12+$0x19790]  }
0x198: {  	v11 =	vld [tilespmem:s12+$0x197A0]  }
0x199: {  	s26 =	sadd.s32 $0x200, s26;
	v12 =	vld [tilespmem:s12+$0x197B0]  }
0x19a: {  	v13 =	vld [tilespmem:s12+$0x197C0];
	[tilespmem:s26+$0x70] =	vst v6  }
0x19b: {  	v6 =	vld [tilespmem:s12+$0x197D0]  }
0x19c: {  	v14 =	vld [tilespmem:s12+$0x197E0]  }
0x19d: {  	v0 =	vld.idx.msk [tilespmem:v0+s6+$0x0], $0xffff  }
0x19e: {  	v1 =	vld.idx.msk [tilespmem:v1+s6+$0x0], $0xffff  }
0x19f: {  	v2 =	vld.idx.msk [tilespmem:v2+s6+$0x0], $0xffff  }
0x1a0: {  	v3 =	vld.idx.msk [tilespmem:v3+s6+$0x0], $0xffff  }
0x1a1: {  	v4 =	vld.idx.msk [tilespmem:v4+s6+$0x0], $0xffff  }
0x1a2: {  	v5 =	vld.idx.msk [tilespmem:v5+s6+$0x0], $0xffff  }
0x1a3: {  	[tilespmem:s26+$0xFFFFFF00] =	vst v0;
	v7 =	vld.idx.msk [tilespmem:v7+s6+$0x0], $0xffff  }
0x1a4: {  	[tilespmem:s26+$0xFFFFFF10] =	vst v1;
	v8 =	vld.idx.msk [tilespmem:v8+s6+$0x0], $0xffff  }
0x1a5: {  	[tilespmem:s26+$0xFFFFFF20] =	vst v2;
	v9 =	vld.idx.msk [tilespmem:v9+s6+$0x0], $0xffff  }
0x1a6: {  	[tilespmem:s26+$0xFFFFFF30] =	vst v3;
	v0 =	vld.idx.msk [tilespmem:v10+s6+$0x0], $0xffff  }
.Ltmp6:
0x1a7: {  	[tilespmem:s26+$0xFFFFFF40] =	vst v4;
	v1 =	vld.idx.msk [tilespmem:v11+s6+$0x0], $0xffff;
	(pc) =	sbr.rel @p0 .LBB2_15-.Ltmp6, $4  }
0x1a8: {  	[tilespmem:s26+$0xFFFFFF50] =	vst v5;
	v2 =	vld.idx.msk [tilespmem:v12+s6+$0x0], $0xffff  }
0x1a9: {  	[tilespmem:s26+$0xFFFFFF60] =	vst v7;
	v3 =	vld.idx.msk [tilespmem:v13+s6+$0x0], $0xffff  }
0x1aa: {  	[tilespmem:s26+$0xFFFFFF70] =	vst v8;
	v4 =	vld.idx.msk [tilespmem:v6+s6+$0x0], $0xffff  }
0x1ab: {  	s12 =	sshra.s32 s11, $0x2;
	s11 =	sadd.s32 $0x400, s11;
	[tilespmem:s26+$0x0] =	vst v9;
	v5 =	vld.idx.msk [tilespmem:v14+s6+$0x0], $0xffff  }
0x1ac: {  	v6 =	vld [tilespmem:s12+$0x197F0]  }
0x1ad: {  	v7 =	vld [tilespmem:s12+$0x19700]  }
0x1ae: {  	v8 =	vld [tilespmem:s12+$0x19710]  }
0x1af: {  	v9 =	vld [tilespmem:s12+$0x19720]  }
0x1b0: {  	v10 =	vld [tilespmem:s12+$0x19730]  }
0x1b1: {  	v11 =	vld [tilespmem:s12+$0x19740]  }
0x1b2: {  	v12 =	vld [tilespmem:s12+$0x19750]  }
0x1b3: {  	v13 =	vld [tilespmem:s12+$0x19760]  }
0x1b4: {  	v14 =	vld [tilespmem:s12+$0x19770]  }
0x1b5: {  	v15 =	vld [tilespmem:s12+$0x19780]  }
0x1b6: {  	v16 =	vld [tilespmem:s12+$0x19790]  }
0x1b7: {  	v17 =	vld [tilespmem:s12+$0x197A0]  }
0x1b8: {  	v18 =	vld [tilespmem:s12+$0x197B0]  }
0x1b9: {  	v19 =	vld [tilespmem:s12+$0x197C0]  }
0x1ba: {  	v49 =	vld [tilespmem:s12+$0x197D0]  }
0x1bb: {  	[tilespmem:s26+$0x10] =	vst v0;
	v50 =	vld [tilespmem:s12+$0x197E0]  }
0x1bc: {  	[tilespmem:s26+$0x20] =	vst v1;
	v6 =	vld.idx.msk [tilespmem:v6+s6+$0x0], $0xffff  }
0x1bd: {  	[tilespmem:s26+$0x30] =	vst v2;
	v51 =	vld.idx.msk [tilespmem:v7+s6+$0x0], $0xffff  }
0x1be: {  	[tilespmem:s26+$0x40] =	vst v3;
	v52 =	vld.idx.msk [tilespmem:v8+s6+$0x0], $0xffff  }
0x1bf: {  	[tilespmem:s26+$0x50] =	vst v4;
	v53 =	vld.idx.msk [tilespmem:v9+s6+$0x0], $0xffff  }
0x1c0: {  	s13 =	sadd.s32 $0x200, s26;
	[tilespmem:s26+$0x60] =	vst v5;
	v54 =	vld.idx.msk [tilespmem:v10+s6+$0x0], $0xffff  }
0x1c1: {  	v55 =	vld.idx.msk [tilespmem:v11+s6+$0x0], $0xffff;
	[tilespmem:s13+$0x70] =	vst v6  }
0x1c2: {  	v56 =	vld.idx.msk [tilespmem:v12+s6+$0x0], $0xffff;
	[tilespmem:s13+$0xFFFFFF00] =	vst v51  }
0x1c3: {  	v57 =	vld.idx.msk [tilespmem:v13+s6+$0x0], $0xffff;
	[tilespmem:s13+$0xFFFFFF10] =	vst v52  }
0x1c4: {  	v58 =	vld.idx.msk [tilespmem:v14+s6+$0x0], $0xffff;
	[tilespmem:s13+$0xFFFFFF20] =	vst v53  }
0x1c5: {  	v59 =	vld.idx.msk [tilespmem:v15+s6+$0x0], $0xffff;
	[tilespmem:s13+$0xFFFFFF30] =	vst v54  }
0x1c6: {  	v60 =	vld.idx.msk [tilespmem:v16+s6+$0x0], $0xffff;
	[tilespmem:s13+$0xFFFFFF40] =	vst v55  }
0x1c7: {  	v61 =	vld.idx.msk [tilespmem:v17+s6+$0x0], $0xffff;
	[tilespmem:s13+$0xFFFFFF50] =	vst v56  }
0x1c8: {  	v62 =	vld.idx.msk [tilespmem:v18+s6+$0x0], $0xffff;
	[tilespmem:s13+$0xFFFFFF60] =	vst v57  }
0x1c9: {  	v63 =	vld.idx.msk [tilespmem:v19+s6+$0x0], $0xffff;
	[tilespmem:s13+$0xFFFFFF70] =	vst v58  }
0x1ca: {  	v0 =	vld.idx.msk [tilespmem:v49+s6+$0x0], $0xffff;
	[tilespmem:s13+$0x0] =	vst v59  }
0x1cb: {  	v1 =	vld.idx.msk [tilespmem:v50+s6+$0x0], $0xffff;
	[tilespmem:s13+$0x10] =	vst v60  }
0x1cc: {  	[tilespmem:s13+$0x20] =	vst v61  }
0x1cd: {  	[tilespmem:s13+$0x30] =	vst v62  }
0x1ce: {  	[tilespmem:s13+$0x40] =	vst v63  }
0x1cf: {  	s11 =	sadd.s32 s24, s17;
	s12 =	simm.s32 $0x1C780;
	[tilespmem:s13+$0x50] =	vst v0  }
0x1d0: {  	s30 =	simm.s32 $0x1C880;
	s26 =	simm.s32 $0x80;
	[tilespmem:s13+$0x60] =	vst v1;
	s13 =	sadd.s32 $0x0, s11  }
.LBB2_17:
0x1d1: {  	[hbm4b:s13+s6] =	stream.linear.scatter [tilespmem:s12], [sflag:$0x2], $0x80, $0x38;
	[tilespmem:$0x1E700] =	vst v63  }
0x1d2: {  	s13 =	smov.u32 s26;
	s12 =	smov.u32 s30;
	p0 =	sne.s32 s26, $0xF80  }
.Ltmp7:
0x1d3: {  	s26 =	sadd.s32 $0x80, s26;
	(pc) =	sbr.rel @p0 .LBB2_17-.Ltmp7, $2  }
0x1d4: {  	_ =	sdelay $0x2  }
0x1d5: {  	s30 =	sadd.s32 $0x100, s30;
	s13 =	sadd.s32 s13, s11  }
0x1d6: {  	[hbm4b:s13+s6] =	stream.linear.scatter [tilespmem:s12], [sflag:$0x2], $0x80, $0x38;
	[tilespmem:$0x1E700] =	vst v63  }
0x1d7: {  	_ =	swait.ge [sflag:s4], $0x1000  }
0x1d8: {  	[sflag:s4] =	ssyncset.done $0x0  }
0x1d9: {  	s11 =	simm.s32 $0x0;
	[sflag:s4] =	ssyncadd.s32 $0xFFFFF000  }
0x1da: {  	v0 =	vld [tilespmem:s11+$0x1A7F0]  }
0x1db: {  	v1 =	vld [tilespmem:s11+$0x1A700]  }
0x1dc: {  	v2 =	vld [tilespmem:s11+$0x1A710]  }
0x1dd: {  	v3 =	vld [tilespmem:s11+$0x1A720]  }
0x1de: {  	v4 =	vld [tilespmem:s11+$0x1A730]  }
0x1df: {  	v5 =	vld [tilespmem:s11+$0x1A740]  }
0x1e0: {  	v6 =	vld [tilespmem:s11+$0x1A750]  }
0x1e1: {  	v7 =	vld [tilespmem:s11+$0x1A760]  }
0x1e2: {  	v8 =	vld [tilespmem:s11+$0x1A770]  }
0x1e3: {  	v9 =	vld [tilespmem:s11+$0x1A780]  }
0x1e4: {  	v10 =	vld [tilespmem:s11+$0x1A790]  }
0x1e5: {  	v11 =	vld [tilespmem:s11+$0x1A7A0]  }
0x1e6: {  	v12 =	vld [tilespmem:s11+$0x1A7B0]  }
0x1e7: {  	v13 =	vld [tilespmem:s11+$0x1A7C0]  }
0x1e8: {  	v14 =	vld [tilespmem:s11+$0x1A7D0]  }
0x1e9: {  	v15 =	vld [tilespmem:s11+$0x1A7E0]  }
0x1ea: {  	v0 =	vld.idx.msk [tilespmem:v0+s6+$0x0], $0xffff  }
0x1eb: {  	v1 =	vld.idx.msk [tilespmem:v1+s6+$0x0], $0xffff  }
0x1ec: {  	v2 =	vld.idx.msk [tilespmem:v2+s6+$0x0], $0xffff  }
0x1ed: {  	v3 =	vld.idx.msk [tilespmem:v3+s6+$0x0], $0xffff  }
0x1ee: {  	v4 =	vld.idx.msk [tilespmem:v4+s6+$0x0], $0xffff  }
0x1ef: {  	s26 =	simm.s32 $0x1C800;
	v5 =	vld.idx.msk [tilespmem:v5+s6+$0x0], $0xffff  }
0x1f0: {  	v6 =	vld.idx.msk [tilespmem:v6+s6+$0x0], $0xffff;
	[tilespmem:s26+$0x70] =	vst v0  }
0x1f1: {  	v7 =	vld.idx.msk [tilespmem:v7+s6+$0x0], $0xffff;
	[tilespmem:s26+$0xFFFFFF00] =	vst v1  }
0x1f2: {  	v8 =	vld.idx.msk [tilespmem:v8+s6+$0x0], $0xffff;
	[tilespmem:s26+$0xFFFFFF10] =	vst v2  }
0x1f3: {  	v9 =	vld.idx.msk [tilespmem:v9+s6+$0x0], $0xffff;
	[tilespmem:s26+$0xFFFFFF20] =	vst v3  }
0x1f4: {  	[tilespmem:s26+$0xFFFFFF30] =	vst v4;
	v0 =	vld.idx.msk [tilespmem:v10+s6+$0x0], $0xffff  }
0x1f5: {  	[tilespmem:s26+$0xFFFFFF40] =	vst v5;
	v1 =	vld.idx.msk [tilespmem:v11+s6+$0x0], $0xffff  }
0x1f6: {  	[tilespmem:s26+$0xFFFFFF50] =	vst v6;
	v2 =	vld.idx.msk [tilespmem:v12+s6+$0x0], $0xffff  }
0x1f7: {  	[tilespmem:s26+$0xFFFFFF60] =	vst v7;
	v3 =	vld.idx.msk [tilespmem:v13+s6+$0x0], $0xffff  }
0x1f8: {  	[tilespmem:s26+$0xFFFFFF70] =	vst v8;
	v4 =	vld.idx.msk [tilespmem:v14+s6+$0x0], $0xffff  }
0x1f9: {  	s12 =	simm.s32 $0x100;
	s11 =	simm.s32 $0x800;
	[tilespmem:s26+$0x0] =	vst v9;
	v5 =	vld.idx.msk [tilespmem:v15+s6+$0x0], $0xffff  }
.LBB2_19:
0x1fa: {  	p0 =	sne.s32 s11, $0x3C00;
	v6 =	vld [tilespmem:s12+$0x1A7F0];
	[tilespmem:s26+$0x10] =	vst v0  }
0x1fb: {  	v0 =	vld [tilespmem:s12+$0x1A700];
	[tilespmem:s26+$0x20] =	vst v1  }
0x1fc: {  	v1 =	vld [tilespmem:s12+$0x1A710];
	[tilespmem:s26+$0x30] =	vst v2  }
0x1fd: {  	v2 =	vld [tilespmem:s12+$0x1A720];
	[tilespmem:s26+$0x40] =	vst v3  }
0x1fe: {  	v3 =	vld [tilespmem:s12+$0x1A730];
	[tilespmem:s26+$0x50] =	vst v4  }
0x1ff: {  	v4 =	vld [tilespmem:s12+$0x1A740];
	[tilespmem:s26+$0x60] =	vst v5  }
0x200: {  	v5 =	vld [tilespmem:s12+$0x1A750]  }
0x201: {  	v7 =	vld [tilespmem:s12+$0x1A760]  }
0x202: {  	v6 =	vld.idx.msk [tilespmem:v6+s6+$0x0], $0xffff  }
0x203: {  	v8 =	vld [tilespmem:s12+$0x1A770]  }
0x204: {  	v9 =	vld [tilespmem:s12+$0x1A780]  }
0x205: {  	v10 =	vld [tilespmem:s12+$0x1A790]  }
0x206: {  	v11 =	vld [tilespmem:s12+$0x1A7A0]  }
0x207: {  	s26 =	sadd.s32 $0x200, s26;
	v12 =	vld [tilespmem:s12+$0x1A7B0]  }
0x208: {  	v13 =	vld [tilespmem:s12+$0x1A7C0];
	[tilespmem:s26+$0x70] =	vst v6  }
0x209: {  	v6 =	vld [tilespmem:s12+$0x1A7D0]  }
0x20a: {  	v14 =	vld [tilespmem:s12+$0x1A7E0]  }
0x20b: {  	v0 =	vld.idx.msk [tilespmem:v0+s6+$0x0], $0xffff  }
0x20c: {  	v1 =	vld.idx.msk [tilespmem:v1+s6+$0x0], $0xffff  }
0x20d: {  	v2 =	vld.idx.msk [tilespmem:v2+s6+$0x0], $0xffff  }
0x20e: {  	v3 =	vld.idx.msk [tilespmem:v3+s6+$0x0], $0xffff  }
0x20f: {  	v4 =	vld.idx.msk [tilespmem:v4+s6+$0x0], $0xffff  }
0x210: {  	v5 =	vld.idx.msk [tilespmem:v5+s6+$0x0], $0xffff  }
0x211: {  	[tilespmem:s26+$0xFFFFFF00] =	vst v0;
	v7 =	vld.idx.msk [tilespmem:v7+s6+$0x0], $0xffff  }
0x212: {  	[tilespmem:s26+$0xFFFFFF10] =	vst v1;
	v8 =	vld.idx.msk [tilespmem:v8+s6+$0x0], $0xffff  }
0x213: {  	[tilespmem:s26+$0xFFFFFF20] =	vst v2;
	v9 =	vld.idx.msk [tilespmem:v9+s6+$0x0], $0xffff  }
0x214: {  	[tilespmem:s26+$0xFFFFFF30] =	vst v3;
	v0 =	vld.idx.msk [tilespmem:v10+s6+$0x0], $0xffff  }
.Ltmp8:
0x215: {  	[tilespmem:s26+$0xFFFFFF40] =	vst v4;
	v1 =	vld.idx.msk [tilespmem:v11+s6+$0x0], $0xffff;
	(pc) =	sbr.rel @p0 .LBB2_19-.Ltmp8, $4  }
0x216: {  	[tilespmem:s26+$0xFFFFFF50] =	vst v5;
	v2 =	vld.idx.msk [tilespmem:v12+s6+$0x0], $0xffff  }
0x217: {  	[tilespmem:s26+$0xFFFFFF60] =	vst v7;
	v3 =	vld.idx.msk [tilespmem:v13+s6+$0x0], $0xffff  }
0x218: {  	[tilespmem:s26+$0xFFFFFF70] =	vst v8;
	v4 =	vld.idx.msk [tilespmem:v6+s6+$0x0], $0xffff  }
0x219: {  	s12 =	sshra.s32 s11, $0x2;
	s11 =	sadd.s32 $0x400, s11;
	[tilespmem:s26+$0x0] =	vst v9;
	v5 =	vld.idx.msk [tilespmem:v14+s6+$0x0], $0xffff  }
0x21a: {  	v6 =	vld [tilespmem:s12+$0x1A7F0]  }
0x21b: {  	v7 =	vld [tilespmem:s12+$0x1A700]  }
0x21c: {  	v8 =	vld [tilespmem:s12+$0x1A710]  }
0x21d: {  	v9 =	vld [tilespmem:s12+$0x1A720]  }
0x21e: {  	v10 =	vld [tilespmem:s12+$0x1A730]  }
0x21f: {  	v11 =	vld [tilespmem:s12+$0x1A740]  }
0x220: {  	v12 =	vld [tilespmem:s12+$0x1A750]  }
0x221: {  	v13 =	vld [tilespmem:s12+$0x1A760]  }
0x222: {  	v14 =	vld [tilespmem:s12+$0x1A770]  }
0x223: {  	v15 =	vld [tilespmem:s12+$0x1A780]  }
0x224: {  	v16 =	vld [tilespmem:s12+$0x1A790]  }
0x225: {  	v17 =	vld [tilespmem:s12+$0x1A7A0]  }
0x226: {  	v18 =	vld [tilespmem:s12+$0x1A7B0]  }
0x227: {  	v19 =	vld [tilespmem:s12+$0x1A7C0]  }
0x228: {  	v49 =	vld [tilespmem:s12+$0x1A7D0]  }
0x229: {  	[tilespmem:s26+$0x10] =	vst v0;
	v50 =	vld [tilespmem:s12+$0x1A7E0]  }
0x22a: {  	[tilespmem:s26+$0x20] =	vst v1;
	v6 =	vld.idx.msk [tilespmem:v6+s6+$0x0], $0xffff  }
0x22b: {  	[tilespmem:s26+$0x30] =	vst v2;
	v51 =	vld.idx.msk [tilespmem:v7+s6+$0x0], $0xffff  }
0x22c: {  	[tilespmem:s26+$0x40] =	vst v3;
	v52 =	vld.idx.msk [tilespmem:v8+s6+$0x0], $0xffff  }
0x22d: {  	[tilespmem:s26+$0x50] =	vst v4;
	v53 =	vld.idx.msk [tilespmem:v9+s6+$0x0], $0xffff  }
0x22e: {  	s13 =	sadd.s32 $0x200, s26;
	[tilespmem:s26+$0x60] =	vst v5;
	v54 =	vld.idx.msk [tilespmem:v10+s6+$0x0], $0xffff  }
0x22f: {  	v55 =	vld.idx.msk [tilespmem:v11+s6+$0x0], $0xffff;
	[tilespmem:s13+$0x70] =	vst v6  }
0x230: {  	v56 =	vld.idx.msk [tilespmem:v12+s6+$0x0], $0xffff;
	[tilespmem:s13+$0xFFFFFF00] =	vst v51  }
0x231: {  	v57 =	vld.idx.msk [tilespmem:v13+s6+$0x0], $0xffff;
	[tilespmem:s13+$0xFFFFFF10] =	vst v52  }
0x232: {  	v58 =	vld.idx.msk [tilespmem:v14+s6+$0x0], $0xffff;
	[tilespmem:s13+$0xFFFFFF20] =	vst v53  }
0x233: {  	v59 =	vld.idx.msk [tilespmem:v15+s6+$0x0], $0xffff;
	[tilespmem:s13+$0xFFFFFF30] =	vst v54  }
0x234: {  	v60 =	vld.idx.msk [tilespmem:v16+s6+$0x0], $0xffff;
	[tilespmem:s13+$0xFFFFFF40] =	vst v55  }
0x235: {  	v61 =	vld.idx.msk [tilespmem:v17+s6+$0x0], $0xffff;
	[tilespmem:s13+$0xFFFFFF50] =	vst v56  }
0x236: {  	v62 =	vld.idx.msk [tilespmem:v18+s6+$0x0], $0xffff;
	[tilespmem:s13+$0xFFFFFF60] =	vst v57  }
0x237: {  	v63 =	vld.idx.msk [tilespmem:v19+s6+$0x0], $0xffff;
	[tilespmem:s13+$0xFFFFFF70] =	vst v58  }
0x238: {  	v0 =	vld.idx.msk [tilespmem:v49+s6+$0x0], $0xffff;
	[tilespmem:s13+$0x0] =	vst v59  }
0x239: {  	v1 =	vld.idx.msk [tilespmem:v50+s6+$0x0], $0xffff;
	[tilespmem:s13+$0x10] =	vst v60  }
0x23a: {  	[tilespmem:s13+$0x20] =	vst v61  }
0x23b: {  	[tilespmem:s13+$0x30] =	vst v62  }
0x23c: {  	[tilespmem:s13+$0x40] =	vst v63  }
0x23d: {  	s11 =	sadd.s32 s24, s18;
	s12 =	simm.s32 $0x1C700;
	[tilespmem:s13+$0x50] =	vst v0  }
0x23e: {  	s30 =	simm.s32 $0x1C800;
	s26 =	simm.s32 $0x80;
	[tilespmem:s13+$0x60] =	vst v1;
	s13 =	sadd.s32 $0x0, s11  }
.LBB2_21:
0x23f: {  	[hbm4b:s13+s6] =	stream.linear.scatter [tilespmem:s12], [sflag:$0x2], $0x80, $0x38;
	[tilespmem:$0x1E700] =	vst v63  }
0x240: {  	s13 =	smov.u32 s26;
	s12 =	smov.u32 s30;
	p0 =	sne.s32 s26, $0xF80  }
.Ltmp9:
0x241: {  	s26 =	sadd.s32 $0x80, s26;
	(pc) =	sbr.rel @p0 .LBB2_21-.Ltmp9, $2  }
0x242: {  	_ =	sdelay $0x2  }
0x243: {  	s30 =	sadd.s32 $0x100, s30;
	s13 =	sadd.s32 s13, s11  }
0x244: {  	[hbm4b:s13+s6] =	stream.linear.scatter [tilespmem:s12], [sflag:$0x2], $0x80, $0x38;
	[tilespmem:$0x1E700] =	vst v63  }
0x245: {  	_ =	swait.ge [sflag:s4], $0x1000  }
0x246: {  	[sflag:s4] =	ssyncset.done $0x0  }
0x247: {  	s11 =	simm.s32 $0x0;
	[sflag:s4] =	ssyncadd.s32 $0xFFFFF000  }
0x248: {  	v0 =	vld [tilespmem:s11+$0x1B7F0]  }
0x249: {  	v1 =	vld [tilespmem:s11+$0x1B700]  }
0x24a: {  	v2 =	vld [tilespmem:s11+$0x1B710]  }
0x24b: {  	v3 =	vld [tilespmem:s11+$0x1B720]  }
0x24c: {  	v4 =	vld [tilespmem:s11+$0x1B730]  }
0x24d: {  	v5 =	vld [tilespmem:s11+$0x1B740]  }
0x24e: {  	v6 =	vld [tilespmem:s11+$0x1B750]  }
0x24f: {  	v7 =	vld [tilespmem:s11+$0x1B760]  }
0x250: {  	v8 =	vld [tilespmem:s11+$0x1B770]  }
0x251: {  	v9 =	vld [tilespmem:s11+$0x1B780]  }
0x252: {  	v10 =	vld [tilespmem:s11+$0x1B790]  }
0x253: {  	v11 =	vld [tilespmem:s11+$0x1B7A0]  }
0x254: {  	v12 =	vld [tilespmem:s11+$0x1B7B0]  }
0x255: {  	v13 =	vld [tilespmem:s11+$0x1B7C0]  }
0x256: {  	v14 =	vld [tilespmem:s11+$0x1B7D0]  }
0x257: {  	v15 =	vld [tilespmem:s11+$0x1B7E0]  }
0x258: {  	v0 =	vld.idx.msk [tilespmem:v0+s6+$0x0], $0xffff  }
0x259: {  	v1 =	vld.idx.msk [tilespmem:v1+s6+$0x0], $0xffff  }
0x25a: {  	v2 =	vld.idx.msk [tilespmem:v2+s6+$0x0], $0xffff  }
0x25b: {  	v3 =	vld.idx.msk [tilespmem:v3+s6+$0x0], $0xffff  }
0x25c: {  	v4 =	vld.idx.msk [tilespmem:v4+s6+$0x0], $0xffff  }
0x25d: {  	s26 =	simm.s32 $0x1C880;
	v5 =	vld.idx.msk [tilespmem:v5+s6+$0x0], $0xffff  }
0x25e: {  	v6 =	vld.idx.msk [tilespmem:v6+s6+$0x0], $0xffff;
	[tilespmem:s26+$0x70] =	vst v0  }
0x25f: {  	v7 =	vld.idx.msk [tilespmem:v7+s6+$0x0], $0xffff;
	[tilespmem:s26+$0xFFFFFF00] =	vst v1  }
0x260: {  	v8 =	vld.idx.msk [tilespmem:v8+s6+$0x0], $0xffff;
	[tilespmem:s26+$0xFFFFFF10] =	vst v2  }
0x261: {  	v9 =	vld.idx.msk [tilespmem:v9+s6+$0x0], $0xffff;
	[tilespmem:s26+$0xFFFFFF20] =	vst v3  }
0x262: {  	[tilespmem:s26+$0xFFFFFF30] =	vst v4;
	v0 =	vld.idx.msk [tilespmem:v10+s6+$0x0], $0xffff  }
0x263: {  	[tilespmem:s26+$0xFFFFFF40] =	vst v5;
	v1 =	vld.idx.msk [tilespmem:v11+s6+$0x0], $0xffff  }
0x264: {  	[tilespmem:s26+$0xFFFFFF50] =	vst v6;
	v2 =	vld.idx.msk [tilespmem:v12+s6+$0x0], $0xffff  }
0x265: {  	[tilespmem:s26+$0xFFFFFF60] =	vst v7;
	v3 =	vld.idx.msk [tilespmem:v13+s6+$0x0], $0xffff  }
0x266: {  	[tilespmem:s26+$0xFFFFFF70] =	vst v8;
	v4 =	vld.idx.msk [tilespmem:v14+s6+$0x0], $0xffff  }
0x267: {  	s12 =	simm.s32 $0x100;
	s11 =	simm.s32 $0x800;
	[tilespmem:s26+$0x0] =	vst v9;
	v5 =	vld.idx.msk [tilespmem:v15+s6+$0x0], $0xffff  }
.LBB2_23:
0x268: {  	p0 =	sne.s32 s11, $0x3C00;
	v6 =	vld [tilespmem:s12+$0x1B7F0];
	[tilespmem:s26+$0x10] =	vst v0  }
0x269: {  	v0 =	vld [tilespmem:s12+$0x1B700];
	[tilespmem:s26+$0x20] =	vst v1  }
0x26a: {  	v1 =	vld [tilespmem:s12+$0x1B710];
	[tilespmem:s26+$0x30] =	vst v2  }
0x26b: {  	v2 =	vld [tilespmem:s12+$0x1B720];
	[tilespmem:s26+$0x40] =	vst v3  }
0x26c: {  	v3 =	vld [tilespmem:s12+$0x1B730];
	[tilespmem:s26+$0x50] =	vst v4  }
0x26d: {  	v4 =	vld [tilespmem:s12+$0x1B740];
	[tilespmem:s26+$0x60] =	vst v5  }
0x26e: {  	v5 =	vld [tilespmem:s12+$0x1B750]  }
0x26f: {  	v7 =	vld [tilespmem:s12+$0x1B760]  }
0x270: {  	v6 =	vld.idx.msk [tilespmem:v6+s6+$0x0], $0xffff  }
0x271: {  	v8 =	vld [tilespmem:s12+$0x1B770]  }
0x272: {  	v9 =	vld [tilespmem:s12+$0x1B780]  }
0x273: {  	v10 =	vld [tilespmem:s12+$0x1B790]  }
0x274: {  	v11 =	vld [tilespmem:s12+$0x1B7A0]  }
0x275: {  	s26 =	sadd.s32 $0x200, s26;
	v12 =	vld [tilespmem:s12+$0x1B7B0]  }
0x276: {  	v13 =	vld [tilespmem:s12+$0x1B7C0];
	[tilespmem:s26+$0x70] =	vst v6  }
0x277: {  	v6 =	vld [tilespmem:s12+$0x1B7D0]  }
0x278: {  	v14 =	vld [tilespmem:s12+$0x1B7E0]  }
0x279: {  	v0 =	vld.idx.msk [tilespmem:v0+s6+$0x0], $0xffff  }
0x27a: {  	v1 =	vld.idx.msk [tilespmem:v1+s6+$0x0], $0xffff  }
0x27b: {  	v2 =	vld.idx.msk [tilespmem:v2+s6+$0x0], $0xffff  }
0x27c: {  	v3 =	vld.idx.msk [tilespmem:v3+s6+$0x0], $0xffff  }
0x27d: {  	v4 =	vld.idx.msk [tilespmem:v4+s6+$0x0], $0xffff  }
0x27e: {  	v5 =	vld.idx.msk [tilespmem:v5+s6+$0x0], $0xffff  }
0x27f: {  	[tilespmem:s26+$0xFFFFFF00] =	vst v0;
	v7 =	vld.idx.msk [tilespmem:v7+s6+$0x0], $0xffff  }
0x280: {  	[tilespmem:s26+$0xFFFFFF10] =	vst v1;
	v8 =	vld.idx.msk [tilespmem:v8+s6+$0x0], $0xffff  }
0x281: {  	[tilespmem:s26+$0xFFFFFF20] =	vst v2;
	v9 =	vld.idx.msk [tilespmem:v9+s6+$0x0], $0xffff  }
0x282: {  	[tilespmem:s26+$0xFFFFFF30] =	vst v3;
	v0 =	vld.idx.msk [tilespmem:v10+s6+$0x0], $0xffff  }
.Ltmp10:
0x283: {  	[tilespmem:s26+$0xFFFFFF40] =	vst v4;
	v1 =	vld.idx.msk [tilespmem:v11+s6+$0x0], $0xffff;
	(pc) =	sbr.rel @p0 .LBB2_23-.Ltmp10, $4  }
0x284: {  	[tilespmem:s26+$0xFFFFFF50] =	vst v5;
	v2 =	vld.idx.msk [tilespmem:v12+s6+$0x0], $0xffff  }
0x285: {  	[tilespmem:s26+$0xFFFFFF60] =	vst v7;
	v3 =	vld.idx.msk [tilespmem:v13+s6+$0x0], $0xffff  }
0x286: {  	[tilespmem:s26+$0xFFFFFF70] =	vst v8;
	v4 =	vld.idx.msk [tilespmem:v6+s6+$0x0], $0xffff  }
0x287: {  	s12 =	sshra.s32 s11, $0x2;
	s11 =	sadd.s32 $0x400, s11;
	[tilespmem:s26+$0x0] =	vst v9;
	v5 =	vld.idx.msk [tilespmem:v14+s6+$0x0], $0xffff  }
0x288: {  	v6 =	vld [tilespmem:s12+$0x1B7F0]  }
0x289: {  	v7 =	vld [tilespmem:s12+$0x1B700]  }
0x28a: {  	v8 =	vld [tilespmem:s12+$0x1B710]  }
0x28b: {  	v9 =	vld [tilespmem:s12+$0x1B720]  }
0x28c: {  	v10 =	vld [tilespmem:s12+$0x1B730]  }
0x28d: {  	v11 =	vld [tilespmem:s12+$0x1B740]  }
0x28e: {  	v12 =	vld [tilespmem:s12+$0x1B750]  }
0x28f: {  	v13 =	vld [tilespmem:s12+$0x1B760]  }
0x290: {  	v14 =	vld [tilespmem:s12+$0x1B770]  }
0x291: {  	v15 =	vld [tilespmem:s12+$0x1B780]  }
0x292: {  	v16 =	vld [tilespmem:s12+$0x1B790]  }
0x293: {  	v17 =	vld [tilespmem:s12+$0x1B7A0]  }
0x294: {  	v18 =	vld [tilespmem:s12+$0x1B7B0]  }
0x295: {  	v19 =	vld [tilespmem:s12+$0x1B7C0]  }
0x296: {  	v49 =	vld [tilespmem:s12+$0x1B7D0]  }
0x297: {  	[tilespmem:s26+$0x10] =	vst v0;
	v50 =	vld [tilespmem:s12+$0x1B7E0]  }
0x298: {  	[tilespmem:s26+$0x20] =	vst v1;
	v6 =	vld.idx.msk [tilespmem:v6+s6+$0x0], $0xffff  }
0x299: {  	[tilespmem:s26+$0x30] =	vst v2;
	v51 =	vld.idx.msk [tilespmem:v7+s6+$0x0], $0xffff  }
0x29a: {  	[tilespmem:s26+$0x40] =	vst v3;
	v52 =	vld.idx.msk [tilespmem:v8+s6+$0x0], $0xffff  }
0x29b: {  	[tilespmem:s26+$0x50] =	vst v4;
	v53 =	vld.idx.msk [tilespmem:v9+s6+$0x0], $0xffff  }
0x29c: {  	s13 =	sadd.s32 $0x200, s26;
	[tilespmem:s26+$0x60] =	vst v5;
	v54 =	vld.idx.msk [tilespmem:v10+s6+$0x0], $0xffff  }
0x29d: {  	v55 =	vld.idx.msk [tilespmem:v11+s6+$0x0], $0xffff;
	[tilespmem:s13+$0x70] =	vst v6  }
0x29e: {  	v56 =	vld.idx.msk [tilespmem:v12+s6+$0x0], $0xffff;
	[tilespmem:s13+$0xFFFFFF00] =	vst v51  }
0x29f: {  	v57 =	vld.idx.msk [tilespmem:v13+s6+$0x0], $0xffff;
	[tilespmem:s13+$0xFFFFFF10] =	vst v52  }
0x2a0: {  	v58 =	vld.idx.msk [tilespmem:v14+s6+$0x0], $0xffff;
	[tilespmem:s13+$0xFFFFFF20] =	vst v53  }
0x2a1: {  	v59 =	vld.idx.msk [tilespmem:v15+s6+$0x0], $0xffff;
	[tilespmem:s13+$0xFFFFFF30] =	vst v54  }
0x2a2: {  	v60 =	vld.idx.msk [tilespmem:v16+s6+$0x0], $0xffff;
	[tilespmem:s13+$0xFFFFFF40] =	vst v55  }
0x2a3: {  	v61 =	vld.idx.msk [tilespmem:v17+s6+$0x0], $0xffff;
	[tilespmem:s13+$0xFFFFFF50] =	vst v56  }
0x2a4: {  	v62 =	vld.idx.msk [tilespmem:v18+s6+$0x0], $0xffff;
	[tilespmem:s13+$0xFFFFFF60] =	vst v57  }
0x2a5: {  	v63 =	vld.idx.msk [tilespmem:v19+s6+$0x0], $0xffff;
	[tilespmem:s13+$0xFFFFFF70] =	vst v58  }
0x2a6: {  	v0 =	vld.idx.msk [tilespmem:v49+s6+$0x0], $0xffff;
	[tilespmem:s13+$0x0] =	vst v59  }
0x2a7: {  	v1 =	vld.idx.msk [tilespmem:v50+s6+$0x0], $0xffff;
	[tilespmem:s13+$0x10] =	vst v60  }
0x2a8: {  	[tilespmem:s13+$0x20] =	vst v61  }
0x2a9: {  	[tilespmem:s13+$0x30] =	vst v62  }
0x2aa: {  	[tilespmem:s13+$0x40] =	vst v63  }
0x2ab: {  	s11 =	sadd.s32 s24, s19;
	s12 =	simm.s32 $0x1C780;
	[tilespmem:s13+$0x50] =	vst v0  }
0x2ac: {  	s24 =	simm.s32 $0x80;
	s26 =	simm.s32 $0x1C880;
	[tilespmem:s13+$0x60] =	vst v1;
	s13 =	sadd.s32 $0x0, s11  }
.LBB2_25:
0x2ad: {  	[hbm4b:s13+s6] =	stream.linear.scatter [tilespmem:s12], [sflag:$0x2], $0x80, $0x38;
	[tilespmem:$0x1E700] =	vst v63  }
0x2ae: {  	s13 =	smov.u32 s24;
	s12 =	smov.u32 s26;
	p0 =	sne.s32 s24, $0xF80  }
.Ltmp11:
0x2af: {  	s24 =	sadd.s32 $0x80, s24;
	(pc) =	sbr.rel @p0 .LBB2_25-.Ltmp11, $2  }
0x2b0: {  	_ =	sdelay $0x2  }
0x2b1: {  	s26 =	sadd.s32 $0x100, s26;
	s13 =	sadd.s32 s13, s11  }
0x2b2: {  	[hbm4b:s13+s6] =	stream.linear.scatter [tilespmem:s12], [sflag:$0x2], $0x80, $0x38;
	[tilespmem:$0x1E700] =	vst v63  }
0x2b3: {  	s29 =	sadd.s32 $0x1, s29  }
0x2b4: {  	p0 =	sge.u32 s29, s14  }
0x2b5: {  	s8 =	sadd.s32 @!p0 $0x1, s8  }
0x2b6: {  	s11 =	sshrl.u32 @!p0 s8, $0x3  }
0x2b7: {  	s8 =	sshll.u32 @!p0 s8, $0x7;
	s11 =	smul.u32 @!p0 $0xC3800, s11  }
0x2b8: {  	s8 =	sand.u32 @!p0 $0x380, s8  }
0x2b9: {  	s8 =	sor.u32 @!p0 s8, s11  }
0x2ba: {  	s12 =	simm.s32 @!p0 $0x400;
	s8 =	sshrl.u32 @!p0 s8, $0x3  }
0x2bb: {  	s13 =	simm.s32 @!p0 $0x0;
	s11 =	simm.s32 @!p0 $0x80;
	s8 =	sadd.s32 @!p0 s3, s8  }
0x2bc: {  	[tilespmem:s13], [sflag:$0x1] =	stream.strided.gather @!p0 [hbm4b:s8+s11], $0x18700, s12, s11, $0x38;
	[tilespmem:$0x1E700] =	vst v63  }
0x2bd: {  	p0 =	sne.s32 s29, s14  }
.Ltmp12:
0x2be: {  	_ = 	snop;
	(pc) =	sbr.rel @p0 .LBB2_10-.Ltmp12, $1  }
0x2bf: {  	_ =	sdelay $0x3  }
0x2c0: {  	s2 =	sadd.s32 $0x1, s2  }
0x2c1: {  	_ =	swait.ge [sflag:s4], $0x1000;
	p0 =	sne.s32 s2, s20  }
.Ltmp13:
0x2c2: {  	[sflag:s4] =	ssyncset.done $0x0;
	(pc) =	sbr.rel @p0 .LBB2_1-.Ltmp13, $4  }
0x2c3: {  	[sflag:s4] =	ssyncadd.s32 $0xFFFFF000  }
0x2c4: {  	_ =	swait.ge [sflag:s4], $0x1000  }
0x2c5: {  	[sflag:s4] =	ssyncset.done $0x0  }
0x2c6: {  	s13 =	simm.s32 $0x8400;
	s24 =	simm.s32 $0xC400;
	[sflag:s4] =	ssyncadd.s32 $0xFFFFF000  }
0x2c7: {  	_ =	sfence.sel $0x180000  }
0x2c8: {  	[bflag:$0x0] =	sbarrier.arrive $0xFFFF  }
0x2c9: {  	_ =	strace $0x90000047  }
0x2ca: {  	s0 =	stileid.u32;
	[bflag:$0x2] =	sbarrier.arrive $0xFFFF  }
0x2cb: {  	p0 =	sne.s32 s0, $0x0;
	s0 =	rddreg [dreg:$0x6]  }
0x2cc: {  	s0 =	sadd.s32 @!p0 $0x100000, s0  }
0x2cd: {  	[sflag:s0] =	ssyncadd.tile.s32 @!p0 $0x1;
	_ =	shalt  }
.Lfunc_end2:
_tile_overlayer_lowered:
.L_overlay_start_2:
0x2ce: {  	(tag) =	ssettag $0x2  }
0x2cf: {  	s0 =	rddreg [dreg:$0x0];
	s2 =	stileid.u32  }
0x2d0: {  	s1 =	rddreg [dreg:$0x1];
	p0 =	sne.s32 s2, $0x0  }
0x2d1: {  	s3 =	rddreg [dreg:$0x2];
	[bflag:$0x3] =	sbarrier.arrive $0xFFFF;
	s2 =	simm.s32 @!p0 $0x1C01  }
0x2d2: {  	[timem:s3], [sflag:s2] =	dma.local @!p0 [hbm:s0], s1  }
0x2d3: {  	s0 =	simm.s32 @!p0 $0x1  }
0x2d4: {  	_ =	swait.ge @!p0 [sflag:s0], s1  }
0x2d5: {  	s1 =	ssub.s32 @!p0 $0x0, s1;
	[sflag:s0] =	ssyncset.done @!p0 $0x0  }
0x2d6: {  	[sflag:s0] =	ssyncadd.s32 @!p0 s1  }
0x2d7: {  	[bflag:$0x3] =	sbarrier.arrive $0xFFFF  }
0x2d8: {  	_ =	shalt  }

</sc_bundles>
